<compile_context>
chip_gen: v7x
topology: tpu7x:2x2x1
jax: 0.10.2.dev20260603
libtpu: 0.0.44.dev20260713+nightly
codegen_flags: <defaults>
</compile_context>

<pallas_src>
import functools

import jax
import jax.numpy as jnp
from jax import lax
from jax.experimental import pallas as pl
from jax.experimental.pallas import tpu as pltpu
from jax.experimental.pallas import tpu_sc as plsc

B = 512
D = 4096
E = 64
K = 8
IB = 32
ROWS = 16


def _router_kernel(x_ref, wt_ref, gates_ref, ones_ref):
    x = x_ref[...]
    wt = wt_ref[...]
    logits = jnp.dot(x, wt, preferred_element_type=jnp.float32)
    m = jnp.max(logits, axis=-1, keepdims=True)
    ex = jnp.exp(logits - m)
    s = jnp.sum(ex, axis=-1, keepdims=True)
    gates_ref[...] = ex / s
    ones_ref[...] = jnp.ones((B, E), jnp.float32)


def _sc_mask_kernel(gates_hbm, out_hbm, in_v, out_v, sem):
    wid = lax.axis_index("s") * 2 + lax.axis_index("c")
    base = wid * ROWS
    pltpu.async_copy(gates_hbm.at[pl.ds(base, ROWS)], in_v, sem).wait()
    lanes = lax.iota(jnp.int32, 16)
    perms = [lanes ^ (1 << p) for p in range(4)]

    def allmax(v):
        for p in perms:
            v = jnp.maximum(v, v[p])
        return v

    def allmin(v):
        for p in perms:
            v = jnp.minimum(v, v[p])
        return v

    for r in range(ROWS):
        work = [in_v[r, pl.ds(16 * w, 16)] for w in range(4)]
        msk = [jnp.zeros((16,), jnp.float32) for _ in range(4)]
        gidx = [lanes + 16 * w for w in range(4)]

        def body(_, carry):
            ws = carry[:4]
            ms = carry[4:]
            mx = allmax(jnp.maximum(jnp.maximum(ws[0], ws[1]),
                                    jnp.maximum(ws[2], ws[3])))
            cand = [jnp.where(ws[w] == mx, gidx[w], E) for w in range(4)]
            first = allmin(jnp.minimum(jnp.minimum(cand[0], cand[1]),
                                       jnp.minimum(cand[2], cand[3])))
            pick = [gidx[w] == first for w in range(4)]
            new_m = [jnp.where(pick[w], 1.0, ms[w]) for w in range(4)]
            new_w = [jnp.where(pick[w], -1.0, ws[w]) for w in range(4)]
            return tuple(new_w) + tuple(new_m)

        res = lax.fori_loop(0, K, body, tuple(work) + tuple(msk))
        for w in range(4):
            out_v[r, pl.ds(16 * w, 16)] = res[4 + w]
    pltpu.async_copy(out_v, out_hbm.at[pl.ds(base, ROWS)], sem).wait()


def _combine_kernel(gates_ref, mask_ref, out_ref, maskt_s):
    i = pl.program_id(0)

    @pl.when(i == 0)
    def _prep():
        maskt_s[...] = jnp.transpose(mask_ref[...])

    mt = maskt_s[...]
    g_blk = gates_ref[pl.ds(i * IB, IB), :]
    out_ref[...] = g_blk[:, :, None] * mt[None, :, :]


def kernel(x, W):
    wt = W.T
    gates, ones = pl.pallas_call(
        _router_kernel,
        out_shape=(
            jax.ShapeDtypeStruct((B, E), jnp.float32),
            jax.ShapeDtypeStruct((B, E), jnp.float32),
        ),
    )(x, wt)

    sc_mask = functools.partial(
        pl.kernel,
        mesh=plsc.VectorSubcoreMesh(core_axis_name="c", subcore_axis_name="s"),
        out_type=jax.ShapeDtypeStruct((B, E), jnp.float32),
        scratch_types=[
            pltpu.VMEM((ROWS, E), jnp.float32),
            pltpu.VMEM((ROWS, E), jnp.float32),
            pltpu.SemaphoreType.DMA,
        ],
    )(_sc_mask_kernel)
    mask = sc_mask(gates)

    outt = pl.pallas_call(
        _combine_kernel,
        grid=(B // IB,),
        in_specs=[
            pl.BlockSpec((B, E), lambda i: (0, 0)),
            pl.BlockSpec((B, E), lambda i: (0, 0)),
        ],
        out_specs=pl.BlockSpec((IB, E, B), lambda i: (i, 0, 0)),
        out_shape=jax.ShapeDtypeStruct((B, E, B), jnp.float32),
        scratch_shapes=[pltpu.VMEM((E, B), jnp.float32)],
    )(gates, mask)
    combine = jnp.transpose(outt, (0, 2, 1))
    return (combine, mask, ones)

# --- scband reference (transcript-rebuilt; emitter-appended) ---
"""Pipeline reference for scband-top-kgating-19825569038697 (READ-ONLY COPY).

The authoritative reference and input builder live on the scoring server;
editing this copy changes nothing except your own understanding.
"""

import jax, jax.numpy as jnp
import numpy as np

BATCH = 512
INPUT_DIM = 4096
NUM_EXPERTS = 64
TOP_K = 8


def setup_inputs(seed: int = 0) -> dict:
    key = jax.random.key(seed)
    k1, k2 = jax.random.split(key)
    x = jax.random.normal(k1, (BATCH, INPUT_DIM), dtype=jnp.float32)
    # nn.Linear(input_dim, num_experts, bias=False) weight: [num_experts, input_dim]
    bound = 1.0 / np.sqrt(INPUT_DIM)
    W = jax.random.uniform(k2, (NUM_EXPERTS, INPUT_DIM), dtype=jnp.float32, minval=-bound, maxval=bound)
    return {"x": x, "W": W}


def reference(x, W):
    # eval mode: dropout is identity, training-only capacity branch skipped
    logits = x @ W.T
    gates = jax.nn.softmax(logits, axis=-1)
    top_k_gates, top_k_indices = jax.lax.top_k(gates, TOP_K)
    # computed then discarded in the torch code (never used afterwards) - kept faithful
    top_k_gates = jax.nn.softmax(top_k_gates, axis=-1)
    B = gates.shape[0]
    rows = jnp.arange(B)[:, None]
    # torch scatter_(-1, top_k_indices, 1.0)
    dispatch_mask = jnp.zeros_like(gates).at[rows, top_k_indices].set(1.0)
    expert_mask = jnp.ones_like(gates)
    # NOTE: torch broadcast of [B,E] * [B,1,E] yields [B,B,E] (faithful to source)
    combine_weights = dispatch_mask * gates[:, None, :]
    return (combine_weights, dispatch_mask, expert_mask)

if __name__ == "__main__":
    import jax
    _d = setup_inputs()
    print(jax.jit(kernel)(*tuple(_d.values())))

</pallas_src>

<mosaic_0001>
#map = affine_map<(d0, d1) -> (0, 0)>
module attributes {stable_mosaic.version = 14 : i64} {
  func.func @_sc_mask_kernel(%arg0: i32, %arg1: i32, %arg2: memref<512x64xf32, #tpu.memory_space<hbm>>, %arg3: memref<512x64xf32, #tpu.memory_space<hbm>>, %arg4: memref<16x64xf32, #tpu.memory_space<vmem>>, %arg5: memref<16x64xf32, #tpu.memory_space<vmem>>, %arg6: memref<!tpu.dma_semaphore, #tpu.memory_space<semaphore_mem>>) attributes {dimension_semantics = [#tpu.dimension_semantics<core_parallel>, #tpu.dimension_semantics<subcore_parallel>], iteration_bounds = array<i64: 2, 16>, scalar_prefetch = 0 : i64, scratch_operands = 3 : i64, tpu.core_type = #tpu.core_type<sc_vector_subcore>, window_params = [{transform_indices = #map}, {transform_indices = #map}]} {
    %mul3A = arith.constant 2 : i32
    %mul3A_0 = arith.muli %arg1, %mul3A : i32
    %add3A = arith.addi %mul3A_0, %arg0 : i32
    %mul3A_1 = arith.constant 16 : i32
    %mul3A_2 = arith.muli %add3A, %mul3A_1 : i32
    %dma_start3A = arith.constant 0 : i32
    %dma_start3A_3 = tpu.memref_slice %arg2[%mul3A_2, %dma_start3A] : memref<512x64xf32, #tpu.memory_space<hbm>> -> memref<16x64xf32, #tpu.memory_space<hbm>>
    %dma_start3A_4 = arith.constant 0 : i32
    %dma_start3A_5 = tpu.memref_slice %arg2[%mul3A_2, %dma_start3A_4] : memref<512x64xf32, #tpu.memory_space<hbm>> -> memref<16x64xf32, #tpu.memory_space<hbm>>
    tpu.enqueue_dma source(%dma_start3A_5 : memref<16x64xf32, #tpu.memory_space<hbm>>) target(%arg4 : memref<16x64xf32, #tpu.memory_space<vmem>>) target_semaphore(%arg6 : memref<!tpu.dma_semaphore, #tpu.memory_space<semaphore_mem>>)
    %dma_wait3A = arith.constant 0 : i32
    %dma_wait3A_6 = tpu.memref_slice %arg2[%mul3A_2, %dma_wait3A] : memref<512x64xf32, #tpu.memory_space<hbm>> -> memref<16x64xf32, #tpu.memory_space<hbm>>
    %dma_wait3A_7 = arith.constant 0 : i32
    %dma_wait3A_8 = tpu.memref_slice %arg2[%mul3A_2, %dma_wait3A_7] : memref<512x64xf32, #tpu.memory_space<hbm>> -> memref<16x64xf32, #tpu.memory_space<hbm>>
    tpu.wait_dma2 semaphore(%arg6 : memref<!tpu.dma_semaphore, #tpu.memory_space<semaphore_mem>>) src(%dma_wait3A_8 : memref<16x64xf32, #tpu.memory_space<hbm>>) dst(%arg4 : memref<16x64xf32, #tpu.memory_space<vmem>>)
    %iota3A = tpu.iota {dimensions = array<i32: 0>} : vector<16xi32>
    %xor3A = arith.constant 1 : i32
    %xor3A_9 = vector.broadcast %xor3A : i32 to vector<16xi32>
    %xor3A_10 = arith.xori %iota3A, %xor3A_9 : vector<16xi32>
    %xor3A_11 = arith.constant 2 : i32
    %xor3A_12 = vector.broadcast %xor3A_11 : i32 to vector<16xi32>
    %xor3A_13 = arith.xori %iota3A, %xor3A_12 : vector<16xi32>
    %xor3A_14 = arith.constant 4 : i32
    %xor3A_15 = vector.broadcast %xor3A_14 : i32 to vector<16xi32>
    %xor3A_16 = arith.xori %iota3A, %xor3A_15 : vector<16xi32>
    %xor3A_17 = arith.constant 8 : i32
    %xor3A_18 = vector.broadcast %xor3A_17 : i32 to vector<16xi32>
    %xor3A_19 = arith.xori %iota3A, %xor3A_18 : vector<16xi32>
    %get3A = arith.constant 0 : i32
    %get3A_20 = arith.index_cast %get3A : i32 to index
    %get3A_21 = arith.constant 0 : index
    %get3A_22 = tpu.vector_load %arg4[%get3A_20, %get3A_21] {strides = array<i32>} : memref<16x64xf32, #tpu.memory_space<vmem>>, vector<1x16xf32>,
    %get3A_23 = vector.shape_cast %get3A_22 : vector<1x16xf32> to vector<16xf32>
    %get3A_24 = arith.constant 0 : i32
    %get3A_25 = arith.index_cast %get3A_24 : i32 to index
    %get3A_26 = arith.constant 16 : index
    %get3A_27 = tpu.vector_load %arg4[%get3A_25, %get3A_26] {strides = array<i32>} : memref<16x64xf32, #tpu.memory_space<vmem>>, vector<1x16xf32>,
    %get3A_28 = vector.shape_cast %get3A_27 : vector<1x16xf32> to vector<16xf32>
    %get3A_29 = arith.constant 0 : i32
    %get3A_30 = arith.index_cast %get3A_29 : i32 to index
    %get3A_31 = arith.constant 32 : index
    %get3A_32 = tpu.vector_load %arg4[%get3A_30, %get3A_31] {strides = array<i32>} : memref<16x64xf32, #tpu.memory_space<vmem>>, vector<1x16xf32>,
    %get3A_33 = vector.shape_cast %get3A_32 : vector<1x16xf32> to vector<16xf32>
    %get3A_34 = arith.constant 0 : i32
    %get3A_35 = arith.index_cast %get3A_34 : i32 to index
    %get3A_36 = arith.constant 48 : index
    %get3A_37 = tpu.vector_load %arg4[%get3A_35, %get3A_36] {strides = array<i32>} : memref<16x64xf32, #tpu.memory_space<vmem>>, vector<1x16xf32>,
    %get3A_38 = vector.shape_cast %get3A_37 : vector<1x16xf32> to vector<16xf32>
    %broadcast_in_dim3A = arith.constant 0.000000e+00 : f32
    %broadcast_in_dim3A_39 = vector.broadcast %broadcast_in_dim3A : f32 to vector<16xf32>
    %broadcast_in_dim3A_40 = arith.constant 0.000000e+00 : f32
    %broadcast_in_dim3A_41 = vector.broadcast %broadcast_in_dim3A_40 : f32 to vector<16xf32>
    %broadcast_in_dim3A_42 = arith.constant 0.000000e+00 : f32
    %broadcast_in_dim3A_43 = vector.broadcast %broadcast_in_dim3A_42 : f32 to vector<16xf32>
    %broadcast_in_dim3A_44 = arith.constant 0.000000e+00 : f32
    %broadcast_in_dim3A_45 = vector.broadcast %broadcast_in_dim3A_44 : f32 to vector<16xf32>
    %add3A_46 = arith.constant 0 : i32
    %add3A_47 = vector.broadcast %add3A_46 : i32 to vector<16xi32>
    %add3A_48 = arith.addi %iota3A, %add3A_47 : vector<16xi32>
    %add3A_49 = arith.constant 16 : i32
    %add3A_50 = vector.broadcast %add3A_49 : i32 to vector<16xi32>
    %add3A_51 = arith.addi %iota3A, %add3A_50 : vector<16xi32>
    %add3A_52 = arith.constant 32 : i32
    %add3A_53 = vector.broadcast %add3A_52 : i32 to vector<16xi32>
    %add3A_54 = arith.addi %iota3A, %add3A_53 : vector<16xi32>
    %add3A_55 = arith.constant 48 : i32
    %add3A_56 = vector.broadcast %add3A_55 : i32 to vector<16xi32>
    %add3A_57 = arith.addi %iota3A, %add3A_56 : vector<16xi32>
    %scan3A = arith.constant 0 : i32
    %scan3A_58 = arith.constant 8 : i32
    %scan3A_59 = arith.addi %scan3A, %scan3A_58 : i32
    %scan3A_60 = arith.constant 1 : i32
    %scan3A_61:8 = scf.for %scan3A_1144 = %scan3A to %scan3A_59 step %scan3A_60 iter_args(%scan3A_1145 = %get3A_23, %scan3A_1146 = %get3A_28, %scan3A_1147 = %get3A_33, %scan3A_1148 = %get3A_38, %scan3A_1149 = %broadcast_in_dim3A_39, %scan3A_1150 = %broadcast_in_dim3A_41, %scan3A_1151 = %broadcast_in_dim3A_43, %scan3A_1152 = %broadcast_in_dim3A_45) -> (vector<16xf32>, vector<16xf32>, vector<16xf32>, vector<16xf32>, vector<16xf32>, vector<16xf32>, vector<16xf32>, vector<16xf32>)  : i32 {
      %max3A = arith.maximumf %scan3A_1145, %scan3A_1146 : vector<16xf32>
      %max3A_1153 = arith.maximumf %scan3A_1147, %scan3A_1148 : vector<16xf32>
      %max3A_1154 = arith.maximumf %max3A, %max3A_1153 : vector<16xf32>
      %lt3A = arith.constant 0 : i32
      %lt3A_1155 = vector.broadcast %lt3A : i32 to vector<16xi32>
      %lt3A_1156 = arith.cmpi slt, %xor3A_10, %lt3A_1155 : vector<16xi32>
      %add3A_1157 = arith.constant 16 : i32
      %add3A_1158 = vector.broadcast %add3A_1157 : i32 to vector<16xi32>
      %add3A_1159 = arith.addi %xor3A_10, %add3A_1158 : vector<16xi32>
      %select_n3A = arith.select %lt3A_1156, %add3A_1159, %xor3A_10 : vector<16xi1>, vector<16xi32>
      %broadcast_in_dim3A_1160 = vector.shape_cast %select_n3A : vector<16xi32> to vector<16x1xi32>
      %gather3A = vector.shape_cast %broadcast_in_dim3A_1160 : vector<16x1xi32> to vector<16xi32>
      %gather3A_1161 = tpu.dynamic_gather %max3A_1154[%gather3A] in [0] : vector<16xf32>, vector<16xi32> -> vector<16xf32>
      %max3A_1162 = arith.maximumf %max3A_1154, %gather3A_1161 : vector<16xf32>
      %lt3A_1163 = arith.constant 0 : i32
      %lt3A_1164 = vector.broadcast %lt3A_1163 : i32 to vector<16xi32>
      %lt3A_1165 = arith.cmpi slt, %xor3A_13, %lt3A_1164 : vector<16xi32>
      %add3A_1166 = arith.constant 16 : i32
      %add3A_1167 = vector.broadcast %add3A_1166 : i32 to vector<16xi32>
      %add3A_1168 = arith.addi %xor3A_13, %add3A_1167 : vector<16xi32>
      %select_n3A_1169 = arith.select %lt3A_1165, %add3A_1168, %xor3A_13 : vector<16xi1>, vector<16xi32>
      %broadcast_in_dim3A_1170 = vector.shape_cast %select_n3A_1169 : vector<16xi32> to vector<16x1xi32>
      %gather3A_1171 = vector.shape_cast %broadcast_in_dim3A_1170 : vector<16x1xi32> to vector<16xi32>
      %gather3A_1172 = tpu.dynamic_gather %max3A_1162[%gather3A_1171] in [0] : vector<16xf32>, vector<16xi32> -> vector<16xf32>
      %max3A_1173 = arith.maximumf %max3A_1162, %gather3A_1172 : vector<16xf32>
      %lt3A_1174 = arith.constant 0 : i32
      %lt3A_1175 = vector.broadcast %lt3A_1174 : i32 to vector<16xi32>
      %lt3A_1176 = arith.cmpi slt, %xor3A_16, %lt3A_1175 : vector<16xi32>
      %add3A_1177 = arith.constant 16 : i32
      %add3A_1178 = vector.broadcast %add3A_1177 : i32 to vector<16xi32>
      %add3A_1179 = arith.addi %xor3A_16, %add3A_1178 : vector<16xi32>
      %select_n3A_1180 = arith.select %lt3A_1176, %add3A_1179, %xor3A_16 : vector<16xi1>, vector<16xi32>
      %broadcast_in_dim3A_1181 = vector.shape_cast %select_n3A_1180 : vector<16xi32> to vector<16x1xi32>
      %gather3A_1182 = vector.shape_cast %broadcast_in_dim3A_1181 : vector<16x1xi32> to vector<16xi32>
      %gather3A_1183 = tpu.dynamic_gather %max3A_1173[%gather3A_1182] in [0] : vector<16xf32>, vector<16xi32> -> vector<16xf32>
      %max3A_1184 = arith.maximumf %max3A_1173, %gather3A_1183 : vector<16xf32>
      %lt3A_1185 = arith.constant 0 : i32
      %lt3A_1186 = vector.broadcast %lt3A_1185 : i32 to vector<16xi32>
      %lt3A_1187 = arith.cmpi slt, %xor3A_19, %lt3A_1186 : vector<16xi32>
      %add3A_1188 = arith.constant 16 : i32
      %add3A_1189 = vector.broadcast %add3A_1188 : i32 to vector<16xi32>
      %add3A_1190 = arith.addi %xor3A_19, %add3A_1189 : vector<16xi32>
      %select_n3A_1191 = arith.select %lt3A_1187, %add3A_1190, %xor3A_19 : vector<16xi1>, vector<16xi32>
      %broadcast_in_dim3A_1192 = vector.shape_cast %select_n3A_1191 : vector<16xi32> to vector<16x1xi32>
      %gather3A_1193 = vector.shape_cast %broadcast_in_dim3A_1192 : vector<16x1xi32> to vector<16xi32>
      %gather3A_1194 = tpu.dynamic_gather %max3A_1184[%gather3A_1193] in [0] : vector<16xf32>, vector<16xi32> -> vector<16xf32>
      %max3A_1195 = arith.maximumf %max3A_1184, %gather3A_1194 : vector<16xf32>
      %eq3A = arith.cmpf oeq, %scan3A_1145, %max3A_1195 : vector<16xf32>
      %jit3A = arith.constant 64 : i32
      %broadcast_in_dim3A_1196 = vector.broadcast %jit3A : i32 to vector<16xi32>
      %select_n3A_1197 = arith.select %eq3A, %add3A_48, %broadcast_in_dim3A_1196 : vector<16xi1>, vector<16xi32>
      %eq3A_1198 = arith.cmpf oeq, %scan3A_1146, %max3A_1195 : vector<16xf32>
      %jit3A_1199 = arith.constant 64 : i32
      %broadcast_in_dim3A_1200 = vector.broadcast %jit3A_1199 : i32 to vector<16xi32>
      %select_n3A_1201 = arith.select %eq3A_1198, %add3A_51, %broadcast_in_dim3A_1200 : vector<16xi1>, vector<16xi32>
      %eq3A_1202 = arith.cmpf oeq, %scan3A_1147, %max3A_1195 : vector<16xf32>
      %jit3A_1203 = arith.constant 64 : i32
      %broadcast_in_dim3A_1204 = vector.broadcast %jit3A_1203 : i32 to vector<16xi32>
      %select_n3A_1205 = arith.select %eq3A_1202, %add3A_54, %broadcast_in_dim3A_1204 : vector<16xi1>, vector<16xi32>
      %eq3A_1206 = arith.cmpf oeq, %scan3A_1148, %max3A_1195 : vector<16xf32>
      %jit3A_1207 = arith.constant 64 : i32
      %broadcast_in_dim3A_1208 = vector.broadcast %jit3A_1207 : i32 to vector<16xi32>
      %select_n3A_1209 = arith.select %eq3A_1206, %add3A_57, %broadcast_in_dim3A_1208 : vector<16xi1>, vector<16xi32>
      %min3A = arith.minsi %select_n3A_1197, %select_n3A_1201 : vector<16xi32>
      %min3A_1210 = arith.minsi %select_n3A_1205, %select_n3A_1209 : vector<16xi32>
      %min3A_1211 = arith.minsi %min3A, %min3A_1210 : vector<16xi32>
      %lt3A_1212 = arith.constant 0 : i32
      %lt3A_1213 = vector.broadcast %lt3A_1212 : i32 to vector<16xi32>
      %lt3A_1214 = arith.cmpi slt, %xor3A_10, %lt3A_1213 : vector<16xi32>
      %add3A_1215 = arith.constant 16 : i32
      %add3A_1216 = vector.broadcast %add3A_1215 : i32 to vector<16xi32>
      %add3A_1217 = arith.addi %xor3A_10, %add3A_1216 : vector<16xi32>
      %select_n3A_1218 = arith.select %lt3A_1214, %add3A_1217, %xor3A_10 : vector<16xi1>, vector<16xi32>
      %broadcast_in_dim3A_1219 = vector.shape_cast %select_n3A_1218 : vector<16xi32> to vector<16x1xi32>
      %gather3A_1220 = vector.shape_cast %broadcast_in_dim3A_1219 : vector<16x1xi32> to vector<16xi32>
      %gather3A_1221 = tpu.dynamic_gather %min3A_1211[%gather3A_1220] in [0] : vector<16xi32>, vector<16xi32> -> vector<16xi32>
      %min3A_1222 = arith.minsi %min3A_1211, %gather3A_1221 : vector<16xi32>
      %lt3A_1223 = arith.constant 0 : i32
      %lt3A_1224 = vector.broadcast %lt3A_1223 : i32 to vector<16xi32>
      %lt3A_1225 = arith.cmpi slt, %xor3A_13, %lt3A_1224 : vector<16xi32>
      %add3A_1226 = arith.constant 16 : i32
      %add3A_1227 = vector.broadcast %add3A_1226 : i32 to vector<16xi32>
      %add3A_1228 = arith.addi %xor3A_13, %add3A_1227 : vector<16xi32>
      %select_n3A_1229 = arith.select %lt3A_1225, %add3A_1228, %xor3A_13 : vector<16xi1>, vector<16xi32>
      %broadcast_in_dim3A_1230 = vector.shape_cast %select_n3A_1229 : vector<16xi32> to vector<16x1xi32>
      %gather3A_1231 = vector.shape_cast %broadcast_in_dim3A_1230 : vector<16x1xi32> to vector<16xi32>
      %gather3A_1232 = tpu.dynamic_gather %min3A_1222[%gather3A_1231] in [0] : vector<16xi32>, vector<16xi32> -> vector<16xi32>
      %min3A_1233 = arith.minsi %min3A_1222, %gather3A_1232 : vector<16xi32>
      %lt3A_1234 = arith.constant 0 : i32
      %lt3A_1235 = vector.broadcast %lt3A_1234 : i32 to vector<16xi32>
      %lt3A_1236 = arith.cmpi slt, %xor3A_16, %lt3A_1235 : vector<16xi32>
      %add3A_1237 = arith.constant 16 : i32
      %add3A_1238 = vector.broadcast %add3A_1237 : i32 to vector<16xi32>
      %add3A_1239 = arith.addi %xor3A_16, %add3A_1238 : vector<16xi32>
      %select_n3A_1240 = arith.select %lt3A_1236, %add3A_1239, %xor3A_16 : vector<16xi1>, vector<16xi32>
      %broadcast_in_dim3A_1241 = vector.shape_cast %select_n3A_1240 : vector<16xi32> to vector<16x1xi32>
      %gather3A_1242 = vector.shape_cast %broadcast_in_dim3A_1241 : vector<16x1xi32> to vector<16xi32>
      %gather3A_1243 = tpu.dynamic_gather %min3A_1233[%gather3A_1242] in [0] : vector<16xi32>, vector<16xi32> -> vector<16xi32>
      %min3A_1244 = arith.minsi %min3A_1233, %gather3A_1243 : vector<16xi32>
      %lt3A_1245 = arith.constant 0 : i32
      %lt3A_1246 = vector.broadcast %lt3A_1245 : i32 to vector<16xi32>
      %lt3A_1247 = arith.cmpi slt, %xor3A_19, %lt3A_1246 : vector<16xi32>
      %add3A_1248 = arith.constant 16 : i32
      %add3A_1249 = vector.broadcast %add3A_1248 : i32 to vector<16xi32>
      %add3A_1250 = arith.addi %xor3A_19, %add3A_1249 : vector<16xi32>
      %select_n3A_1251 = arith.select %lt3A_1247, %add3A_1250, %xor3A_19 : vector<16xi1>, vector<16xi32>
      %broadcast_in_dim3A_1252 = vector.shape_cast %select_n3A_1251 : vector<16xi32> to vector<16x1xi32>
      %gather3A_1253 = vector.shape_cast %broadcast_in_dim3A_1252 : vector<16x1xi32> to vector<16xi32>
      %gather3A_1254 = tpu.dynamic_gather %min3A_1244[%gather3A_1253] in [0] : vector<16xi32>, vector<16xi32> -> vector<16xi32>
      %min3A_1255 = arith.minsi %min3A_1244, %gather3A_1254 : vector<16xi32>
      %eq3A_1256 = arith.cmpi eq, %add3A_48, %min3A_1255 : vector<16xi32>
      %eq3A_1257 = arith.cmpi eq, %add3A_51, %min3A_1255 : vector<16xi32>
      %eq3A_1258 = arith.cmpi eq, %add3A_54, %min3A_1255 : vector<16xi32>
      %eq3A_1259 = arith.cmpi eq, %add3A_57, %min3A_1255 : vector<16xi32>
      %jit3A_1260 = arith.constant 1.000000e+00 : f32
      %broadcast_in_dim3A_1261 = vector.broadcast %jit3A_1260 : f32 to vector<16xf32>
      %select_n3A_1262 = arith.select %eq3A_1256, %broadcast_in_dim3A_1261, %scan3A_1149 : vector<16xi1>, vector<16xf32>
      %jit3A_1263 = arith.constant 1.000000e+00 : f32
      %broadcast_in_dim3A_1264 = vector.broadcast %jit3A_1263 : f32 to vector<16xf32>
      %select_n3A_1265 = arith.select %eq3A_1257, %broadcast_in_dim3A_1264, %scan3A_1150 : vector<16xi1>, vector<16xf32>
      %jit3A_1266 = arith.constant 1.000000e+00 : f32
      %broadcast_in_dim3A_1267 = vector.broadcast %jit3A_1266 : f32 to vector<16xf32>
      %select_n3A_1268 = arith.select %eq3A_1258, %broadcast_in_dim3A_1267, %scan3A_1151 : vector<16xi1>, vector<16xf32>
      %jit3A_1269 = arith.constant 1.000000e+00 : f32
      %broadcast_in_dim3A_1270 = vector.broadcast %jit3A_1269 : f32 to vector<16xf32>
      %select_n3A_1271 = arith.select %eq3A_1259, %broadcast_in_dim3A_1270, %scan3A_1152 : vector<16xi1>, vector<16xf32>
      %jit3A_1272 = arith.constant -1.000000e+00 : f32
      %broadcast_in_dim3A_1273 = vector.broadcast %jit3A_1272 : f32 to vector<16xf32>
      %select_n3A_1274 = arith.select %eq3A_1256, %broadcast_in_dim3A_1273, %scan3A_1145 : vector<16xi1>, vector<16xf32>
      %jit3A_1275 = arith.constant -1.000000e+00 : f32
      %broadcast_in_dim3A_1276 = vector.broadcast %jit3A_1275 : f32 to vector<16xf32>
      %select_n3A_1277 = arith.select %eq3A_1257, %broadcast_in_dim3A_1276, %scan3A_1146 : vector<16xi1>, vector<16xf32>
      %jit3A_1278 = arith.constant -1.000000e+00 : f32
      %broadcast_in_dim3A_1279 = vector.broadcast %jit3A_1278 : f32 to vector<16xf32>
      %select_n3A_1280 = arith.select %eq3A_1258, %broadcast_in_dim3A_1279, %scan3A_1147 : vector<16xi1>, vector<16xf32>
      %jit3A_1281 = arith.constant -1.000000e+00 : f32
      %broadcast_in_dim3A_1282 = vector.broadcast %jit3A_1281 : f32 to vector<16xf32>
      %select_n3A_1283 = arith.select %eq3A_1259, %broadcast_in_dim3A_1282, %scan3A_1148 : vector<16xi1>, vector<16xf32>
      scf.yield %select_n3A_1274, %select_n3A_1277, %select_n3A_1280, %select_n3A_1283, %select_n3A_1262, %select_n3A_1265, %select_n3A_1268, %select_n3A_1271 : vector<16xf32>, vector<16xf32>, vector<16xf32>, vector<16xf32>, vector<16xf32>, vector<16xf32>, vector<16xf32>, vector<16xf32>
    }
    %scan3A_62 = arith.constant 8 : i32
    %swap3A = arith.constant 0 : i32
    %swap3A_63 = arith.index_cast %swap3A : i32 to index
    %swap3A_64 = arith.constant 0 : index
    %swap3A_65 = tpu.vector_load %arg5[%swap3A_63, %swap3A_64] {strides = array<i32>} : memref<16x64xf32, #tpu.memory_space<vmem>>, vector<1x16xf32>,
    %swap3A_66 = vector.shape_cast %swap3A_65 : vector<1x16xf32> to vector<16xf32>
    %swap3A_67 = vector.shape_cast %scan3A_61#4 : vector<16xf32> to vector<1x16xf32>
    tpu.vector_store %arg5[%swap3A_63, %swap3A_64], %swap3A_67 {strides = array<i32>} : memref<16x64xf32, #tpu.memory_space<vmem>>, vector<1x16xf32>,
    %swap3A_68 = arith.constant 0 : i32
    %swap3A_69 = arith.index_cast %swap3A_68 : i32 to index
    %swap3A_70 = arith.constant 16 : index
    %swap3A_71 = tpu.vector_load %arg5[%swap3A_69, %swap3A_70] {strides = array<i32>} : memref<16x64xf32, #tpu.memory_space<vmem>>, vector<1x16xf32>,
    %swap3A_72 = vector.shape_cast %swap3A_71 : vector<1x16xf32> to vector<16xf32>
    %swap3A_73 = vector.shape_cast %scan3A_61#5 : vector<16xf32> to vector<1x16xf32>
    tpu.vector_store %arg5[%swap3A_69, %swap3A_70], %swap3A_73 {strides = array<i32>} : memref<16x64xf32, #tpu.memory_space<vmem>>, vector<1x16xf32>,
    %swap3A_74 = arith.constant 0 : i32
    %swap3A_75 = arith.index_cast %swap3A_74 : i32 to index
    %swap3A_76 = arith.constant 32 : index
    %swap3A_77 = tpu.vector_load %arg5[%swap3A_75, %swap3A_76] {strides = array<i32>} : memref<16x64xf32, #tpu.memory_space<vmem>>, vector<1x16xf32>,
    %swap3A_78 = vector.shape_cast %swap3A_77 : vector<1x16xf32> to vector<16xf32>
    %swap3A_79 = vector.shape_cast %scan3A_61#6 : vector<16xf32> to vector<1x16xf32>
    tpu.vector_store %arg5[%swap3A_75, %swap3A_76], %swap3A_79 {strides = array<i32>} : memref<16x64xf32, #tpu.memory_space<vmem>>, vector<1x16xf32>,
    %swap3A_80 = arith.constant 0 : i32
    %swap3A_81 = arith.index_cast %swap3A_80 : i32 to index
    %swap3A_82 = arith.constant 48 : index
    %swap3A_83 = tpu.vector_load %arg5[%swap3A_81, %swap3A_82] {strides = array<i32>} : memref<16x64xf32, #tpu.memory_space<vmem>>, vector<1x16xf32>,
    %swap3A_84 = vector.shape_cast %swap3A_83 : vector<1x16xf32> to vector<16xf32>
    %swap3A_85 = vector.shape_cast %scan3A_61#7 : vector<16xf32> to vector<1x16xf32>
    tpu.vector_store %arg5[%swap3A_81, %swap3A_82], %swap3A_85 {strides = array<i32>} : memref<16x64xf32, #tpu.memory_space<vmem>>, vector<1x16xf32>,
    %get3A_86 = arith.constant 1 : i32
    %get3A_87 = arith.index_cast %get3A_86 : i32 to index
    %get3A_88 = arith.constant 0 : index
    %get3A_89 = tpu.vector_load %arg4[%get3A_87, %get3A_88] {strides = array<i32>} : memref<16x64xf32, #tpu.memory_space<vmem>>, vector<1x16xf32>,
    %get3A_90 = vector.shape_cast %get3A_89 : vector<1x16xf32> to vector<16xf32>
    %get3A_91 = arith.constant 1 : i32
    %get3A_92 = arith.index_cast %get3A_91 : i32 to index
    %get3A_93 = arith.constant 16 : index
    %get3A_94 = tpu.vector_load %arg4[%get3A_92, %get3A_93] {strides = array<i32>} : memref<16x64xf32, #tpu.memory_space<vmem>>, vector<1x16xf32>,
    %get3A_95 = vector.shape_cast %get3A_94 : vector<1x16xf32> to vector<16xf32>
    %get3A_96 = arith.constant 1 : i32
    %get3A_97 = arith.index_cast %get3A_96 : i32 to index
    %get3A_98 = arith.constant 32 : index
    %get3A_99 = tpu.vector_load %arg4[%get3A_97, %get3A_98] {strides = array<i32>} : memref<16x64xf32, #tpu.memory_space<vmem>>, vector<1x16xf32>,
    %get3A_100 = vector.shape_cast %get3A_99 : vector<1x16xf32> to vector<16xf32>
    %get3A_101 = arith.constant 1 : i32
    %get3A_102 = arith.index_cast %get3A_101 : i32 to index
    %get3A_103 = arith.constant 48 : index
    %get3A_104 = tpu.vector_load %arg4[%get3A_102, %get3A_103] {strides = array<i32>} : memref<16x64xf32, #tpu.memory_space<vmem>>, vector<1x16xf32>,
    %get3A_105 = vector.shape_cast %get3A_104 : vector<1x16xf32> to vector<16xf32>
    %broadcast_in_dim3A_106 = arith.constant 0.000000e+00 : f32
    %broadcast_in_dim3A_107 = vector.broadcast %broadcast_in_dim3A_106 : f32 to vector<16xf32>
    %broadcast_in_dim3A_108 = arith.constant 0.000000e+00 : f32
    %broadcast_in_dim3A_109 = vector.broadcast %broadcast_in_dim3A_108 : f32 to vector<16xf32>
    %broadcast_in_dim3A_110 = arith.constant 0.000000e+00 : f32
    %broadcast_in_dim3A_111 = vector.broadcast %broadcast_in_dim3A_110 : f32 to vector<16xf32>
    %broadcast_in_dim3A_112 = arith.constant 0.000000e+00 : f32
    %broadcast_in_dim3A_113 = vector.broadcast %broadcast_in_dim3A_112 : f32 to vector<16xf32>
    %add3A_114 = arith.constant 0 : i32
    %add3A_115 = vector.broadcast %add3A_114 : i32 to vector<16xi32>
    %add3A_116 = arith.addi %iota3A, %add3A_115 : vector<16xi32>
    %add3A_117 = arith.constant 16 : i32
    %add3A_118 = vector.broadcast %add3A_117 : i32 to vector<16xi32>
    %add3A_119 = arith.addi %iota3A, %add3A_118 : vector<16xi32>
    %add3A_120 = arith.constant 32 : i32
    %add3A_121 = vector.broadcast %add3A_120 : i32 to vector<16xi32>
    %add3A_122 = arith.addi %iota3A, %add3A_121 : vector<16xi32>
    %add3A_123 = arith.constant 48 : i32
    %add3A_124 = vector.broadcast %add3A_123 : i32 to vector<16xi32>
    %add3A_125 = arith.addi %iota3A, %add3A_124 : vector<16xi32>
    %scan3A_126 = arith.constant 0 : i32
    %scan3A_127 = arith.constant 8 : i32
    %scan3A_128 = arith.addi %scan3A_126, %scan3A_127 : i32
    %scan3A_129 = arith.constant 1 : i32
    %scan3A_130:8 = scf.for %scan3A_1144 = %scan3A_126 to %scan3A_128 step %scan3A_129 iter_args(%scan3A_1145 = %get3A_90, %scan3A_1146 = %get3A_95, %scan3A_1147 = %get3A_100, %scan3A_1148 = %get3A_105, %scan3A_1149 = %broadcast_in_dim3A_107, %scan3A_1150 = %broadcast_in_dim3A_109, %scan3A_1151 = %broadcast_in_dim3A_111, %scan3A_1152 = %broadcast_in_dim3A_113) -> (vector<16xf32>, vector<16xf32>, vector<16xf32>, vector<16xf32>, vector<16xf32>, vector<16xf32>, vector<16xf32>, vector<16xf32>)  : i32 {
      %max3A = arith.maximumf %scan3A_1145, %scan3A_1146 : vector<16xf32>
      %max3A_1153 = arith.maximumf %scan3A_1147, %scan3A_1148 : vector<16xf32>
      %max3A_1154 = arith.maximumf %max3A, %max3A_1153 : vector<16xf32>
      %lt3A = arith.constant 0 : i32
      %lt3A_1155 = vector.broadcast %lt3A : i32 to vector<16xi32>
      %lt3A_1156 = arith.cmpi slt, %xor3A_10, %lt3A_1155 : vector<16xi32>
      %add3A_1157 = arith.constant 16 : i32
      %add3A_1158 = vector.broadcast %add3A_1157 : i32 to vector<16xi32>
      %add3A_1159 = arith.addi %xor3A_10, %add3A_1158 : vector<16xi32>
      %select_n3A = arith.select %lt3A_1156, %add3A_1159, %xor3A_10 : vector<16xi1>, vector<16xi32>
      %broadcast_in_dim3A_1160 = vector.shape_cast %select_n3A : vector<16xi32> to vector<16x1xi32>
      %gather3A = vector.shape_cast %broadcast_in_dim3A_1160 : vector<16x1xi32> to vector<16xi32>
      %gather3A_1161 = tpu.dynamic_gather %max3A_1154[%gather3A] in [0] : vector<16xf32>, vector<16xi32> -> vector<16xf32>
      %max3A_1162 = arith.maximumf %max3A_1154, %gather3A_1161 : vector<16xf32>
      %lt3A_1163 = arith.constant 0 : i32
      %lt3A_1164 = vector.broadcast %lt3A_1163 : i32 to vector<16xi32>
      %lt3A_1165 = arith.cmpi slt, %xor3A_13, %lt3A_1164 : vector<16xi32>
      %add3A_1166 = arith.constant 16 : i32
      %add3A_1167 = vector.broadcast %add3A_1166 : i32 to vector<16xi32>
      %add3A_1168 = arith.addi %xor3A_13, %add3A_1167 : vector<16xi32>
      %select_n3A_1169 = arith.select %lt3A_1165, %add3A_1168, %xor3A_13 : vector<16xi1>, vector<16xi32>
      %broadcast_in_dim3A_1170 = vector.shape_cast %select_n3A_1169 : vector<16xi32> to vector<16x1xi32>
      %gather3A_1171 = vector.shape_cast %broadcast_in_dim3A_1170 : vector<16x1xi32> to vector<16xi32>
      %gather3A_1172 = tpu.dynamic_gather %max3A_1162[%gather3A_1171] in [0] : vector<16xf32>, vector<16xi32> -> vector<16xf32>
      %max3A_1173 = arith.maximumf %max3A_1162, %gather3A_1172 : vector<16xf32>
      %lt3A_1174 = arith.constant 0 : i32
      %lt3A_1175 = vector.broadcast %lt3A_1174 : i32 to vector<16xi32>
      %lt3A_1176 = arith.cmpi slt, %xor3A_16, %lt3A_1175 : vector<16xi32>
      %add3A_1177 = arith.constant 16 : i32
      %add3A_1178 = vector.broadcast %add3A_1177 : i32 to vector<16xi32>
      %add3A_1179 = arith.addi %xor3A_16, %add3A_1178 : vector<16xi32>
      %select_n3A_1180 = arith.select %lt3A_1176, %add3A_1179, %xor3A_16 : vector<16xi1>, vector<16xi32>
      %broadcast_in_dim3A_1181 = vector.shape_cast %select_n3A_1180 : vector<16xi32> to vector<16x1xi32>
      %gather3A_1182 = vector.shape_cast %broadcast_in_dim3A_1181 : vector<16x1xi32> to vector<16xi32>
      %gather3A_1183 = tpu.dynamic_gather %max3A_1173[%gather3A_1182] in [0] : vector<16xf32>, vector<16xi32> -> vector<16xf32>
      %max3A_1184 = arith.maximumf %max3A_1173, %gather3A_1183 : vector<16xf32>
      %lt3A_1185 = arith.constant 0 : i32
      %lt3A_1186 = vector.broadcast %lt3A_1185 : i32 to vector<16xi32>
      %lt3A_1187 = arith.cmpi slt, %xor3A_19, %lt3A_1186 : vector<16xi32>
      %add3A_1188 = arith.constant 16 : i32
      %add3A_1189 = vector.broadcast %add3A_1188 : i32 to vector<16xi32>
      %add3A_1190 = arith.addi %xor3A_19, %add3A_1189 : vector<16xi32>
      %select_n3A_1191 = arith.select %lt3A_1187, %add3A_1190, %xor3A_19 : vector<16xi1>, vector<16xi32>
      %broadcast_in_dim3A_1192 = vector.shape_cast %select_n3A_1191 : vector<16xi32> to vector<16x1xi32>
      %gather3A_1193 = vector.shape_cast %broadcast_in_dim3A_1192 : vector<16x1xi32> to vector<16xi32>
      %gather3A_1194 = tpu.dynamic_gather %max3A_1184[%gather3A_1193] in [0] : vector<16xf32>, vector<16xi32> -> vector<16xf32>
      %max3A_1195 = arith.maximumf %max3A_1184, %gather3A_1194 : vector<16xf32>
      %eq3A = arith.cmpf oeq, %scan3A_1145, %max3A_1195 : vector<16xf32>
      %jit3A = arith.constant 64 : i32
      %broadcast_in_dim3A_1196 = vector.broadcast %jit3A : i32 to vector<16xi32>
      %select_n3A_1197 = arith.select %eq3A, %add3A_116, %broadcast_in_dim3A_1196 : vector<16xi1>, vector<16xi32>
      %eq3A_1198 = arith.cmpf oeq, %scan3A_1146, %max3A_1195 : vector<16xf32>
      %jit3A_1199 = arith.constant 64 : i32
      %broadcast_in_dim3A_1200 = vector.broadcast %jit3A_1199 : i32 to vector<16xi32>
      %select_n3A_1201 = arith.select %eq3A_1198, %add3A_119, %broadcast_in_dim3A_1200 : vector<16xi1>, vector<16xi32>
      %eq3A_1202 = arith.cmpf oeq, %scan3A_1147, %max3A_1195 : vector<16xf32>
      %jit3A_1203 = arith.constant 64 : i32
      %broadcast_in_dim3A_1204 = vector.broadcast %jit3A_1203 : i32 to vector<16xi32>
      %select_n3A_1205 = arith.select %eq3A_1202, %add3A_122, %broadcast_in_dim3A_1204 : vector<16xi1>, vector<16xi32>
      %eq3A_1206 = arith.cmpf oeq, %scan3A_1148, %max3A_1195 : vector<16xf32>
      %jit3A_1207 = arith.constant 64 : i32
      %broadcast_in_dim3A_1208 = vector.broadcast %jit3A_1207 : i32 to vector<16xi32>
      %select_n3A_1209 = arith.select %eq3A_1206, %add3A_125, %broadcast_in_dim3A_1208 : vector<16xi1>, vector<16xi32>
      %min3A = arith.minsi %select_n3A_1197, %select_n3A_1201 : vector<16xi32>
      %min3A_1210 = arith.minsi %select_n3A_1205, %select_n3A_1209 : vector<16xi32>
      %min3A_1211 = arith.minsi %min3A, %min3A_1210 : vector<16xi32>
      %lt3A_1212 = arith.constant 0 : i32
      %lt3A_1213 = vector.broadcast %lt3A_1212 : i32 to vector<16xi32>
      %lt3A_1214 = arith.cmpi slt, %xor3A_10, %lt3A_1213 : vector<16xi32>
      %add3A_1215 = arith.constant 16 : i32
      %add3A_1216 = vector.broadcast %add3A_1215 : i32 to vector<16xi32>
      %add3A_1217 = arith.addi %xor3A_10, %add3A_1216 : vector<16xi32>
      %select_n3A_1218 = arith.select %lt3A_1214, %add3A_1217, %xor3A_10 : vector<16xi1>, vector<16xi32>
      %broadcast_in_dim3A_1219 = vector.shape_cast %select_n3A_1218 : vector<16xi32> to vector<16x1xi32>
      %gather3A_1220 = vector.shape_cast %broadcast_in_dim3A_1219 : vector<16x1xi32> to vector<16xi32>
      %gather3A_1221 = tpu.dynamic_gather %min3A_1211[%gather3A_1220] in [0] : vector<16xi32>, vector<16xi32> -> vector<16xi32>
      %min3A_1222 = arith.minsi %min3A_1211, %gather3A_1221 : vector<16xi32>
      %lt3A_1223 = arith.constant 0 : i32
      %lt3A_1224 = vector.broadcast %lt3A_1223 : i32 to vector<16xi32>
      %lt3A_1225 = arith.cmpi slt, %xor3A_13, %lt3A_1224 : vector<16xi32>
      %add3A_1226 = arith.constant 16 : i32
      %add3A_1227 = vector.broadcast %add3A_1226 : i32 to vector<16xi32>
      %add3A_1228 = arith.addi %xor3A_13, %add3A_1227 : vector<16xi32>
      %select_n3A_1229 = arith.select %lt3A_1225, %add3A_1228, %xor3A_13 : vector<16xi1>, vector<16xi32>
      %broadcast_in_dim3A_1230 = vector.shape_cast %select_n3A_1229 : vector<16xi32> to vector<16x1xi32>
      %gather3A_1231 = vector.shape_cast %broadcast_in_dim3A_1230 : vector<16x1xi32> to vector<16xi32>
      %gather3A_1232 = tpu.dynamic_gather %min3A_1222[%gather3A_1231] in [0] : vector<16xi32>, vector<16xi32> -> vector<16xi32>
      %min3A_1233 = arith.minsi %min3A_1222, %gather3A_1232 : vector<16xi32>
      %lt3A_1234 = arith.constant 0 : i32
      %lt3A_1235 = vector.broadcast %lt3A_1234 : i32 to vector<16xi32>
      %lt3A_1236 = arith.cmpi slt, %xor3A_16, %lt3A_1235 : vector<16xi32>
      %add3A_1237 = arith.constant 16 : i32
      %add3A_1238 = vector.broadcast %add3A_1237 : i32 to vector<16xi32>
      %add3A_1239 = arith.addi %xor3A_16, %add3A_1238 : vector<16xi32>
      %select_n3A_1240 = arith.select %lt3A_1236, %add3A_1239, %xor3A_16 : vector<16xi1>, vector<16xi32>
      %broadcast_in_dim3A_1241 = vector.shape_cast %select_n3A_1240 : vector<16xi32> to vector<16x1xi32>
      %gather3A_1242 = vector.shape_cast %broadcast_in_dim3A_1241 : vector<16x1xi32> to vector<16xi32>
      %gather3A_1243 = tpu.dynamic_gather %min3A_1233[%gather3A_1242] in [0] : vector<16xi32>, vector<16xi32> -> vector<16xi32>
      %min3A_1244 = arith.minsi %min3A_1233, %gather3A_1243 : vector<16xi32>
      %lt3A_1245 = arith.constant 0 : i32
      %lt3A_1246 = vector.broadcast %lt3A_1245 : i32 to vector<16xi32>
      %lt3A_1247 = arith.cmpi slt, %xor3A_19, %lt3A_1246 : vector<16xi32>
      %add3A_1248 = arith.constant 16 : i32
      %add3A_1249 = vector.broadcast %add3A_1248 : i32 to vector<16xi32>
      %add3A_1250 = arith.addi %xor3A_19, %add3A_1249 : vector<16xi32>
      %select_n3A_1251 = arith.select %lt3A_1247, %add3A_1250, %xor3A_19 : vector<16xi1>, vector<16xi32>
      %broadcast_in_dim3A_1252 = vector.shape_cast %select_n3A_1251 : vector<16xi32> to vector<16x1xi32>
      %gather3A_1253 = vector.shape_cast %broadcast_in_dim3A_1252 : vector<16x1xi32> to vector<16xi32>
      %gather3A_1254 = tpu.dynamic_gather %min3A_1244[%gather3A_1253] in [0] : vector<16xi32>, vector<16xi32> -> vector<16xi32>
      %min3A_1255 = arith.minsi %min3A_1244, %gather3A_1254 : vector<16xi32>
      %eq3A_1256 = arith.cmpi eq, %add3A_116, %min3A_1255 : vector<16xi32>
      %eq3A_1257 = arith.cmpi eq, %add3A_119, %min3A_1255 : vector<16xi32>
      %eq3A_1258 = arith.cmpi eq, %add3A_122, %min3A_1255 : vector<16xi32>
      %eq3A_1259 = arith.cmpi eq, %add3A_125, %min3A_1255 : vector<16xi32>
      %jit3A_1260 = arith.constant 1.000000e+00 : f32
      %broadcast_in_dim3A_1261 = vector.broadcast %jit3A_1260 : f32 to vector<16xf32>
      %select_n3A_1262 = arith.select %eq3A_1256, %broadcast_in_dim3A_1261, %scan3A_1149 : vector<16xi1>, vector<16xf32>
      %jit3A_1263 = arith.constant 1.000000e+00 : f32
      %broadcast_in_dim3A_1264 = vector.broadcast %jit3A_1263 : f32 to vector<16xf32>
      %select_n3A_1265 = arith.select %eq3A_1257, %broadcast_in_dim3A_1264, %scan3A_1150 : vector<16xi1>, vector<16xf32>
      %jit3A_1266 = arith.constant 1.000000e+00 : f32
      %broadcast_in_dim3A_1267 = vector.broadcast %jit3A_1266 : f32 to vector<16xf32>
      %select_n3A_1268 = arith.select %eq3A_1258, %broadcast_in_dim3A_1267, %scan3A_1151 : vector<16xi1>, vector<16xf32>
      %jit3A_1269 = arith.constant 1.000000e+00 : f32
      %broadcast_in_dim3A_1270 = vector.broadcast %jit3A_1269 : f32 to vector<16xf32>
      %select_n3A_1271 = arith.select %eq3A_1259, %broadcast_in_dim3A_1270, %scan3A_1152 : vector<16xi1>, vector<16xf32>
      %jit3A_1272 = arith.constant -1.000000e+00 : f32
      %broadcast_in_dim3A_1273 = vector.broadcast %jit3A_1272 : f32 to vector<16xf32>
      %select_n3A_1274 = arith.select %eq3A_1256, %broadcast_in_dim3A_1273, %scan3A_1145 : vector<16xi1>, vector<16xf32>
      %jit3A_1275 = arith.constant -1.000000e+00 : f32
      %broadcast_in_dim3A_1276 = vector.broadcast %jit3A_1275 : f32 to vector<16xf32>
      %select_n3A_1277 = arith.select %eq3A_1257, %broadcast_in_dim3A_1276, %scan3A_1146 : vector<16xi1>, vector<16xf32>
      %jit3A_1278 = arith.constant -1.000000e+00 : f32
      %broadcast_in_dim3A_1279 = vector.broadcast %jit3A_1278 : f32 to vector<16xf32>
      %select_n3A_1280 = arith.select %eq3A_1258, %broadcast_in_dim3A_1279, %scan3A_1147 : vector<16xi1>, vector<16xf32>
      %jit3A_1281 = arith.constant -1.000000e+00 : f32
      %broadcast_in_dim3A_1282 = vector.broadcast %jit3A_1281 : f32 to vector<16xf32>
      %select_n3A_1283 = arith.select %eq3A_1259, %broadcast_in_dim3A_1282, %scan3A_1148 : vector<16xi1>, vector<16xf32>
      scf.yield %select_n3A_1274, %select_n3A_1277, %select_n3A_1280, %select_n3A_1283, %select_n3A_1262, %select_n3A_1265, %select_n3A_1268, %select_n3A_1271 : vector<16xf32>, vector<16xf32>, vector<16xf32>, vector<16xf32>, vector<16xf32>, vector<16xf32>, vector<16xf32>, vector<16xf32>
    }
    %scan3A_131 = arith.constant 8 : i32
    %swap3A_132 = arith.constant 1 : i32
    %swap3A_133 = arith.index_cast %swap3A_132 : i32 to index
    %swap3A_134 = arith.constant 0 : index
    %swap3A_135 = tpu.vector_load %arg5[%swap3A_133, %swap3A_134] {strides = array<i32>} : memref<16x64xf32, #tpu.memory_space<vmem>>, vector<1x16xf32>,
    %swap3A_136 = vector.shape_cast %swap3A_135 : vector<1x16xf32> to vector<16xf32>
    %swap3A_137 = vector.shape_cast %scan3A_130#4 : vector<16xf32> to vector<1x16xf32>
    tpu.vector_store %arg5[%swap3A_133, %swap3A_134], %swap3A_137 {strides = array<i32>} : memref<16x64xf32, #tpu.memory_space<vmem>>, vector<1x16xf32>,
    %swap3A_138 = arith.constant 1 : i32
    %swap3A_139 = arith.index_cast %swap3A_138 : i32 to index
    %swap3A_140 = arith.constant 16 : index
    %swap3A_141 = tpu.vector_load %arg5[%swap3A_139, %swap3A_140] {strides = array<i32>} : memref<16x64xf32, #tpu.memory_space<vmem>>, vector<1x16xf32>,
    %swap3A_142 = vector.shape_cast %swap3A_141 : vector<1x16xf32> to vector<16xf32>
    %swap3A_143 = vector.shape_cast %scan3A_130#5 : vector<16xf32> to vector<1x16xf32>
    tpu.vector_store %arg5[%swap3A_139, %swap3A_140], %swap3A_143 {strides = array<i32>} : memref<16x64xf32, #tpu.memory_space<vmem>>, vector<1x16xf32>,
    %swap3A_144 = arith.constant 1 : i32
    %swap3A_145 = arith.index_cast %swap3A_144 : i32 to index
    %swap3A_146 = arith.constant 32 : index
    %swap3A_147 = tpu.vector_load %arg5[%swap3A_145, %swap3A_146] {strides = array<i32>} : memref<16x64xf32, #tpu.memory_space<vmem>>, vector<1x16xf32>,
    %swap3A_148 = vector.shape_cast %swap3A_147 : vector<1x16xf32> to vector<16xf32>
    %swap3A_149 = vector.shape_cast %scan3A_130#6 : vector<16xf32> to vector<1x16xf32>
    tpu.vector_store %arg5[%swap3A_145, %swap3A_146], %swap3A_149 {strides = array<i32>} : memref<16x64xf32, #tpu.memory_space<vmem>>, vector<1x16xf32>,
    %swap3A_150 = arith.constant 1 : i32
    %swap3A_151 = arith.index_cast %swap3A_150 : i32 to index
    %swap3A_152 = arith.constant 48 : index
    %swap3A_153 = tpu.vector_load %arg5[%swap3A_151, %swap3A_152] {strides = array<i32>} : memref<16x64xf32, #tpu.memory_space<vmem>>, vector<1x16xf32>,
    %swap3A_154 = vector.shape_cast %swap3A_153 : vector<1x16xf32> to vector<16xf32>
    %swap3A_155 = vector.shape_cast %scan3A_130#7 : vector<16xf32> to vector<1x16xf32>
    tpu.vector_store %arg5[%swap3A_151, %swap3A_152], %swap3A_155 {strides = array<i32>} : memref<16x64xf32, #tpu.memory_space<vmem>>, vector<1x16xf32>,
    %get3A_156 = arith.constant 2 : i32
    %get3A_157 = arith.index_cast %get3A_156 : i32 to index
    %get3A_158 = arith.constant 0 : index
    %get3A_159 = tpu.vector_load %arg4[%get3A_157, %get3A_158] {strides = array<i32>} : memref<16x64xf32, #tpu.memory_space<vmem>>, vector<1x16xf32>,
    %get3A_160 = vector.shape_cast %get3A_159 : vector<1x16xf32> to vector<16xf32>
    %get3A_161 = arith.constant 2 : i32
    %get3A_162 = arith.index_cast %get3A_161 : i32 to index
    %get3A_163 = arith.constant 16 : index
    %get3A_164 = tpu.vector_load %arg4[%get3A_162, %get3A_163] {strides = array<i32>} : memref<16x64xf32, #tpu.memory_space<vmem>>, vector<1x16xf32>,
    %get3A_165 = vector.shape_cast %get3A_164 : vector<1x16xf32> to vector<16xf32>
    %get3A_166 = arith.constant 2 : i32
    %get3A_167 = arith.index_cast %get3A_166 : i32 to index
    %get3A_168 = arith.constant 32 : index
    %get3A_169 = tpu.vector_load %arg4[%get3A_167, %get3A_168] {strides = array<i32>} : memref<16x64xf32, #tpu.memory_space<vmem>>, vector<1x16xf32>,
    %get3A_170 = vector.shape_cast %get3A_169 : vector<1x16xf32> to vector<16xf32>
    %get3A_171 = arith.constant 2 : i32
    %get3A_172 = arith.index_cast %get3A_171 : i32 to index
    %get3A_173 = arith.constant 48 : index
    %get3A_174 = tpu.vector_load %arg4[%get3A_172, %get3A_173] {strides = array<i32>} : memref<16x64xf32, #tpu.memory_space<vmem>>, vector<1x16xf32>,
    %get3A_175 = vector.shape_cast %get3A_174 : vector<1x16xf32> to vector<16xf32>
    %broadcast_in_dim3A_176 = arith.constant 0.000000e+00 : f32
    %broadcast_in_dim3A_177 = vector.broadcast %broadcast_in_dim3A_176 : f32 to vector<16xf32>
    %broadcast_in_dim3A_178 = arith.constant 0.000000e+00 : f32
    %broadcast_in_dim3A_179 = vector.broadcast %broadcast_in_dim3A_178 : f32 to vector<16xf32>
    %broadcast_in_dim3A_180 = arith.constant 0.000000e+00 : f32
    %broadcast_in_dim3A_181 = vector.broadcast %broadcast_in_dim3A_180 : f32 to vector<16xf32>
    %broadcast_in_dim3A_182 = arith.constant 0.000000e+00 : f32
    %broadcast_in_dim3A_183 = vector.broadcast %broadcast_in_dim3A_182 : f32 to vector<16xf32>
    %add3A_184 = arith.constant 0 : i32
    %add3A_185 = vector.broadcast %add3A_184 : i32 to vector<16xi32>
    %add3A_186 = arith.addi %iota3A, %add3A_185 : vector<16xi32>
    %add3A_187 = arith.constant 16 : i32
    %add3A_188 = vector.broadcast %add3A_187 : i32 to vector<16xi32>
    %add3A_189 = arith.addi %iota3A, %add3A_188 : vector<16xi32>
    %add3A_190 = arith.constant 32 : i32
    %add3A_191 = vector.broadcast %add3A_190 : i32 to vector<16xi32>
    %add3A_192 = arith.addi %iota3A, %add3A_191 : vector<16xi32>
    %add3A_193 = arith.constant 48 : i32
    %add3A_194 = vector.broadcast %add3A_193 : i32 to vector<16xi32>
    %add3A_195 = arith.addi %iota3A, %add3A_194 : vector<16xi32>
    %scan3A_196 = arith.constant 0 : i32
    %scan3A_197 = arith.constant 8 : i32
    %scan3A_198 = arith.addi %scan3A_196, %scan3A_197 : i32
    %scan3A_199 = arith.constant 1 : i32
    %scan3A_200:8 = scf.for %scan3A_1144 = %scan3A_196 to %scan3A_198 step %scan3A_199 iter_args(%scan3A_1145 = %get3A_160, %scan3A_1146 = %get3A_165, %scan3A_1147 = %get3A_170, %scan3A_1148 = %get3A_175, %scan3A_1149 = %broadcast_in_dim3A_177, %scan3A_1150 = %broadcast_in_dim3A_179, %scan3A_1151 = %broadcast_in_dim3A_181, %scan3A_1152 = %broadcast_in_dim3A_183) -> (vector<16xf32>, vector<16xf32>, vector<16xf32>, vector<16xf32>, vector<16xf32>, vector<16xf32>, vector<16xf32>, vector<16xf32>)  : i32 {
      %max3A = arith.maximumf %scan3A_1145, %scan3A_1146 : vector<16xf32>
      %max3A_1153 = arith.maximumf %scan3A_1147, %scan3A_1148 : vector<16xf32>
      %max3A_1154 = arith.maximumf %max3A, %max3A_1153 : vector<16xf32>
      %lt3A = arith.constant 0 : i32
      %lt3A_1155 = vector.broadcast %lt3A : i32 to vector<16xi32>
      %lt3A_1156 = arith.cmpi slt, %xor3A_10, %lt3A_1155 : vector<16xi32>
      %add3A_1157 = arith.constant 16 : i32
      %add3A_1158 = vector.broadcast %add3A_1157 : i32 to vector<16xi32>
      %add3A_1159 = arith.addi %xor3A_10, %add3A_1158 : vector<16xi32>
      %select_n3A = arith.select %lt3A_1156, %add3A_1159, %xor3A_10 : vector<16xi1>, vector<16xi32>
      %broadcast_in_dim3A_1160 = vector.shape_cast %select_n3A : vector<16xi32> to vector<16x1xi32>
      %gather3A = vector.shape_cast %broadcast_in_dim3A_1160 : vector<16x1xi32> to vector<16xi32>
      %gather3A_1161 = tpu.dynamic_gather %max3A_1154[%gather3A] in [0] : vector<16xf32>, vector<16xi32> -> vector<16xf32>
      %max3A_1162 = arith.maximumf %max3A_1154, %gather3A_1161 : vector<16xf32>
      %lt3A_1163 = arith.constant 0 : i32
      %lt3A_1164 = vector.broadcast %lt3A_1163 : i32 to vector<16xi32>
      %lt3A_1165 = arith.cmpi slt, %xor3A_13, %lt3A_1164 : vector<16xi32>
      %add3A_1166 = arith.constant 16 : i32
      %add3A_1167 = vector.broadcast %add3A_1166 : i32 to vector<16xi32>
      %add3A_1168 = arith.addi %xor3A_13, %add3A_1167 : vector<16xi32>
      %select_n3A_1169 = arith.select %lt3A_1165, %add3A_1168, %xor3A_13 : vector<16xi1>, vector<16xi32>
      %broadcast_in_dim3A_1170 = vector.shape_cast %select_n3A_1169 : vector<16xi32> to vector<16x1xi32>
      %gather3A_1171 = vector.shape_cast %broadcast_in_dim3A_1170 : vector<16x1xi32> to vector<16xi32>
      %gather3A_1172 = tpu.dynamic_gather %max3A_1162[%gather3A_1171] in [0] : vector<16xf32>, vector<16xi32> -> vector<16xf32>
      %max3A_1173 = arith.maximumf %max3A_1162, %gather3A_1172 : vector<16xf32>
      %lt3A_1174 = arith.constant 0 : i32
      %lt3A_1175 = vector.broadcast %lt3A_1174 : i32 to vector<16xi32>
      %lt3A_1176 = arith.cmpi slt, %xor3A_16, %lt3A_1175 : vector<16xi32>
      %add3A_1177 = arith.constant 16 : i32
      %add3A_1178 = vector.broadcast %add3A_1177 : i32 to vector<16xi32>
      %add3A_1179 = arith.addi %xor3A_16, %add3A_1178 : vector<16xi32>
      %select_n3A_1180 = arith.select %lt3A_1176, %add3A_1179, %xor3A_16 : vector<16xi1>, vector<16xi32>
      %broadcast_in_dim3A_1181 = vector.shape_cast %select_n3A_1180 : vector<16xi32> to vector<16x1xi32>
      %gather3A_1182 = vector.shape_cast %broadcast_in_dim3A_1181 : vector<16x1xi32> to vector<16xi32>
      %gather3A_1183 = tpu.dynamic_gather %max3A_1173[%gather3A_1182] in [0] : vector<16xf32>, vector<16xi32> -> vector<16xf32>
      %max3A_1184 = arith.maximumf %max3A_1173, %gather3A_1183 : vector<16xf32>
      %lt3A_1185 = arith.constant 0 : i32
      %lt3A_1186 = vector.broadcast %lt3A_1185 : i32 to vector<16xi32>
      %lt3A_1187 = arith.cmpi slt, %xor3A_19, %lt3A_1186 : vector<16xi32>
      %add3A_1188 = arith.constant 16 : i32
      %add3A_1189 = vector.broadcast %add3A_1188 : i32 to vector<16xi32>
      %add3A_1190 = arith.addi %xor3A_19, %add3A_1189 : vector<16xi32>
      %select_n3A_1191 = arith.select %lt3A_1187, %add3A_1190, %xor3A_19 : vector<16xi1>, vector<16xi32>
      %broadcast_in_dim3A_1192 = vector.shape_cast %select_n3A_1191 : vector<16xi32> to vector<16x1xi32>
      %gather3A_1193 = vector.shape_cast %broadcast_in_dim3A_1192 : vector<16x1xi32> to vector<16xi32>
      %gather3A_1194 = tpu.dynamic_gather %max3A_1184[%gather3A_1193] in [0] : vector<16xf32>, vector<16xi32> -> vector<16xf32>
      %max3A_1195 = arith.maximumf %max3A_1184, %gather3A_1194 : vector<16xf32>
      %eq3A = arith.cmpf oeq, %scan3A_1145, %max3A_1195 : vector<16xf32>
      %jit3A = arith.constant 64 : i32
      %broadcast_in_dim3A_1196 = vector.broadcast %jit3A : i32 to vector<16xi32>
      %select_n3A_1197 = arith.select %eq3A, %add3A_186, %broadcast_in_dim3A_1196 : vector<16xi1>, vector<16xi32>
      %eq3A_1198 = arith.cmpf oeq, %scan3A_1146, %max3A_1195 : vector<16xf32>
      %jit3A_1199 = arith.constant 64 : i32
      %broadcast_in_dim3A_1200 = vector.broadcast %jit3A_1199 : i32 to vector<16xi32>
      %select_n3A_1201 = arith.select %eq3A_1198, %add3A_189, %broadcast_in_dim3A_1200 : vector<16xi1>, vector<16xi32>
      %eq3A_1202 = arith.cmpf oeq, %scan3A_1147, %max3A_1195 : vector<16xf32>
      %jit3A_1203 = arith.constant 64 : i32
      %broadcast_in_dim3A_1204 = vector.broadcast %jit3A_1203 : i32 to vector<16xi32>
      %select_n3A_1205 = arith.select %eq3A_1202, %add3A_192, %broadcast_in_dim3A_1204 : vector<16xi1>, vector<16xi32>
      %eq3A_1206 = arith.cmpf oeq, %scan3A_1148, %max3A_1195 : vector<16xf32>
      %jit3A_1207 = arith.constant 64 : i32
      %broadcast_in_dim3A_1208 = vector.broadcast %jit3A_1207 : i32 to vector<16xi32>
      %select_n3A_1209 = arith.select %eq3A_1206, %add3A_195, %broadcast_in_dim3A_1208 : vector<16xi1>, vector<16xi32>
      %min3A = arith.minsi %select_n3A_1197, %select_n3A_1201 : vector<16xi32>
      %min3A_1210 = arith.minsi %select_n3A_1205, %select_n3A_1209 : vector<16xi32>
      %min3A_1211 = arith.minsi %min3A, %min3A_1210 : vector<16xi32>
      %lt3A_1212 = arith.constant 0 : i32
      %lt3A_1213 = vector.broadcast %lt3A_1212 : i32 to vector<16xi32>
      %lt3A_1214 = arith.cmpi slt, %xor3A_10, %lt3A_1213 : vector<16xi32>
      %add3A_1215 = arith.constant 16 : i32
      %add3A_1216 = vector.broadcast %add3A_1215 : i32 to vector<16xi32>
      %add3A_1217 = arith.addi %xor3A_10, %add3A_1216 : vector<16xi32>
      %select_n3A_1218 = arith.select %lt3A_1214, %add3A_1217, %xor3A_10 : vector<16xi1>, vector<16xi32>
      %broadcast_in_dim3A_1219 = vector.shape_cast %select_n3A_1218 : vector<16xi32> to vector<16x1xi32>
      %gather3A_1220 = vector.shape_cast %broadcast_in_dim3A_1219 : vector<16x1xi32> to vector<16xi32>
      %gather3A_1221 = tpu.dynamic_gather %min3A_1211[%gather3A_1220] in [0] : vector<16xi32>, vector<16xi32> -> vector<16xi32>
      %min3A_1222 = arith.minsi %min3A_1211, %gather3A_1221 : vector<16xi32>
      %lt3A_1223 = arith.constant 0 : i32
      %lt3A_1224 = vector.broadcast %lt3A_1223 : i32 to vector<16xi32>
      %lt3A_1225 = arith.cmpi slt, %xor3A_13, %lt3A_1224 : vector<16xi32>
      %add3A_1226 = arith.constant 16 : i32
      %add3A_1227 = vector.broadcast %add3A_1226 : i32 to vector<16xi32>
      %add3A_1228 = arith.addi %xor3A_13, %add3A_1227 : vector<16xi32>
      %select_n3A_1229 = arith.select %lt3A_1225, %add3A_1228, %xor3A_13 : vector<16xi1>, vector<16xi32>
      %broadcast_in_dim3A_1230 = vector.shape_cast %select_n3A_1229 : vector<16xi32> to vector<16x1xi32>
      %gather3A_1231 = vector.shape_cast %broadcast_in_dim3A_1230 : vector<16x1xi32> to vector<16xi32>
      %gather3A_1232 = tpu.dynamic_gather %min3A_1222[%gather3A_1231] in [0] : vector<16xi32>, vector<16xi32> -> vector<16xi32>
      %min3A_1233 = arith.minsi %min3A_1222, %gather3A_1232 : vector<16xi32>
      %lt3A_1234 = arith.constant 0 : i32
      %lt3A_1235 = vector.broadcast %lt3A_1234 : i32 to vector<16xi32>
      %lt3A_1236 = arith.cmpi slt, %xor3A_16, %lt3A_1235 : vector<16xi32>
      %add3A_1237 = arith.constant 16 : i32
      %add3A_1238 = vector.broadcast %add3A_1237 : i32 to vector<16xi32>
      %add3A_1239 = arith.addi %xor3A_16, %add3A_1238 : vector<16xi32>
      %select_n3A_1240 = arith.select %lt3A_1236, %add3A_1239, %xor3A_16 : vector<16xi1>, vector<16xi32>
      %broadcast_in_dim3A_1241 = vector.shape_cast %select_n3A_1240 : vector<16xi32> to vector<16x1xi32>
      %gather3A_1242 = vector.shape_cast %broadcast_in_dim3A_1241 : vector<16x1xi32> to vector<16xi32>
      %gather3A_1243 = tpu.dynamic_gather %min3A_1233[%gather3A_1242] in [0] : vector<16xi32>, vector<16xi32> -> vector<16xi32>
      %min3A_1244 = arith.minsi %min3A_1233, %gather3A_1243 : vector<16xi32>
      %lt3A_1245 = arith.constant 0 : i32
      %lt3A_1246 = vector.broadcast %lt3A_1245 : i32 to vector<16xi32>
      %lt3A_1247 = arith.cmpi slt, %xor3A_19, %lt3A_1246 : vector<16xi32>
      %add3A_1248 = arith.constant 16 : i32
      %add3A_1249 = vector.broadcast %add3A_1248 : i32 to vector<16xi32>
      %add3A_1250 = arith.addi %xor3A_19, %add3A_1249 : vector<16xi32>
      %select_n3A_1251 = arith.select %lt3A_1247, %add3A_1250, %xor3A_19 : vector<16xi1>, vector<16xi32>
      %broadcast_in_dim3A_1252 = vector.shape_cast %select_n3A_1251 : vector<16xi32> to vector<16x1xi32>
      %gather3A_1253 = vector.shape_cast %broadcast_in_dim3A_1252 : vector<16x1xi32> to vector<16xi32>
      %gather3A_1254 = tpu.dynamic_gather %min3A_1244[%gather3A_1253] in [0] : vector<16xi32>, vector<16xi32> -> vector<16xi32>
      %min3A_1255 = arith.minsi %min3A_1244, %gather3A_1254 : vector<16xi32>
      %eq3A_1256 = arith.cmpi eq, %add3A_186, %min3A_1255 : vector<16xi32>
      %eq3A_1257 = arith.cmpi eq, %add3A_189, %min3A_1255 : vector<16xi32>
      %eq3A_1258 = arith.cmpi eq, %add3A_192, %min3A_1255 : vector<16xi32>
      %eq3A_1259 = arith.cmpi eq, %add3A_195, %min3A_1255 : vector<16xi32>
      %jit3A_1260 = arith.constant 1.000000e+00 : f32
      %broadcast_in_dim3A_1261 = vector.broadcast %jit3A_1260 : f32 to vector<16xf32>
      %select_n3A_1262 = arith.select %eq3A_1256, %broadcast_in_dim3A_1261, %scan3A_1149 : vector<16xi1>, vector<16xf32>
      %jit3A_1263 = arith.constant 1.000000e+00 : f32
      %broadcast_in_dim3A_1264 = vector.broadcast %jit3A_1263 : f32 to vector<16xf32>
      %select_n3A_1265 = arith.select %eq3A_1257, %broadcast_in_dim3A_1264, %scan3A_1150 : vector<16xi1>, vector<16xf32>
      %jit3A_1266 = arith.constant 1.000000e+00 : f32
      %broadcast_in_dim3A_1267 = vector.broadcast %jit3A_1266 : f32 to vector<16xf32>
      %select_n3A_1268 = arith.select %eq3A_1258, %broadcast_in_dim3A_1267, %scan3A_1151 : vector<16xi1>, vector<16xf32>
      %jit3A_1269 = arith.constant 1.000000e+00 : f32
      %broadcast_in_dim3A_1270 = vector.broadcast %jit3A_1269 : f32 to vector<16xf32>
      %select_n3A_1271 = arith.select %eq3A_1259, %broadcast_in_dim3A_1270, %scan3A_1152 : vector<16xi1>, vector<16xf32>
      %jit3A_1272 = arith.constant -1.000000e+00 : f32
      %broadcast_in_dim3A_1273 = vector.broadcast %jit3A_1272 : f32 to vector<16xf32>
      %select_n3A_1274 = arith.select %eq3A_1256, %broadcast_in_dim3A_1273, %scan3A_1145 : vector<16xi1>, vector<16xf32>
      %jit3A_1275 = arith.constant -1.000000e+00 : f32
      %broadcast_in_dim3A_1276 = vector.broadcast %jit3A_1275 : f32 to vector<16xf32>
      %select_n3A_1277 = arith.select %eq3A_1257, %broadcast_in_dim3A_1276, %scan3A_1146 : vector<16xi1>, vector<16xf32>
      %jit3A_1278 = arith.constant -1.000000e+00 : f32
      %broadcast_in_dim3A_1279 = vector.broadcast %jit3A_1278 : f32 to vector<16xf32>
      %select_n3A_1280 = arith.select %eq3A_1258, %broadcast_in_dim3A_1279, %scan3A_1147 : vector<16xi1>, vector<16xf32>
      %jit3A_1281 = arith.constant -1.000000e+00 : f32
      %broadcast_in_dim3A_1282 = vector.broadcast %jit3A_1281 : f32 to vector<16xf32>
      %select_n3A_1283 = arith.select %eq3A_1259, %broadcast_in_dim3A_1282, %scan3A_1148 : vector<16xi1>, vector<16xf32>
      scf.yield %select_n3A_1274, %select_n3A_1277, %select_n3A_1280, %select_n3A_1283, %select_n3A_1262, %select_n3A_1265, %select_n3A_1268, %select_n3A_1271 : vector<16xf32>, vector<16xf32>, vector<16xf32>, vector<16xf32>, vector<16xf32>, vector<16xf32>, vector<16xf32>, vector<16xf32>
    }
    %scan3A_201 = arith.constant 8 : i32
    %swap3A_202 = arith.constant 2 : i32
    %swap3A_203 = arith.index_cast %swap3A_202 : i32 to index
    %swap3A_204 = arith.constant 0 : index
    %swap3A_205 = tpu.vector_load %arg5[%swap3A_203, %swap3A_204] {strides = array<i32>} : memref<16x64xf32, #tpu.memory_space<vmem>>, vector<1x16xf32>,
    %swap3A_206 = vector.shape_cast %swap3A_205 : vector<1x16xf32> to vector<16xf32>
    %swap3A_207 = vector.shape_cast %scan3A_200#4 : vector<16xf32> to vector<1x16xf32>
    tpu.vector_store %arg5[%swap3A_203, %swap3A_204], %swap3A_207 {strides = array<i32>} : memref<16x64xf32, #tpu.memory_space<vmem>>, vector<1x16xf32>,
    %swap3A_208 = arith.constant 2 : i32
    %swap3A_209 = arith.index_cast %swap3A_208 : i32 to index
    %swap3A_210 = arith.constant 16 : index
    %swap3A_211 = tpu.vector_load %arg5[%swap3A_209, %swap3A_210] {strides = array<i32>} : memref<16x64xf32, #tpu.memory_space<vmem>>, vector<1x16xf32>,
    %swap3A_212 = vector.shape_cast %swap3A_211 : vector<1x16xf32> to vector<16xf32>
    %swap3A_213 = vector.shape_cast %scan3A_200#5 : vector<16xf32> to vector<1x16xf32>
    tpu.vector_store %arg5[%swap3A_209, %swap3A_210], %swap3A_213 {strides = array<i32>} : memref<16x64xf32, #tpu.memory_space<vmem>>, vector<1x16xf32>,
    %swap3A_214 = arith.constant 2 : i32
    %swap3A_215 = arith.index_cast %swap3A_214 : i32 to index
    %swap3A_216 = arith.constant 32 : index
    %swap3A_217 = tpu.vector_load %arg5[%swap3A_215, %swap3A_216] {strides = array<i32>} : memref<16x64xf32, #tpu.memory_space<vmem>>, vector<1x16xf32>,
    %swap3A_218 = vector.shape_cast %swap3A_217 : vector<1x16xf32> to vector<16xf32>
    %swap3A_219 = vector.shape_cast %scan3A_200#6 : vector<16xf32> to vector<1x16xf32>
    tpu.vector_store %arg5[%swap3A_215, %swap3A_216], %swap3A_219 {strides = array<i32>} : memref<16x64xf32, #tpu.memory_space<vmem>>, vector<1x16xf32>,
    %swap3A_220 = arith.constant 2 : i32
    %swap3A_221 = arith.index_cast %swap3A_220 : i32 to index
    %swap3A_222 = arith.constant 48 : index
    %swap3A_223 = tpu.vector_load %arg5[%swap3A_221, %swap3A_222] {strides = array<i32>} : memref<16x64xf32, #tpu.memory_space<vmem>>, vector<1x16xf32>,
    %swap3A_224 = vector.shape_cast %swap3A_223 : vector<1x16xf32> to vector<16xf32>
    %swap3A_225 = vector.shape_cast %scan3A_200#7 : vector<16xf32> to vector<1x16xf32>
    tpu.vector_store %arg5[%swap3A_221, %swap3A_222], %swap3A_225 {strides = array<i32>} : memref<16x64xf32, #tpu.memory_space<vmem>>, vector<1x16xf32>,
    %get3A_226 = arith.constant 3 : i32
    %get3A_227 = arith.index_cast %get3A_226 : i32 to index
    %get3A_228 = arith.constant 0 : index
    %get3A_229 = tpu.vector_load %arg4[%get3A_227, %get3A_228] {strides = array<i32>} : memref<16x64xf32, #tpu.memory_space<vmem>>, vector<1x16xf32>,
    %get3A_230 = vector.shape_cast %get3A_229 : vector<1x16xf32> to vector<16xf32>
    %get3A_231 = arith.constant 3 : i32
    %get3A_232 = arith.index_cast %get3A_231 : i32 to index
    %get3A_233 = arith.constant 16 : index
    %get3A_234 = tpu.vector_load %arg4[%get3A_232, %get3A_233] {strides = array<i32>} : memref<16x64xf32, #tpu.memory_space<vmem>>, vector<1x16xf32>,
    %get3A_235 = vector.shape_cast %get3A_234 : vector<1x16xf32> to vector<16xf32>
    %get3A_236 = arith.constant 3 : i32
    %get3A_237 = arith.index_cast %get3A_236 : i32 to index
    %get3A_238 = arith.constant 32 : index
    %get3A_239 = tpu.vector_load %arg4[%get3A_237, %get3A_238] {strides = array<i32>} : memref<16x64xf32, #tpu.memory_space<vmem>>, vector<1x16xf32>,
    %get3A_240 = vector.shape_cast %get3A_239 : vector<1x16xf32> to vector<16xf32>
    %get3A_241 = arith.constant 3 : i32
    %get3A_242 = arith.index_cast %get3A_241 : i32 to index
    %get3A_243 = arith.constant 48 : index
    %get3A_244 = tpu.vector_load %arg4[%get3A_242, %get3A_243] {strides = array<i32>} : memref<16x64xf32, #tpu.memory_space<vmem>>, vector<1x16xf32>,
    %get3A_245 = vector.shape_cast %get3A_244 : vector<1x16xf32> to vector<16xf32>
    %broadcast_in_dim3A_246 = arith.constant 0.000000e+00 : f32
    %broadcast_in_dim3A_247 = vector.broadcast %broadcast_in_dim3A_246 : f32 to vector<16xf32>
    %broadcast_in_dim3A_248 = arith.constant 0.000000e+00 : f32
    %broadcast_in_dim3A_249 = vector.broadcast %broadcast_in_dim3A_248 : f32 to vector<16xf32>
    %broadcast_in_dim3A_250 = arith.constant 0.000000e+00 : f32
    %broadcast_in_dim3A_251 = vector.broadcast %broadcast_in_dim3A_250 : f32 to vector<16xf32>
    %broadcast_in_dim3A_252 = arith.constant 0.000000e+00 : f32
    %broadcast_in_dim3A_253 = vector.broadcast %broadcast_in_dim3A_252 : f32 to vector<16xf32>
    %add3A_254 = arith.constant 0 : i32
    %add3A_255 = vector.broadcast %add3A_254 : i32 to vector<16xi32>
    %add3A_256 = arith.addi %iota3A, %add3A_255 : vector<16xi32>
    %add3A_257 = arith.constant 16 : i32
    %add3A_258 = vector.broadcast %add3A_257 : i32 to vector<16xi32>
    %add3A_259 = arith.addi %iota3A, %add3A_258 : vector<16xi32>
    %add3A_260 = arith.constant 32 : i32
    %add3A_261 = vector.broadcast %add3A_260 : i32 to vector<16xi32>
    %add3A_262 = arith.addi %iota3A, %add3A_261 : vector<16xi32>
    %add3A_263 = arith.constant 48 : i32
    %add3A_264 = vector.broadcast %add3A_263 : i32 to vector<16xi32>
    %add3A_265 = arith.addi %iota3A, %add3A_264 : vector<16xi32>
    %scan3A_266 = arith.constant 0 : i32
    %scan3A_267 = arith.constant 8 : i32
    %scan3A_268 = arith.addi %scan3A_266, %scan3A_267 : i32
    %scan3A_269 = arith.constant 1 : i32
    %scan3A_270:8 = scf.for %scan3A_1144 = %scan3A_266 to %scan3A_268 step %scan3A_269 iter_args(%scan3A_1145 = %get3A_230, %scan3A_1146 = %get3A_235, %scan3A_1147 = %get3A_240, %scan3A_1148 = %get3A_245, %scan3A_1149 = %broadcast_in_dim3A_247, %scan3A_1150 = %broadcast_in_dim3A_249, %scan3A_1151 = %broadcast_in_dim3A_251, %scan3A_1152 = %broadcast_in_dim3A_253) -> (vector<16xf32>, vector<16xf32>, vector<16xf32>, vector<16xf32>, vector<16xf32>, vector<16xf32>, vector<16xf32>, vector<16xf32>)  : i32 {
      %max3A = arith.maximumf %scan3A_1145, %scan3A_1146 : vector<16xf32>
      %max3A_1153 = arith.maximumf %scan3A_1147, %scan3A_1148 : vector<16xf32>
      %max3A_1154 = arith.maximumf %max3A, %max3A_1153 : vector<16xf32>
      %lt3A = arith.constant 0 : i32
      %lt3A_1155 = vector.broadcast %lt3A : i32 to vector<16xi32>
      %lt3A_1156 = arith.cmpi slt, %xor3A_10, %lt3A_1155 : vector<16xi32>
      %add3A_1157 = arith.constant 16 : i32
      %add3A_1158 = vector.broadcast %add3A_1157 : i32 to vector<16xi32>
      %add3A_1159 = arith.addi %xor3A_10, %add3A_1158 : vector<16xi32>
      %select_n3A = arith.select %lt3A_1156, %add3A_1159, %xor3A_10 : vector<16xi1>, vector<16xi32>
      %broadcast_in_dim3A_1160 = vector.shape_cast %select_n3A : vector<16xi32> to vector<16x1xi32>
      %gather3A = vector.shape_cast %broadcast_in_dim3A_1160 : vector<16x1xi32> to vector<16xi32>
      %gather3A_1161 = tpu.dynamic_gather %max3A_1154[%gather3A] in [0] : vector<16xf32>, vector<16xi32> -> vector<16xf32>
      %max3A_1162 = arith.maximumf %max3A_1154, %gather3A_1161 : vector<16xf32>
      %lt3A_1163 = arith.constant 0 : i32
      %lt3A_1164 = vector.broadcast %lt3A_1163 : i32 to vector<16xi32>
      %lt3A_1165 = arith.cmpi slt, %xor3A_13, %lt3A_1164 : vector<16xi32>
      %add3A_1166 = arith.constant 16 : i32
      %add3A_1167 = vector.broadcast %add3A_1166 : i32 to vector<16xi32>
      %add3A_1168 = arith.addi %xor3A_13, %add3A_1167 : vector<16xi32>
      %select_n3A_1169 = arith.select %lt3A_1165, %add3A_1168, %xor3A_13 : vector<16xi1>, vector<16xi32>
      %broadcast_in_dim3A_1170 = vector.shape_cast %select_n3A_1169 : vector<16xi32> to vector<16x1xi32>
      %gather3A_1171 = vector.shape_cast %broadcast_in_dim3A_1170 : vector<16x1xi32> to vector<16xi32>
      %gather3A_1172 = tpu.dynamic_gather %max3A_1162[%gather3A_1171] in [0] : vector<16xf32>, vector<16xi32> -> vector<16xf32>
      %max3A_1173 = arith.maximumf %max3A_1162, %gather3A_1172 : vector<16xf32>
      %lt3A_1174 = arith.constant 0 : i32
      %lt3A_1175 = vector.broadcast %lt3A_1174 : i32 to vector<16xi32>
      %lt3A_1176 = arith.cmpi slt, %xor3A_16, %lt3A_1175 : vector<16xi32>
      %add3A_1177 = arith.constant 16 : i32
      %add3A_1178 = vector.broadcast %add3A_1177 : i32 to vector<16xi32>
      %add3A_1179 = arith.addi %xor3A_16, %add3A_1178 : vector<16xi32>
      %select_n3A_1180 = arith.select %lt3A_1176, %add3A_1179, %xor3A_16 : vector<16xi1>, vector<16xi32>
      %broadcast_in_dim3A_1181 = vector.shape_cast %select_n3A_1180 : vector<16xi32> to vector<16x1xi32>
      %gather3A_1182 = vector.shape_cast %broadcast_in_dim3A_1181 : vector<16x1xi32> to vector<16xi32>
      %gather3A_1183 = tpu.dynamic_gather %max3A_1173[%gather3A_1182] in [0] : vector<16xf32>, vector<16xi32> -> vector<16xf32>
      %max3A_1184 = arith.maximumf %max3A_1173, %gather3A_1183 : vector<16xf32>
      %lt3A_1185 = arith.constant 0 : i32
      %lt3A_1186 = vector.broadcast %lt3A_1185 : i32 to vector<16xi32>
      %lt3A_1187 = arith.cmpi slt, %xor3A_19, %lt3A_1186 : vector<16xi32>
      %add3A_1188 = arith.constant 16 : i32
      %add3A_1189 = vector.broadcast %add3A_1188 : i32 to vector<16xi32>
      %add3A_1190 = arith.addi %xor3A_19, %add3A_1189 : vector<16xi32>
      %select_n3A_1191 = arith.select %lt3A_1187, %add3A_1190, %xor3A_19 : vector<16xi1>, vector<16xi32>
      %broadcast_in_dim3A_1192 = vector.shape_cast %select_n3A_1191 : vector<16xi32> to vector<16x1xi32>
      %gather3A_1193 = vector.shape_cast %broadcast_in_dim3A_1192 : vector<16x1xi32> to vector<16xi32>
      %gather3A_1194 = tpu.dynamic_gather %max3A_1184[%gather3A_1193] in [0] : vector<16xf32>, vector<16xi32> -> vector<16xf32>
      %max3A_1195 = arith.maximumf %max3A_1184, %gather3A_1194 : vector<16xf32>
      %eq3A = arith.cmpf oeq, %scan3A_1145, %max3A_1195 : vector<16xf32>
      %jit3A = arith.constant 64 : i32
      %broadcast_in_dim3A_1196 = vector.broadcast %jit3A : i32 to vector<16xi32>
      %select_n3A_1197 = arith.select %eq3A, %add3A_256, %broadcast_in_dim3A_1196 : vector<16xi1>, vector<16xi32>
      %eq3A_1198 = arith.cmpf oeq, %scan3A_1146, %max3A_1195 : vector<16xf32>
      %jit3A_1199 = arith.constant 64 : i32
      %broadcast_in_dim3A_1200 = vector.broadcast %jit3A_1199 : i32 to vector<16xi32>
      %select_n3A_1201 = arith.select %eq3A_1198, %add3A_259, %broadcast_in_dim3A_1200 : vector<16xi1>, vector<16xi32>
      %eq3A_1202 = arith.cmpf oeq, %scan3A_1147, %max3A_1195 : vector<16xf32>
      %jit3A_1203 = arith.constant 64 : i32
      %broadcast_in_dim3A_1204 = vector.broadcast %jit3A_1203 : i32 to vector<16xi32>
      %select_n3A_1205 = arith.select %eq3A_1202, %add3A_262, %broadcast_in_dim3A_1204 : vector<16xi1>, vector<16xi32>
      %eq3A_1206 = arith.cmpf oeq, %scan3A_1148, %max3A_1195 : vector<16xf32>
      %jit3A_1207 = arith.constant 64 : i32
      %broadcast_in_dim3A_1208 = vector.broadcast %jit3A_1207 : i32 to vector<16xi32>
      %select_n3A_1209 = arith.select %eq3A_1206, %add3A_265, %broadcast_in_dim3A_1208 : vector<16xi1>, vector<16xi32>
      %min3A = arith.minsi %select_n3A_1197, %select_n3A_1201 : vector<16xi32>
      %min3A_1210 = arith.minsi %select_n3A_1205, %select_n3A_1209 : vector<16xi32>
      %min3A_1211 = arith.minsi %min3A, %min3A_1210 : vector<16xi32>
      %lt3A_1212 = arith.constant 0 : i32
      %lt3A_1213 = vector.broadcast %lt3A_1212 : i32 to vector<16xi32>
      %lt3A_1214 = arith.cmpi slt, %xor3A_10, %lt3A_1213 : vector<16xi32>
      %add3A_1215 = arith.constant 16 : i32
      %add3A_1216 = vector.broadcast %add3A_1215 : i32 to vector<16xi32>
      %add3A_1217 = arith.addi %xor3A_10, %add3A_1216 : vector<16xi32>
      %select_n3A_1218 = arith.select %lt3A_1214, %add3A_1217, %xor3A_10 : vector<16xi1>, vector<16xi32>
      %broadcast_in_dim3A_1219 = vector.shape_cast %select_n3A_1218 : vector<16xi32> to vector<16x1xi32>
      %gather3A_1220 = vector.shape_cast %broadcast_in_dim3A_1219 : vector<16x1xi32> to vector<16xi32>
      %gather3A_1221 = tpu.dynamic_gather %min3A_1211[%gather3A_1220] in [0] : vector<16xi32>, vector<16xi32> -> vector<16xi32>
      %min3A_1222 = arith.minsi %min3A_1211, %gather3A_1221 : vector<16xi32>
      %lt3A_1223 = arith.constant 0 : i32
      %lt3A_1224 = vector.broadcast %lt3A_1223 : i32 to vector<16xi32>
      %lt3A_1225 = arith.cmpi slt, %xor3A_13, %lt3A_1224 : vector<16xi32>
      %add3A_1226 = arith.constant 16 : i32
      %add3A_1227 = vector.broadcast %add3A_1226 : i32 to vector<16xi32>
      %add3A_1228 = arith.addi %xor3A_13, %add3A_1227 : vector<16xi32>
      %select_n3A_1229 = arith.select %lt3A_1225, %add3A_1228, %xor3A_13 : vector<16xi1>, vector<16xi32>
      %broadcast_in_dim3A_1230 = vector.shape_cast %select_n3A_1229 : vector<16xi32> to vector<16x1xi32>
      %gather3A_1231 = vector.shape_cast %broadcast_in_dim3A_1230 : vector<16x1xi32> to vector<16xi32>
      %gather3A_1232 = tpu.dynamic_gather %min3A_1222[%gather3A_1231] in [0] : vector<16xi32>, vector<16xi32> -> vector<16xi32>
      %min3A_1233 = arith.minsi %min3A_1222, %gather3A_1232 : vector<16xi32>
      %lt3A_1234 = arith.constant 0 : i32
      %lt3A_1235 = vector.broadcast %lt3A_1234 : i32 to vector<16xi32>
      %lt3A_1236 = arith.cmpi slt, %xor3A_16, %lt3A_1235 : vector<16xi32>
      %add3A_1237 = arith.constant 16 : i32
      %add3A_1238 = vector.broadcast %add3A_1237 : i32 to vector<16xi32>
      %add3A_1239 = arith.addi %xor3A_16, %add3A_1238 : vector<16xi32>
      %select_n3A_1240 = arith.select %lt3A_1236, %add3A_1239, %xor3A_16 : vector<16xi1>, vector<16xi32>
      %broadcast_in_dim3A_1241 = vector.shape_cast %select_n3A_1240 : vector<16xi32> to vector<16x1xi32>
      %gather3A_1242 = vector.shape_cast %broadcast_in_dim3A_1241 : vector<16x1xi32> to vector<16xi32>
      %gather3A_1243 = tpu.dynamic_gather %min3A_1233[%gather3A_1242] in [0] : vector<16xi32>, vector<16xi32> -> vector<16xi32>
      %min3A_1244 = arith.minsi %min3A_1233, %gather3A_1243 : vector<16xi32>
      %lt3A_1245 = arith.constant 0 : i32
      %lt3A_1246 = vector.broadcast %lt3A_1245 : i32 to vector<16xi32>
      %lt3A_1247 = arith.cmpi slt, %xor3A_19, %lt3A_1246 : vector<16xi32>
      %add3A_1248 = arith.constant 16 : i32
      %add3A_1249 = vector.broadcast %add3A_1248 : i32 to vector<16xi32>
      %add3A_1250 = arith.addi %xor3A_19, %add3A_1249 : vector<16xi32>
      %select_n3A_1251 = arith.select %lt3A_1247, %add3A_1250, %xor3A_19 : vector<16xi1>, vector<16xi32>
      %broadcast_in_dim3A_1252 = vector.shape_cast %select_n3A_1251 : vector<16xi32> to vector<16x1xi32>
      %gather3A_1253 = vector.shape_cast %broadcast_in_dim3A_1252 : vector<16x1xi32> to vector<16xi32>
      %gather3A_1254 = tpu.dynamic_gather %min3A_1244[%gather3A_1253] in [0] : vector<16xi32>, vector<16xi32> -> vector<16xi32>
      %min3A_1255 = arith.minsi %min3A_1244, %gather3A_1254 : vector<16xi32>
      %eq3A_1256 = arith.cmpi eq, %add3A_256, %min3A_1255 : vector<16xi32>
      %eq3A_1257 = arith.cmpi eq, %add3A_259, %min3A_1255 : vector<16xi32>
      %eq3A_1258 = arith.cmpi eq, %add3A_262, %min3A_1255 : vector<16xi32>
      %eq3A_1259 = arith.cmpi eq, %add3A_265, %min3A_1255 : vector<16xi32>
      %jit3A_1260 = arith.constant 1.000000e+00 : f32
      %broadcast_in_dim3A_1261 = vector.broadcast %jit3A_1260 : f32 to vector<16xf32>
      %select_n3A_1262 = arith.select %eq3A_1256, %broadcast_in_dim3A_1261, %scan3A_1149 : vector<16xi1>, vector<16xf32>
      %jit3A_1263 = arith.constant 1.000000e+00 : f32
      %broadcast_in_dim3A_1264 = vector.broadcast %jit3A_1263 : f32 to vector<16xf32>
      %select_n3A_1265 = arith.select %eq3A_1257, %broadcast_in_dim3A_1264, %scan3A_1150 : vector<16xi1>, vector<16xf32>
      %jit3A_1266 = arith.constant 1.000000e+00 : f32
      %broadcast_in_dim3A_1267 = vector.broadcast %jit3A_1266 : f32 to vector<16xf32>
      %select_n3A_1268 = arith.select %eq3A_1258, %broadcast_in_dim3A_1267, %scan3A_1151 : vector<16xi1>, vector<16xf32>
      %jit3A_1269 = arith.constant 1.000000e+00 : f32
      %broadcast_in_dim3A_1270 = vector.broadcast %jit3A_1269 : f32 to vector<16xf32>
      %select_n3A_1271 = arith.select %eq3A_1259, %broadcast_in_dim3A_1270, %scan3A_1152 : vector<16xi1>, vector<16xf32>
      %jit3A_1272 = arith.constant -1.000000e+00 : f32
      %broadcast_in_dim3A_1273 = vector.broadcast %jit3A_1272 : f32 to vector<16xf32>
      %select_n3A_1274 = arith.select %eq3A_1256, %broadcast_in_dim3A_1273, %scan3A_1145 : vector<16xi1>, vector<16xf32>
      %jit3A_1275 = arith.constant -1.000000e+00 : f32
      %broadcast_in_dim3A_1276 = vector.broadcast %jit3A_1275 : f32 to vector<16xf32>
      %select_n3A_1277 = arith.select %eq3A_1257, %broadcast_in_dim3A_1276, %scan3A_1146 : vector<16xi1>, vector<16xf32>
      %jit3A_1278 = arith.constant -1.000000e+00 : f32
      %broadcast_in_dim3A_1279 = vector.broadcast %jit3A_1278 : f32 to vector<16xf32>
      %select_n3A_1280 = arith.select %eq3A_1258, %broadcast_in_dim3A_1279, %scan3A_1147 : vector<16xi1>, vector<16xf32>
      %jit3A_1281 = arith.constant -1.000000e+00 : f32
      %broadcast_in_dim3A_1282 = vector.broadcast %jit3A_1281 : f32 to vector<16xf32>
      %select_n3A_1283 = arith.select %eq3A_1259, %broadcast_in_dim3A_1282, %scan3A_1148 : vector<16xi1>, vector<16xf32>
      scf.yield %select_n3A_1274, %select_n3A_1277, %select_n3A_1280, %select_n3A_1283, %select_n3A_1262, %select_n3A_1265, %select_n3A_1268, %select_n3A_1271 : vector<16xf32>, vector<16xf32>, vector<16xf32>, vector<16xf32>, vector<16xf32>, vector<16xf32>, vector<16xf32>, vector<16xf32>
    }
    %scan3A_271 = arith.constant 8 : i32
    %swap3A_272 = arith.constant 3 : i32
    %swap3A_273 = arith.index_cast %swap3A_272 : i32 to index
    %swap3A_274 = arith.constant 0 : index
    %swap3A_275 = tpu.vector_load %arg5[%swap3A_273, %swap3A_274] {strides = array<i32>} : memref<16x64xf32, #tpu.memory_space<vmem>>, vector<1x16xf32>,
    %swap3A_276 = vector.shape_cast %swap3A_275 : vector<1x16xf32> to vector<16xf32>
    %swap3A_277 = vector.shape_cast %scan3A_270#4 : vector<16xf32> to vector<1x16xf32>
    tpu.vector_store %arg5[%swap3A_273, %swap3A_274], %swap3A_277 {strides = array<i32>} : memref<16x64xf32, #tpu.memory_space<vmem>>, vector<1x16xf32>,
    %swap3A_278 = arith.constant 3 : i32
    %swap3A_279 = arith.index_cast %swap3A_278 : i32 to index
    %swap3A_280 = arith.constant 16 : index
    %swap3A_281 = tpu.vector_load %arg5[%swap3A_279, %swap3A_280] {strides = array<i32>} : memref<16x64xf32, #tpu.memory_space<vmem>>, vector<1x16xf32>,
    %swap3A_282 = vector.shape_cast %swap3A_281 : vector<1x16xf32> to vector<16xf32>
    %swap3A_283 = vector.shape_cast %scan3A_270#5 : vector<16xf32> to vector<1x16xf32>
    tpu.vector_store %arg5[%swap3A_279, %swap3A_280], %swap3A_283 {strides = array<i32>} : memref<16x64xf32, #tpu.memory_space<vmem>>, vector<1x16xf32>,
    %swap3A_284 = arith.constant 3 : i32
    %swap3A_285 = arith.index_cast %swap3A_284 : i32 to index
    %swap3A_286 = arith.constant 32 : index
    %swap3A_287 = tpu.vector_load %arg5[%swap3A_285, %swap3A_286] {strides = array<i32>} : memref<16x64xf32, #tpu.memory_space<vmem>>, vector<1x16xf32>,
    %swap3A_288 = vector.shape_cast %swap3A_287 : vector<1x16xf32> to vector<16xf32>
    %swap3A_289 = vector.shape_cast %scan3A_270#6 : vector<16xf32> to vector<1x16xf32>
    tpu.vector_store %arg5[%swap3A_285, %swap3A_286], %swap3A_289 {strides = array<i32>} : memref<16x64xf32, #tpu.memory_space<vmem>>, vector<1x16xf32>,
    %swap3A_290 = arith.constant 3 : i32
    %swap3A_291 = arith.index_cast %swap3A_290 : i32 to index
    %swap3A_292 = arith.constant 48 : index
    %swap3A_293 = tpu.vector_load %arg5[%swap3A_291, %swap3A_292] {strides = array<i32>} : memref<16x64xf32, #tpu.memory_space<vmem>>, vector<1x16xf32>,
    %swap3A_294 = vector.shape_cast %swap3A_293 : vector<1x16xf32> to vector<16xf32>
    %swap3A_295 = vector.shape_cast %scan3A_270#7 : vector<16xf32> to vector<1x16xf32>
    tpu.vector_store %arg5[%swap3A_291, %swap3A_292], %swap3A_295 {strides = array<i32>} : memref<16x64xf32, #tpu.memory_space<vmem>>, vector<1x16xf32>,
    %get3A_296 = arith.constant 4 : i32
    %get3A_297 = arith.index_cast %get3A_296 : i32 to index
    %get3A_298 = arith.constant 0 : index
    %get3A_299 = tpu.vector_load %arg4[%get3A_297, %get3A_298] {strides = array<i32>} : memref<16x64xf32, #tpu.memory_space<vmem>>, vector<1x16xf32>,
    %get3A_300 = vector.shape_cast %get3A_299 : vector<1x16xf32> to vector<16xf32>
    %get3A_301 = arith.constant 4 : i32
    %get3A_302 = arith.index_cast %get3A_301 : i32 to index
    %get3A_303 = arith.constant 16 : index
    %get3A_304 = tpu.vector_load %arg4[%get3A_302, %get3A_303] {strides = array<i32>} : memref<16x64xf32, #tpu.memory_space<vmem>>, vector<1x16xf32>,
    %get3A_305 = vector.shape_cast %get3A_304 : vector<1x16xf32> to vector<16xf32>
    %get3A_306 = arith.constant 4 : i32
    %get3A_307 = arith.index_cast %get3A_306 : i32 to index
    %get3A_308 = arith.constant 32 : index
    %get3A_309 = tpu.vector_load %arg4[%get3A_307, %get3A_308] {strides = array<i32>} : memref<16x64xf32, #tpu.memory_space<vmem>>, vector<1x16xf32>,
    %get3A_310 = vector.shape_cast %get3A_309 : vector<1x16xf32> to vector<16xf32>
    %get3A_311 = arith.constant 4 : i32
    %get3A_312 = arith.index_cast %get3A_311 : i32 to index
    %get3A_313 = arith.constant 48 : index
    %get3A_314 = tpu.vector_load %arg4[%get3A_312, %get3A_313] {strides = array<i32>} : memref<16x64xf32, #tpu.memory_space<vmem>>, vector<1x16xf32>,
    %get3A_315 = vector.shape_cast %get3A_314 : vector<1x16xf32> to vector<16xf32>
    %broadcast_in_dim3A_316 = arith.constant 0.000000e+00 : f32
    %broadcast_in_dim3A_317 = vector.broadcast %broadcast_in_dim3A_316 : f32 to vector<16xf32>
    %broadcast_in_dim3A_318 = arith.constant 0.000000e+00 : f32
    %broadcast_in_dim3A_319 = vector.broadcast %broadcast_in_dim3A_318 : f32 to vector<16xf32>
    %broadcast_in_dim3A_320 = arith.constant 0.000000e+00 : f32
    %broadcast_in_dim3A_321 = vector.broadcast %broadcast_in_dim3A_320 : f32 to vector<16xf32>
    %broadcast_in_dim3A_322 = arith.constant 0.000000e+00 : f32
    %broadcast_in_dim3A_323 = vector.broadcast %broadcast_in_dim3A_322 : f32 to vector<16xf32>
    %add3A_324 = arith.constant 0 : i32
    %add3A_325 = vector.broadcast %add3A_324 : i32 to vector<16xi32>
    %add3A_326 = arith.addi %iota3A, %add3A_325 : vector<16xi32>
    %add3A_327 = arith.constant 16 : i32
    %add3A_328 = vector.broadcast %add3A_327 : i32 to vector<16xi32>
    %add3A_329 = arith.addi %iota3A, %add3A_328 : vector<16xi32>
    %add3A_330 = arith.constant 32 : i32
    %add3A_331 = vector.broadcast %add3A_330 : i32 to vector<16xi32>
    %add3A_332 = arith.addi %iota3A, %add3A_331 : vector<16xi32>
    %add3A_333 = arith.constant 48 : i32
    %add3A_334 = vector.broadcast %add3A_333 : i32 to vector<16xi32>
    %add3A_335 = arith.addi %iota3A, %add3A_334 : vector<16xi32>
    %scan3A_336 = arith.constant 0 : i32
    %scan3A_337 = arith.constant 8 : i32
    %scan3A_338 = arith.addi %scan3A_336, %scan3A_337 : i32
    %scan3A_339 = arith.constant 1 : i32
    %scan3A_340:8 = scf.for %scan3A_1144 = %scan3A_336 to %scan3A_338 step %scan3A_339 iter_args(%scan3A_1145 = %get3A_300, %scan3A_1146 = %get3A_305, %scan3A_1147 = %get3A_310, %scan3A_1148 = %get3A_315, %scan3A_1149 = %broadcast_in_dim3A_317, %scan3A_1150 = %broadcast_in_dim3A_319, %scan3A_1151 = %broadcast_in_dim3A_321, %scan3A_1152 = %broadcast_in_dim3A_323) -> (vector<16xf32>, vector<16xf32>, vector<16xf32>, vector<16xf32>, vector<16xf32>, vector<16xf32>, vector<16xf32>, vector<16xf32>)  : i32 {
      %max3A = arith.maximumf %scan3A_1145, %scan3A_1146 : vector<16xf32>
      %max3A_1153 = arith.maximumf %scan3A_1147, %scan3A_1148 : vector<16xf32>
      %max3A_1154 = arith.maximumf %max3A, %max3A_1153 : vector<16xf32>
      %lt3A = arith.constant 0 : i32
      %lt3A_1155 = vector.broadcast %lt3A : i32 to vector<16xi32>
      %lt3A_1156 = arith.cmpi slt, %xor3A_10, %lt3A_1155 : vector<16xi32>
      %add3A_1157 = arith.constant 16 : i32
      %add3A_1158 = vector.broadcast %add3A_1157 : i32 to vector<16xi32>
      %add3A_1159 = arith.addi %xor3A_10, %add3A_1158 : vector<16xi32>
      %select_n3A = arith.select %lt3A_1156, %add3A_1159, %xor3A_10 : vector<16xi1>, vector<16xi32>
      %broadcast_in_dim3A_1160 = vector.shape_cast %select_n3A : vector<16xi32> to vector<16x1xi32>
      %gather3A = vector.shape_cast %broadcast_in_dim3A_1160 : vector<16x1xi32> to vector<16xi32>
      %gather3A_1161 = tpu.dynamic_gather %max3A_1154[%gather3A] in [0] : vector<16xf32>, vector<16xi32> -> vector<16xf32>
      %max3A_1162 = arith.maximumf %max3A_1154, %gather3A_1161 : vector<16xf32>
      %lt3A_1163 = arith.constant 0 : i32
      %lt3A_1164 = vector.broadcast %lt3A_1163 : i32 to vector<16xi32>
      %lt3A_1165 = arith.cmpi slt, %xor3A_13, %lt3A_1164 : vector<16xi32>
      %add3A_1166 = arith.constant 16 : i32
      %add3A_1167 = vector.broadcast %add3A_1166 : i32 to vector<16xi32>
      %add3A_1168 = arith.addi %xor3A_13, %add3A_1167 : vector<16xi32>
      %select_n3A_1169 = arith.select %lt3A_1165, %add3A_1168, %xor3A_13 : vector<16xi1>, vector<16xi32>
      %broadcast_in_dim3A_1170 = vector.shape_cast %select_n3A_1169 : vector<16xi32> to vector<16x1xi32>
      %gather3A_1171 = vector.shape_cast %broadcast_in_dim3A_1170 : vector<16x1xi32> to vector<16xi32>
      %gather3A_1172 = tpu.dynamic_gather %max3A_1162[%gather3A_1171] in [0] : vector<16xf32>, vector<16xi32> -> vector<16xf32>
      %max3A_1173 = arith.maximumf %max3A_1162, %gather3A_1172 : vector<16xf32>
      %lt3A_1174 = arith.constant 0 : i32
      %lt3A_1175 = vector.broadcast %lt3A_1174 : i32 to vector<16xi32>
      %lt3A_1176 = arith.cmpi slt, %xor3A_16, %lt3A_1175 : vector<16xi32>
      %add3A_1177 = arith.constant 16 : i32
      %add3A_1178 = vector.broadcast %add3A_1177 : i32 to vector<16xi32>
      %add3A_1179 = arith.addi %xor3A_16, %add3A_1178 : vector<16xi32>
      %select_n3A_1180 = arith.select %lt3A_1176, %add3A_1179, %xor3A_16 : vector<16xi1>, vector<16xi32>
      %broadcast_in_dim3A_1181 = vector.shape_cast %select_n3A_1180 : vector<16xi32> to vector<16x1xi32>
      %gather3A_1182 = vector.shape_cast %broadcast_in_dim3A_1181 : vector<16x1xi32> to vector<16xi32>
      %gather3A_1183 = tpu.dynamic_gather %max3A_1173[%gather3A_1182] in [0] : vector<16xf32>, vector<16xi32> -> vector<16xf32>
      %max3A_1184 = arith.maximumf %max3A_1173, %gather3A_1183 : vector<16xf32>
      %lt3A_1185 = arith.constant 0 : i32
      %lt3A_1186 = vector.broadcast %lt3A_1185 : i32 to vector<16xi32>
      %lt3A_1187 = arith.cmpi slt, %xor3A_19, %lt3A_1186 : vector<16xi32>
      %add3A_1188 = arith.constant 16 : i32
      %add3A_1189 = vector.broadcast %add3A_1188 : i32 to vector<16xi32>
      %add3A_1190 = arith.addi %xor3A_19, %add3A_1189 : vector<16xi32>
      %select_n3A_1191 = arith.select %lt3A_1187, %add3A_1190, %xor3A_19 : vector<16xi1>, vector<16xi32>
      %broadcast_in_dim3A_1192 = vector.shape_cast %select_n3A_1191 : vector<16xi32> to vector<16x1xi32>
      %gather3A_1193 = vector.shape_cast %broadcast_in_dim3A_1192 : vector<16x1xi32> to vector<16xi32>
      %gather3A_1194 = tpu.dynamic_gather %max3A_1184[%gather3A_1193] in [0] : vector<16xf32>, vector<16xi32> -> vector<16xf32>
      %max3A_1195 = arith.maximumf %max3A_1184, %gather3A_1194 : vector<16xf32>
      %eq3A = arith.cmpf oeq, %scan3A_1145, %max3A_1195 : vector<16xf32>
      %jit3A = arith.constant 64 : i32
      %broadcast_in_dim3A_1196 = vector.broadcast %jit3A : i32 to vector<16xi32>
      %select_n3A_1197 = arith.select %eq3A, %add3A_326, %broadcast_in_dim3A_1196 : vector<16xi1>, vector<16xi32>
      %eq3A_1198 = arith.cmpf oeq, %scan3A_1146, %max3A_1195 : vector<16xf32>
      %jit3A_1199 = arith.constant 64 : i32
      %broadcast_in_dim3A_1200 = vector.broadcast %jit3A_1199 : i32 to vector<16xi32>
      %select_n3A_1201 = arith.select %eq3A_1198, %add3A_329, %broadcast_in_dim3A_1200 : vector<16xi1>, vector<16xi32>
      %eq3A_1202 = arith.cmpf oeq, %scan3A_1147, %max3A_1195 : vector<16xf32>
      %jit3A_1203 = arith.constant 64 : i32
      %broadcast_in_dim3A_1204 = vector.broadcast %jit3A_1203 : i32 to vector<16xi32>
      %select_n3A_1205 = arith.select %eq3A_1202, %add3A_332, %broadcast_in_dim3A_1204 : vector<16xi1>, vector<16xi32>
      %eq3A_1206 = arith.cmpf oeq, %scan3A_1148, %max3A_1195 : vector<16xf32>
      %jit3A_1207 = arith.constant 64 : i32
      %broadcast_in_dim3A_1208 = vector.broadcast %jit3A_1207 : i32 to vector<16xi32>
      %select_n3A_1209 = arith.select %eq3A_1206, %add3A_335, %broadcast_in_dim3A_1208 : vector<16xi1>, vector<16xi32>
      %min3A = arith.minsi %select_n3A_1197, %select_n3A_1201 : vector<16xi32>
      %min3A_1210 = arith.minsi %select_n3A_1205, %select_n3A_1209 : vector<16xi32>
      %min3A_1211 = arith.minsi %min3A, %min3A_1210 : vector<16xi32>
      %lt3A_1212 = arith.constant 0 : i32
      %lt3A_1213 = vector.broadcast %lt3A_1212 : i32 to vector<16xi32>
      %lt3A_1214 = arith.cmpi slt, %xor3A_10, %lt3A_1213 : vector<16xi32>
      %add3A_1215 = arith.constant 16 : i32
      %add3A_1216 = vector.broadcast %add3A_1215 : i32 to vector<16xi32>
      %add3A_1217 = arith.addi %xor3A_10, %add3A_1216 : vector<16xi32>
      %select_n3A_1218 = arith.select %lt3A_1214, %add3A_1217, %xor3A_10 : vector<16xi1>, vector<16xi32>
      %broadcast_in_dim3A_1219 = vector.shape_cast %select_n3A_1218 : vector<16xi32> to vector<16x1xi32>
      %gather3A_1220 = vector.shape_cast %broadcast_in_dim3A_1219 : vector<16x1xi32> to vector<16xi32>
      %gather3A_1221 = tpu.dynamic_gather %min3A_1211[%gather3A_1220] in [0] : vector<16xi32>, vector<16xi32> -> vector<16xi32>
      %min3A_1222 = arith.minsi %min3A_1211, %gather3A_1221 : vector<16xi32>
      %lt3A_1223 = arith.constant 0 : i32
      %lt3A_1224 = vector.broadcast %lt3A_1223 : i32 to vector<16xi32>
      %lt3A_1225 = arith.cmpi slt, %xor3A_13, %lt3A_1224 : vector<16xi32>
      %add3A_1226 = arith.constant 16 : i32
      %add3A_1227 = vector.broadcast %add3A_1226 : i32 to vector<16xi32>
      %add3A_1228 = arith.addi %xor3A_13, %add3A_1227 : vector<16xi32>
      %select_n3A_1229 = arith.select %lt3A_1225, %add3A_1228, %xor3A_13 : vector<16xi1>, vector<16xi32>
      %broadcast_in_dim3A_1230 = vector.shape_cast %select_n3A_1229 : vector<16xi32> to vector<16x1xi32>
      %gather3A_1231 = vector.shape_cast %broadcast_in_dim3A_1230 : vector<16x1xi32> to vector<16xi32>
      %gather3A_1232 = tpu.dynamic_gather %min3A_1222[%gather3A_1231] in [0] : vector<16xi32>, vector<16xi32> -> vector<16xi32>
      %min3A_1233 = arith.minsi %min3A_1222, %gather3A_1232 : vector<16xi32>
      %lt3A_1234 = arith.constant 0 : i32
      %lt3A_1235 = vector.broadcast %lt3A_1234 : i32 to vector<16xi32>
      %lt3A_1236 = arith.cmpi slt, %xor3A_16, %lt3A_1235 : vector<16xi32>
      %add3A_1237 = arith.constant 16 : i32
      %add3A_1238 = vector.broadcast %add3A_1237 : i32 to vector<16xi32>
      %add3A_1239 = arith.addi %xor3A_16, %add3A_1238 : vector<16xi32>
      %select_n3A_1240 = arith.select %lt3A_1236, %add3A_1239, %xor3A_16 : vector<16xi1>, vector<16xi32>
      %broadcast_in_dim3A_1241 = vector.shape_cast %select_n3A_1240 : vector<16xi32> to vector<16x1xi32>
      %gather3A_1242 = vector.shape_cast %broadcast_in_dim3A_1241 : vector<16x1xi32> to vector<16xi32>
      %gather3A_1243 = tpu.dynamic_gather %min3A_1233[%gather3A_1242] in [0] : vector<16xi32>, vector<16xi32> -> vector<16xi32>
      %min3A_1244 = arith.minsi %min3A_1233, %gather3A_1243 : vector<16xi32>
      %lt3A_1245 = arith.constant 0 : i32
      %lt3A_1246 = vector.broadcast %lt3A_1245 : i32 to vector<16xi32>
      %lt3A_1247 = arith.cmpi slt, %xor3A_19, %lt3A_1246 : vector<16xi32>
      %add3A_1248 = arith.constant 16 : i32
      %add3A_1249 = vector.broadcast %add3A_1248 : i32 to vector<16xi32>
      %add3A_1250 = arith.addi %xor3A_19, %add3A_1249 : vector<16xi32>
      %select_n3A_1251 = arith.select %lt3A_1247, %add3A_1250, %xor3A_19 : vector<16xi1>, vector<16xi32>
      %broadcast_in_dim3A_1252 = vector.shape_cast %select_n3A_1251 : vector<16xi32> to vector<16x1xi32>
      %gather3A_1253 = vector.shape_cast %broadcast_in_dim3A_1252 : vector<16x1xi32> to vector<16xi32>
      %gather3A_1254 = tpu.dynamic_gather %min3A_1244[%gather3A_1253] in [0] : vector<16xi32>, vector<16xi32> -> vector<16xi32>
      %min3A_1255 = arith.minsi %min3A_1244, %gather3A_1254 : vector<16xi32>
      %eq3A_1256 = arith.cmpi eq, %add3A_326, %min3A_1255 : vector<16xi32>
      %eq3A_1257 = arith.cmpi eq, %add3A_329, %min3A_1255 : vector<16xi32>
      %eq3A_1258 = arith.cmpi eq, %add3A_332, %min3A_1255 : vector<16xi32>
      %eq3A_1259 = arith.cmpi eq, %add3A_335, %min3A_1255 : vector<16xi32>
      %jit3A_1260 = arith.constant 1.000000e+00 : f32
      %broadcast_in_dim3A_1261 = vector.broadcast %jit3A_1260 : f32 to vector<16xf32>
      %select_n3A_1262 = arith.select %eq3A_1256, %broadcast_in_dim3A_1261, %scan3A_1149 : vector<16xi1>, vector<16xf32>
      %jit3A_1263 = arith.constant 1.000000e+00 : f32
      %broadcast_in_dim3A_1264 = vector.broadcast %jit3A_1263 : f32 to vector<16xf32>
      %select_n3A_1265 = arith.select %eq3A_1257, %broadcast_in_dim3A_1264, %scan3A_1150 : vector<16xi1>, vector<16xf32>
      %jit3A_1266 = arith.constant 1.000000e+00 : f32
      %broadcast_in_dim3A_1267 = vector.broadcast %jit3A_1266 : f32 to vector<16xf32>
      %select_n3A_1268 = arith.select %eq3A_1258, %broadcast_in_dim3A_1267, %scan3A_1151 : vector<16xi1>, vector<16xf32>
      %jit3A_1269 = arith.constant 1.000000e+00 : f32
      %broadcast_in_dim3A_1270 = vector.broadcast %jit3A_1269 : f32 to vector<16xf32>
      %select_n3A_1271 = arith.select %eq3A_1259, %broadcast_in_dim3A_1270, %scan3A_1152 : vector<16xi1>, vector<16xf32>
      %jit3A_1272 = arith.constant -1.000000e+00 : f32
      %broadcast_in_dim3A_1273 = vector.broadcast %jit3A_1272 : f32 to vector<16xf32>
      %select_n3A_1274 = arith.select %eq3A_1256, %broadcast_in_dim3A_1273, %scan3A_1145 : vector<16xi1>, vector<16xf32>
      %jit3A_1275 = arith.constant -1.000000e+00 : f32
      %broadcast_in_dim3A_1276 = vector.broadcast %jit3A_1275 : f32 to vector<16xf32>
      %select_n3A_1277 = arith.select %eq3A_1257, %broadcast_in_dim3A_1276, %scan3A_1146 : vector<16xi1>, vector<16xf32>
      %jit3A_1278 = arith.constant -1.000000e+00 : f32
      %broadcast_in_dim3A_1279 = vector.broadcast %jit3A_1278 : f32 to vector<16xf32>
      %select_n3A_1280 = arith.select %eq3A_1258, %broadcast_in_dim3A_1279, %scan3A_1147 : vector<16xi1>, vector<16xf32>
      %jit3A_1281 = arith.constant -1.000000e+00 : f32
      %broadcast_in_dim3A_1282 = vector.broadcast %jit3A_1281 : f32 to vector<16xf32>
      %select_n3A_1283 = arith.select %eq3A_1259, %broadcast_in_dim3A_1282, %scan3A_1148 : vector<16xi1>, vector<16xf32>
      scf.yield %select_n3A_1274, %select_n3A_1277, %select_n3A_1280, %select_n3A_1283, %select_n3A_1262, %select_n3A_1265, %select_n3A_1268, %select_n3A_1271 : vector<16xf32>, vector<16xf32>, vector<16xf32>, vector<16xf32>, vector<16xf32>, vector<16xf32>, vector<16xf32>, vector<16xf32>
    }
    %scan3A_341 = arith.constant 8 : i32
    %swap3A_342 = arith.constant 4 : i32
    %swap3A_343 = arith.index_cast %swap3A_342 : i32 to index
    %swap3A_344 = arith.constant 0 : index
    %swap3A_345 = tpu.vector_load %arg5[%swap3A_343, %swap3A_344] {strides = array<i32>} : memref<16x64xf32, #tpu.memory_space<vmem>>, vector<1x16xf32>,
    %swap3A_346 = vector.shape_cast %swap3A_345 : vector<1x16xf32> to vector<16xf32>
    %swap3A_347 = vector.shape_cast %scan3A_340#4 : vector<16xf32> to vector<1x16xf32>
    tpu.vector_store %arg5[%swap3A_343, %swap3A_344], %swap3A_347 {strides = array<i32>} : memref<16x64xf32, #tpu.memory_space<vmem>>, vector<1x16xf32>,
    %swap3A_348 = arith.constant 4 : i32
    %swap3A_349 = arith.index_cast %swap3A_348 : i32 to index
    %swap3A_350 = arith.constant 16 : index
    %swap3A_351 = tpu.vector_load %arg5[%swap3A_349, %swap3A_350] {strides = array<i32>} : memref<16x64xf32, #tpu.memory_space<vmem>>, vector<1x16xf32>,
    %swap3A_352 = vector.shape_cast %swap3A_351 : vector<1x16xf32> to vector<16xf32>
    %swap3A_353 = vector.shape_cast %scan3A_340#5 : vector<16xf32> to vector<1x16xf32>
    tpu.vector_store %arg5[%swap3A_349, %swap3A_350], %swap3A_353 {strides = array<i32>} : memref<16x64xf32, #tpu.memory_space<vmem>>, vector<1x16xf32>,
    %swap3A_354 = arith.constant 4 : i32
    %swap3A_355 = arith.index_cast %swap3A_354 : i32 to index
    %swap3A_356 = arith.constant 32 : index
    %swap3A_357 = tpu.vector_load %arg5[%swap3A_355, %swap3A_356] {strides = array<i32>} : memref<16x64xf32, #tpu.memory_space<vmem>>, vector<1x16xf32>,
    %swap3A_358 = vector.shape_cast %swap3A_357 : vector<1x16xf32> to vector<16xf32>
    %swap3A_359 = vector.shape_cast %scan3A_340#6 : vector<16xf32> to vector<1x16xf32>
    tpu.vector_store %arg5[%swap3A_355, %swap3A_356], %swap3A_359 {strides = array<i32>} : memref<16x64xf32, #tpu.memory_space<vmem>>, vector<1x16xf32>,
    %swap3A_360 = arith.constant 4 : i32
    %swap3A_361 = arith.index_cast %swap3A_360 : i32 to index
    %swap3A_362 = arith.constant 48 : index
    %swap3A_363 = tpu.vector_load %arg5[%swap3A_361, %swap3A_362] {strides = array<i32>} : memref<16x64xf32, #tpu.memory_space<vmem>>, vector<1x16xf32>,
    %swap3A_364 = vector.shape_cast %swap3A_363 : vector<1x16xf32> to vector<16xf32>
    %swap3A_365 = vector.shape_cast %scan3A_340#7 : vector<16xf32> to vector<1x16xf32>
    tpu.vector_store %arg5[%swap3A_361, %swap3A_362], %swap3A_365 {strides = array<i32>} : memref<16x64xf32, #tpu.memory_space<vmem>>, vector<1x16xf32>,
    %get3A_366 = arith.constant 5 : i32
    %get3A_367 = arith.index_cast %get3A_366 : i32 to index
    %get3A_368 = arith.constant 0 : index
    %get3A_369 = tpu.vector_load %arg4[%get3A_367, %get3A_368] {strides = array<i32>} : memref<16x64xf32, #tpu.memory_space<vmem>>, vector<1x16xf32>,
    %get3A_370 = vector.shape_cast %get3A_369 : vector<1x16xf32> to vector<16xf32>
    %get3A_371 = arith.constant 5 : i32
    %get3A_372 = arith.index_cast %get3A_371 : i32 to index
    %get3A_373 = arith.constant 16 : index
    %get3A_374 = tpu.vector_load %arg4[%get3A_372, %get3A_373] {strides = array<i32>} : memref<16x64xf32, #tpu.memory_space<vmem>>, vector<1x16xf32>,
    %get3A_375 = vector.shape_cast %get3A_374 : vector<1x16xf32> to vector<16xf32>
    %get3A_376 = arith.constant 5 : i32
    %get3A_377 = arith.index_cast %get3A_376 : i32 to index
    %get3A_378 = arith.constant 32 : index
    %get3A_379 = tpu.vector_load %arg4[%get3A_377, %get3A_378] {strides = array<i32>} : memref<16x64xf32, #tpu.memory_space<vmem>>, vector<1x16xf32>,
    %get3A_380 = vector.shape_cast %get3A_379 : vector<1x16xf32> to vector<16xf32>
    %get3A_381 = arith.constant 5 : i32
    %get3A_382 = arith.index_cast %get3A_381 : i32 to index
    %get3A_383 = arith.constant 48 : index
    %get3A_384 = tpu.vector_load %arg4[%get3A_382, %get3A_383] {strides = array<i32>} : memref<16x64xf32, #tpu.memory_space<vmem>>, vector<1x16xf32>,
    %get3A_385 = vector.shape_cast %get3A_384 : vector<1x16xf32> to vector<16xf32>
    %broadcast_in_dim3A_386 = arith.constant 0.000000e+00 : f32
    %broadcast_in_dim3A_387 = vector.broadcast %broadcast_in_dim3A_386 : f32 to vector<16xf32>
    %broadcast_in_dim3A_388 = arith.constant 0.000000e+00 : f32
    %broadcast_in_dim3A_389 = vector.broadcast %broadcast_in_dim3A_388 : f32 to vector<16xf32>
    %broadcast_in_dim3A_390 = arith.constant 0.000000e+00 : f32
    %broadcast_in_dim3A_391 = vector.broadcast %broadcast_in_dim3A_390 : f32 to vector<16xf32>
    %broadcast_in_dim3A_392 = arith.constant 0.000000e+00 : f32
    %broadcast_in_dim3A_393 = vector.broadcast %broadcast_in_dim3A_392 : f32 to vector<16xf32>
    %add3A_394 = arith.constant 0 : i32
    %add3A_395 = vector.broadcast %add3A_394 : i32 to vector<16xi32>
    %add3A_396 = arith.addi %iota3A, %add3A_395 : vector<16xi32>
    %add3A_397 = arith.constant 16 : i32
    %add3A_398 = vector.broadcast %add3A_397 : i32 to vector<16xi32>
    %add3A_399 = arith.addi %iota3A, %add3A_398 : vector<16xi32>
    %add3A_400 = arith.constant 32 : i32
    %add3A_401 = vector.broadcast %add3A_400 : i32 to vector<16xi32>
    %add3A_402 = arith.addi %iota3A, %add3A_401 : vector<16xi32>
    %add3A_403 = arith.constant 48 : i32
    %add3A_404 = vector.broadcast %add3A_403 : i32 to vector<16xi32>
    %add3A_405 = arith.addi %iota3A, %add3A_404 : vector<16xi32>
    %scan3A_406 = arith.constant 0 : i32
    %scan3A_407 = arith.constant 8 : i32
    %scan3A_408 = arith.addi %scan3A_406, %scan3A_407 : i32
    %scan3A_409 = arith.constant 1 : i32
    %scan3A_410:8 = scf.for %scan3A_1144 = %scan3A_406 to %scan3A_408 step %scan3A_409 iter_args(%scan3A_1145 = %get3A_370, %scan3A_1146 = %get3A_375, %scan3A_1147 = %get3A_380, %scan3A_1148 = %get3A_385, %scan3A_1149 = %broadcast_in_dim3A_387, %scan3A_1150 = %broadcast_in_dim3A_389, %scan3A_1151 = %broadcast_in_dim3A_391, %scan3A_1152 = %broadcast_in_dim3A_393) -> (vector<16xf32>, vector<16xf32>, vector<16xf32>, vector<16xf32>, vector<16xf32>, vector<16xf32>, vector<16xf32>, vector<16xf32>)  : i32 {
      %max3A = arith.maximumf %scan3A_1145, %scan3A_1146 : vector<16xf32>
      %max3A_1153 = arith.maximumf %scan3A_1147, %scan3A_1148 : vector<16xf32>
      %max3A_1154 = arith.maximumf %max3A, %max3A_1153 : vector<16xf32>
      %lt3A = arith.constant 0 : i32
      %lt3A_1155 = vector.broadcast %lt3A : i32 to vector<16xi32>
      %lt3A_1156 = arith.cmpi slt, %xor3A_10, %lt3A_1155 : vector<16xi32>
      %add3A_1157 = arith.constant 16 : i32
      %add3A_1158 = vector.broadcast %add3A_1157 : i32 to vector<16xi32>
      %add3A_1159 = arith.addi %xor3A_10, %add3A_1158 : vector<16xi32>
      %select_n3A = arith.select %lt3A_1156, %add3A_1159, %xor3A_10 : vector<16xi1>, vector<16xi32>
      %broadcast_in_dim3A_1160 = vector.shape_cast %select_n3A : vector<16xi32> to vector<16x1xi32>
      %gather3A = vector.shape_cast %broadcast_in_dim3A_1160 : vector<16x1xi32> to vector<16xi32>
      %gather3A_1161 = tpu.dynamic_gather %max3A_1154[%gather3A] in [0] : vector<16xf32>, vector<16xi32> -> vector<16xf32>
      %max3A_1162 = arith.maximumf %max3A_1154, %gather3A_1161 : vector<16xf32>
      %lt3A_1163 = arith.constant 0 : i32
      %lt3A_1164 = vector.broadcast %lt3A_1163 : i32 to vector<16xi32>
      %lt3A_1165 = arith.cmpi slt, %xor3A_13, %lt3A_1164 : vector<16xi32>
      %add3A_1166 = arith.constant 16 : i32
      %add3A_1167 = vector.broadcast %add3A_1166 : i32 to vector<16xi32>
      %add3A_1168 = arith.addi %xor3A_13, %add3A_1167 : vector<16xi32>
      %select_n3A_1169 = arith.select %lt3A_1165, %add3A_1168, %xor3A_13 : vector<16xi1>, vector<16xi32>
      %broadcast_in_dim3A_1170 = vector.shape_cast %select_n3A_1169 : vector<16xi32> to vector<16x1xi32>
      %gather3A_1171 = vector.shape_cast %broadcast_in_dim3A_1170 : vector<16x1xi32> to vector<16xi32>
      %gather3A_1172 = tpu.dynamic_gather %max3A_1162[%gather3A_1171] in [0] : vector<16xf32>, vector<16xi32> -> vector<16xf32>
      %max3A_1173 = arith.maximumf %max3A_1162, %gather3A_1172 : vector<16xf32>
      %lt3A_1174 = arith.constant 0 : i32
      %lt3A_1175 = vector.broadcast %lt3A_1174 : i32 to vector<16xi32>
      %lt3A_1176 = arith.cmpi slt, %xor3A_16, %lt3A_1175 : vector<16xi32>
      %add3A_1177 = arith.constant 16 : i32
      %add3A_1178 = vector.broadcast %add3A_1177 : i32 to vector<16xi32>
      %add3A_1179 = arith.addi %xor3A_16, %add3A_1178 : vector<16xi32>
      %select_n3A_1180 = arith.select %lt3A_1176, %add3A_1179, %xor3A_16 : vector<16xi1>, vector<16xi32>
      %broadcast_in_dim3A_1181 = vector.shape_cast %select_n3A_1180 : vector<16xi32> to vector<16x1xi32>
      %gather3A_1182 = vector.shape_cast %broadcast_in_dim3A_1181 : vector<16x1xi32> to vector<16xi32>
      %gather3A_1183 = tpu.dynamic_gather %max3A_1173[%gather3A_1182] in [0] : vector<16xf32>, vector<16xi32> -> vector<16xf32>
      %max3A_1184 = arith.maximumf %max3A_1173, %gather3A_1183 : vector<16xf32>
      %lt3A_1185 = arith.constant 0 : i32
      %lt3A_1186 = vector.broadcast %lt3A_1185 : i32 to vector<16xi32>
      %lt3A_1187 = arith.cmpi slt, %xor3A_19, %lt3A_1186 : vector<16xi32>
      %add3A_1188 = arith.constant 16 : i32
      %add3A_1189 = vector.broadcast %add3A_1188 : i32 to vector<16xi32>
      %add3A_1190 = arith.addi %xor3A_19, %add3A_1189 : vector<16xi32>
      %select_n3A_1191 = arith.select %lt3A_1187, %add3A_1190, %xor3A_19 : vector<16xi1>, vector<16xi32>
      %broadcast_in_dim3A_1192 = vector.shape_cast %select_n3A_1191 : vector<16xi32> to vector<16x1xi32>
      %gather3A_1193 = vector.shape_cast %broadcast_in_dim3A_1192 : vector<16x1xi32> to vector<16xi32>
      %gather3A_1194 = tpu.dynamic_gather %max3A_1184[%gather3A_1193] in [0] : vector<16xf32>, vector<16xi32> -> vector<16xf32>
      %max3A_1195 = arith.maximumf %max3A_1184, %gather3A_1194 : vector<16xf32>
      %eq3A = arith.cmpf oeq, %scan3A_1145, %max3A_1195 : vector<16xf32>
      %jit3A = arith.constant 64 : i32
      %broadcast_in_dim3A_1196 = vector.broadcast %jit3A : i32 to vector<16xi32>
      %select_n3A_1197 = arith.select %eq3A, %add3A_396, %broadcast_in_dim3A_1196 : vector<16xi1>, vector<16xi32>
      %eq3A_1198 = arith.cmpf oeq, %scan3A_1146, %max3A_1195 : vector<16xf32>
      %jit3A_1199 = arith.constant 64 : i32
      %broadcast_in_dim3A_1200 = vector.broadcast %jit3A_1199 : i32 to vector<16xi32>
      %select_n3A_1201 = arith.select %eq3A_1198, %add3A_399, %broadcast_in_dim3A_1200 : vector<16xi1>, vector<16xi32>
      %eq3A_1202 = arith.cmpf oeq, %scan3A_1147, %max3A_1195 : vector<16xf32>
      %jit3A_1203 = arith.constant 64 : i32
      %broadcast_in_dim3A_1204 = vector.broadcast %jit3A_1203 : i32 to vector<16xi32>
      %select_n3A_1205 = arith.select %eq3A_1202, %add3A_402, %broadcast_in_dim3A_1204 : vector<16xi1>, vector<16xi32>
      %eq3A_1206 = arith.cmpf oeq, %scan3A_1148, %max3A_1195 : vector<16xf32>
      %jit3A_1207 = arith.constant 64 : i32
      %broadcast_in_dim3A_1208 = vector.broadcast %jit3A_1207 : i32 to vector<16xi32>
      %select_n3A_1209 = arith.select %eq3A_1206, %add3A_405, %broadcast_in_dim3A_1208 : vector<16xi1>, vector<16xi32>
      %min3A = arith.minsi %select_n3A_1197, %select_n3A_1201 : vector<16xi32>
      %min3A_1210 = arith.minsi %select_n3A_1205, %select_n3A_1209 : vector<16xi32>
      %min3A_1211 = arith.minsi %min3A, %min3A_1210 : vector<16xi32>
      %lt3A_1212 = arith.constant 0 : i32
      %lt3A_1213 = vector.broadcast %lt3A_1212 : i32 to vector<16xi32>
      %lt3A_1214 = arith.cmpi slt, %xor3A_10, %lt3A_1213 : vector<16xi32>
      %add3A_1215 = arith.constant 16 : i32
      %add3A_1216 = vector.broadcast %add3A_1215 : i32 to vector<16xi32>
      %add3A_1217 = arith.addi %xor3A_10, %add3A_1216 : vector<16xi32>
      %select_n3A_1218 = arith.select %lt3A_1214, %add3A_1217, %xor3A_10 : vector<16xi1>, vector<16xi32>
      %broadcast_in_dim3A_1219 = vector.shape_cast %select_n3A_1218 : vector<16xi32> to vector<16x1xi32>
      %gather3A_1220 = vector.shape_cast %broadcast_in_dim3A_1219 : vector<16x1xi32> to vector<16xi32>
      %gather3A_1221 = tpu.dynamic_gather %min3A_1211[%gather3A_1220] in [0] : vector<16xi32>, vector<16xi32> -> vector<16xi32>
      %min3A_1222 = arith.minsi %min3A_1211, %gather3A_1221 : vector<16xi32>
      %lt3A_1223 = arith.constant 0 : i32
      %lt3A_1224 = vector.broadcast %lt3A_1223 : i32 to vector<16xi32>
      %lt3A_1225 = arith.cmpi slt, %xor3A_13, %lt3A_1224 : vector<16xi32>
      %add3A_1226 = arith.constant 16 : i32
      %add3A_1227 = vector.broadcast %add3A_1226 : i32 to vector<16xi32>
      %add3A_1228 = arith.addi %xor3A_13, %add3A_1227 : vector<16xi32>
      %select_n3A_1229 = arith.select %lt3A_1225, %add3A_1228, %xor3A_13 : vector<16xi1>, vector<16xi32>
      %broadcast_in_dim3A_1230 = vector.shape_cast %select_n3A_1229 : vector<16xi32> to vector<16x1xi32>
      %gather3A_1231 = vector.shape_cast %broadcast_in_dim3A_1230 : vector<16x1xi32> to vector<16xi32>
      %gather3A_1232 = tpu.dynamic_gather %min3A_1222[%gather3A_1231] in [0] : vector<16xi32>, vector<16xi32> -> vector<16xi32>
      %min3A_1233 = arith.minsi %min3A_1222, %gather3A_1232 : vector<16xi32>
      %lt3A_1234 = arith.constant 0 : i32
      %lt3A_1235 = vector.broadcast %lt3A_1234 : i32 to vector<16xi32>
      %lt3A_1236 = arith.cmpi slt, %xor3A_16, %lt3A_1235 : vector<16xi32>
      %add3A_1237 = arith.constant 16 : i32
      %add3A_1238 = vector.broadcast %add3A_1237 : i32 to vector<16xi32>
      %add3A_1239 = arith.addi %xor3A_16, %add3A_1238 : vector<16xi32>
      %select_n3A_1240 = arith.select %lt3A_1236, %add3A_1239, %xor3A_16 : vector<16xi1>, vector<16xi32>
      %broadcast_in_dim3A_1241 = vector.shape_cast %select_n3A_1240 : vector<16xi32> to vector<16x1xi32>
      %gather3A_1242 = vector.shape_cast %broadcast_in_dim3A_1241 : vector<16x1xi32> to vector<16xi32>
      %gather3A_1243 = tpu.dynamic_gather %min3A_1233[%gather3A_1242] in [0] : vector<16xi32>, vector<16xi32> -> vector<16xi32>
      %min3A_1244 = arith.minsi %min3A_1233, %gather3A_1243 : vector<16xi32>
      %lt3A_1245 = arith.constant 0 : i32
      %lt3A_1246 = vector.broadcast %lt3A_1245 : i32 to vector<16xi32>
      %lt3A_1247 = arith.cmpi slt, %xor3A_19, %lt3A_1246 : vector<16xi32>
      %add3A_1248 = arith.constant 16 : i32
      %add3A_1249 = vector.broadcast %add3A_1248 : i32 to vector<16xi32>
      %add3A_1250 = arith.addi %xor3A_19, %add3A_1249 : vector<16xi32>
      %select_n3A_1251 = arith.select %lt3A_1247, %add3A_1250, %xor3A_19 : vector<16xi1>, vector<16xi32>
      %broadcast_in_dim3A_1252 = vector.shape_cast %select_n3A_1251 : vector<16xi32> to vector<16x1xi32>
      %gather3A_1253 = vector.shape_cast %broadcast_in_dim3A_1252 : vector<16x1xi32> to vector<16xi32>
      %gather3A_1254 = tpu.dynamic_gather %min3A_1244[%gather3A_1253] in [0] : vector<16xi32>, vector<16xi32> -> vector<16xi32>
      %min3A_1255 = arith.minsi %min3A_1244, %gather3A_1254 : vector<16xi32>
      %eq3A_1256 = arith.cmpi eq, %add3A_396, %min3A_1255 : vector<16xi32>
      %eq3A_1257 = arith.cmpi eq, %add3A_399, %min3A_1255 : vector<16xi32>
      %eq3A_1258 = arith.cmpi eq, %add3A_402, %min3A_1255 : vector<16xi32>
      %eq3A_1259 = arith.cmpi eq, %add3A_405, %min3A_1255 : vector<16xi32>
      %jit3A_1260 = arith.constant 1.000000e+00 : f32
      %broadcast_in_dim3A_1261 = vector.broadcast %jit3A_1260 : f32 to vector<16xf32>
      %select_n3A_1262 = arith.select %eq3A_1256, %broadcast_in_dim3A_1261, %scan3A_1149 : vector<16xi1>, vector<16xf32>
      %jit3A_1263 = arith.constant 1.000000e+00 : f32
      %broadcast_in_dim3A_1264 = vector.broadcast %jit3A_1263 : f32 to vector<16xf32>
      %select_n3A_1265 = arith.select %eq3A_1257, %broadcast_in_dim3A_1264, %scan3A_1150 : vector<16xi1>, vector<16xf32>
      %jit3A_1266 = arith.constant 1.000000e+00 : f32
      %broadcast_in_dim3A_1267 = vector.broadcast %jit3A_1266 : f32 to vector<16xf32>
      %select_n3A_1268 = arith.select %eq3A_1258, %broadcast_in_dim3A_1267, %scan3A_1151 : vector<16xi1>, vector<16xf32>
      %jit3A_1269 = arith.constant 1.000000e+00 : f32
      %broadcast_in_dim3A_1270 = vector.broadcast %jit3A_1269 : f32 to vector<16xf32>
      %select_n3A_1271 = arith.select %eq3A_1259, %broadcast_in_dim3A_1270, %scan3A_1152 : vector<16xi1>, vector<16xf32>
      %jit3A_1272 = arith.constant -1.000000e+00 : f32
      %broadcast_in_dim3A_1273 = vector.broadcast %jit3A_1272 : f32 to vector<16xf32>
      %select_n3A_1274 = arith.select %eq3A_1256, %broadcast_in_dim3A_1273, %scan3A_1145 : vector<16xi1>, vector<16xf32>
      %jit3A_1275 = arith.constant -1.000000e+00 : f32
      %broadcast_in_dim3A_1276 = vector.broadcast %jit3A_1275 : f32 to vector<16xf32>
      %select_n3A_1277 = arith.select %eq3A_1257, %broadcast_in_dim3A_1276, %scan3A_1146 : vector<16xi1>, vector<16xf32>
      %jit3A_1278 = arith.constant -1.000000e+00 : f32
      %broadcast_in_dim3A_1279 = vector.broadcast %jit3A_1278 : f32 to vector<16xf32>
      %select_n3A_1280 = arith.select %eq3A_1258, %broadcast_in_dim3A_1279, %scan3A_1147 : vector<16xi1>, vector<16xf32>
      %jit3A_1281 = arith.constant -1.000000e+00 : f32
      %broadcast_in_dim3A_1282 = vector.broadcast %jit3A_1281 : f32 to vector<16xf32>
      %select_n3A_1283 = arith.select %eq3A_1259, %broadcast_in_dim3A_1282, %scan3A_1148 : vector<16xi1>, vector<16xf32>
      scf.yield %select_n3A_1274, %select_n3A_1277, %select_n3A_1280, %select_n3A_1283, %select_n3A_1262, %select_n3A_1265, %select_n3A_1268, %select_n3A_1271 : vector<16xf32>, vector<16xf32>, vector<16xf32>, vector<16xf32>, vector<16xf32>, vector<16xf32>, vector<16xf32>, vector<16xf32>
    }
    %scan3A_411 = arith.constant 8 : i32
    %swap3A_412 = arith.constant 5 : i32
    %swap3A_413 = arith.index_cast %swap3A_412 : i32 to index
    %swap3A_414 = arith.constant 0 : index
    %swap3A_415 = tpu.vector_load %arg5[%swap3A_413, %swap3A_414] {strides = array<i32>} : memref<16x64xf32, #tpu.memory_space<vmem>>, vector<1x16xf32>,
    %swap3A_416 = vector.shape_cast %swap3A_415 : vector<1x16xf32> to vector<16xf32>
    %swap3A_417 = vector.shape_cast %scan3A_410#4 : vector<16xf32> to vector<1x16xf32>
    tpu.vector_store %arg5[%swap3A_413, %swap3A_414], %swap3A_417 {strides = array<i32>} : memref<16x64xf32, #tpu.memory_space<vmem>>, vector<1x16xf32>,
    %swap3A_418 = arith.constant 5 : i32
    %swap3A_419 = arith.index_cast %swap3A_418 : i32 to index
    %swap3A_420 = arith.constant 16 : index
    %swap3A_421 = tpu.vector_load %arg5[%swap3A_419, %swap3A_420] {strides = array<i32>} : memref<16x64xf32, #tpu.memory_space<vmem>>, vector<1x16xf32>,
    %swap3A_422 = vector.shape_cast %swap3A_421 : vector<1x16xf32> to vector<16xf32>
    %swap3A_423 = vector.shape_cast %scan3A_410#5 : vector<16xf32> to vector<1x16xf32>
    tpu.vector_store %arg5[%swap3A_419, %swap3A_420], %swap3A_423 {strides = array<i32>} : memref<16x64xf32, #tpu.memory_space<vmem>>, vector<1x16xf32>,
    %swap3A_424 = arith.constant 5 : i32
    %swap3A_425 = arith.index_cast %swap3A_424 : i32 to index
    %swap3A_426 = arith.constant 32 : index
    %swap3A_427 = tpu.vector_load %arg5[%swap3A_425, %swap3A_426] {strides = array<i32>} : memref<16x64xf32, #tpu.memory_space<vmem>>, vector<1x16xf32>,
    %swap3A_428 = vector.shape_cast %swap3A_427 : vector<1x16xf32> to vector<16xf32>
    %swap3A_429 = vector.shape_cast %scan3A_410#6 : vector<16xf32> to vector<1x16xf32>
    tpu.vector_store %arg5[%swap3A_425, %swap3A_426], %swap3A_429 {strides = array<i32>} : memref<16x64xf32, #tpu.memory_space<vmem>>, vector<1x16xf32>,
    %swap3A_430 = arith.constant 5 : i32
    %swap3A_431 = arith.index_cast %swap3A_430 : i32 to index
    %swap3A_432 = arith.constant 48 : index
    %swap3A_433 = tpu.vector_load %arg5[%swap3A_431, %swap3A_432] {strides = array<i32>} : memref<16x64xf32, #tpu.memory_space<vmem>>, vector<1x16xf32>,
    %swap3A_434 = vector.shape_cast %swap3A_433 : vector<1x16xf32> to vector<16xf32>
    %swap3A_435 = vector.shape_cast %scan3A_410#7 : vector<16xf32> to vector<1x16xf32>
    tpu.vector_store %arg5[%swap3A_431, %swap3A_432], %swap3A_435 {strides = array<i32>} : memref<16x64xf32, #tpu.memory_space<vmem>>, vector<1x16xf32>,
    %get3A_436 = arith.constant 6 : i32
    %get3A_437 = arith.index_cast %get3A_436 : i32 to index
    %get3A_438 = arith.constant 0 : index
    %get3A_439 = tpu.vector_load %arg4[%get3A_437, %get3A_438] {strides = array<i32>} : memref<16x64xf32, #tpu.memory_space<vmem>>, vector<1x16xf32>,
    %get3A_440 = vector.shape_cast %get3A_439 : vector<1x16xf32> to vector<16xf32>
    %get3A_441 = arith.constant 6 : i32
    %get3A_442 = arith.index_cast %get3A_441 : i32 to index
    %get3A_443 = arith.constant 16 : index
    %get3A_444 = tpu.vector_load %arg4[%get3A_442, %get3A_443] {strides = array<i32>} : memref<16x64xf32, #tpu.memory_space<vmem>>, vector<1x16xf32>,
    %get3A_445 = vector.shape_cast %get3A_444 : vector<1x16xf32> to vector<16xf32>
    %get3A_446 = arith.constant 6 : i32
    %get3A_447 = arith.index_cast %get3A_446 : i32 to index
    %get3A_448 = arith.constant 32 : index
    %get3A_449 = tpu.vector_load %arg4[%get3A_447, %get3A_448] {strides = array<i32>} : memref<16x64xf32, #tpu.memory_space<vmem>>, vector<1x16xf32>,
    %get3A_450 = vector.shape_cast %get3A_449 : vector<1x16xf32> to vector<16xf32>
    %get3A_451 = arith.constant 6 : i32
    %get3A_452 = arith.index_cast %get3A_451 : i32 to index
    %get3A_453 = arith.constant 48 : index
    %get3A_454 = tpu.vector_load %arg4[%get3A_452, %get3A_453] {strides = array<i32>} : memref<16x64xf32, #tpu.memory_space<vmem>>, vector<1x16xf32>,
    %get3A_455 = vector.shape_cast %get3A_454 : vector<1x16xf32> to vector<16xf32>
    %broadcast_in_dim3A_456 = arith.constant 0.000000e+00 : f32
    %broadcast_in_dim3A_457 = vector.broadcast %broadcast_in_dim3A_456 : f32 to vector<16xf32>
    %broadcast_in_dim3A_458 = arith.constant 0.000000e+00 : f32
    %broadcast_in_dim3A_459 = vector.broadcast %broadcast_in_dim3A_458 : f32 to vector<16xf32>
    %broadcast_in_dim3A_460 = arith.constant 0.000000e+00 : f32
    %broadcast_in_dim3A_461 = vector.broadcast %broadcast_in_dim3A_460 : f32 to vector<16xf32>
    %broadcast_in_dim3A_462 = arith.constant 0.000000e+00 : f32
    %broadcast_in_dim3A_463 = vector.broadcast %broadcast_in_dim3A_462 : f32 to vector<16xf32>
    %add3A_464 = arith.constant 0 : i32
    %add3A_465 = vector.broadcast %add3A_464 : i32 to vector<16xi32>
    %add3A_466 = arith.addi %iota3A, %add3A_465 : vector<16xi32>
    %add3A_467 = arith.constant 16 : i32
    %add3A_468 = vector.broadcast %add3A_467 : i32 to vector<16xi32>
    %add3A_469 = arith.addi %iota3A, %add3A_468 : vector<16xi32>
    %add3A_470 = arith.constant 32 : i32
    %add3A_471 = vector.broadcast %add3A_470 : i32 to vector<16xi32>
    %add3A_472 = arith.addi %iota3A, %add3A_471 : vector<16xi32>
    %add3A_473 = arith.constant 48 : i32
    %add3A_474 = vector.broadcast %add3A_473 : i32 to vector<16xi32>
    %add3A_475 = arith.addi %iota3A, %add3A_474 : vector<16xi32>
    %scan3A_476 = arith.constant 0 : i32
    %scan3A_477 = arith.constant 8 : i32
    %scan3A_478 = arith.addi %scan3A_476, %scan3A_477 : i32
    %scan3A_479 = arith.constant 1 : i32
    %scan3A_480:8 = scf.for %scan3A_1144 = %scan3A_476 to %scan3A_478 step %scan3A_479 iter_args(%scan3A_1145 = %get3A_440, %scan3A_1146 = %get3A_445, %scan3A_1147 = %get3A_450, %scan3A_1148 = %get3A_455, %scan3A_1149 = %broadcast_in_dim3A_457, %scan3A_1150 = %broadcast_in_dim3A_459, %scan3A_1151 = %broadcast_in_dim3A_461, %scan3A_1152 = %broadcast_in_dim3A_463) -> (vector<16xf32>, vector<16xf32>, vector<16xf32>, vector<16xf32>, vector<16xf32>, vector<16xf32>, vector<16xf32>, vector<16xf32>)  : i32 {
      %max3A = arith.maximumf %scan3A_1145, %scan3A_1146 : vector<16xf32>
      %max3A_1153 = arith.maximumf %scan3A_1147, %scan3A_1148 : vector<16xf32>
      %max3A_1154 = arith.maximumf %max3A, %max3A_1153 : vector<16xf32>
      %lt3A = arith.constant 0 : i32
      %lt3A_1155 = vector.broadcast %lt3A : i32 to vector<16xi32>
      %lt3A_1156 = arith.cmpi slt, %xor3A_10, %lt3A_1155 : vector<16xi32>
      %add3A_1157 = arith.constant 16 : i32
      %add3A_1158 = vector.broadcast %add3A_1157 : i32 to vector<16xi32>
      %add3A_1159 = arith.addi %xor3A_10, %add3A_1158 : vector<16xi32>
      %select_n3A = arith.select %lt3A_1156, %add3A_1159, %xor3A_10 : vector<16xi1>, vector<16xi32>
      %broadcast_in_dim3A_1160 = vector.shape_cast %select_n3A : vector<16xi32> to vector<16x1xi32>
      %gather3A = vector.shape_cast %broadcast_in_dim3A_1160 : vector<16x1xi32> to vector<16xi32>
      %gather3A_1161 = tpu.dynamic_gather %max3A_1154[%gather3A] in [0] : vector<16xf32>, vector<16xi32> -> vector<16xf32>
      %max3A_1162 = arith.maximumf %max3A_1154, %gather3A_1161 : vector<16xf32>
      %lt3A_1163 = arith.constant 0 : i32
      %lt3A_1164 = vector.broadcast %lt3A_1163 : i32 to vector<16xi32>
      %lt3A_1165 = arith.cmpi slt, %xor3A_13, %lt3A_1164 : vector<16xi32>
      %add3A_1166 = arith.constant 16 : i32
      %add3A_1167 = vector.broadcast %add3A_1166 : i32 to vector<16xi32>
      %add3A_1168 = arith.addi %xor3A_13, %add3A_1167 : vector<16xi32>
      %select_n3A_1169 = arith.select %lt3A_1165, %add3A_1168, %xor3A_13 : vector<16xi1>, vector<16xi32>
      %broadcast_in_dim3A_1170 = vector.shape_cast %select_n3A_1169 : vector<16xi32> to vector<16x1xi32>
      %gather3A_1171 = vector.shape_cast %broadcast_in_dim3A_1170 : vector<16x1xi32> to vector<16xi32>
      %gather3A_1172 = tpu.dynamic_gather %max3A_1162[%gather3A_1171] in [0] : vector<16xf32>, vector<16xi32> -> vector<16xf32>
      %max3A_1173 = arith.maximumf %max3A_1162, %gather3A_1172 : vector<16xf32>
      %lt3A_1174 = arith.constant 0 : i32
      %lt3A_1175 = vector.broadcast %lt3A_1174 : i32 to vector<16xi32>
      %lt3A_1176 = arith.cmpi slt, %xor3A_16, %lt3A_1175 : vector<16xi32>
      %add3A_1177 = arith.constant 16 : i32
      %add3A_1178 = vector.broadcast %add3A_1177 : i32 to vector<16xi32>
      %add3A_1179 = arith.addi %xor3A_16, %add3A_1178 : vector<16xi32>
      %select_n3A_1180 = arith.select %lt3A_1176, %add3A_1179, %xor3A_16 : vector<16xi1>, vector<16xi32>
      %broadcast_in_dim3A_1181 = vector.shape_cast %select_n3A_1180 : vector<16xi32> to vector<16x1xi32>
      %gather3A_1182 = vector.shape_cast %broadcast_in_dim3A_1181 : vector<16x1xi32> to vector<16xi32>
      %gather3A_1183 = tpu.dynamic_gather %max3A_1173[%gather3A_1182] in [0] : vector<16xf32>, vector<16xi32> -> vector<16xf32>
      %max3A_1184 = arith.maximumf %max3A_1173, %gather3A_1183 : vector<16xf32>
      %lt3A_1185 = arith.constant 0 : i32
      %lt3A_1186 = vector.broadcast %lt3A_1185 : i32 to vector<16xi32>
      %lt3A_1187 = arith.cmpi slt, %xor3A_19, %lt3A_1186 : vector<16xi32>
      %add3A_1188 = arith.constant 16 : i32
      %add3A_1189 = vector.broadcast %add3A_1188 : i32 to vector<16xi32>
      %add3A_1190 = arith.addi %xor3A_19, %add3A_1189 : vector<16xi32>
      %select_n3A_1191 = arith.select %lt3A_1187, %add3A_1190, %xor3A_19 : vector<16xi1>, vector<16xi32>
      %broadcast_in_dim3A_1192 = vector.shape_cast %select_n3A_1191 : vector<16xi32> to vector<16x1xi32>
      %gather3A_1193 = vector.shape_cast %broadcast_in_dim3A_1192 : vector<16x1xi32> to vector<16xi32>
      %gather3A_1194 = tpu.dynamic_gather %max3A_1184[%gather3A_1193] in [0] : vector<16xf32>, vector<16xi32> -> vector<16xf32>
      %max3A_1195 = arith.maximumf %max3A_1184, %gather3A_1194 : vector<16xf32>
      %eq3A = arith.cmpf oeq, %scan3A_1145, %max3A_1195 : vector<16xf32>
      %jit3A = arith.constant 64 : i32
      %broadcast_in_dim3A_1196 = vector.broadcast %jit3A : i32 to vector<16xi32>
      %select_n3A_1197 = arith.select %eq3A, %add3A_466, %broadcast_in_dim3A_1196 : vector<16xi1>, vector<16xi32>
      %eq3A_1198 = arith.cmpf oeq, %scan3A_1146, %max3A_1195 : vector<16xf32>
      %jit3A_1199 = arith.constant 64 : i32
      %broadcast_in_dim3A_1200 = vector.broadcast %jit3A_1199 : i32 to vector<16xi32>
      %select_n3A_1201 = arith.select %eq3A_1198, %add3A_469, %broadcast_in_dim3A_1200 : vector<16xi1>, vector<16xi32>
      %eq3A_1202 = arith.cmpf oeq, %scan3A_1147, %max3A_1195 : vector<16xf32>
      %jit3A_1203 = arith.constant 64 : i32
      %broadcast_in_dim3A_1204 = vector.broadcast %jit3A_1203 : i32 to vector<16xi32>
      %select_n3A_1205 = arith.select %eq3A_1202, %add3A_472, %broadcast_in_dim3A_1204 : vector<16xi1>, vector<16xi32>
      %eq3A_1206 = arith.cmpf oeq, %scan3A_1148, %max3A_1195 : vector<16xf32>
      %jit3A_1207 = arith.constant 64 : i32
      %broadcast_in_dim3A_1208 = vector.broadcast %jit3A_1207 : i32 to vector<16xi32>
      %select_n3A_1209 = arith.select %eq3A_1206, %add3A_475, %broadcast_in_dim3A_1208 : vector<16xi1>, vector<16xi32>
      %min3A = arith.minsi %select_n3A_1197, %select_n3A_1201 : vector<16xi32>
      %min3A_1210 = arith.minsi %select_n3A_1205, %select_n3A_1209 : vector<16xi32>
      %min3A_1211 = arith.minsi %min3A, %min3A_1210 : vector<16xi32>
      %lt3A_1212 = arith.constant 0 : i32
      %lt3A_1213 = vector.broadcast %lt3A_1212 : i32 to vector<16xi32>
      %lt3A_1214 = arith.cmpi slt, %xor3A_10, %lt3A_1213 : vector<16xi32>
      %add3A_1215 = arith.constant 16 : i32
      %add3A_1216 = vector.broadcast %add3A_1215 : i32 to vector<16xi32>
      %add3A_1217 = arith.addi %xor3A_10, %add3A_1216 : vector<16xi32>
      %select_n3A_1218 = arith.select %lt3A_1214, %add3A_1217, %xor3A_10 : vector<16xi1>, vector<16xi32>
      %broadcast_in_dim3A_1219 = vector.shape_cast %select_n3A_1218 : vector<16xi32> to vector<16x1xi32>
      %gather3A_1220 = vector.shape_cast %broadcast_in_dim3A_1219 : vector<16x1xi32> to vector<16xi32>
      %gather3A_1221 = tpu.dynamic_gather %min3A_1211[%gather3A_1220] in [0] : vector<16xi32>, vector<16xi32> -> vector<16xi32>
      %min3A_1222 = arith.minsi %min3A_1211, %gather3A_1221 : vector<16xi32>
      %lt3A_1223 = arith.constant 0 : i32
      %lt3A_1224 = vector.broadcast %lt3A_1223 : i32 to vector<16xi32>
      %lt3A_1225 = arith.cmpi slt, %xor3A_13, %lt3A_1224 : vector<16xi32>
      %add3A_1226 = arith.constant 16 : i32
      %add3A_1227 = vector.broadcast %add3A_1226 : i32 to vector<16xi32>
      %add3A_1228 = arith.addi %xor3A_13, %add3A_1227 : vector<16xi32>
      %select_n3A_1229 = arith.select %lt3A_1225, %add3A_1228, %xor3A_13 : vector<16xi1>, vector<16xi32>
      %broadcast_in_dim3A_1230 = vector.shape_cast %select_n3A_1229 : vector<16xi32> to vector<16x1xi32>
      %gather3A_1231 = vector.shape_cast %broadcast_in_dim3A_1230 : vector<16x1xi32> to vector<16xi32>
      %gather3A_1232 = tpu.dynamic_gather %min3A_1222[%gather3A_1231] in [0] : vector<16xi32>, vector<16xi32> -> vector<16xi32>
      %min3A_1233 = arith.minsi %min3A_1222, %gather3A_1232 : vector<16xi32>
      %lt3A_1234 = arith.constant 0 : i32
      %lt3A_1235 = vector.broadcast %lt3A_1234 : i32 to vector<16xi32>
      %lt3A_1236 = arith.cmpi slt, %xor3A_16, %lt3A_1235 : vector<16xi32>
      %add3A_1237 = arith.constant 16 : i32
      %add3A_1238 = vector.broadcast %add3A_1237 : i32 to vector<16xi32>
      %add3A_1239 = arith.addi %xor3A_16, %add3A_1238 : vector<16xi32>
      %select_n3A_1240 = arith.select %lt3A_1236, %add3A_1239, %xor3A_16 : vector<16xi1>, vector<16xi32>
      %broadcast_in_dim3A_1241 = vector.shape_cast %select_n3A_1240 : vector<16xi32> to vector<16x1xi32>
      %gather3A_1242 = vector.shape_cast %broadcast_in_dim3A_1241 : vector<16x1xi32> to vector<16xi32>
      %gather3A_1243 = tpu.dynamic_gather %min3A_1233[%gather3A_1242] in [0] : vector<16xi32>, vector<16xi32> -> vector<16xi32>
      %min3A_1244 = arith.minsi %min3A_1233, %gather3A_1243 : vector<16xi32>
      %lt3A_1245 = arith.constant 0 : i32
      %lt3A_1246 = vector.broadcast %lt3A_1245 : i32 to vector<16xi32>
      %lt3A_1247 = arith.cmpi slt, %xor3A_19, %lt3A_1246 : vector<16xi32>
      %add3A_1248 = arith.constant 16 : i32
      %add3A_1249 = vector.broadcast %add3A_1248 : i32 to vector<16xi32>
      %add3A_1250 = arith.addi %xor3A_19, %add3A_1249 : vector<16xi32>
      %select_n3A_1251 = arith.select %lt3A_1247, %add3A_1250, %xor3A_19 : vector<16xi1>, vector<16xi32>
      %broadcast_in_dim3A_1252 = vector.shape_cast %select_n3A_1251 : vector<16xi32> to vector<16x1xi32>
      %gather3A_1253 = vector.shape_cast %broadcast_in_dim3A_1252 : vector<16x1xi32> to vector<16xi32>
      %gather3A_1254 = tpu.dynamic_gather %min3A_1244[%gather3A_1253] in [0] : vector<16xi32>, vector<16xi32> -> vector<16xi32>
      %min3A_1255 = arith.minsi %min3A_1244, %gather3A_1254 : vector<16xi32>
      %eq3A_1256 = arith.cmpi eq, %add3A_466, %min3A_1255 : vector<16xi32>
      %eq3A_1257 = arith.cmpi eq, %add3A_469, %min3A_1255 : vector<16xi32>
      %eq3A_1258 = arith.cmpi eq, %add3A_472, %min3A_1255 : vector<16xi32>
      %eq3A_1259 = arith.cmpi eq, %add3A_475, %min3A_1255 : vector<16xi32>
      %jit3A_1260 = arith.constant 1.000000e+00 : f32
      %broadcast_in_dim3A_1261 = vector.broadcast %jit3A_1260 : f32 to vector<16xf32>
      %select_n3A_1262 = arith.select %eq3A_1256, %broadcast_in_dim3A_1261, %scan3A_1149 : vector<16xi1>, vector<16xf32>
      %jit3A_1263 = arith.constant 1.000000e+00 : f32
      %broadcast_in_dim3A_1264 = vector.broadcast %jit3A_1263 : f32 to vector<16xf32>
      %select_n3A_1265 = arith.select %eq3A_1257, %broadcast_in_dim3A_1264, %scan3A_1150 : vector<16xi1>, vector<16xf32>
      %jit3A_1266 = arith.constant 1.000000e+00 : f32
      %broadcast_in_dim3A_1267 = vector.broadcast %jit3A_1266 : f32 to vector<16xf32>
      %select_n3A_1268 = arith.select %eq3A_1258, %broadcast_in_dim3A_1267, %scan3A_1151 : vector<16xi1>, vector<16xf32>
      %jit3A_1269 = arith.constant 1.000000e+00 : f32
      %broadcast_in_dim3A_1270 = vector.broadcast %jit3A_1269 : f32 to vector<16xf32>
      %select_n3A_1271 = arith.select %eq3A_1259, %broadcast_in_dim3A_1270, %scan3A_1152 : vector<16xi1>, vector<16xf32>
      %jit3A_1272 = arith.constant -1.000000e+00 : f32
      %broadcast_in_dim3A_1273 = vector.broadcast %jit3A_1272 : f32 to vector<16xf32>
      %select_n3A_1274 = arith.select %eq3A_1256, %broadcast_in_dim3A_1273, %scan3A_1145 : vector<16xi1>, vector<16xf32>
      %jit3A_1275 = arith.constant -1.000000e+00 : f32
      %broadcast_in_dim3A_1276 = vector.broadcast %jit3A_1275 : f32 to vector<16xf32>
      %select_n3A_1277 = arith.select %eq3A_1257, %broadcast_in_dim3A_1276, %scan3A_1146 : vector<16xi1>, vector<16xf32>
      %jit3A_1278 = arith.constant -1.000000e+00 : f32
      %broadcast_in_dim3A_1279 = vector.broadcast %jit3A_1278 : f32 to vector<16xf32>
      %select_n3A_1280 = arith.select %eq3A_1258, %broadcast_in_dim3A_1279, %scan3A_1147 : vector<16xi1>, vector<16xf32>
      %jit3A_1281 = arith.constant -1.000000e+00 : f32
      %broadcast_in_dim3A_1282 = vector.broadcast %jit3A_1281 : f32 to vector<16xf32>
      %select_n3A_1283 = arith.select %eq3A_1259, %broadcast_in_dim3A_1282, %scan3A_1148 : vector<16xi1>, vector<16xf32>
      scf.yield %select_n3A_1274, %select_n3A_1277, %select_n3A_1280, %select_n3A_1283, %select_n3A_1262, %select_n3A_1265, %select_n3A_1268, %select_n3A_1271 : vector<16xf32>, vector<16xf32>, vector<16xf32>, vector<16xf32>, vector<16xf32>, vector<16xf32>, vector<16xf32>, vector<16xf32>
    }
    %scan3A_481 = arith.constant 8 : i32
    %swap3A_482 = arith.constant 6 : i32
    %swap3A_483 = arith.index_cast %swap3A_482 : i32 to index
    %swap3A_484 = arith.constant 0 : index
    %swap3A_485 = tpu.vector_load %arg5[%swap3A_483, %swap3A_484] {strides = array<i32>} : memref<16x64xf32, #tpu.memory_space<vmem>>, vector<1x16xf32>,
    %swap3A_486 = vector.shape_cast %swap3A_485 : vector<1x16xf32> to vector<16xf32>
    %swap3A_487 = vector.shape_cast %scan3A_480#4 : vector<16xf32> to vector<1x16xf32>
    tpu.vector_store %arg5[%swap3A_483, %swap3A_484], %swap3A_487 {strides = array<i32>} : memref<16x64xf32, #tpu.memory_space<vmem>>, vector<1x16xf32>,
    %swap3A_488 = arith.constant 6 : i32
    %swap3A_489 = arith.index_cast %swap3A_488 : i32 to index
    %swap3A_490 = arith.constant 16 : index
    %swap3A_491 = tpu.vector_load %arg5[%swap3A_489, %swap3A_490] {strides = array<i32>} : memref<16x64xf32, #tpu.memory_space<vmem>>, vector<1x16xf32>,
    %swap3A_492 = vector.shape_cast %swap3A_491 : vector<1x16xf32> to vector<16xf32>
    %swap3A_493 = vector.shape_cast %scan3A_480#5 : vector<16xf32> to vector<1x16xf32>
    tpu.vector_store %arg5[%swap3A_489, %swap3A_490], %swap3A_493 {strides = array<i32>} : memref<16x64xf32, #tpu.memory_space<vmem>>, vector<1x16xf32>,
    %swap3A_494 = arith.constant 6 : i32
    %swap3A_495 = arith.index_cast %swap3A_494 : i32 to index
    %swap3A_496 = arith.constant 32 : index
    %swap3A_497 = tpu.vector_load %arg5[%swap3A_495, %swap3A_496] {strides = array<i32>} : memref<16x64xf32, #tpu.memory_space<vmem>>, vector<1x16xf32>,
    %swap3A_498 = vector.shape_cast %swap3A_497 : vector<1x16xf32> to vector<16xf32>
    %swap3A_499 = vector.shape_cast %scan3A_480#6 : vector<16xf32> to vector<1x16xf32>
    tpu.vector_store %arg5[%swap3A_495, %swap3A_496], %swap3A_499 {strides = array<i32>} : memref<16x64xf32, #tpu.memory_space<vmem>>, vector<1x16xf32>,
    %swap3A_500 = arith.constant 6 : i32
    %swap3A_501 = arith.index_cast %swap3A_500 : i32 to index
    %swap3A_502 = arith.constant 48 : index
    %swap3A_503 = tpu.vector_load %arg5[%swap3A_501, %swap3A_502] {strides = array<i32>} : memref<16x64xf32, #tpu.memory_space<vmem>>, vector<1x16xf32>,
    %swap3A_504 = vector.shape_cast %swap3A_503 : vector<1x16xf32> to vector<16xf32>
    %swap3A_505 = vector.shape_cast %scan3A_480#7 : vector<16xf32> to vector<1x16xf32>
    tpu.vector_store %arg5[%swap3A_501, %swap3A_502], %swap3A_505 {strides = array<i32>} : memref<16x64xf32, #tpu.memory_space<vmem>>, vector<1x16xf32>,
    %get3A_506 = arith.constant 7 : i32
    %get3A_507 = arith.index_cast %get3A_506 : i32 to index
    %get3A_508 = arith.constant 0 : index
    %get3A_509 = tpu.vector_load %arg4[%get3A_507, %get3A_508] {strides = array<i32>} : memref<16x64xf32, #tpu.memory_space<vmem>>, vector<1x16xf32>,
    %get3A_510 = vector.shape_cast %get3A_509 : vector<1x16xf32> to vector<16xf32>
    %get3A_511 = arith.constant 7 : i32
    %get3A_512 = arith.index_cast %get3A_511 : i32 to index
    %get3A_513 = arith.constant 16 : index
    %get3A_514 = tpu.vector_load %arg4[%get3A_512, %get3A_513] {strides = array<i32>} : memref<16x64xf32, #tpu.memory_space<vmem>>, vector<1x16xf32>,
    %get3A_515 = vector.shape_cast %get3A_514 : vector<1x16xf32> to vector<16xf32>
    %get3A_516 = arith.constant 7 : i32
    %get3A_517 = arith.index_cast %get3A_516 : i32 to index
    %get3A_518 = arith.constant 32 : index
    %get3A_519 = tpu.vector_load %arg4[%get3A_517, %get3A_518] {strides = array<i32>} : memref<16x64xf32, #tpu.memory_space<vmem>>, vector<1x16xf32>,
    %get3A_520 = vector.shape_cast %get3A_519 : vector<1x16xf32> to vector<16xf32>
    %get3A_521 = arith.constant 7 : i32
    %get3A_522 = arith.index_cast %get3A_521 : i32 to index
    %get3A_523 = arith.constant 48 : index
    %get3A_524 = tpu.vector_load %arg4[%get3A_522, %get3A_523] {strides = array<i32>} : memref<16x64xf32, #tpu.memory_space<vmem>>, vector<1x16xf32>,
    %get3A_525 = vector.shape_cast %get3A_524 : vector<1x16xf32> to vector<16xf32>
    %broadcast_in_dim3A_526 = arith.constant 0.000000e+00 : f32
    %broadcast_in_dim3A_527 = vector.broadcast %broadcast_in_dim3A_526 : f32 to vector<16xf32>
    %broadcast_in_dim3A_528 = arith.constant 0.000000e+00 : f32
    %broadcast_in_dim3A_529 = vector.broadcast %broadcast_in_dim3A_528 : f32 to vector<16xf32>
    %broadcast_in_dim3A_530 = arith.constant 0.000000e+00 : f32
    %broadcast_in_dim3A_531 = vector.broadcast %broadcast_in_dim3A_530 : f32 to vector<16xf32>
    %broadcast_in_dim3A_532 = arith.constant 0.000000e+00 : f32
    %broadcast_in_dim3A_533 = vector.broadcast %broadcast_in_dim3A_532 : f32 to vector<16xf32>
    %add3A_534 = arith.constant 0 : i32
    %add3A_535 = vector.broadcast %add3A_534 : i32 to vector<16xi32>
    %add3A_536 = arith.addi %iota3A, %add3A_535 : vector<16xi32>
    %add3A_537 = arith.constant 16 : i32
    %add3A_538 = vector.broadcast %add3A_537 : i32 to vector<16xi32>
    %add3A_539 = arith.addi %iota3A, %add3A_538 : vector<16xi32>
    %add3A_540 = arith.constant 32 : i32
    %add3A_541 = vector.broadcast %add3A_540 : i32 to vector<16xi32>
    %add3A_542 = arith.addi %iota3A, %add3A_541 : vector<16xi32>
    %add3A_543 = arith.constant 48 : i32
    %add3A_544 = vector.broadcast %add3A_543 : i32 to vector<16xi32>
    %add3A_545 = arith.addi %iota3A, %add3A_544 : vector<16xi32>
    %scan3A_546 = arith.constant 0 : i32
    %scan3A_547 = arith.constant 8 : i32
    %scan3A_548 = arith.addi %scan3A_546, %scan3A_547 : i32
    %scan3A_549 = arith.constant 1 : i32
    %scan3A_550:8 = scf.for %scan3A_1144 = %scan3A_546 to %scan3A_548 step %scan3A_549 iter_args(%scan3A_1145 = %get3A_510, %scan3A_1146 = %get3A_515, %scan3A_1147 = %get3A_520, %scan3A_1148 = %get3A_525, %scan3A_1149 = %broadcast_in_dim3A_527, %scan3A_1150 = %broadcast_in_dim3A_529, %scan3A_1151 = %broadcast_in_dim3A_531, %scan3A_1152 = %broadcast_in_dim3A_533) -> (vector<16xf32>, vector<16xf32>, vector<16xf32>, vector<16xf32>, vector<16xf32>, vector<16xf32>, vector<16xf32>, vector<16xf32>)  : i32 {
      %max3A = arith.maximumf %scan3A_1145, %scan3A_1146 : vector<16xf32>
      %max3A_1153 = arith.maximumf %scan3A_1147, %scan3A_1148 : vector<16xf32>
      %max3A_1154 = arith.maximumf %max3A, %max3A_1153 : vector<16xf32>
      %lt3A = arith.constant 0 : i32
      %lt3A_1155 = vector.broadcast %lt3A : i32 to vector<16xi32>
      %lt3A_1156 = arith.cmpi slt, %xor3A_10, %lt3A_1155 : vector<16xi32>
      %add3A_1157 = arith.constant 16 : i32
      %add3A_1158 = vector.broadcast %add3A_1157 : i32 to vector<16xi32>
      %add3A_1159 = arith.addi %xor3A_10, %add3A_1158 : vector<16xi32>
      %select_n3A = arith.select %lt3A_1156, %add3A_1159, %xor3A_10 : vector<16xi1>, vector<16xi32>
      %broadcast_in_dim3A_1160 = vector.shape_cast %select_n3A : vector<16xi32> to vector<16x1xi32>
      %gather3A = vector.shape_cast %broadcast_in_dim3A_1160 : vector<16x1xi32> to vector<16xi32>
      %gather3A_1161 = tpu.dynamic_gather %max3A_1154[%gather3A] in [0] : vector<16xf32>, vector<16xi32> -> vector<16xf32>
      %max3A_1162 = arith.maximumf %max3A_1154, %gather3A_1161 : vector<16xf32>
      %lt3A_1163 = arith.constant 0 : i32
      %lt3A_1164 = vector.broadcast %lt3A_1163 : i32 to vector<16xi32>
      %lt3A_1165 = arith.cmpi slt, %xor3A_13, %lt3A_1164 : vector<16xi32>
      %add3A_1166 = arith.constant 16 : i32
      %add3A_1167 = vector.broadcast %add3A_1166 : i32 to vector<16xi32>
      %add3A_1168 = arith.addi %xor3A_13, %add3A_1167 : vector<16xi32>
      %select_n3A_1169 = arith.select %lt3A_1165, %add3A_1168, %xor3A_13 : vector<16xi1>, vector<16xi32>
      %broadcast_in_dim3A_1170 = vector.shape_cast %select_n3A_1169 : vector<16xi32> to vector<16x1xi32>
      %gather3A_1171 = vector.shape_cast %broadcast_in_dim3A_1170 : vector<16x1xi32> to vector<16xi32>
      %gather3A_1172 = tpu.dynamic_gather %max3A_1162[%gather3A_1171] in [0] : vector<16xf32>, vector<16xi32> -> vector<16xf32>
      %max3A_1173 = arith.maximumf %max3A_1162, %gather3A_1172 : vector<16xf32>
      %lt3A_1174 = arith.constant 0 : i32
      %lt3A_1175 = vector.broadcast %lt3A_1174 : i32 to vector<16xi32>
      %lt3A_1176 = arith.cmpi slt, %xor3A_16, %lt3A_1175 : vector<16xi32>
      %add3A_1177 = arith.constant 16 : i32
      %add3A_1178 = vector.broadcast %add3A_1177 : i32 to vector<16xi32>
      %add3A_1179 = arith.addi %xor3A_16, %add3A_1178 : vector<16xi32>
      %select_n3A_1180 = arith.select %lt3A_1176, %add3A_1179, %xor3A_16 : vector<16xi1>, vector<16xi32>
      %broadcast_in_dim3A_1181 = vector.shape_cast %select_n3A_1180 : vector<16xi32> to vector<16x1xi32>
      %gather3A_1182 = vector.shape_cast %broadcast_in_dim3A_1181 : vector<16x1xi32> to vector<16xi32>
      %gather3A_1183 = tpu.dynamic_gather %max3A_1173[%gather3A_1182] in [0] : vector<16xf32>, vector<16xi32> -> vector<16xf32>
      %max3A_1184 = arith.maximumf %max3A_1173, %gather3A_1183 : vector<16xf32>
      %lt3A_1185 = arith.constant 0 : i32
      %lt3A_1186 = vector.broadcast %lt3A_1185 : i32 to vector<16xi32>
      %lt3A_1187 = arith.cmpi slt, %xor3A_19, %lt3A_1186 : vector<16xi32>
      %add3A_1188 = arith.constant 16 : i32
      %add3A_1189 = vector.broadcast %add3A_1188 : i32 to vector<16xi32>
      %add3A_1190 = arith.addi %xor3A_19, %add3A_1189 : vector<16xi32>
      %select_n3A_1191 = arith.select %lt3A_1187, %add3A_1190, %xor3A_19 : vector<16xi1>, vector<16xi32>
      %broadcast_in_dim3A_1192 = vector.shape_cast %select_n3A_1191 : vector<16xi32> to vector<16x1xi32>
      %gather3A_1193 = vector.shape_cast %broadcast_in_dim3A_1192 : vector<16x1xi32> to vector<16xi32>
      %gather3A_1194 = tpu.dynamic_gather %max3A_1184[%gather3A_1193] in [0] : vector<16xf32>, vector<16xi32> -> vector<16xf32>
      %max3A_1195 = arith.maximumf %max3A_1184, %gather3A_1194 : vector<16xf32>
      %eq3A = arith.cmpf oeq, %scan3A_1145, %max3A_1195 : vector<16xf32>
      %jit3A = arith.constant 64 : i32
      %broadcast_in_dim3A_1196 = vector.broadcast %jit3A : i32 to vector<16xi32>
      %select_n3A_1197 = arith.select %eq3A, %add3A_536, %broadcast_in_dim3A_1196 : vector<16xi1>, vector<16xi32>
      %eq3A_1198 = arith.cmpf oeq, %scan3A_1146, %max3A_1195 : vector<16xf32>
      %jit3A_1199 = arith.constant 64 : i32
      %broadcast_in_dim3A_1200 = vector.broadcast %jit3A_1199 : i32 to vector<16xi32>
      %select_n3A_1201 = arith.select %eq3A_1198, %add3A_539, %broadcast_in_dim3A_1200 : vector<16xi1>, vector<16xi32>
      %eq3A_1202 = arith.cmpf oeq, %scan3A_1147, %max3A_1195 : vector<16xf32>
      %jit3A_1203 = arith.constant 64 : i32
      %broadcast_in_dim3A_1204 = vector.broadcast %jit3A_1203 : i32 to vector<16xi32>
      %select_n3A_1205 = arith.select %eq3A_1202, %add3A_542, %broadcast_in_dim3A_1204 : vector<16xi1>, vector<16xi32>
      %eq3A_1206 = arith.cmpf oeq, %scan3A_1148, %max3A_1195 : vector<16xf32>
      %jit3A_1207 = arith.constant 64 : i32
      %broadcast_in_dim3A_1208 = vector.broadcast %jit3A_1207 : i32 to vector<16xi32>
      %select_n3A_1209 = arith.select %eq3A_1206, %add3A_545, %broadcast_in_dim3A_1208 : vector<16xi1>, vector<16xi32>
      %min3A = arith.minsi %select_n3A_1197, %select_n3A_1201 : vector<16xi32>
      %min3A_1210 = arith.minsi %select_n3A_1205, %select_n3A_1209 : vector<16xi32>
      %min3A_1211 = arith.minsi %min3A, %min3A_1210 : vector<16xi32>
      %lt3A_1212 = arith.constant 0 : i32
      %lt3A_1213 = vector.broadcast %lt3A_1212 : i32 to vector<16xi32>
      %lt3A_1214 = arith.cmpi slt, %xor3A_10, %lt3A_1213 : vector<16xi32>
      %add3A_1215 = arith.constant 16 : i32
      %add3A_1216 = vector.broadcast %add3A_1215 : i32 to vector<16xi32>
      %add3A_1217 = arith.addi %xor3A_10, %add3A_1216 : vector<16xi32>
      %select_n3A_1218 = arith.select %lt3A_1214, %add3A_1217, %xor3A_10 : vector<16xi1>, vector<16xi32>
      %broadcast_in_dim3A_1219 = vector.shape_cast %select_n3A_1218 : vector<16xi32> to vector<16x1xi32>
      %gather3A_1220 = vector.shape_cast %broadcast_in_dim3A_1219 : vector<16x1xi32> to vector<16xi32>
      %gather3A_1221 = tpu.dynamic_gather %min3A_1211[%gather3A_1220] in [0] : vector<16xi32>, vector<16xi32> -> vector<16xi32>
      %min3A_1222 = arith.minsi %min3A_1211, %gather3A_1221 : vector<16xi32>
      %lt3A_1223 = arith.constant 0 : i32
      %lt3A_1224 = vector.broadcast %lt3A_1223 : i32 to vector<16xi32>
      %lt3A_1225 = arith.cmpi slt, %xor3A_13, %lt3A_1224 : vector<16xi32>
      %add3A_1226 = arith.constant 16 : i32
      %add3A_1227 = vector.broadcast %add3A_1226 : i32 to vector<16xi32>
      %add3A_1228 = arith.addi %xor3A_13, %add3A_1227 : vector<16xi32>
      %select_n3A_1229 = arith.select %lt3A_1225, %add3A_1228, %xor3A_13 : vector<16xi1>, vector<16xi32>
      %broadcast_in_dim3A_1230 = vector.shape_cast %select_n3A_1229 : vector<16xi32> to vector<16x1xi32>
      %gather3A_1231 = vector.shape_cast %broadcast_in_dim3A_1230 : vector<16x1xi32> to vector<16xi32>
      %gather3A_1232 = tpu.dynamic_gather %min3A_1222[%gather3A_1231] in [0] : vector<16xi32>, vector<16xi32> -> vector<16xi32>
      %min3A_1233 = arith.minsi %min3A_1222, %gather3A_1232 : vector<16xi32>
      %lt3A_1234 = arith.constant 0 : i32
      %lt3A_1235 = vector.broadcast %lt3A_1234 : i32 to vector<16xi32>
      %lt3A_1236 = arith.cmpi slt, %xor3A_16, %lt3A_1235 : vector<16xi32>
      %add3A_1237 = arith.constant 16 : i32
      %add3A_1238 = vector.broadcast %add3A_1237 : i32 to vector<16xi32>
      %add3A_1239 = arith.addi %xor3A_16, %add3A_1238 : vector<16xi32>
      %select_n3A_1240 = arith.select %lt3A_1236, %add3A_1239, %xor3A_16 : vector<16xi1>, vector<16xi32>
      %broadcast_in_dim3A_1241 = vector.shape_cast %select_n3A_1240 : vector<16xi32> to vector<16x1xi32>
      %gather3A_1242 = vector.shape_cast %broadcast_in_dim3A_1241 : vector<16x1xi32> to vector<16xi32>
      %gather3A_1243 = tpu.dynamic_gather %min3A_1233[%gather3A_1242] in [0] : vector<16xi32>, vector<16xi32> -> vector<16xi32>
      %min3A_1244 = arith.minsi %min3A_1233, %gather3A_1243 : vector<16xi32>
      %lt3A_1245 = arith.constant 0 : i32
      %lt3A_1246 = vector.broadcast %lt3A_1245 : i32 to vector<16xi32>
      %lt3A_1247 = arith.cmpi slt, %xor3A_19, %lt3A_1246 : vector<16xi32>
      %add3A_1248 = arith.constant 16 : i32
      %add3A_1249 = vector.broadcast %add3A_1248 : i32 to vector<16xi32>
      %add3A_1250 = arith.addi %xor3A_19, %add3A_1249 : vector<16xi32>
      %select_n3A_1251 = arith.select %lt3A_1247, %add3A_1250, %xor3A_19 : vector<16xi1>, vector<16xi32>
      %broadcast_in_dim3A_1252 = vector.shape_cast %select_n3A_1251 : vector<16xi32> to vector<16x1xi32>
      %gather3A_1253 = vector.shape_cast %broadcast_in_dim3A_1252 : vector<16x1xi32> to vector<16xi32>
      %gather3A_1254 = tpu.dynamic_gather %min3A_1244[%gather3A_1253] in [0] : vector<16xi32>, vector<16xi32> -> vector<16xi32>
      %min3A_1255 = arith.minsi %min3A_1244, %gather3A_1254 : vector<16xi32>
      %eq3A_1256 = arith.cmpi eq, %add3A_536, %min3A_1255 : vector<16xi32>
      %eq3A_1257 = arith.cmpi eq, %add3A_539, %min3A_1255 : vector<16xi32>
      %eq3A_1258 = arith.cmpi eq, %add3A_542, %min3A_1255 : vector<16xi32>
      %eq3A_1259 = arith.cmpi eq, %add3A_545, %min3A_1255 : vector<16xi32>
      %jit3A_1260 = arith.constant 1.000000e+00 : f32
      %broadcast_in_dim3A_1261 = vector.broadcast %jit3A_1260 : f32 to vector<16xf32>
      %select_n3A_1262 = arith.select %eq3A_1256, %broadcast_in_dim3A_1261, %scan3A_1149 : vector<16xi1>, vector<16xf32>
      %jit3A_1263 = arith.constant 1.000000e+00 : f32
      %broadcast_in_dim3A_1264 = vector.broadcast %jit3A_1263 : f32 to vector<16xf32>
      %select_n3A_1265 = arith.select %eq3A_1257, %broadcast_in_dim3A_1264, %scan3A_1150 : vector<16xi1>, vector<16xf32>
      %jit3A_1266 = arith.constant 1.000000e+00 : f32
      %broadcast_in_dim3A_1267 = vector.broadcast %jit3A_1266 : f32 to vector<16xf32>
      %select_n3A_1268 = arith.select %eq3A_1258, %broadcast_in_dim3A_1267, %scan3A_1151 : vector<16xi1>, vector<16xf32>
      %jit3A_1269 = arith.constant 1.000000e+00 : f32
      %broadcast_in_dim3A_1270 = vector.broadcast %jit3A_1269 : f32 to vector<16xf32>
      %select_n3A_1271 = arith.select %eq3A_1259, %broadcast_in_dim3A_1270, %scan3A_1152 : vector<16xi1>, vector<16xf32>
      %jit3A_1272 = arith.constant -1.000000e+00 : f32
      %broadcast_in_dim3A_1273 = vector.broadcast %jit3A_1272 : f32 to vector<16xf32>
      %select_n3A_1274 = arith.select %eq3A_1256, %broadcast_in_dim3A_1273, %scan3A_1145 : vector<16xi1>, vector<16xf32>
      %jit3A_1275 = arith.constant -1.000000e+00 : f32
      %broadcast_in_dim3A_1276 = vector.broadcast %jit3A_1275 : f32 to vector<16xf32>
      %select_n3A_1277 = arith.select %eq3A_1257, %broadcast_in_dim3A_1276, %scan3A_1146 : vector<16xi1>, vector<16xf32>
      %jit3A_1278 = arith.constant -1.000000e+00 : f32
      %broadcast_in_dim3A_1279 = vector.broadcast %jit3A_1278 : f32 to vector<16xf32>
      %select_n3A_1280 = arith.select %eq3A_1258, %broadcast_in_dim3A_1279, %scan3A_1147 : vector<16xi1>, vector<16xf32>
      %jit3A_1281 = arith.constant -1.000000e+00 : f32
      %broadcast_in_dim3A_1282 = vector.broadcast %jit3A_1281 : f32 to vector<16xf32>
      %select_n3A_1283 = arith.select %eq3A_1259, %broadcast_in_dim3A_1282, %scan3A_1148 : vector<16xi1>, vector<16xf32>
      scf.yield %select_n3A_1274, %select_n3A_1277, %select_n3A_1280, %select_n3A_1283, %select_n3A_1262, %select_n3A_1265, %select_n3A_1268, %select_n3A_1271 : vector<16xf32>, vector<16xf32>, vector<16xf32>, vector<16xf32>, vector<16xf32>, vector<16xf32>, vector<16xf32>, vector<16xf32>
    }
    %scan3A_551 = arith.constant 8 : i32
    %swap3A_552 = arith.constant 7 : i32
    %swap3A_553 = arith.index_cast %swap3A_552 : i32 to index
    %swap3A_554 = arith.constant 0 : index
    %swap3A_555 = tpu.vector_load %arg5[%swap3A_553, %swap3A_554] {strides = array<i32>} : memref<16x64xf32, #tpu.memory_space<vmem>>, vector<1x16xf32>,
    %swap3A_556 = vector.shape_cast %swap3A_555 : vector<1x16xf32> to vector<16xf32>
    %swap3A_557 = vector.shape_cast %scan3A_550#4 : vector<16xf32> to vector<1x16xf32>
    tpu.vector_store %arg5[%swap3A_553, %swap3A_554], %swap3A_557 {strides = array<i32>} : memref<16x64xf32, #tpu.memory_space<vmem>>, vector<1x16xf32>,
    %swap3A_558 = arith.constant 7 : i32
    %swap3A_559 = arith.index_cast %swap3A_558 : i32 to index
    %swap3A_560 = arith.constant 16 : index
    %swap3A_561 = tpu.vector_load %arg5[%swap3A_559, %swap3A_560] {strides = array<i32>} : memref<16x64xf32, #tpu.memory_space<vmem>>, vector<1x16xf32>,
    %swap3A_562 = vector.shape_cast %swap3A_561 : vector<1x16xf32> to vector<16xf32>
    %swap3A_563 = vector.shape_cast %scan3A_550#5 : vector<16xf32> to vector<1x16xf32>
    tpu.vector_store %arg5[%swap3A_559, %swap3A_560], %swap3A_563 {strides = array<i32>} : memref<16x64xf32, #tpu.memory_space<vmem>>, vector<1x16xf32>,
    %swap3A_564 = arith.constant 7 : i32
    %swap3A_565 = arith.index_cast %swap3A_564 : i32 to index
    %swap3A_566 = arith.constant 32 : index
    %swap3A_567 = tpu.vector_load %arg5[%swap3A_565, %swap3A_566] {strides = array<i32>} : memref<16x64xf32, #tpu.memory_space<vmem>>, vector<1x16xf32>,
    %swap3A_568 = vector.shape_cast %swap3A_567 : vector<1x16xf32> to vector<16xf32>
    %swap3A_569 = vector.shape_cast %scan3A_550#6 : vector<16xf32> to vector<1x16xf32>
    tpu.vector_store %arg5[%swap3A_565, %swap3A_566], %swap3A_569 {strides = array<i32>} : memref<16x64xf32, #tpu.memory_space<vmem>>, vector<1x16xf32>,
    %swap3A_570 = arith.constant 7 : i32
    %swap3A_571 = arith.index_cast %swap3A_570 : i32 to index
    %swap3A_572 = arith.constant 48 : index
    %swap3A_573 = tpu.vector_load %arg5[%swap3A_571, %swap3A_572] {strides = array<i32>} : memref<16x64xf32, #tpu.memory_space<vmem>>, vector<1x16xf32>,
    %swap3A_574 = vector.shape_cast %swap3A_573 : vector<1x16xf32> to vector<16xf32>
    %swap3A_575 = vector.shape_cast %scan3A_550#7 : vector<16xf32> to vector<1x16xf32>
    tpu.vector_store %arg5[%swap3A_571, %swap3A_572], %swap3A_575 {strides = array<i32>} : memref<16x64xf32, #tpu.memory_space<vmem>>, vector<1x16xf32>,
    %get3A_576 = arith.constant 8 : i32
    %get3A_577 = arith.index_cast %get3A_576 : i32 to index
    %get3A_578 = arith.constant 0 : index
    %get3A_579 = tpu.vector_load %arg4[%get3A_577, %get3A_578] {strides = array<i32>} : memref<16x64xf32, #tpu.memory_space<vmem>>, vector<1x16xf32>,
    %get3A_580 = vector.shape_cast %get3A_579 : vector<1x16xf32> to vector<16xf32>
    %get3A_581 = arith.constant 8 : i32
    %get3A_582 = arith.index_cast %get3A_581 : i32 to index
    %get3A_583 = arith.constant 16 : index
    %get3A_584 = tpu.vector_load %arg4[%get3A_582, %get3A_583] {strides = array<i32>} : memref<16x64xf32, #tpu.memory_space<vmem>>, vector<1x16xf32>,
    %get3A_585 = vector.shape_cast %get3A_584 : vector<1x16xf32> to vector<16xf32>
    %get3A_586 = arith.constant 8 : i32
    %get3A_587 = arith.index_cast %get3A_586 : i32 to index
    %get3A_588 = arith.constant 32 : index
    %get3A_589 = tpu.vector_load %arg4[%get3A_587, %get3A_588] {strides = array<i32>} : memref<16x64xf32, #tpu.memory_space<vmem>>, vector<1x16xf32>,
    %get3A_590 = vector.shape_cast %get3A_589 : vector<1x16xf32> to vector<16xf32>
    %get3A_591 = arith.constant 8 : i32
    %get3A_592 = arith.index_cast %get3A_591 : i32 to index
    %get3A_593 = arith.constant 48 : index
    %get3A_594 = tpu.vector_load %arg4[%get3A_592, %get3A_593] {strides = array<i32>} : memref<16x64xf32, #tpu.memory_space<vmem>>, vector<1x16xf32>,
    %get3A_595 = vector.shape_cast %get3A_594 : vector<1x16xf32> to vector<16xf32>
    %broadcast_in_dim3A_596 = arith.constant 0.000000e+00 : f32
    %broadcast_in_dim3A_597 = vector.broadcast %broadcast_in_dim3A_596 : f32 to vector<16xf32>
    %broadcast_in_dim3A_598 = arith.constant 0.000000e+00 : f32
    %broadcast_in_dim3A_599 = vector.broadcast %broadcast_in_dim3A_598 : f32 to vector<16xf32>
    %broadcast_in_dim3A_600 = arith.constant 0.000000e+00 : f32
    %broadcast_in_dim3A_601 = vector.broadcast %broadcast_in_dim3A_600 : f32 to vector<16xf32>
    %broadcast_in_dim3A_602 = arith.constant 0.000000e+00 : f32
    %broadcast_in_dim3A_603 = vector.broadcast %broadcast_in_dim3A_602 : f32 to vector<16xf32>
    %add3A_604 = arith.constant 0 : i32
    %add3A_605 = vector.broadcast %add3A_604 : i32 to vector<16xi32>
    %add3A_606 = arith.addi %iota3A, %add3A_605 : vector<16xi32>
    %add3A_607 = arith.constant 16 : i32
    %add3A_608 = vector.broadcast %add3A_607 : i32 to vector<16xi32>
    %add3A_609 = arith.addi %iota3A, %add3A_608 : vector<16xi32>
    %add3A_610 = arith.constant 32 : i32
    %add3A_611 = vector.broadcast %add3A_610 : i32 to vector<16xi32>
    %add3A_612 = arith.addi %iota3A, %add3A_611 : vector<16xi32>
    %add3A_613 = arith.constant 48 : i32
    %add3A_614 = vector.broadcast %add3A_613 : i32 to vector<16xi32>
    %add3A_615 = arith.addi %iota3A, %add3A_614 : vector<16xi32>
    %scan3A_616 = arith.constant 0 : i32
    %scan3A_617 = arith.constant 8 : i32
    %scan3A_618 = arith.addi %scan3A_616, %scan3A_617 : i32
    %scan3A_619 = arith.constant 1 : i32
    %scan3A_620:8 = scf.for %scan3A_1144 = %scan3A_616 to %scan3A_618 step %scan3A_619 iter_args(%scan3A_1145 = %get3A_580, %scan3A_1146 = %get3A_585, %scan3A_1147 = %get3A_590, %scan3A_1148 = %get3A_595, %scan3A_1149 = %broadcast_in_dim3A_597, %scan3A_1150 = %broadcast_in_dim3A_599, %scan3A_1151 = %broadcast_in_dim3A_601, %scan3A_1152 = %broadcast_in_dim3A_603) -> (vector<16xf32>, vector<16xf32>, vector<16xf32>, vector<16xf32>, vector<16xf32>, vector<16xf32>, vector<16xf32>, vector<16xf32>)  : i32 {
      %max3A = arith.maximumf %scan3A_1145, %scan3A_1146 : vector<16xf32>
      %max3A_1153 = arith.maximumf %scan3A_1147, %scan3A_1148 : vector<16xf32>
      %max3A_1154 = arith.maximumf %max3A, %max3A_1153 : vector<16xf32>
      %lt3A = arith.constant 0 : i32
      %lt3A_1155 = vector.broadcast %lt3A : i32 to vector<16xi32>
      %lt3A_1156 = arith.cmpi slt, %xor3A_10, %lt3A_1155 : vector<16xi32>
      %add3A_1157 = arith.constant 16 : i32
      %add3A_1158 = vector.broadcast %add3A_1157 : i32 to vector<16xi32>
      %add3A_1159 = arith.addi %xor3A_10, %add3A_1158 : vector<16xi32>
      %select_n3A = arith.select %lt3A_1156, %add3A_1159, %xor3A_10 : vector<16xi1>, vector<16xi32>
      %broadcast_in_dim3A_1160 = vector.shape_cast %select_n3A : vector<16xi32> to vector<16x1xi32>
      %gather3A = vector.shape_cast %broadcast_in_dim3A_1160 : vector<16x1xi32> to vector<16xi32>
      %gather3A_1161 = tpu.dynamic_gather %max3A_1154[%gather3A] in [0] : vector<16xf32>, vector<16xi32> -> vector<16xf32>
      %max3A_1162 = arith.maximumf %max3A_1154, %gather3A_1161 : vector<16xf32>
      %lt3A_1163 = arith.constant 0 : i32
      %lt3A_1164 = vector.broadcast %lt3A_1163 : i32 to vector<16xi32>
      %lt3A_1165 = arith.cmpi slt, %xor3A_13, %lt3A_1164 : vector<16xi32>
      %add3A_1166 = arith.constant 16 : i32
      %add3A_1167 = vector.broadcast %add3A_1166 : i32 to vector<16xi32>
      %add3A_1168 = arith.addi %xor3A_13, %add3A_1167 : vector<16xi32>
      %select_n3A_1169 = arith.select %lt3A_1165, %add3A_1168, %xor3A_13 : vector<16xi1>, vector<16xi32>
      %broadcast_in_dim3A_1170 = vector.shape_cast %select_n3A_1169 : vector<16xi32> to vector<16x1xi32>
      %gather3A_1171 = vector.shape_cast %broadcast_in_dim3A_1170 : vector<16x1xi32> to vector<16xi32>
      %gather3A_1172 = tpu.dynamic_gather %max3A_1162[%gather3A_1171] in [0] : vector<16xf32>, vector<16xi32> -> vector<16xf32>
      %max3A_1173 = arith.maximumf %max3A_1162, %gather3A_1172 : vector<16xf32>
      %lt3A_1174 = arith.constant 0 : i32
      %lt3A_1175 = vector.broadcast %lt3A_1174 : i32 to vector<16xi32>
      %lt3A_1176 = arith.cmpi slt, %xor3A_16, %lt3A_1175 : vector<16xi32>
      %add3A_1177 = arith.constant 16 : i32
      %add3A_1178 = vector.broadcast %add3A_1177 : i32 to vector<16xi32>
      %add3A_1179 = arith.addi %xor3A_16, %add3A_1178 : vector<16xi32>
      %select_n3A_1180 = arith.select %lt3A_1176, %add3A_1179, %xor3A_16 : vector<16xi1>, vector<16xi32>
      %broadcast_in_dim3A_1181 = vector.shape_cast %select_n3A_1180 : vector<16xi32> to vector<16x1xi32>
      %gather3A_1182 = vector.shape_cast %broadcast_in_dim3A_1181 : vector<16x1xi32> to vector<16xi32>
      %gather3A_1183 = tpu.dynamic_gather %max3A_1173[%gather3A_1182] in [0] : vector<16xf32>, vector<16xi32> -> vector<16xf32>
      %max3A_1184 = arith.maximumf %max3A_1173, %gather3A_1183 : vector<16xf32>
      %lt3A_1185 = arith.constant 0 : i32
      %lt3A_1186 = vector.broadcast %lt3A_1185 : i32 to vector<16xi32>
      %lt3A_1187 = arith.cmpi slt, %xor3A_19, %lt3A_1186 : vector<16xi32>
      %add3A_1188 = arith.constant 16 : i32
      %add3A_1189 = vector.broadcast %add3A_1188 : i32 to vector<16xi32>
      %add3A_1190 = arith.addi %xor3A_19, %add3A_1189 : vector<16xi32>
      %select_n3A_1191 = arith.select %lt3A_1187, %add3A_1190, %xor3A_19 : vector<16xi1>, vector<16xi32>
      %broadcast_in_dim3A_1192 = vector.shape_cast %select_n3A_1191 : vector<16xi32> to vector<16x1xi32>
      %gather3A_1193 = vector.shape_cast %broadcast_in_dim3A_1192 : vector<16x1xi32> to vector<16xi32>
      %gather3A_1194 = tpu.dynamic_gather %max3A_1184[%gather3A_1193] in [0] : vector<16xf32>, vector<16xi32> -> vector<16xf32>
      %max3A_1195 = arith.maximumf %max3A_1184, %gather3A_1194 : vector<16xf32>
      %eq3A = arith.cmpf oeq, %scan3A_1145, %max3A_1195 : vector<16xf32>
      %jit3A = arith.constant 64 : i32
      %broadcast_in_dim3A_1196 = vector.broadcast %jit3A : i32 to vector<16xi32>
      %select_n3A_1197 = arith.select %eq3A, %add3A_606, %broadcast_in_dim3A_1196 : vector<16xi1>, vector<16xi32>
      %eq3A_1198 = arith.cmpf oeq, %scan3A_1146, %max3A_1195 : vector<16xf32>
      %jit3A_1199 = arith.constant 64 : i32
      %broadcast_in_dim3A_1200 = vector.broadcast %jit3A_1199 : i32 to vector<16xi32>
      %select_n3A_1201 = arith.select %eq3A_1198, %add3A_609, %broadcast_in_dim3A_1200 : vector<16xi1>, vector<16xi32>
      %eq3A_1202 = arith.cmpf oeq, %scan3A_1147, %max3A_1195 : vector<16xf32>
      %jit3A_1203 = arith.constant 64 : i32
      %broadcast_in_dim3A_1204 = vector.broadcast %jit3A_1203 : i32 to vector<16xi32>
      %select_n3A_1205 = arith.select %eq3A_1202, %add3A_612, %broadcast_in_dim3A_1204 : vector<16xi1>, vector<16xi32>
      %eq3A_1206 = arith.cmpf oeq, %scan3A_1148, %max3A_1195 : vector<16xf32>
      %jit3A_1207 = arith.constant 64 : i32
      %broadcast_in_dim3A_1208 = vector.broadcast %jit3A_1207 : i32 to vector<16xi32>
      %select_n3A_1209 = arith.select %eq3A_1206, %add3A_615, %broadcast_in_dim3A_1208 : vector<16xi1>, vector<16xi32>
      %min3A = arith.minsi %select_n3A_1197, %select_n3A_1201 : vector<16xi32>
      %min3A_1210 = arith.minsi %select_n3A_1205, %select_n3A_1209 : vector<16xi32>
      %min3A_1211 = arith.minsi %min3A, %min3A_1210 : vector<16xi32>
      %lt3A_1212 = arith.constant 0 : i32
      %lt3A_1213 = vector.broadcast %lt3A_1212 : i32 to vector<16xi32>
      %lt3A_1214 = arith.cmpi slt, %xor3A_10, %lt3A_1213 : vector<16xi32>
      %add3A_1215 = arith.constant 16 : i32
      %add3A_1216 = vector.broadcast %add3A_1215 : i32 to vector<16xi32>
      %add3A_1217 = arith.addi %xor3A_10, %add3A_1216 : vector<16xi32>
      %select_n3A_1218 = arith.select %lt3A_1214, %add3A_1217, %xor3A_10 : vector<16xi1>, vector<16xi32>
      %broadcast_in_dim3A_1219 = vector.shape_cast %select_n3A_1218 : vector<16xi32> to vector<16x1xi32>
      %gather3A_1220 = vector.shape_cast %broadcast_in_dim3A_1219 : vector<16x1xi32> to vector<16xi32>
      %gather3A_1221 = tpu.dynamic_gather %min3A_1211[%gather3A_1220] in [0] : vector<16xi32>, vector<16xi32> -> vector<16xi32>
      %min3A_1222 = arith.minsi %min3A_1211, %gather3A_1221 : vector<16xi32>
      %lt3A_1223 = arith.constant 0 : i32
      %lt3A_1224 = vector.broadcast %lt3A_1223 : i32 to vector<16xi32>
      %lt3A_1225 = arith.cmpi slt, %xor3A_13, %lt3A_1224 : vector<16xi32>
      %add3A_1226 = arith.constant 16 : i32
      %add3A_1227 = vector.broadcast %add3A_1226 : i32 to vector<16xi32>
      %add3A_1228 = arith.addi %xor3A_13, %add3A_1227 : vector<16xi32>
      %select_n3A_1229 = arith.select %lt3A_1225, %add3A_1228, %xor3A_13 : vector<16xi1>, vector<16xi32>
      %broadcast_in_dim3A_1230 = vector.shape_cast %select_n3A_1229 : vector<16xi32> to vector<16x1xi32>
      %gather3A_1231 = vector.shape_cast %broadcast_in_dim3A_1230 : vector<16x1xi32> to vector<16xi32>
      %gather3A_1232 = tpu.dynamic_gather %min3A_1222[%gather3A_1231] in [0] : vector<16xi32>, vector<16xi32> -> vector<16xi32>
      %min3A_1233 = arith.minsi %min3A_1222, %gather3A_1232 : vector<16xi32>
      %lt3A_1234 = arith.constant 0 : i32
      %lt3A_1235 = vector.broadcast %lt3A_1234 : i32 to vector<16xi32>
      %lt3A_1236 = arith.cmpi slt, %xor3A_16, %lt3A_1235 : vector<16xi32>
      %add3A_1237 = arith.constant 16 : i32
      %add3A_1238 = vector.broadcast %add3A_1237 : i32 to vector<16xi32>
      %add3A_1239 = arith.addi %xor3A_16, %add3A_1238 : vector<16xi32>
      %select_n3A_1240 = arith.select %lt3A_1236, %add3A_1239, %xor3A_16 : vector<16xi1>, vector<16xi32>
      %broadcast_in_dim3A_1241 = vector.shape_cast %select_n3A_1240 : vector<16xi32> to vector<16x1xi32>
      %gather3A_1242 = vector.shape_cast %broadcast_in_dim3A_1241 : vector<16x1xi32> to vector<16xi32>
      %gather3A_1243 = tpu.dynamic_gather %min3A_1233[%gather3A_1242] in [0] : vector<16xi32>, vector<16xi32> -> vector<16xi32>
      %min3A_1244 = arith.minsi %min3A_1233, %gather3A_1243 : vector<16xi32>
      %lt3A_1245 = arith.constant 0 : i32
      %lt3A_1246 = vector.broadcast %lt3A_1245 : i32 to vector<16xi32>
      %lt3A_1247 = arith.cmpi slt, %xor3A_19, %lt3A_1246 : vector<16xi32>
      %add3A_1248 = arith.constant 16 : i32
      %add3A_1249 = vector.broadcast %add3A_1248 : i32 to vector<16xi32>
      %add3A_1250 = arith.addi %xor3A_19, %add3A_1249 : vector<16xi32>
      %select_n3A_1251 = arith.select %lt3A_1247, %add3A_1250, %xor3A_19 : vector<16xi1>, vector<16xi32>
      %broadcast_in_dim3A_1252 = vector.shape_cast %select_n3A_1251 : vector<16xi32> to vector<16x1xi32>
      %gather3A_1253 = vector.shape_cast %broadcast_in_dim3A_1252 : vector<16x1xi32> to vector<16xi32>
      %gather3A_1254 = tpu.dynamic_gather %min3A_1244[%gather3A_1253] in [0] : vector<16xi32>, vector<16xi32> -> vector<16xi32>
      %min3A_1255 = arith.minsi %min3A_1244, %gather3A_1254 : vector<16xi32>
      %eq3A_1256 = arith.cmpi eq, %add3A_606, %min3A_1255 : vector<16xi32>
      %eq3A_1257 = arith.cmpi eq, %add3A_609, %min3A_1255 : vector<16xi32>
      %eq3A_1258 = arith.cmpi eq, %add3A_612, %min3A_1255 : vector<16xi32>
      %eq3A_1259 = arith.cmpi eq, %add3A_615, %min3A_1255 : vector<16xi32>
      %jit3A_1260 = arith.constant 1.000000e+00 : f32
      %broadcast_in_dim3A_1261 = vector.broadcast %jit3A_1260 : f32 to vector<16xf32>
      %select_n3A_1262 = arith.select %eq3A_1256, %broadcast_in_dim3A_1261, %scan3A_1149 : vector<16xi1>, vector<16xf32>
      %jit3A_1263 = arith.constant 1.000000e+00 : f32
      %broadcast_in_dim3A_1264 = vector.broadcast %jit3A_1263 : f32 to vector<16xf32>
      %select_n3A_1265 = arith.select %eq3A_1257, %broadcast_in_dim3A_1264, %scan3A_1150 : vector<16xi1>, vector<16xf32>
      %jit3A_1266 = arith.constant 1.000000e+00 : f32
      %broadcast_in_dim3A_1267 = vector.broadcast %jit3A_1266 : f32 to vector<16xf32>
      %select_n3A_1268 = arith.select %eq3A_1258, %broadcast_in_dim3A_1267, %scan3A_1151 : vector<16xi1>, vector<16xf32>
      %jit3A_1269 = arith.constant 1.000000e+00 : f32
      %broadcast_in_dim3A_1270 = vector.broadcast %jit3A_1269 : f32 to vector<16xf32>
      %select_n3A_1271 = arith.select %eq3A_1259, %broadcast_in_dim3A_1270, %scan3A_1152 : vector<16xi1>, vector<16xf32>
      %jit3A_1272 = arith.constant -1.000000e+00 : f32
      %broadcast_in_dim3A_1273 = vector.broadcast %jit3A_1272 : f32 to vector<16xf32>
      %select_n3A_1274 = arith.select %eq3A_1256, %broadcast_in_dim3A_1273, %scan3A_1145 : vector<16xi1>, vector<16xf32>
      %jit3A_1275 = arith.constant -1.000000e+00 : f32
      %broadcast_in_dim3A_1276 = vector.broadcast %jit3A_1275 : f32 to vector<16xf32>
      %select_n3A_1277 = arith.select %eq3A_1257, %broadcast_in_dim3A_1276, %scan3A_1146 : vector<16xi1>, vector<16xf32>
      %jit3A_1278 = arith.constant -1.000000e+00 : f32
      %broadcast_in_dim3A_1279 = vector.broadcast %jit3A_1278 : f32 to vector<16xf32>
      %select_n3A_1280 = arith.select %eq3A_1258, %broadcast_in_dim3A_1279, %scan3A_1147 : vector<16xi1>, vector<16xf32>
      %jit3A_1281 = arith.constant -1.000000e+00 : f32
      %broadcast_in_dim3A_1282 = vector.broadcast %jit3A_1281 : f32 to vector<16xf32>
      %select_n3A_1283 = arith.select %eq3A_1259, %broadcast_in_dim3A_1282, %scan3A_1148 : vector<16xi1>, vector<16xf32>
      scf.yield %select_n3A_1274, %select_n3A_1277, %select_n3A_1280, %select_n3A_1283, %select_n3A_1262, %select_n3A_1265, %select_n3A_1268, %select_n3A_1271 : vector<16xf32>, vector<16xf32>, vector<16xf32>, vector<16xf32>, vector<16xf32>, vector<16xf32>, vector<16xf32>, vector<16xf32>
    }
    %scan3A_621 = arith.constant 8 : i32
    %swap3A_622 = arith.constant 8 : i32
    %swap3A_623 = arith.index_cast %swap3A_622 : i32 to index
    %swap3A_624 = arith.constant 0 : index
    %swap3A_625 = tpu.vector_load %arg5[%swap3A_623, %swap3A_624] {strides = array<i32>} : memref<16x64xf32, #tpu.memory_space<vmem>>, vector<1x16xf32>,
    %swap3A_626 = vector.shape_cast %swap3A_625 : vector<1x16xf32> to vector<16xf32>
    %swap3A_627 = vector.shape_cast %scan3A_620#4 : vector<16xf32> to vector<1x16xf32>
    tpu.vector_store %arg5[%swap3A_623, %swap3A_624], %swap3A_627 {strides = array<i32>} : memref<16x64xf32, #tpu.memory_space<vmem>>, vector<1x16xf32>,
    %swap3A_628 = arith.constant 8 : i32
    %swap3A_629 = arith.index_cast %swap3A_628 : i32 to index
    %swap3A_630 = arith.constant 16 : index
    %swap3A_631 = tpu.vector_load %arg5[%swap3A_629, %swap3A_630] {strides = array<i32>} : memref<16x64xf32, #tpu.memory_space<vmem>>, vector<1x16xf32>,
    %swap3A_632 = vector.shape_cast %swap3A_631 : vector<1x16xf32> to vector<16xf32>
    %swap3A_633 = vector.shape_cast %scan3A_620#5 : vector<16xf32> to vector<1x16xf32>
    tpu.vector_store %arg5[%swap3A_629, %swap3A_630], %swap3A_633 {strides = array<i32>} : memref<16x64xf32, #tpu.memory_space<vmem>>, vector<1x16xf32>,
    %swap3A_634 = arith.constant 8 : i32
    %swap3A_635 = arith.index_cast %swap3A_634 : i32 to index
    %swap3A_636 = arith.constant 32 : index
    %swap3A_637 = tpu.vector_load %arg5[%swap3A_635, %swap3A_636] {strides = array<i32>} : memref<16x64xf32, #tpu.memory_space<vmem>>, vector<1x16xf32>,
    %swap3A_638 = vector.shape_cast %swap3A_637 : vector<1x16xf32> to vector<16xf32>
    %swap3A_639 = vector.shape_cast %scan3A_620#6 : vector<16xf32> to vector<1x16xf32>
    tpu.vector_store %arg5[%swap3A_635, %swap3A_636], %swap3A_639 {strides = array<i32>} : memref<16x64xf32, #tpu.memory_space<vmem>>, vector<1x16xf32>,
    %swap3A_640 = arith.constant 8 : i32
    %swap3A_641 = arith.index_cast %swap3A_640 : i32 to index
    %swap3A_642 = arith.constant 48 : index
    %swap3A_643 = tpu.vector_load %arg5[%swap3A_641, %swap3A_642] {strides = array<i32>} : memref<16x64xf32, #tpu.memory_space<vmem>>, vector<1x16xf32>,
    %swap3A_644 = vector.shape_cast %swap3A_643 : vector<1x16xf32> to vector<16xf32>
    %swap3A_645 = vector.shape_cast %scan3A_620#7 : vector<16xf32> to vector<1x16xf32>
    tpu.vector_store %arg5[%swap3A_641, %swap3A_642], %swap3A_645 {strides = array<i32>} : memref<16x64xf32, #tpu.memory_space<vmem>>, vector<1x16xf32>,
    %get3A_646 = arith.constant 9 : i32
    %get3A_647 = arith.index_cast %get3A_646 : i32 to index
    %get3A_648 = arith.constant 0 : index
    %get3A_649 = tpu.vector_load %arg4[%get3A_647, %get3A_648] {strides = array<i32>} : memref<16x64xf32, #tpu.memory_space<vmem>>, vector<1x16xf32>,
    %get3A_650 = vector.shape_cast %get3A_649 : vector<1x16xf32> to vector<16xf32>
    %get3A_651 = arith.constant 9 : i32
    %get3A_652 = arith.index_cast %get3A_651 : i32 to index
    %get3A_653 = arith.constant 16 : index
    %get3A_654 = tpu.vector_load %arg4[%get3A_652, %get3A_653] {strides = array<i32>} : memref<16x64xf32, #tpu.memory_space<vmem>>, vector<1x16xf32>,
    %get3A_655 = vector.shape_cast %get3A_654 : vector<1x16xf32> to vector<16xf32>
    %get3A_656 = arith.constant 9 : i32
    %get3A_657 = arith.index_cast %get3A_656 : i32 to index
    %get3A_658 = arith.constant 32 : index
    %get3A_659 = tpu.vector_load %arg4[%get3A_657, %get3A_658] {strides = array<i32>} : memref<16x64xf32, #tpu.memory_space<vmem>>, vector<1x16xf32>,
    %get3A_660 = vector.shape_cast %get3A_659 : vector<1x16xf32> to vector<16xf32>
    %get3A_661 = arith.constant 9 : i32
    %get3A_662 = arith.index_cast %get3A_661 : i32 to index
    %get3A_663 = arith.constant 48 : index
    %get3A_664 = tpu.vector_load %arg4[%get3A_662, %get3A_663] {strides = array<i32>} : memref<16x64xf32, #tpu.memory_space<vmem>>, vector<1x16xf32>,
    %get3A_665 = vector.shape_cast %get3A_664 : vector<1x16xf32> to vector<16xf32>
    %broadcast_in_dim3A_666 = arith.constant 0.000000e+00 : f32
    %broadcast_in_dim3A_667 = vector.broadcast %broadcast_in_dim3A_666 : f32 to vector<16xf32>
    %broadcast_in_dim3A_668 = arith.constant 0.000000e+00 : f32
    %broadcast_in_dim3A_669 = vector.broadcast %broadcast_in_dim3A_668 : f32 to vector<16xf32>
    %broadcast_in_dim3A_670 = arith.constant 0.000000e+00 : f32
    %broadcast_in_dim3A_671 = vector.broadcast %broadcast_in_dim3A_670 : f32 to vector<16xf32>
    %broadcast_in_dim3A_672 = arith.constant 0.000000e+00 : f32
    %broadcast_in_dim3A_673 = vector.broadcast %broadcast_in_dim3A_672 : f32 to vector<16xf32>
    %add3A_674 = arith.constant 0 : i32
    %add3A_675 = vector.broadcast %add3A_674 : i32 to vector<16xi32>
    %add3A_676 = arith.addi %iota3A, %add3A_675 : vector<16xi32>
    %add3A_677 = arith.constant 16 : i32
    %add3A_678 = vector.broadcast %add3A_677 : i32 to vector<16xi32>
    %add3A_679 = arith.addi %iota3A, %add3A_678 : vector<16xi32>
    %add3A_680 = arith.constant 32 : i32
    %add3A_681 = vector.broadcast %add3A_680 : i32 to vector<16xi32>
    %add3A_682 = arith.addi %iota3A, %add3A_681 : vector<16xi32>
    %add3A_683 = arith.constant 48 : i32
    %add3A_684 = vector.broadcast %add3A_683 : i32 to vector<16xi32>
    %add3A_685 = arith.addi %iota3A, %add3A_684 : vector<16xi32>
    %scan3A_686 = arith.constant 0 : i32
    %scan3A_687 = arith.constant 8 : i32
    %scan3A_688 = arith.addi %scan3A_686, %scan3A_687 : i32
    %scan3A_689 = arith.constant 1 : i32
    %scan3A_690:8 = scf.for %scan3A_1144 = %scan3A_686 to %scan3A_688 step %scan3A_689 iter_args(%scan3A_1145 = %get3A_650, %scan3A_1146 = %get3A_655, %scan3A_1147 = %get3A_660, %scan3A_1148 = %get3A_665, %scan3A_1149 = %broadcast_in_dim3A_667, %scan3A_1150 = %broadcast_in_dim3A_669, %scan3A_1151 = %broadcast_in_dim3A_671, %scan3A_1152 = %broadcast_in_dim3A_673) -> (vector<16xf32>, vector<16xf32>, vector<16xf32>, vector<16xf32>, vector<16xf32>, vector<16xf32>, vector<16xf32>, vector<16xf32>)  : i32 {
      %max3A = arith.maximumf %scan3A_1145, %scan3A_1146 : vector<16xf32>
      %max3A_1153 = arith.maximumf %scan3A_1147, %scan3A_1148 : vector<16xf32>
      %max3A_1154 = arith.maximumf %max3A, %max3A_1153 : vector<16xf32>
      %lt3A = arith.constant 0 : i32
      %lt3A_1155 = vector.broadcast %lt3A : i32 to vector<16xi32>
      %lt3A_1156 = arith.cmpi slt, %xor3A_10, %lt3A_1155 : vector<16xi32>
      %add3A_1157 = arith.constant 16 : i32
      %add3A_1158 = vector.broadcast %add3A_1157 : i32 to vector<16xi32>
      %add3A_1159 = arith.addi %xor3A_10, %add3A_1158 : vector<16xi32>
      %select_n3A = arith.select %lt3A_1156, %add3A_1159, %xor3A_10 : vector<16xi1>, vector<16xi32>
      %broadcast_in_dim3A_1160 = vector.shape_cast %select_n3A : vector<16xi32> to vector<16x1xi32>
      %gather3A = vector.shape_cast %broadcast_in_dim3A_1160 : vector<16x1xi32> to vector<16xi32>
      %gather3A_1161 = tpu.dynamic_gather %max3A_1154[%gather3A] in [0] : vector<16xf32>, vector<16xi32> -> vector<16xf32>
      %max3A_1162 = arith.maximumf %max3A_1154, %gather3A_1161 : vector<16xf32>
      %lt3A_1163 = arith.constant 0 : i32
      %lt3A_1164 = vector.broadcast %lt3A_1163 : i32 to vector<16xi32>
      %lt3A_1165 = arith.cmpi slt, %xor3A_13, %lt3A_1164 : vector<16xi32>
      %add3A_1166 = arith.constant 16 : i32
      %add3A_1167 = vector.broadcast %add3A_1166 : i32 to vector<16xi32>
      %add3A_1168 = arith.addi %xor3A_13, %add3A_1167 : vector<16xi32>
      %select_n3A_1169 = arith.select %lt3A_1165, %add3A_1168, %xor3A_13 : vector<16xi1>, vector<16xi32>
      %broadcast_in_dim3A_1170 = vector.shape_cast %select_n3A_1169 : vector<16xi32> to vector<16x1xi32>
      %gather3A_1171 = vector.shape_cast %broadcast_in_dim3A_1170 : vector<16x1xi32> to vector<16xi32>
      %gather3A_1172 = tpu.dynamic_gather %max3A_1162[%gather3A_1171] in [0] : vector<16xf32>, vector<16xi32> -> vector<16xf32>
      %max3A_1173 = arith.maximumf %max3A_1162, %gather3A_1172 : vector<16xf32>
      %lt3A_1174 = arith.constant 0 : i32
      %lt3A_1175 = vector.broadcast %lt3A_1174 : i32 to vector<16xi32>
      %lt3A_1176 = arith.cmpi slt, %xor3A_16, %lt3A_1175 : vector<16xi32>
      %add3A_1177 = arith.constant 16 : i32
      %add3A_1178 = vector.broadcast %add3A_1177 : i32 to vector<16xi32>
      %add3A_1179 = arith.addi %xor3A_16, %add3A_1178 : vector<16xi32>
      %select_n3A_1180 = arith.select %lt3A_1176, %add3A_1179, %xor3A_16 : vector<16xi1>, vector<16xi32>
      %broadcast_in_dim3A_1181 = vector.shape_cast %select_n3A_1180 : vector<16xi32> to vector<16x1xi32>
      %gather3A_1182 = vector.shape_cast %broadcast_in_dim3A_1181 : vector<16x1xi32> to vector<16xi32>
      %gather3A_1183 = tpu.dynamic_gather %max3A_1173[%gather3A_1182] in [0] : vector<16xf32>, vector<16xi32> -> vector<16xf32>
      %max3A_1184 = arith.maximumf %max3A_1173, %gather3A_1183 : vector<16xf32>
      %lt3A_1185 = arith.constant 0 : i32
      %lt3A_1186 = vector.broadcast %lt3A_1185 : i32 to vector<16xi32>
      %lt3A_1187 = arith.cmpi slt, %xor3A_19, %lt3A_1186 : vector<16xi32>
      %add3A_1188 = arith.constant 16 : i32
      %add3A_1189 = vector.broadcast %add3A_1188 : i32 to vector<16xi32>
      %add3A_1190 = arith.addi %xor3A_19, %add3A_1189 : vector<16xi32>
      %select_n3A_1191 = arith.select %lt3A_1187, %add3A_1190, %xor3A_19 : vector<16xi1>, vector<16xi32>
      %broadcast_in_dim3A_1192 = vector.shape_cast %select_n3A_1191 : vector<16xi32> to vector<16x1xi32>
      %gather3A_1193 = vector.shape_cast %broadcast_in_dim3A_1192 : vector<16x1xi32> to vector<16xi32>
      %gather3A_1194 = tpu.dynamic_gather %max3A_1184[%gather3A_1193] in [0] : vector<16xf32>, vector<16xi32> -> vector<16xf32>
      %max3A_1195 = arith.maximumf %max3A_1184, %gather3A_1194 : vector<16xf32>
      %eq3A = arith.cmpf oeq, %scan3A_1145, %max3A_1195 : vector<16xf32>
      %jit3A = arith.constant 64 : i32
      %broadcast_in_dim3A_1196 = vector.broadcast %jit3A : i32 to vector<16xi32>
      %select_n3A_1197 = arith.select %eq3A, %add3A_676, %broadcast_in_dim3A_1196 : vector<16xi1>, vector<16xi32>
      %eq3A_1198 = arith.cmpf oeq, %scan3A_1146, %max3A_1195 : vector<16xf32>
      %jit3A_1199 = arith.constant 64 : i32
      %broadcast_in_dim3A_1200 = vector.broadcast %jit3A_1199 : i32 to vector<16xi32>
      %select_n3A_1201 = arith.select %eq3A_1198, %add3A_679, %broadcast_in_dim3A_1200 : vector<16xi1>, vector<16xi32>
      %eq3A_1202 = arith.cmpf oeq, %scan3A_1147, %max3A_1195 : vector<16xf32>
      %jit3A_1203 = arith.constant 64 : i32
      %broadcast_in_dim3A_1204 = vector.broadcast %jit3A_1203 : i32 to vector<16xi32>
      %select_n3A_1205 = arith.select %eq3A_1202, %add3A_682, %broadcast_in_dim3A_1204 : vector<16xi1>, vector<16xi32>
      %eq3A_1206 = arith.cmpf oeq, %scan3A_1148, %max3A_1195 : vector<16xf32>
      %jit3A_1207 = arith.constant 64 : i32
      %broadcast_in_dim3A_1208 = vector.broadcast %jit3A_1207 : i32 to vector<16xi32>
      %select_n3A_1209 = arith.select %eq3A_1206, %add3A_685, %broadcast_in_dim3A_1208 : vector<16xi1>, vector<16xi32>
      %min3A = arith.minsi %select_n3A_1197, %select_n3A_1201 : vector<16xi32>
      %min3A_1210 = arith.minsi %select_n3A_1205, %select_n3A_1209 : vector<16xi32>
      %min3A_1211 = arith.minsi %min3A, %min3A_1210 : vector<16xi32>
      %lt3A_1212 = arith.constant 0 : i32
      %lt3A_1213 = vector.broadcast %lt3A_1212 : i32 to vector<16xi32>
      %lt3A_1214 = arith.cmpi slt, %xor3A_10, %lt3A_1213 : vector<16xi32>
      %add3A_1215 = arith.constant 16 : i32
      %add3A_1216 = vector.broadcast %add3A_1215 : i32 to vector<16xi32>
      %add3A_1217 = arith.addi %xor3A_10, %add3A_1216 : vector<16xi32>
      %select_n3A_1218 = arith.select %lt3A_1214, %add3A_1217, %xor3A_10 : vector<16xi1>, vector<16xi32>
      %broadcast_in_dim3A_1219 = vector.shape_cast %select_n3A_1218 : vector<16xi32> to vector<16x1xi32>
      %gather3A_1220 = vector.shape_cast %broadcast_in_dim3A_1219 : vector<16x1xi32> to vector<16xi32>
      %gather3A_1221 = tpu.dynamic_gather %min3A_1211[%gather3A_1220] in [0] : vector<16xi32>, vector<16xi32> -> vector<16xi32>
      %min3A_1222 = arith.minsi %min3A_1211, %gather3A_1221 : vector<16xi32>
      %lt3A_1223 = arith.constant 0 : i32
      %lt3A_1224 = vector.broadcast %lt3A_1223 : i32 to vector<16xi32>
      %lt3A_1225 = arith.cmpi slt, %xor3A_13, %lt3A_1224 : vector<16xi32>
      %add3A_1226 = arith.constant 16 : i32
      %add3A_1227 = vector.broadcast %add3A_1226 : i32 to vector<16xi32>
      %add3A_1228 = arith.addi %xor3A_13, %add3A_1227 : vector<16xi32>
      %select_n3A_1229 = arith.select %lt3A_1225, %add3A_1228, %xor3A_13 : vector<16xi1>, vector<16xi32>
      %broadcast_in_dim3A_1230 = vector.shape_cast %select_n3A_1229 : vector<16xi32> to vector<16x1xi32>
      %gather3A_1231 = vector.shape_cast %broadcast_in_dim3A_1230 : vector<16x1xi32> to vector<16xi32>
      %gather3A_1232 = tpu.dynamic_gather %min3A_1222[%gather3A_1231] in [0] : vector<16xi32>, vector<16xi32> -> vector<16xi32>
      %min3A_1233 = arith.minsi %min3A_1222, %gather3A_1232 : vector<16xi32>
      %lt3A_1234 = arith.constant 0 : i32
      %lt3A_1235 = vector.broadcast %lt3A_1234 : i32 to vector<16xi32>
      %lt3A_1236 = arith.cmpi slt, %xor3A_16, %lt3A_1235 : vector<16xi32>
      %add3A_1237 = arith.constant 16 : i32
      %add3A_1238 = vector.broadcast %add3A_1237 : i32 to vector<16xi32>
      %add3A_1239 = arith.addi %xor3A_16, %add3A_1238 : vector<16xi32>
      %select_n3A_1240 = arith.select %lt3A_1236, %add3A_1239, %xor3A_16 : vector<16xi1>, vector<16xi32>
      %broadcast_in_dim3A_1241 = vector.shape_cast %select_n3A_1240 : vector<16xi32> to vector<16x1xi32>
      %gather3A_1242 = vector.shape_cast %broadcast_in_dim3A_1241 : vector<16x1xi32> to vector<16xi32>
      %gather3A_1243 = tpu.dynamic_gather %min3A_1233[%gather3A_1242] in [0] : vector<16xi32>, vector<16xi32> -> vector<16xi32>
      %min3A_1244 = arith.minsi %min3A_1233, %gather3A_1243 : vector<16xi32>
      %lt3A_1245 = arith.constant 0 : i32
      %lt3A_1246 = vector.broadcast %lt3A_1245 : i32 to vector<16xi32>
      %lt3A_1247 = arith.cmpi slt, %xor3A_19, %lt3A_1246 : vector<16xi32>
      %add3A_1248 = arith.constant 16 : i32
      %add3A_1249 = vector.broadcast %add3A_1248 : i32 to vector<16xi32>
      %add3A_1250 = arith.addi %xor3A_19, %add3A_1249 : vector<16xi32>
      %select_n3A_1251 = arith.select %lt3A_1247, %add3A_1250, %xor3A_19 : vector<16xi1>, vector<16xi32>
      %broadcast_in_dim3A_1252 = vector.shape_cast %select_n3A_1251 : vector<16xi32> to vector<16x1xi32>
      %gather3A_1253 = vector.shape_cast %broadcast_in_dim3A_1252 : vector<16x1xi32> to vector<16xi32>
      %gather3A_1254 = tpu.dynamic_gather %min3A_1244[%gather3A_1253] in [0] : vector<16xi32>, vector<16xi32> -> vector<16xi32>
      %min3A_1255 = arith.minsi %min3A_1244, %gather3A_1254 : vector<16xi32>
      %eq3A_1256 = arith.cmpi eq, %add3A_676, %min3A_1255 : vector<16xi32>
      %eq3A_1257 = arith.cmpi eq, %add3A_679, %min3A_1255 : vector<16xi32>
      %eq3A_1258 = arith.cmpi eq, %add3A_682, %min3A_1255 : vector<16xi32>
      %eq3A_1259 = arith.cmpi eq, %add3A_685, %min3A_1255 : vector<16xi32>
      %jit3A_1260 = arith.constant 1.000000e+00 : f32
      %broadcast_in_dim3A_1261 = vector.broadcast %jit3A_1260 : f32 to vector<16xf32>
      %select_n3A_1262 = arith.select %eq3A_1256, %broadcast_in_dim3A_1261, %scan3A_1149 : vector<16xi1>, vector<16xf32>
      %jit3A_1263 = arith.constant 1.000000e+00 : f32
      %broadcast_in_dim3A_1264 = vector.broadcast %jit3A_1263 : f32 to vector<16xf32>
      %select_n3A_1265 = arith.select %eq3A_1257, %broadcast_in_dim3A_1264, %scan3A_1150 : vector<16xi1>, vector<16xf32>
      %jit3A_1266 = arith.constant 1.000000e+00 : f32
      %broadcast_in_dim3A_1267 = vector.broadcast %jit3A_1266 : f32 to vector<16xf32>
      %select_n3A_1268 = arith.select %eq3A_1258, %broadcast_in_dim3A_1267, %scan3A_1151 : vector<16xi1>, vector<16xf32>
      %jit3A_1269 = arith.constant 1.000000e+00 : f32
      %broadcast_in_dim3A_1270 = vector.broadcast %jit3A_1269 : f32 to vector<16xf32>
      %select_n3A_1271 = arith.select %eq3A_1259, %broadcast_in_dim3A_1270, %scan3A_1152 : vector<16xi1>, vector<16xf32>
      %jit3A_1272 = arith.constant -1.000000e+00 : f32
      %broadcast_in_dim3A_1273 = vector.broadcast %jit3A_1272 : f32 to vector<16xf32>
      %select_n3A_1274 = arith.select %eq3A_1256, %broadcast_in_dim3A_1273, %scan3A_1145 : vector<16xi1>, vector<16xf32>
      %jit3A_1275 = arith.constant -1.000000e+00 : f32
      %broadcast_in_dim3A_1276 = vector.broadcast %jit3A_1275 : f32 to vector<16xf32>
      %select_n3A_1277 = arith.select %eq3A_1257, %broadcast_in_dim3A_1276, %scan3A_1146 : vector<16xi1>, vector<16xf32>
      %jit3A_1278 = arith.constant -1.000000e+00 : f32
      %broadcast_in_dim3A_1279 = vector.broadcast %jit3A_1278 : f32 to vector<16xf32>
      %select_n3A_1280 = arith.select %eq3A_1258, %broadcast_in_dim3A_1279, %scan3A_1147 : vector<16xi1>, vector<16xf32>
      %jit3A_1281 = arith.constant -1.000000e+00 : f32
      %broadcast_in_dim3A_1282 = vector.broadcast %jit3A_1281 : f32 to vector<16xf32>
      %select_n3A_1283 = arith.select %eq3A_1259, %broadcast_in_dim3A_1282, %scan3A_1148 : vector<16xi1>, vector<16xf32>
      scf.yield %select_n3A_1274, %select_n3A_1277, %select_n3A_1280, %select_n3A_1283, %select_n3A_1262, %select_n3A_1265, %select_n3A_1268, %select_n3A_1271 : vector<16xf32>, vector<16xf32>, vector<16xf32>, vector<16xf32>, vector<16xf32>, vector<16xf32>, vector<16xf32>, vector<16xf32>
    }
    %scan3A_691 = arith.constant 8 : i32
    %swap3A_692 = arith.constant 9 : i32
    %swap3A_693 = arith.index_cast %swap3A_692 : i32 to index
    %swap3A_694 = arith.constant 0 : index
    %swap3A_695 = tpu.vector_load %arg5[%swap3A_693, %swap3A_694] {strides = array<i32>} : memref<16x64xf32, #tpu.memory_space<vmem>>, vector<1x16xf32>,
    %swap3A_696 = vector.shape_cast %swap3A_695 : vector<1x16xf32> to vector<16xf32>
    %swap3A_697 = vector.shape_cast %scan3A_690#4 : vector<16xf32> to vector<1x16xf32>
    tpu.vector_store %arg5[%swap3A_693, %swap3A_694], %swap3A_697 {strides = array<i32>} : memref<16x64xf32, #tpu.memory_space<vmem>>, vector<1x16xf32>,
    %swap3A_698 = arith.constant 9 : i32
    %swap3A_699 = arith.index_cast %swap3A_698 : i32 to index
    %swap3A_700 = arith.constant 16 : index
    %swap3A_701 = tpu.vector_load %arg5[%swap3A_699, %swap3A_700] {strides = array<i32>} : memref<16x64xf32, #tpu.memory_space<vmem>>, vector<1x16xf32>,
    %swap3A_702 = vector.shape_cast %swap3A_701 : vector<1x16xf32> to vector<16xf32>
    %swap3A_703 = vector.shape_cast %scan3A_690#5 : vector<16xf32> to vector<1x16xf32>
    tpu.vector_store %arg5[%swap3A_699, %swap3A_700], %swap3A_703 {strides = array<i32>} : memref<16x64xf32, #tpu.memory_space<vmem>>, vector<1x16xf32>,
    %swap3A_704 = arith.constant 9 : i32
    %swap3A_705 = arith.index_cast %swap3A_704 : i32 to index
    %swap3A_706 = arith.constant 32 : index
    %swap3A_707 = tpu.vector_load %arg5[%swap3A_705, %swap3A_706] {strides = array<i32>} : memref<16x64xf32, #tpu.memory_space<vmem>>, vector<1x16xf32>,
    %swap3A_708 = vector.shape_cast %swap3A_707 : vector<1x16xf32> to vector<16xf32>
    %swap3A_709 = vector.shape_cast %scan3A_690#6 : vector<16xf32> to vector<1x16xf32>
    tpu.vector_store %arg5[%swap3A_705, %swap3A_706], %swap3A_709 {strides = array<i32>} : memref<16x64xf32, #tpu.memory_space<vmem>>, vector<1x16xf32>,
    %swap3A_710 = arith.constant 9 : i32
    %swap3A_711 = arith.index_cast %swap3A_710 : i32 to index
    %swap3A_712 = arith.constant 48 : index
    %swap3A_713 = tpu.vector_load %arg5[%swap3A_711, %swap3A_712] {strides = array<i32>} : memref<16x64xf32, #tpu.memory_space<vmem>>, vector<1x16xf32>,
    %swap3A_714 = vector.shape_cast %swap3A_713 : vector<1x16xf32> to vector<16xf32>
    %swap3A_715 = vector.shape_cast %scan3A_690#7 : vector<16xf32> to vector<1x16xf32>
    tpu.vector_store %arg5[%swap3A_711, %swap3A_712], %swap3A_715 {strides = array<i32>} : memref<16x64xf32, #tpu.memory_space<vmem>>, vector<1x16xf32>,
    %get3A_716 = arith.constant 10 : i32
    %get3A_717 = arith.index_cast %get3A_716 : i32 to index
    %get3A_718 = arith.constant 0 : index
    %get3A_719 = tpu.vector_load %arg4[%get3A_717, %get3A_718] {strides = array<i32>} : memref<16x64xf32, #tpu.memory_space<vmem>>, vector<1x16xf32>,
    %get3A_720 = vector.shape_cast %get3A_719 : vector<1x16xf32> to vector<16xf32>
    %get3A_721 = arith.constant 10 : i32
    %get3A_722 = arith.index_cast %get3A_721 : i32 to index
    %get3A_723 = arith.constant 16 : index
    %get3A_724 = tpu.vector_load %arg4[%get3A_722, %get3A_723] {strides = array<i32>} : memref<16x64xf32, #tpu.memory_space<vmem>>, vector<1x16xf32>,
    %get3A_725 = vector.shape_cast %get3A_724 : vector<1x16xf32> to vector<16xf32>
    %get3A_726 = arith.constant 10 : i32
    %get3A_727 = arith.index_cast %get3A_726 : i32 to index
    %get3A_728 = arith.constant 32 : index
    %get3A_729 = tpu.vector_load %arg4[%get3A_727, %get3A_728] {strides = array<i32>} : memref<16x64xf32, #tpu.memory_space<vmem>>, vector<1x16xf32>,
    %get3A_730 = vector.shape_cast %get3A_729 : vector<1x16xf32> to vector<16xf32>
    %get3A_731 = arith.constant 10 : i32
    %get3A_732 = arith.index_cast %get3A_731 : i32 to index
    %get3A_733 = arith.constant 48 : index
    %get3A_734 = tpu.vector_load %arg4[%get3A_732, %get3A_733] {strides = array<i32>} : memref<16x64xf32, #tpu.memory_space<vmem>>, vector<1x16xf32>,
    %get3A_735 = vector.shape_cast %get3A_734 : vector<1x16xf32> to vector<16xf32>
    %broadcast_in_dim3A_736 = arith.constant 0.000000e+00 : f32
    %broadcast_in_dim3A_737 = vector.broadcast %broadcast_in_dim3A_736 : f32 to vector<16xf32>
    %broadcast_in_dim3A_738 = arith.constant 0.000000e+00 : f32
    %broadcast_in_dim3A_739 = vector.broadcast %broadcast_in_dim3A_738 : f32 to vector<16xf32>
    %broadcast_in_dim3A_740 = arith.constant 0.000000e+00 : f32
    %broadcast_in_dim3A_741 = vector.broadcast %broadcast_in_dim3A_740 : f32 to vector<16xf32>
    %broadcast_in_dim3A_742 = arith.constant 0.000000e+00 : f32
    %broadcast_in_dim3A_743 = vector.broadcast %broadcast_in_dim3A_742 : f32 to vector<16xf32>
    %add3A_744 = arith.constant 0 : i32
    %add3A_745 = vector.broadcast %add3A_744 : i32 to vector<16xi32>
    %add3A_746 = arith.addi %iota3A, %add3A_745 : vector<16xi32>
    %add3A_747 = arith.constant 16 : i32
    %add3A_748 = vector.broadcast %add3A_747 : i32 to vector<16xi32>
    %add3A_749 = arith.addi %iota3A, %add3A_748 : vector<16xi32>
    %add3A_750 = arith.constant 32 : i32
    %add3A_751 = vector.broadcast %add3A_750 : i32 to vector<16xi32>
    %add3A_752 = arith.addi %iota3A, %add3A_751 : vector<16xi32>
    %add3A_753 = arith.constant 48 : i32
    %add3A_754 = vector.broadcast %add3A_753 : i32 to vector<16xi32>
    %add3A_755 = arith.addi %iota3A, %add3A_754 : vector<16xi32>
    %scan3A_756 = arith.constant 0 : i32
    %scan3A_757 = arith.constant 8 : i32
    %scan3A_758 = arith.addi %scan3A_756, %scan3A_757 : i32
    %scan3A_759 = arith.constant 1 : i32
    %scan3A_760:8 = scf.for %scan3A_1144 = %scan3A_756 to %scan3A_758 step %scan3A_759 iter_args(%scan3A_1145 = %get3A_720, %scan3A_1146 = %get3A_725, %scan3A_1147 = %get3A_730, %scan3A_1148 = %get3A_735, %scan3A_1149 = %broadcast_in_dim3A_737, %scan3A_1150 = %broadcast_in_dim3A_739, %scan3A_1151 = %broadcast_in_dim3A_741, %scan3A_1152 = %broadcast_in_dim3A_743) -> (vector<16xf32>, vector<16xf32>, vector<16xf32>, vector<16xf32>, vector<16xf32>, vector<16xf32>, vector<16xf32>, vector<16xf32>)  : i32 {
      %max3A = arith.maximumf %scan3A_1145, %scan3A_1146 : vector<16xf32>
      %max3A_1153 = arith.maximumf %scan3A_1147, %scan3A_1148 : vector<16xf32>
      %max3A_1154 = arith.maximumf %max3A, %max3A_1153 : vector<16xf32>
      %lt3A = arith.constant 0 : i32
      %lt3A_1155 = vector.broadcast %lt3A : i32 to vector<16xi32>
      %lt3A_1156 = arith.cmpi slt, %xor3A_10, %lt3A_1155 : vector<16xi32>
      %add3A_1157 = arith.constant 16 : i32
      %add3A_1158 = vector.broadcast %add3A_1157 : i32 to vector<16xi32>
      %add3A_1159 = arith.addi %xor3A_10, %add3A_1158 : vector<16xi32>
      %select_n3A = arith.select %lt3A_1156, %add3A_1159, %xor3A_10 : vector<16xi1>, vector<16xi32>
      %broadcast_in_dim3A_1160 = vector.shape_cast %select_n3A : vector<16xi32> to vector<16x1xi32>
      %gather3A = vector.shape_cast %broadcast_in_dim3A_1160 : vector<16x1xi32> to vector<16xi32>
      %gather3A_1161 = tpu.dynamic_gather %max3A_1154[%gather3A] in [0] : vector<16xf32>, vector<16xi32> -> vector<16xf32>
      %max3A_1162 = arith.maximumf %max3A_1154, %gather3A_1161 : vector<16xf32>
      %lt3A_1163 = arith.constant 0 : i32
      %lt3A_1164 = vector.broadcast %lt3A_1163 : i32 to vector<16xi32>
      %lt3A_1165 = arith.cmpi slt, %xor3A_13, %lt3A_1164 : vector<16xi32>
      %add3A_1166 = arith.constant 16 : i32
      %add3A_1167 = vector.broadcast %add3A_1166 : i32 to vector<16xi32>
      %add3A_1168 = arith.addi %xor3A_13, %add3A_1167 : vector<16xi32>
      %select_n3A_1169 = arith.select %lt3A_1165, %add3A_1168, %xor3A_13 : vector<16xi1>, vector<16xi32>
      %broadcast_in_dim3A_1170 = vector.shape_cast %select_n3A_1169 : vector<16xi32> to vector<16x1xi32>
      %gather3A_1171 = vector.shape_cast %broadcast_in_dim3A_1170 : vector<16x1xi32> to vector<16xi32>
      %gather3A_1172 = tpu.dynamic_gather %max3A_1162[%gather3A_1171] in [0] : vector<16xf32>, vector<16xi32> -> vector<16xf32>
      %max3A_1173 = arith.maximumf %max3A_1162, %gather3A_1172 : vector<16xf32>
      %lt3A_1174 = arith.constant 0 : i32
      %lt3A_1175 = vector.broadcast %lt3A_1174 : i32 to vector<16xi32>
      %lt3A_1176 = arith.cmpi slt, %xor3A_16, %lt3A_1175 : vector<16xi32>
      %add3A_1177 = arith.constant 16 : i32
      %add3A_1178 = vector.broadcast %add3A_1177 : i32 to vector<16xi32>
      %add3A_1179 = arith.addi %xor3A_16, %add3A_1178 : vector<16xi32>
      %select_n3A_1180 = arith.select %lt3A_1176, %add3A_1179, %xor3A_16 : vector<16xi1>, vector<16xi32>
      %broadcast_in_dim3A_1181 = vector.shape_cast %select_n3A_1180 : vector<16xi32> to vector<16x1xi32>
      %gather3A_1182 = vector.shape_cast %broadcast_in_dim3A_1181 : vector<16x1xi32> to vector<16xi32>
      %gather3A_1183 = tpu.dynamic_gather %max3A_1173[%gather3A_1182] in [0] : vector<16xf32>, vector<16xi32> -> vector<16xf32>
      %max3A_1184 = arith.maximumf %max3A_1173, %gather3A_1183 : vector<16xf32>
      %lt3A_1185 = arith.constant 0 : i32
      %lt3A_1186 = vector.broadcast %lt3A_1185 : i32 to vector<16xi32>
      %lt3A_1187 = arith.cmpi slt, %xor3A_19, %lt3A_1186 : vector<16xi32>
      %add3A_1188 = arith.constant 16 : i32
      %add3A_1189 = vector.broadcast %add3A_1188 : i32 to vector<16xi32>
      %add3A_1190 = arith.addi %xor3A_19, %add3A_1189 : vector<16xi32>
      %select_n3A_1191 = arith.select %lt3A_1187, %add3A_1190, %xor3A_19 : vector<16xi1>, vector<16xi32>
      %broadcast_in_dim3A_1192 = vector.shape_cast %select_n3A_1191 : vector<16xi32> to vector<16x1xi32>
      %gather3A_1193 = vector.shape_cast %broadcast_in_dim3A_1192 : vector<16x1xi32> to vector<16xi32>
      %gather3A_1194 = tpu.dynamic_gather %max3A_1184[%gather3A_1193] in [0] : vector<16xf32>, vector<16xi32> -> vector<16xf32>
      %max3A_1195 = arith.maximumf %max3A_1184, %gather3A_1194 : vector<16xf32>
      %eq3A = arith.cmpf oeq, %scan3A_1145, %max3A_1195 : vector<16xf32>
      %jit3A = arith.constant 64 : i32
      %broadcast_in_dim3A_1196 = vector.broadcast %jit3A : i32 to vector<16xi32>
      %select_n3A_1197 = arith.select %eq3A, %add3A_746, %broadcast_in_dim3A_1196 : vector<16xi1>, vector<16xi32>
      %eq3A_1198 = arith.cmpf oeq, %scan3A_1146, %max3A_1195 : vector<16xf32>
      %jit3A_1199 = arith.constant 64 : i32
      %broadcast_in_dim3A_1200 = vector.broadcast %jit3A_1199 : i32 to vector<16xi32>
      %select_n3A_1201 = arith.select %eq3A_1198, %add3A_749, %broadcast_in_dim3A_1200 : vector<16xi1>, vector<16xi32>
      %eq3A_1202 = arith.cmpf oeq, %scan3A_1147, %max3A_1195 : vector<16xf32>
      %jit3A_1203 = arith.constant 64 : i32
      %broadcast_in_dim3A_1204 = vector.broadcast %jit3A_1203 : i32 to vector<16xi32>
      %select_n3A_1205 = arith.select %eq3A_1202, %add3A_752, %broadcast_in_dim3A_1204 : vector<16xi1>, vector<16xi32>
      %eq3A_1206 = arith.cmpf oeq, %scan3A_1148, %max3A_1195 : vector<16xf32>
      %jit3A_1207 = arith.constant 64 : i32
      %broadcast_in_dim3A_1208 = vector.broadcast %jit3A_1207 : i32 to vector<16xi32>
      %select_n3A_1209 = arith.select %eq3A_1206, %add3A_755, %broadcast_in_dim3A_1208 : vector<16xi1>, vector<16xi32>
      %min3A = arith.minsi %select_n3A_1197, %select_n3A_1201 : vector<16xi32>
      %min3A_1210 = arith.minsi %select_n3A_1205, %select_n3A_1209 : vector<16xi32>
      %min3A_1211 = arith.minsi %min3A, %min3A_1210 : vector<16xi32>
      %lt3A_1212 = arith.constant 0 : i32
      %lt3A_1213 = vector.broadcast %lt3A_1212 : i32 to vector<16xi32>
      %lt3A_1214 = arith.cmpi slt, %xor3A_10, %lt3A_1213 : vector<16xi32>
      %add3A_1215 = arith.constant 16 : i32
      %add3A_1216 = vector.broadcast %add3A_1215 : i32 to vector<16xi32>
      %add3A_1217 = arith.addi %xor3A_10, %add3A_1216 : vector<16xi32>
      %select_n3A_1218 = arith.select %lt3A_1214, %add3A_1217, %xor3A_10 : vector<16xi1>, vector<16xi32>
      %broadcast_in_dim3A_1219 = vector.shape_cast %select_n3A_1218 : vector<16xi32> to vector<16x1xi32>
      %gather3A_1220 = vector.shape_cast %broadcast_in_dim3A_1219 : vector<16x1xi32> to vector<16xi32>
      %gather3A_1221 = tpu.dynamic_gather %min3A_1211[%gather3A_1220] in [0] : vector<16xi32>, vector<16xi32> -> vector<16xi32>
      %min3A_1222 = arith.minsi %min3A_1211, %gather3A_1221 : vector<16xi32>
      %lt3A_1223 = arith.constant 0 : i32
      %lt3A_1224 = vector.broadcast %lt3A_1223 : i32 to vector<16xi32>
      %lt3A_1225 = arith.cmpi slt, %xor3A_13, %lt3A_1224 : vector<16xi32>
      %add3A_1226 = arith.constant 16 : i32
      %add3A_1227 = vector.broadcast %add3A_1226 : i32 to vector<16xi32>
      %add3A_1228 = arith.addi %xor3A_13, %add3A_1227 : vector<16xi32>
      %select_n3A_1229 = arith.select %lt3A_1225, %add3A_1228, %xor3A_13 : vector<16xi1>, vector<16xi32>
      %broadcast_in_dim3A_1230 = vector.shape_cast %select_n3A_1229 : vector<16xi32> to vector<16x1xi32>
      %gather3A_1231 = vector.shape_cast %broadcast_in_dim3A_1230 : vector<16x1xi32> to vector<16xi32>
      %gather3A_1232 = tpu.dynamic_gather %min3A_1222[%gather3A_1231] in [0] : vector<16xi32>, vector<16xi32> -> vector<16xi32>
      %min3A_1233 = arith.minsi %min3A_1222, %gather3A_1232 : vector<16xi32>
      %lt3A_1234 = arith.constant 0 : i32
      %lt3A_1235 = vector.broadcast %lt3A_1234 : i32 to vector<16xi32>
      %lt3A_1236 = arith.cmpi slt, %xor3A_16, %lt3A_1235 : vector<16xi32>
      %add3A_1237 = arith.constant 16 : i32
      %add3A_1238 = vector.broadcast %add3A_1237 : i32 to vector<16xi32>
      %add3A_1239 = arith.addi %xor3A_16, %add3A_1238 : vector<16xi32>
      %select_n3A_1240 = arith.select %lt3A_1236, %add3A_1239, %xor3A_16 : vector<16xi1>, vector<16xi32>
      %broadcast_in_dim3A_1241 = vector.shape_cast %select_n3A_1240 : vector<16xi32> to vector<16x1xi32>
      %gather3A_1242 = vector.shape_cast %broadcast_in_dim3A_1241 : vector<16x1xi32> to vector<16xi32>
      %gather3A_1243 = tpu.dynamic_gather %min3A_1233[%gather3A_1242] in [0] : vector<16xi32>, vector<16xi32> -> vector<16xi32>
      %min3A_1244 = arith.minsi %min3A_1233, %gather3A_1243 : vector<16xi32>
      %lt3A_1245 = arith.constant 0 : i32
      %lt3A_1246 = vector.broadcast %lt3A_1245 : i32 to vector<16xi32>
      %lt3A_1247 = arith.cmpi slt, %xor3A_19, %lt3A_1246 : vector<16xi32>
      %add3A_1248 = arith.constant 16 : i32
      %add3A_1249 = vector.broadcast %add3A_1248 : i32 to vector<16xi32>
      %add3A_1250 = arith.addi %xor3A_19, %add3A_1249 : vector<16xi32>
      %select_n3A_1251 = arith.select %lt3A_1247, %add3A_1250, %xor3A_19 : vector<16xi1>, vector<16xi32>
      %broadcast_in_dim3A_1252 = vector.shape_cast %select_n3A_1251 : vector<16xi32> to vector<16x1xi32>
      %gather3A_1253 = vector.shape_cast %broadcast_in_dim3A_1252 : vector<16x1xi32> to vector<16xi32>
      %gather3A_1254 = tpu.dynamic_gather %min3A_1244[%gather3A_1253] in [0] : vector<16xi32>, vector<16xi32> -> vector<16xi32>
      %min3A_1255 = arith.minsi %min3A_1244, %gather3A_1254 : vector<16xi32>
      %eq3A_1256 = arith.cmpi eq, %add3A_746, %min3A_1255 : vector<16xi32>
      %eq3A_1257 = arith.cmpi eq, %add3A_749, %min3A_1255 : vector<16xi32>
      %eq3A_1258 = arith.cmpi eq, %add3A_752, %min3A_1255 : vector<16xi32>
      %eq3A_1259 = arith.cmpi eq, %add3A_755, %min3A_1255 : vector<16xi32>
      %jit3A_1260 = arith.constant 1.000000e+00 : f32
      %broadcast_in_dim3A_1261 = vector.broadcast %jit3A_1260 : f32 to vector<16xf32>
      %select_n3A_1262 = arith.select %eq3A_1256, %broadcast_in_dim3A_1261, %scan3A_1149 : vector<16xi1>, vector<16xf32>
      %jit3A_1263 = arith.constant 1.000000e+00 : f32
      %broadcast_in_dim3A_1264 = vector.broadcast %jit3A_1263 : f32 to vector<16xf32>
      %select_n3A_1265 = arith.select %eq3A_1257, %broadcast_in_dim3A_1264, %scan3A_1150 : vector<16xi1>, vector<16xf32>
      %jit3A_1266 = arith.constant 1.000000e+00 : f32
      %broadcast_in_dim3A_1267 = vector.broadcast %jit3A_1266 : f32 to vector<16xf32>
      %select_n3A_1268 = arith.select %eq3A_1258, %broadcast_in_dim3A_1267, %scan3A_1151 : vector<16xi1>, vector<16xf32>
      %jit3A_1269 = arith.constant 1.000000e+00 : f32
      %broadcast_in_dim3A_1270 = vector.broadcast %jit3A_1269 : f32 to vector<16xf32>
      %select_n3A_1271 = arith.select %eq3A_1259, %broadcast_in_dim3A_1270, %scan3A_1152 : vector<16xi1>, vector<16xf32>
      %jit3A_1272 = arith.constant -1.000000e+00 : f32
      %broadcast_in_dim3A_1273 = vector.broadcast %jit3A_1272 : f32 to vector<16xf32>
      %select_n3A_1274 = arith.select %eq3A_1256, %broadcast_in_dim3A_1273, %scan3A_1145 : vector<16xi1>, vector<16xf32>
      %jit3A_1275 = arith.constant -1.000000e+00 : f32
      %broadcast_in_dim3A_1276 = vector.broadcast %jit3A_1275 : f32 to vector<16xf32>
      %select_n3A_1277 = arith.select %eq3A_1257, %broadcast_in_dim3A_1276, %scan3A_1146 : vector<16xi1>, vector<16xf32>
      %jit3A_1278 = arith.constant -1.000000e+00 : f32
      %broadcast_in_dim3A_1279 = vector.broadcast %jit3A_1278 : f32 to vector<16xf32>
      %select_n3A_1280 = arith.select %eq3A_1258, %broadcast_in_dim3A_1279, %scan3A_1147 : vector<16xi1>, vector<16xf32>
      %jit3A_1281 = arith.constant -1.000000e+00 : f32
      %broadcast_in_dim3A_1282 = vector.broadcast %jit3A_1281 : f32 to vector<16xf32>
      %select_n3A_1283 = arith.select %eq3A_1259, %broadcast_in_dim3A_1282, %scan3A_1148 : vector<16xi1>, vector<16xf32>
      scf.yield %select_n3A_1274, %select_n3A_1277, %select_n3A_1280, %select_n3A_1283, %select_n3A_1262, %select_n3A_1265, %select_n3A_1268, %select_n3A_1271 : vector<16xf32>, vector<16xf32>, vector<16xf32>, vector<16xf32>, vector<16xf32>, vector<16xf32>, vector<16xf32>, vector<16xf32>
    }
    %scan3A_761 = arith.constant 8 : i32
    %swap3A_762 = arith.constant 10 : i32
    %swap3A_763 = arith.index_cast %swap3A_762 : i32 to index
    %swap3A_764 = arith.constant 0 : index
    %swap3A_765 = tpu.vector_load %arg5[%swap3A_763, %swap3A_764] {strides = array<i32>} : memref<16x64xf32, #tpu.memory_space<vmem>>, vector<1x16xf32>,
    %swap3A_766 = vector.shape_cast %swap3A_765 : vector<1x16xf32> to vector<16xf32>
    %swap3A_767 = vector.shape_cast %scan3A_760#4 : vector<16xf32> to vector<1x16xf32>
    tpu.vector_store %arg5[%swap3A_763, %swap3A_764], %swap3A_767 {strides = array<i32>} : memref<16x64xf32, #tpu.memory_space<vmem>>, vector<1x16xf32>,
    %swap3A_768 = arith.constant 10 : i32
    %swap3A_769 = arith.index_cast %swap3A_768 : i32 to index
    %swap3A_770 = arith.constant 16 : index
    %swap3A_771 = tpu.vector_load %arg5[%swap3A_769, %swap3A_770] {strides = array<i32>} : memref<16x64xf32, #tpu.memory_space<vmem>>, vector<1x16xf32>,
    %swap3A_772 = vector.shape_cast %swap3A_771 : vector<1x16xf32> to vector<16xf32>
    %swap3A_773 = vector.shape_cast %scan3A_760#5 : vector<16xf32> to vector<1x16xf32>
    tpu.vector_store %arg5[%swap3A_769, %swap3A_770], %swap3A_773 {strides = array<i32>} : memref<16x64xf32, #tpu.memory_space<vmem>>, vector<1x16xf32>,
    %swap3A_774 = arith.constant 10 : i32
    %swap3A_775 = arith.index_cast %swap3A_774 : i32 to index
    %swap3A_776 = arith.constant 32 : index
    %swap3A_777 = tpu.vector_load %arg5[%swap3A_775, %swap3A_776] {strides = array<i32>} : memref<16x64xf32, #tpu.memory_space<vmem>>, vector<1x16xf32>,
    %swap3A_778 = vector.shape_cast %swap3A_777 : vector<1x16xf32> to vector<16xf32>
    %swap3A_779 = vector.shape_cast %scan3A_760#6 : vector<16xf32> to vector<1x16xf32>
    tpu.vector_store %arg5[%swap3A_775, %swap3A_776], %swap3A_779 {strides = array<i32>} : memref<16x64xf32, #tpu.memory_space<vmem>>, vector<1x16xf32>,
    %swap3A_780 = arith.constant 10 : i32
    %swap3A_781 = arith.index_cast %swap3A_780 : i32 to index
    %swap3A_782 = arith.constant 48 : index
    %swap3A_783 = tpu.vector_load %arg5[%swap3A_781, %swap3A_782] {strides = array<i32>} : memref<16x64xf32, #tpu.memory_space<vmem>>, vector<1x16xf32>,
    %swap3A_784 = vector.shape_cast %swap3A_783 : vector<1x16xf32> to vector<16xf32>
    %swap3A_785 = vector.shape_cast %scan3A_760#7 : vector<16xf32> to vector<1x16xf32>
    tpu.vector_store %arg5[%swap3A_781, %swap3A_782], %swap3A_785 {strides = array<i32>} : memref<16x64xf32, #tpu.memory_space<vmem>>, vector<1x16xf32>,
    %get3A_786 = arith.constant 11 : i32
    %get3A_787 = arith.index_cast %get3A_786 : i32 to index
    %get3A_788 = arith.constant 0 : index
    %get3A_789 = tpu.vector_load %arg4[%get3A_787, %get3A_788] {strides = array<i32>} : memref<16x64xf32, #tpu.memory_space<vmem>>, vector<1x16xf32>,
    %get3A_790 = vector.shape_cast %get3A_789 : vector<1x16xf32> to vector<16xf32>
    %get3A_791 = arith.constant 11 : i32
    %get3A_792 = arith.index_cast %get3A_791 : i32 to index
    %get3A_793 = arith.constant 16 : index
    %get3A_794 = tpu.vector_load %arg4[%get3A_792, %get3A_793] {strides = array<i32>} : memref<16x64xf32, #tpu.memory_space<vmem>>, vector<1x16xf32>,
    %get3A_795 = vector.shape_cast %get3A_794 : vector<1x16xf32> to vector<16xf32>
    %get3A_796 = arith.constant 11 : i32
    %get3A_797 = arith.index_cast %get3A_796 : i32 to index
    %get3A_798 = arith.constant 32 : index
    %get3A_799 = tpu.vector_load %arg4[%get3A_797, %get3A_798] {strides = array<i32>} : memref<16x64xf32, #tpu.memory_space<vmem>>, vector<1x16xf32>,
    %get3A_800 = vector.shape_cast %get3A_799 : vector<1x16xf32> to vector<16xf32>
    %get3A_801 = arith.constant 11 : i32
    %get3A_802 = arith.index_cast %get3A_801 : i32 to index
    %get3A_803 = arith.constant 48 : index
    %get3A_804 = tpu.vector_load %arg4[%get3A_802, %get3A_803] {strides = array<i32>} : memref<16x64xf32, #tpu.memory_space<vmem>>, vector<1x16xf32>,
    %get3A_805 = vector.shape_cast %get3A_804 : vector<1x16xf32> to vector<16xf32>
    %broadcast_in_dim3A_806 = arith.constant 0.000000e+00 : f32
    %broadcast_in_dim3A_807 = vector.broadcast %broadcast_in_dim3A_806 : f32 to vector<16xf32>
    %broadcast_in_dim3A_808 = arith.constant 0.000000e+00 : f32
    %broadcast_in_dim3A_809 = vector.broadcast %broadcast_in_dim3A_808 : f32 to vector<16xf32>
    %broadcast_in_dim3A_810 = arith.constant 0.000000e+00 : f32
    %broadcast_in_dim3A_811 = vector.broadcast %broadcast_in_dim3A_810 : f32 to vector<16xf32>
    %broadcast_in_dim3A_812 = arith.constant 0.000000e+00 : f32
    %broadcast_in_dim3A_813 = vector.broadcast %broadcast_in_dim3A_812 : f32 to vector<16xf32>
    %add3A_814 = arith.constant 0 : i32
    %add3A_815 = vector.broadcast %add3A_814 : i32 to vector<16xi32>
    %add3A_816 = arith.addi %iota3A, %add3A_815 : vector<16xi32>
    %add3A_817 = arith.constant 16 : i32
    %add3A_818 = vector.broadcast %add3A_817 : i32 to vector<16xi32>
    %add3A_819 = arith.addi %iota3A, %add3A_818 : vector<16xi32>
    %add3A_820 = arith.constant 32 : i32
    %add3A_821 = vector.broadcast %add3A_820 : i32 to vector<16xi32>
    %add3A_822 = arith.addi %iota3A, %add3A_821 : vector<16xi32>
    %add3A_823 = arith.constant 48 : i32
    %add3A_824 = vector.broadcast %add3A_823 : i32 to vector<16xi32>
    %add3A_825 = arith.addi %iota3A, %add3A_824 : vector<16xi32>
    %scan3A_826 = arith.constant 0 : i32
    %scan3A_827 = arith.constant 8 : i32
    %scan3A_828 = arith.addi %scan3A_826, %scan3A_827 : i32
    %scan3A_829 = arith.constant 1 : i32
    %scan3A_830:8 = scf.for %scan3A_1144 = %scan3A_826 to %scan3A_828 step %scan3A_829 iter_args(%scan3A_1145 = %get3A_790, %scan3A_1146 = %get3A_795, %scan3A_1147 = %get3A_800, %scan3A_1148 = %get3A_805, %scan3A_1149 = %broadcast_in_dim3A_807, %scan3A_1150 = %broadcast_in_dim3A_809, %scan3A_1151 = %broadcast_in_dim3A_811, %scan3A_1152 = %broadcast_in_dim3A_813) -> (vector<16xf32>, vector<16xf32>, vector<16xf32>, vector<16xf32>, vector<16xf32>, vector<16xf32>, vector<16xf32>, vector<16xf32>)  : i32 {
      %max3A = arith.maximumf %scan3A_1145, %scan3A_1146 : vector<16xf32>
      %max3A_1153 = arith.maximumf %scan3A_1147, %scan3A_1148 : vector<16xf32>
      %max3A_1154 = arith.maximumf %max3A, %max3A_1153 : vector<16xf32>
      %lt3A = arith.constant 0 : i32
      %lt3A_1155 = vector.broadcast %lt3A : i32 to vector<16xi32>
      %lt3A_1156 = arith.cmpi slt, %xor3A_10, %lt3A_1155 : vector<16xi32>
      %add3A_1157 = arith.constant 16 : i32
      %add3A_1158 = vector.broadcast %add3A_1157 : i32 to vector<16xi32>
      %add3A_1159 = arith.addi %xor3A_10, %add3A_1158 : vector<16xi32>
      %select_n3A = arith.select %lt3A_1156, %add3A_1159, %xor3A_10 : vector<16xi1>, vector<16xi32>
      %broadcast_in_dim3A_1160 = vector.shape_cast %select_n3A : vector<16xi32> to vector<16x1xi32>
      %gather3A = vector.shape_cast %broadcast_in_dim3A_1160 : vector<16x1xi32> to vector<16xi32>
      %gather3A_1161 = tpu.dynamic_gather %max3A_1154[%gather3A] in [0] : vector<16xf32>, vector<16xi32> -> vector<16xf32>
      %max3A_1162 = arith.maximumf %max3A_1154, %gather3A_1161 : vector<16xf32>
      %lt3A_1163 = arith.constant 0 : i32
      %lt3A_1164 = vector.broadcast %lt3A_1163 : i32 to vector<16xi32>
      %lt3A_1165 = arith.cmpi slt, %xor3A_13, %lt3A_1164 : vector<16xi32>
      %add3A_1166 = arith.constant 16 : i32
      %add3A_1167 = vector.broadcast %add3A_1166 : i32 to vector<16xi32>
      %add3A_1168 = arith.addi %xor3A_13, %add3A_1167 : vector<16xi32>
      %select_n3A_1169 = arith.select %lt3A_1165, %add3A_1168, %xor3A_13 : vector<16xi1>, vector<16xi32>
      %broadcast_in_dim3A_1170 = vector.shape_cast %select_n3A_1169 : vector<16xi32> to vector<16x1xi32>
      %gather3A_1171 = vector.shape_cast %broadcast_in_dim3A_1170 : vector<16x1xi32> to vector<16xi32>
      %gather3A_1172 = tpu.dynamic_gather %max3A_1162[%gather3A_1171] in [0] : vector<16xf32>, vector<16xi32> -> vector<16xf32>
      %max3A_1173 = arith.maximumf %max3A_1162, %gather3A_1172 : vector<16xf32>
      %lt3A_1174 = arith.constant 0 : i32
      %lt3A_1175 = vector.broadcast %lt3A_1174 : i32 to vector<16xi32>
      %lt3A_1176 = arith.cmpi slt, %xor3A_16, %lt3A_1175 : vector<16xi32>
      %add3A_1177 = arith.constant 16 : i32
      %add3A_1178 = vector.broadcast %add3A_1177 : i32 to vector<16xi32>
      %add3A_1179 = arith.addi %xor3A_16, %add3A_1178 : vector<16xi32>
      %select_n3A_1180 = arith.select %lt3A_1176, %add3A_1179, %xor3A_16 : vector<16xi1>, vector<16xi32>
      %broadcast_in_dim3A_1181 = vector.shape_cast %select_n3A_1180 : vector<16xi32> to vector<16x1xi32>
      %gather3A_1182 = vector.shape_cast %broadcast_in_dim3A_1181 : vector<16x1xi32> to vector<16xi32>
      %gather3A_1183 = tpu.dynamic_gather %max3A_1173[%gather3A_1182] in [0] : vector<16xf32>, vector<16xi32> -> vector<16xf32>
      %max3A_1184 = arith.maximumf %max3A_1173, %gather3A_1183 : vector<16xf32>
      %lt3A_1185 = arith.constant 0 : i32
      %lt3A_1186 = vector.broadcast %lt3A_1185 : i32 to vector<16xi32>
      %lt3A_1187 = arith.cmpi slt, %xor3A_19, %lt3A_1186 : vector<16xi32>
      %add3A_1188 = arith.constant 16 : i32
      %add3A_1189 = vector.broadcast %add3A_1188 : i32 to vector<16xi32>
      %add3A_1190 = arith.addi %xor3A_19, %add3A_1189 : vector<16xi32>
      %select_n3A_1191 = arith.select %lt3A_1187, %add3A_1190, %xor3A_19 : vector<16xi1>, vector<16xi32>
      %broadcast_in_dim3A_1192 = vector.shape_cast %select_n3A_1191 : vector<16xi32> to vector<16x1xi32>
      %gather3A_1193 = vector.shape_cast %broadcast_in_dim3A_1192 : vector<16x1xi32> to vector<16xi32>
      %gather3A_1194 = tpu.dynamic_gather %max3A_1184[%gather3A_1193] in [0] : vector<16xf32>, vector<16xi32> -> vector<16xf32>
      %max3A_1195 = arith.maximumf %max3A_1184, %gather3A_1194 : vector<16xf32>
      %eq3A = arith.cmpf oeq, %scan3A_1145, %max3A_1195 : vector<16xf32>
      %jit3A = arith.constant 64 : i32
      %broadcast_in_dim3A_1196 = vector.broadcast %jit3A : i32 to vector<16xi32>
      %select_n3A_1197 = arith.select %eq3A, %add3A_816, %broadcast_in_dim3A_1196 : vector<16xi1>, vector<16xi32>
      %eq3A_1198 = arith.cmpf oeq, %scan3A_1146, %max3A_1195 : vector<16xf32>
      %jit3A_1199 = arith.constant 64 : i32
      %broadcast_in_dim3A_1200 = vector.broadcast %jit3A_1199 : i32 to vector<16xi32>
      %select_n3A_1201 = arith.select %eq3A_1198, %add3A_819, %broadcast_in_dim3A_1200 : vector<16xi1>, vector<16xi32>
      %eq3A_1202 = arith.cmpf oeq, %scan3A_1147, %max3A_1195 : vector<16xf32>
      %jit3A_1203 = arith.constant 64 : i32
      %broadcast_in_dim3A_1204 = vector.broadcast %jit3A_1203 : i32 to vector<16xi32>
      %select_n3A_1205 = arith.select %eq3A_1202, %add3A_822, %broadcast_in_dim3A_1204 : vector<16xi1>, vector<16xi32>
      %eq3A_1206 = arith.cmpf oeq, %scan3A_1148, %max3A_1195 : vector<16xf32>
      %jit3A_1207 = arith.constant 64 : i32
      %broadcast_in_dim3A_1208 = vector.broadcast %jit3A_1207 : i32 to vector<16xi32>
      %select_n3A_1209 = arith.select %eq3A_1206, %add3A_825, %broadcast_in_dim3A_1208 : vector<16xi1>, vector<16xi32>
      %min3A = arith.minsi %select_n3A_1197, %select_n3A_1201 : vector<16xi32>
      %min3A_1210 = arith.minsi %select_n3A_1205, %select_n3A_1209 : vector<16xi32>
      %min3A_1211 = arith.minsi %min3A, %min3A_1210 : vector<16xi32>
      %lt3A_1212 = arith.constant 0 : i32
      %lt3A_1213 = vector.broadcast %lt3A_1212 : i32 to vector<16xi32>
      %lt3A_1214 = arith.cmpi slt, %xor3A_10, %lt3A_1213 : vector<16xi32>
      %add3A_1215 = arith.constant 16 : i32
      %add3A_1216 = vector.broadcast %add3A_1215 : i32 to vector<16xi32>
      %add3A_1217 = arith.addi %xor3A_10, %add3A_1216 : vector<16xi32>
      %select_n3A_1218 = arith.select %lt3A_1214, %add3A_1217, %xor3A_10 : vector<16xi1>, vector<16xi32>
      %broadcast_in_dim3A_1219 = vector.shape_cast %select_n3A_1218 : vector<16xi32> to vector<16x1xi32>
      %gather3A_1220 = vector.shape_cast %broadcast_in_dim3A_1219 : vector<16x1xi32> to vector<16xi32>
      %gather3A_1221 = tpu.dynamic_gather %min3A_1211[%gather3A_1220] in [0] : vector<16xi32>, vector<16xi32> -> vector<16xi32>
      %min3A_1222 = arith.minsi %min3A_1211, %gather3A_1221 : vector<16xi32>
      %lt3A_1223 = arith.constant 0 : i32
      %lt3A_1224 = vector.broadcast %lt3A_1223 : i32 to vector<16xi32>
      %lt3A_1225 = arith.cmpi slt, %xor3A_13, %lt3A_1224 : vector<16xi32>
      %add3A_1226 = arith.constant 16 : i32
      %add3A_1227 = vector.broadcast %add3A_1226 : i32 to vector<16xi32>
      %add3A_1228 = arith.addi %xor3A_13, %add3A_1227 : vector<16xi32>
      %select_n3A_1229 = arith.select %lt3A_1225, %add3A_1228, %xor3A_13 : vector<16xi1>, vector<16xi32>
      %broadcast_in_dim3A_1230 = vector.shape_cast %select_n3A_1229 : vector<16xi32> to vector<16x1xi32>
      %gather3A_1231 = vector.shape_cast %broadcast_in_dim3A_1230 : vector<16x1xi32> to vector<16xi32>
      %gather3A_1232 = tpu.dynamic_gather %min3A_1222[%gather3A_1231] in [0] : vector<16xi32>, vector<16xi32> -> vector<16xi32>
      %min3A_1233 = arith.minsi %min3A_1222, %gather3A_1232 : vector<16xi32>
      %lt3A_1234 = arith.constant 0 : i32
      %lt3A_1235 = vector.broadcast %lt3A_1234 : i32 to vector<16xi32>
      %lt3A_1236 = arith.cmpi slt, %xor3A_16, %lt3A_1235 : vector<16xi32>
      %add3A_1237 = arith.constant 16 : i32
      %add3A_1238 = vector.broadcast %add3A_1237 : i32 to vector<16xi32>
      %add3A_1239 = arith.addi %xor3A_16, %add3A_1238 : vector<16xi32>
      %select_n3A_1240 = arith.select %lt3A_1236, %add3A_1239, %xor3A_16 : vector<16xi1>, vector<16xi32>
      %broadcast_in_dim3A_1241 = vector.shape_cast %select_n3A_1240 : vector<16xi32> to vector<16x1xi32>
      %gather3A_1242 = vector.shape_cast %broadcast_in_dim3A_1241 : vector<16x1xi32> to vector<16xi32>
      %gather3A_1243 = tpu.dynamic_gather %min3A_1233[%gather3A_1242] in [0] : vector<16xi32>, vector<16xi32> -> vector<16xi32>
      %min3A_1244 = arith.minsi %min3A_1233, %gather3A_1243 : vector<16xi32>
      %lt3A_1245 = arith.constant 0 : i32
      %lt3A_1246 = vector.broadcast %lt3A_1245 : i32 to vector<16xi32>
      %lt3A_1247 = arith.cmpi slt, %xor3A_19, %lt3A_1246 : vector<16xi32>
      %add3A_1248 = arith.constant 16 : i32
      %add3A_1249 = vector.broadcast %add3A_1248 : i32 to vector<16xi32>
      %add3A_1250 = arith.addi %xor3A_19, %add3A_1249 : vector<16xi32>
      %select_n3A_1251 = arith.select %lt3A_1247, %add3A_1250, %xor3A_19 : vector<16xi1>, vector<16xi32>
      %broadcast_in_dim3A_1252 = vector.shape_cast %select_n3A_1251 : vector<16xi32> to vector<16x1xi32>
      %gather3A_1253 = vector.shape_cast %broadcast_in_dim3A_1252 : vector<16x1xi32> to vector<16xi32>
      %gather3A_1254 = tpu.dynamic_gather %min3A_1244[%gather3A_1253] in [0] : vector<16xi32>, vector<16xi32> -> vector<16xi32>
      %min3A_1255 = arith.minsi %min3A_1244, %gather3A_1254 : vector<16xi32>
      %eq3A_1256 = arith.cmpi eq, %add3A_816, %min3A_1255 : vector<16xi32>
      %eq3A_1257 = arith.cmpi eq, %add3A_819, %min3A_1255 : vector<16xi32>
      %eq3A_1258 = arith.cmpi eq, %add3A_822, %min3A_1255 : vector<16xi32>
      %eq3A_1259 = arith.cmpi eq, %add3A_825, %min3A_1255 : vector<16xi32>
      %jit3A_1260 = arith.constant 1.000000e+00 : f32
      %broadcast_in_dim3A_1261 = vector.broadcast %jit3A_1260 : f32 to vector<16xf32>
      %select_n3A_1262 = arith.select %eq3A_1256, %broadcast_in_dim3A_1261, %scan3A_1149 : vector<16xi1>, vector<16xf32>
      %jit3A_1263 = arith.constant 1.000000e+00 : f32
      %broadcast_in_dim3A_1264 = vector.broadcast %jit3A_1263 : f32 to vector<16xf32>
      %select_n3A_1265 = arith.select %eq3A_1257, %broadcast_in_dim3A_1264, %scan3A_1150 : vector<16xi1>, vector<16xf32>
      %jit3A_1266 = arith.constant 1.000000e+00 : f32
      %broadcast_in_dim3A_1267 = vector.broadcast %jit3A_1266 : f32 to vector<16xf32>
      %select_n3A_1268 = arith.select %eq3A_1258, %broadcast_in_dim3A_1267, %scan3A_1151 : vector<16xi1>, vector<16xf32>
      %jit3A_1269 = arith.constant 1.000000e+00 : f32
      %broadcast_in_dim3A_1270 = vector.broadcast %jit3A_1269 : f32 to vector<16xf32>
      %select_n3A_1271 = arith.select %eq3A_1259, %broadcast_in_dim3A_1270, %scan3A_1152 : vector<16xi1>, vector<16xf32>
      %jit3A_1272 = arith.constant -1.000000e+00 : f32
      %broadcast_in_dim3A_1273 = vector.broadcast %jit3A_1272 : f32 to vector<16xf32>
      %select_n3A_1274 = arith.select %eq3A_1256, %broadcast_in_dim3A_1273, %scan3A_1145 : vector<16xi1>, vector<16xf32>
      %jit3A_1275 = arith.constant -1.000000e+00 : f32
      %broadcast_in_dim3A_1276 = vector.broadcast %jit3A_1275 : f32 to vector<16xf32>
      %select_n3A_1277 = arith.select %eq3A_1257, %broadcast_in_dim3A_1276, %scan3A_1146 : vector<16xi1>, vector<16xf32>
      %jit3A_1278 = arith.constant -1.000000e+00 : f32
      %broadcast_in_dim3A_1279 = vector.broadcast %jit3A_1278 : f32 to vector<16xf32>
      %select_n3A_1280 = arith.select %eq3A_1258, %broadcast_in_dim3A_1279, %scan3A_1147 : vector<16xi1>, vector<16xf32>
      %jit3A_1281 = arith.constant -1.000000e+00 : f32
      %broadcast_in_dim3A_1282 = vector.broadcast %jit3A_1281 : f32 to vector<16xf32>
      %select_n3A_1283 = arith.select %eq3A_1259, %broadcast_in_dim3A_1282, %scan3A_1148 : vector<16xi1>, vector<16xf32>
      scf.yield %select_n3A_1274, %select_n3A_1277, %select_n3A_1280, %select_n3A_1283, %select_n3A_1262, %select_n3A_1265, %select_n3A_1268, %select_n3A_1271 : vector<16xf32>, vector<16xf32>, vector<16xf32>, vector<16xf32>, vector<16xf32>, vector<16xf32>, vector<16xf32>, vector<16xf32>
    }
    %scan3A_831 = arith.constant 8 : i32
    %swap3A_832 = arith.constant 11 : i32
    %swap3A_833 = arith.index_cast %swap3A_832 : i32 to index
    %swap3A_834 = arith.constant 0 : index
    %swap3A_835 = tpu.vector_load %arg5[%swap3A_833, %swap3A_834] {strides = array<i32>} : memref<16x64xf32, #tpu.memory_space<vmem>>, vector<1x16xf32>,
    %swap3A_836 = vector.shape_cast %swap3A_835 : vector<1x16xf32> to vector<16xf32>
    %swap3A_837 = vector.shape_cast %scan3A_830#4 : vector<16xf32> to vector<1x16xf32>
    tpu.vector_store %arg5[%swap3A_833, %swap3A_834], %swap3A_837 {strides = array<i32>} : memref<16x64xf32, #tpu.memory_space<vmem>>, vector<1x16xf32>,
    %swap3A_838 = arith.constant 11 : i32
    %swap3A_839 = arith.index_cast %swap3A_838 : i32 to index
    %swap3A_840 = arith.constant 16 : index
    %swap3A_841 = tpu.vector_load %arg5[%swap3A_839, %swap3A_840] {strides = array<i32>} : memref<16x64xf32, #tpu.memory_space<vmem>>, vector<1x16xf32>,
    %swap3A_842 = vector.shape_cast %swap3A_841 : vector<1x16xf32> to vector<16xf32>
    %swap3A_843 = vector.shape_cast %scan3A_830#5 : vector<16xf32> to vector<1x16xf32>
    tpu.vector_store %arg5[%swap3A_839, %swap3A_840], %swap3A_843 {strides = array<i32>} : memref<16x64xf32, #tpu.memory_space<vmem>>, vector<1x16xf32>,
    %swap3A_844 = arith.constant 11 : i32
    %swap3A_845 = arith.index_cast %swap3A_844 : i32 to index
    %swap3A_846 = arith.constant 32 : index
    %swap3A_847 = tpu.vector_load %arg5[%swap3A_845, %swap3A_846] {strides = array<i32>} : memref<16x64xf32, #tpu.memory_space<vmem>>, vector<1x16xf32>,
    %swap3A_848 = vector.shape_cast %swap3A_847 : vector<1x16xf32> to vector<16xf32>
    %swap3A_849 = vector.shape_cast %scan3A_830#6 : vector<16xf32> to vector<1x16xf32>
    tpu.vector_store %arg5[%swap3A_845, %swap3A_846], %swap3A_849 {strides = array<i32>} : memref<16x64xf32, #tpu.memory_space<vmem>>, vector<1x16xf32>,
    %swap3A_850 = arith.constant 11 : i32
    %swap3A_851 = arith.index_cast %swap3A_850 : i32 to index
    %swap3A_852 = arith.constant 48 : index
    %swap3A_853 = tpu.vector_load %arg5[%swap3A_851, %swap3A_852] {strides = array<i32>} : memref<16x64xf32, #tpu.memory_space<vmem>>, vector<1x16xf32>,
    %swap3A_854 = vector.shape_cast %swap3A_853 : vector<1x16xf32> to vector<16xf32>
    %swap3A_855 = vector.shape_cast %scan3A_830#7 : vector<16xf32> to vector<1x16xf32>
    tpu.vector_store %arg5[%swap3A_851, %swap3A_852], %swap3A_855 {strides = array<i32>} : memref<16x64xf32, #tpu.memory_space<vmem>>, vector<1x16xf32>,
    %get3A_856 = arith.constant 12 : i32
    %get3A_857 = arith.index_cast %get3A_856 : i32 to index
    %get3A_858 = arith.constant 0 : index
    %get3A_859 = tpu.vector_load %arg4[%get3A_857, %get3A_858] {strides = array<i32>} : memref<16x64xf32, #tpu.memory_space<vmem>>, vector<1x16xf32>,
    %get3A_860 = vector.shape_cast %get3A_859 : vector<1x16xf32> to vector<16xf32>
    %get3A_861 = arith.constant 12 : i32
    %get3A_862 = arith.index_cast %get3A_861 : i32 to index
    %get3A_863 = arith.constant 16 : index
    %get3A_864 = tpu.vector_load %arg4[%get3A_862, %get3A_863] {strides = array<i32>} : memref<16x64xf32, #tpu.memory_space<vmem>>, vector<1x16xf32>,
    %get3A_865 = vector.shape_cast %get3A_864 : vector<1x16xf32> to vector<16xf32>
    %get3A_866 = arith.constant 12 : i32
    %get3A_867 = arith.index_cast %get3A_866 : i32 to index
    %get3A_868 = arith.constant 32 : index
    %get3A_869 = tpu.vector_load %arg4[%get3A_867, %get3A_868] {strides = array<i32>} : memref<16x64xf32, #tpu.memory_space<vmem>>, vector<1x16xf32>,
    %get3A_870 = vector.shape_cast %get3A_869 : vector<1x16xf32> to vector<16xf32>
    %get3A_871 = arith.constant 12 : i32
    %get3A_872 = arith.index_cast %get3A_871 : i32 to index
    %get3A_873 = arith.constant 48 : index
    %get3A_874 = tpu.vector_load %arg4[%get3A_872, %get3A_873] {strides = array<i32>} : memref<16x64xf32, #tpu.memory_space<vmem>>, vector<1x16xf32>,
    %get3A_875 = vector.shape_cast %get3A_874 : vector<1x16xf32> to vector<16xf32>
    %broadcast_in_dim3A_876 = arith.constant 0.000000e+00 : f32
    %broadcast_in_dim3A_877 = vector.broadcast %broadcast_in_dim3A_876 : f32 to vector<16xf32>
    %broadcast_in_dim3A_878 = arith.constant 0.000000e+00 : f32
    %broadcast_in_dim3A_879 = vector.broadcast %broadcast_in_dim3A_878 : f32 to vector<16xf32>
    %broadcast_in_dim3A_880 = arith.constant 0.000000e+00 : f32
    %broadcast_in_dim3A_881 = vector.broadcast %broadcast_in_dim3A_880 : f32 to vector<16xf32>
    %broadcast_in_dim3A_882 = arith.constant 0.000000e+00 : f32
    %broadcast_in_dim3A_883 = vector.broadcast %broadcast_in_dim3A_882 : f32 to vector<16xf32>
    %add3A_884 = arith.constant 0 : i32
    %add3A_885 = vector.broadcast %add3A_884 : i32 to vector<16xi32>
    %add3A_886 = arith.addi %iota3A, %add3A_885 : vector<16xi32>
    %add3A_887 = arith.constant 16 : i32
    %add3A_888 = vector.broadcast %add3A_887 : i32 to vector<16xi32>
    %add3A_889 = arith.addi %iota3A, %add3A_888 : vector<16xi32>
    %add3A_890 = arith.constant 32 : i32
    %add3A_891 = vector.broadcast %add3A_890 : i32 to vector<16xi32>
    %add3A_892 = arith.addi %iota3A, %add3A_891 : vector<16xi32>
    %add3A_893 = arith.constant 48 : i32
    %add3A_894 = vector.broadcast %add3A_893 : i32 to vector<16xi32>
    %add3A_895 = arith.addi %iota3A, %add3A_894 : vector<16xi32>
    %scan3A_896 = arith.constant 0 : i32
    %scan3A_897 = arith.constant 8 : i32
    %scan3A_898 = arith.addi %scan3A_896, %scan3A_897 : i32
    %scan3A_899 = arith.constant 1 : i32
    %scan3A_900:8 = scf.for %scan3A_1144 = %scan3A_896 to %scan3A_898 step %scan3A_899 iter_args(%scan3A_1145 = %get3A_860, %scan3A_1146 = %get3A_865, %scan3A_1147 = %get3A_870, %scan3A_1148 = %get3A_875, %scan3A_1149 = %broadcast_in_dim3A_877, %scan3A_1150 = %broadcast_in_dim3A_879, %scan3A_1151 = %broadcast_in_dim3A_881, %scan3A_1152 = %broadcast_in_dim3A_883) -> (vector<16xf32>, vector<16xf32>, vector<16xf32>, vector<16xf32>, vector<16xf32>, vector<16xf32>, vector<16xf32>, vector<16xf32>)  : i32 {
      %max3A = arith.maximumf %scan3A_1145, %scan3A_1146 : vector<16xf32>
      %max3A_1153 = arith.maximumf %scan3A_1147, %scan3A_1148 : vector<16xf32>
      %max3A_1154 = arith.maximumf %max3A, %max3A_1153 : vector<16xf32>
      %lt3A = arith.constant 0 : i32
      %lt3A_1155 = vector.broadcast %lt3A : i32 to vector<16xi32>
      %lt3A_1156 = arith.cmpi slt, %xor3A_10, %lt3A_1155 : vector<16xi32>
      %add3A_1157 = arith.constant 16 : i32
      %add3A_1158 = vector.broadcast %add3A_1157 : i32 to vector<16xi32>
      %add3A_1159 = arith.addi %xor3A_10, %add3A_1158 : vector<16xi32>
      %select_n3A = arith.select %lt3A_1156, %add3A_1159, %xor3A_10 : vector<16xi1>, vector<16xi32>
      %broadcast_in_dim3A_1160 = vector.shape_cast %select_n3A : vector<16xi32> to vector<16x1xi32>
      %gather3A = vector.shape_cast %broadcast_in_dim3A_1160 : vector<16x1xi32> to vector<16xi32>
      %gather3A_1161 = tpu.dynamic_gather %max3A_1154[%gather3A] in [0] : vector<16xf32>, vector<16xi32> -> vector<16xf32>
      %max3A_1162 = arith.maximumf %max3A_1154, %gather3A_1161 : vector<16xf32>
      %lt3A_1163 = arith.constant 0 : i32
      %lt3A_1164 = vector.broadcast %lt3A_1163 : i32 to vector<16xi32>
      %lt3A_1165 = arith.cmpi slt, %xor3A_13, %lt3A_1164 : vector<16xi32>
      %add3A_1166 = arith.constant 16 : i32
      %add3A_1167 = vector.broadcast %add3A_1166 : i32 to vector<16xi32>
      %add3A_1168 = arith.addi %xor3A_13, %add3A_1167 : vector<16xi32>
      %select_n3A_1169 = arith.select %lt3A_1165, %add3A_1168, %xor3A_13 : vector<16xi1>, vector<16xi32>
      %broadcast_in_dim3A_1170 = vector.shape_cast %select_n3A_1169 : vector<16xi32> to vector<16x1xi32>
      %gather3A_1171 = vector.shape_cast %broadcast_in_dim3A_1170 : vector<16x1xi32> to vector<16xi32>
      %gather3A_1172 = tpu.dynamic_gather %max3A_1162[%gather3A_1171] in [0] : vector<16xf32>, vector<16xi32> -> vector<16xf32>
      %max3A_1173 = arith.maximumf %max3A_1162, %gather3A_1172 : vector<16xf32>
      %lt3A_1174 = arith.constant 0 : i32
      %lt3A_1175 = vector.broadcast %lt3A_1174 : i32 to vector<16xi32>
      %lt3A_1176 = arith.cmpi slt, %xor3A_16, %lt3A_1175 : vector<16xi32>
      %add3A_1177 = arith.constant 16 : i32
      %add3A_1178 = vector.broadcast %add3A_1177 : i32 to vector<16xi32>
      %add3A_1179 = arith.addi %xor3A_16, %add3A_1178 : vector<16xi32>
      %select_n3A_1180 = arith.select %lt3A_1176, %add3A_1179, %xor3A_16 : vector<16xi1>, vector<16xi32>
      %broadcast_in_dim3A_1181 = vector.shape_cast %select_n3A_1180 : vector<16xi32> to vector<16x1xi32>
      %gather3A_1182 = vector.shape_cast %broadcast_in_dim3A_1181 : vector<16x1xi32> to vector<16xi32>
      %gather3A_1183 = tpu.dynamic_gather %max3A_1173[%gather3A_1182] in [0] : vector<16xf32>, vector<16xi32> -> vector<16xf32>
      %max3A_1184 = arith.maximumf %max3A_1173, %gather3A_1183 : vector<16xf32>
      %lt3A_1185 = arith.constant 0 : i32
      %lt3A_1186 = vector.broadcast %lt3A_1185 : i32 to vector<16xi32>
      %lt3A_1187 = arith.cmpi slt, %xor3A_19, %lt3A_1186 : vector<16xi32>
      %add3A_1188 = arith.constant 16 : i32
      %add3A_1189 = vector.broadcast %add3A_1188 : i32 to vector<16xi32>
      %add3A_1190 = arith.addi %xor3A_19, %add3A_1189 : vector<16xi32>
      %select_n3A_1191 = arith.select %lt3A_1187, %add3A_1190, %xor3A_19 : vector<16xi1>, vector<16xi32>
      %broadcast_in_dim3A_1192 = vector.shape_cast %select_n3A_1191 : vector<16xi32> to vector<16x1xi32>
      %gather3A_1193 = vector.shape_cast %broadcast_in_dim3A_1192 : vector<16x1xi32> to vector<16xi32>
      %gather3A_1194 = tpu.dynamic_gather %max3A_1184[%gather3A_1193] in [0] : vector<16xf32>, vector<16xi32> -> vector<16xf32>
      %max3A_1195 = arith.maximumf %max3A_1184, %gather3A_1194 : vector<16xf32>
      %eq3A = arith.cmpf oeq, %scan3A_1145, %max3A_1195 : vector<16xf32>
      %jit3A = arith.constant 64 : i32
      %broadcast_in_dim3A_1196 = vector.broadcast %jit3A : i32 to vector<16xi32>
      %select_n3A_1197 = arith.select %eq3A, %add3A_886, %broadcast_in_dim3A_1196 : vector<16xi1>, vector<16xi32>
      %eq3A_1198 = arith.cmpf oeq, %scan3A_1146, %max3A_1195 : vector<16xf32>
      %jit3A_1199 = arith.constant 64 : i32
      %broadcast_in_dim3A_1200 = vector.broadcast %jit3A_1199 : i32 to vector<16xi32>
      %select_n3A_1201 = arith.select %eq3A_1198, %add3A_889, %broadcast_in_dim3A_1200 : vector<16xi1>, vector<16xi32>
      %eq3A_1202 = arith.cmpf oeq, %scan3A_1147, %max3A_1195 : vector<16xf32>
      %jit3A_1203 = arith.constant 64 : i32
      %broadcast_in_dim3A_1204 = vector.broadcast %jit3A_1203 : i32 to vector<16xi32>
      %select_n3A_1205 = arith.select %eq3A_1202, %add3A_892, %broadcast_in_dim3A_1204 : vector<16xi1>, vector<16xi32>
      %eq3A_1206 = arith.cmpf oeq, %scan3A_1148, %max3A_1195 : vector<16xf32>
      %jit3A_1207 = arith.constant 64 : i32
      %broadcast_in_dim3A_1208 = vector.broadcast %jit3A_1207 : i32 to vector<16xi32>
      %select_n3A_1209 = arith.select %eq3A_1206, %add3A_895, %broadcast_in_dim3A_1208 : vector<16xi1>, vector<16xi32>
      %min3A = arith.minsi %select_n3A_1197, %select_n3A_1201 : vector<16xi32>
      %min3A_1210 = arith.minsi %select_n3A_1205, %select_n3A_1209 : vector<16xi32>
      %min3A_1211 = arith.minsi %min3A, %min3A_1210 : vector<16xi32>
      %lt3A_1212 = arith.constant 0 : i32
      %lt3A_1213 = vector.broadcast %lt3A_1212 : i32 to vector<16xi32>
      %lt3A_1214 = arith.cmpi slt, %xor3A_10, %lt3A_1213 : vector<16xi32>
      %add3A_1215 = arith.constant 16 : i32
      %add3A_1216 = vector.broadcast %add3A_1215 : i32 to vector<16xi32>
      %add3A_1217 = arith.addi %xor3A_10, %add3A_1216 : vector<16xi32>
      %select_n3A_1218 = arith.select %lt3A_1214, %add3A_1217, %xor3A_10 : vector<16xi1>, vector<16xi32>
      %broadcast_in_dim3A_1219 = vector.shape_cast %select_n3A_1218 : vector<16xi32> to vector<16x1xi32>
      %gather3A_1220 = vector.shape_cast %broadcast_in_dim3A_1219 : vector<16x1xi32> to vector<16xi32>
      %gather3A_1221 = tpu.dynamic_gather %min3A_1211[%gather3A_1220] in [0] : vector<16xi32>, vector<16xi32> -> vector<16xi32>
      %min3A_1222 = arith.minsi %min3A_1211, %gather3A_1221 : vector<16xi32>
      %lt3A_1223 = arith.constant 0 : i32
      %lt3A_1224 = vector.broadcast %lt3A_1223 : i32 to vector<16xi32>
      %lt3A_1225 = arith.cmpi slt, %xor3A_13, %lt3A_1224 : vector<16xi32>
      %add3A_1226 = arith.constant 16 : i32
      %add3A_1227 = vector.broadcast %add3A_1226 : i32 to vector<16xi32>
      %add3A_1228 = arith.addi %xor3A_13, %add3A_1227 : vector<16xi32>
      %select_n3A_1229 = arith.select %lt3A_1225, %add3A_1228, %xor3A_13 : vector<16xi1>, vector<16xi32>
      %broadcast_in_dim3A_1230 = vector.shape_cast %select_n3A_1229 : vector<16xi32> to vector<16x1xi32>
      %gather3A_1231 = vector.shape_cast %broadcast_in_dim3A_1230 : vector<16x1xi32> to vector<16xi32>
      %gather3A_1232 = tpu.dynamic_gather %min3A_1222[%gather3A_1231] in [0] : vector<16xi32>, vector<16xi32> -> vector<16xi32>
      %min3A_1233 = arith.minsi %min3A_1222, %gather3A_1232 : vector<16xi32>
      %lt3A_1234 = arith.constant 0 : i32
      %lt3A_1235 = vector.broadcast %lt3A_1234 : i32 to vector<16xi32>
      %lt3A_1236 = arith.cmpi slt, %xor3A_16, %lt3A_1235 : vector<16xi32>
      %add3A_1237 = arith.constant 16 : i32
      %add3A_1238 = vector.broadcast %add3A_1237 : i32 to vector<16xi32>
      %add3A_1239 = arith.addi %xor3A_16, %add3A_1238 : vector<16xi32>
      %select_n3A_1240 = arith.select %lt3A_1236, %add3A_1239, %xor3A_16 : vector<16xi1>, vector<16xi32>
      %broadcast_in_dim3A_1241 = vector.shape_cast %select_n3A_1240 : vector<16xi32> to vector<16x1xi32>
      %gather3A_1242 = vector.shape_cast %broadcast_in_dim3A_1241 : vector<16x1xi32> to vector<16xi32>
      %gather3A_1243 = tpu.dynamic_gather %min3A_1233[%gather3A_1242] in [0] : vector<16xi32>, vector<16xi32> -> vector<16xi32>
      %min3A_1244 = arith.minsi %min3A_1233, %gather3A_1243 : vector<16xi32>
      %lt3A_1245 = arith.constant 0 : i32
      %lt3A_1246 = vector.broadcast %lt3A_1245 : i32 to vector<16xi32>
      %lt3A_1247 = arith.cmpi slt, %xor3A_19, %lt3A_1246 : vector<16xi32>
      %add3A_1248 = arith.constant 16 : i32
      %add3A_1249 = vector.broadcast %add3A_1248 : i32 to vector<16xi32>
      %add3A_1250 = arith.addi %xor3A_19, %add3A_1249 : vector<16xi32>
      %select_n3A_1251 = arith.select %lt3A_1247, %add3A_1250, %xor3A_19 : vector<16xi1>, vector<16xi32>
      %broadcast_in_dim3A_1252 = vector.shape_cast %select_n3A_1251 : vector<16xi32> to vector<16x1xi32>
      %gather3A_1253 = vector.shape_cast %broadcast_in_dim3A_1252 : vector<16x1xi32> to vector<16xi32>
      %gather3A_1254 = tpu.dynamic_gather %min3A_1244[%gather3A_1253] in [0] : vector<16xi32>, vector<16xi32> -> vector<16xi32>
      %min3A_1255 = arith.minsi %min3A_1244, %gather3A_1254 : vector<16xi32>
      %eq3A_1256 = arith.cmpi eq, %add3A_886, %min3A_1255 : vector<16xi32>
      %eq3A_1257 = arith.cmpi eq, %add3A_889, %min3A_1255 : vector<16xi32>
      %eq3A_1258 = arith.cmpi eq, %add3A_892, %min3A_1255 : vector<16xi32>
      %eq3A_1259 = arith.cmpi eq, %add3A_895, %min3A_1255 : vector<16xi32>
      %jit3A_1260 = arith.constant 1.000000e+00 : f32
      %broadcast_in_dim3A_1261 = vector.broadcast %jit3A_1260 : f32 to vector<16xf32>
      %select_n3A_1262 = arith.select %eq3A_1256, %broadcast_in_dim3A_1261, %scan3A_1149 : vector<16xi1>, vector<16xf32>
      %jit3A_1263 = arith.constant 1.000000e+00 : f32
      %broadcast_in_dim3A_1264 = vector.broadcast %jit3A_1263 : f32 to vector<16xf32>
      %select_n3A_1265 = arith.select %eq3A_1257, %broadcast_in_dim3A_1264, %scan3A_1150 : vector<16xi1>, vector<16xf32>
      %jit3A_1266 = arith.constant 1.000000e+00 : f32
      %broadcast_in_dim3A_1267 = vector.broadcast %jit3A_1266 : f32 to vector<16xf32>
      %select_n3A_1268 = arith.select %eq3A_1258, %broadcast_in_dim3A_1267, %scan3A_1151 : vector<16xi1>, vector<16xf32>
      %jit3A_1269 = arith.constant 1.000000e+00 : f32
      %broadcast_in_dim3A_1270 = vector.broadcast %jit3A_1269 : f32 to vector<16xf32>
      %select_n3A_1271 = arith.select %eq3A_1259, %broadcast_in_dim3A_1270, %scan3A_1152 : vector<16xi1>, vector<16xf32>
      %jit3A_1272 = arith.constant -1.000000e+00 : f32
      %broadcast_in_dim3A_1273 = vector.broadcast %jit3A_1272 : f32 to vector<16xf32>
      %select_n3A_1274 = arith.select %eq3A_1256, %broadcast_in_dim3A_1273, %scan3A_1145 : vector<16xi1>, vector<16xf32>
      %jit3A_1275 = arith.constant -1.000000e+00 : f32
      %broadcast_in_dim3A_1276 = vector.broadcast %jit3A_1275 : f32 to vector<16xf32>
      %select_n3A_1277 = arith.select %eq3A_1257, %broadcast_in_dim3A_1276, %scan3A_1146 : vector<16xi1>, vector<16xf32>
      %jit3A_1278 = arith.constant -1.000000e+00 : f32
      %broadcast_in_dim3A_1279 = vector.broadcast %jit3A_1278 : f32 to vector<16xf32>
      %select_n3A_1280 = arith.select %eq3A_1258, %broadcast_in_dim3A_1279, %scan3A_1147 : vector<16xi1>, vector<16xf32>
      %jit3A_1281 = arith.constant -1.000000e+00 : f32
      %broadcast_in_dim3A_1282 = vector.broadcast %jit3A_1281 : f32 to vector<16xf32>
      %select_n3A_1283 = arith.select %eq3A_1259, %broadcast_in_dim3A_1282, %scan3A_1148 : vector<16xi1>, vector<16xf32>
      scf.yield %select_n3A_1274, %select_n3A_1277, %select_n3A_1280, %select_n3A_1283, %select_n3A_1262, %select_n3A_1265, %select_n3A_1268, %select_n3A_1271 : vector<16xf32>, vector<16xf32>, vector<16xf32>, vector<16xf32>, vector<16xf32>, vector<16xf32>, vector<16xf32>, vector<16xf32>
    }
    %scan3A_901 = arith.constant 8 : i32
    %swap3A_902 = arith.constant 12 : i32
    %swap3A_903 = arith.index_cast %swap3A_902 : i32 to index
    %swap3A_904 = arith.constant 0 : index
    %swap3A_905 = tpu.vector_load %arg5[%swap3A_903, %swap3A_904] {strides = array<i32>} : memref<16x64xf32, #tpu.memory_space<vmem>>, vector<1x16xf32>,
    %swap3A_906 = vector.shape_cast %swap3A_905 : vector<1x16xf32> to vector<16xf32>
    %swap3A_907 = vector.shape_cast %scan3A_900#4 : vector<16xf32> to vector<1x16xf32>
    tpu.vector_store %arg5[%swap3A_903, %swap3A_904], %swap3A_907 {strides = array<i32>} : memref<16x64xf32, #tpu.memory_space<vmem>>, vector<1x16xf32>,
    %swap3A_908 = arith.constant 12 : i32
    %swap3A_909 = arith.index_cast %swap3A_908 : i32 to index
    %swap3A_910 = arith.constant 16 : index
    %swap3A_911 = tpu.vector_load %arg5[%swap3A_909, %swap3A_910] {strides = array<i32>} : memref<16x64xf32, #tpu.memory_space<vmem>>, vector<1x16xf32>,
    %swap3A_912 = vector.shape_cast %swap3A_911 : vector<1x16xf32> to vector<16xf32>
    %swap3A_913 = vector.shape_cast %scan3A_900#5 : vector<16xf32> to vector<1x16xf32>
    tpu.vector_store %arg5[%swap3A_909, %swap3A_910], %swap3A_913 {strides = array<i32>} : memref<16x64xf32, #tpu.memory_space<vmem>>, vector<1x16xf32>,
    %swap3A_914 = arith.constant 12 : i32
    %swap3A_915 = arith.index_cast %swap3A_914 : i32 to index
    %swap3A_916 = arith.constant 32 : index
    %swap3A_917 = tpu.vector_load %arg5[%swap3A_915, %swap3A_916] {strides = array<i32>} : memref<16x64xf32, #tpu.memory_space<vmem>>, vector<1x16xf32>,
    %swap3A_918 = vector.shape_cast %swap3A_917 : vector<1x16xf32> to vector<16xf32>
    %swap3A_919 = vector.shape_cast %scan3A_900#6 : vector<16xf32> to vector<1x16xf32>
    tpu.vector_store %arg5[%swap3A_915, %swap3A_916], %swap3A_919 {strides = array<i32>} : memref<16x64xf32, #tpu.memory_space<vmem>>, vector<1x16xf32>,
    %swap3A_920 = arith.constant 12 : i32
    %swap3A_921 = arith.index_cast %swap3A_920 : i32 to index
    %swap3A_922 = arith.constant 48 : index
    %swap3A_923 = tpu.vector_load %arg5[%swap3A_921, %swap3A_922] {strides = array<i32>} : memref<16x64xf32, #tpu.memory_space<vmem>>, vector<1x16xf32>,
    %swap3A_924 = vector.shape_cast %swap3A_923 : vector<1x16xf32> to vector<16xf32>
    %swap3A_925 = vector.shape_cast %scan3A_900#7 : vector<16xf32> to vector<1x16xf32>
    tpu.vector_store %arg5[%swap3A_921, %swap3A_922], %swap3A_925 {strides = array<i32>} : memref<16x64xf32, #tpu.memory_space<vmem>>, vector<1x16xf32>,
    %get3A_926 = arith.constant 13 : i32
    %get3A_927 = arith.index_cast %get3A_926 : i32 to index
    %get3A_928 = arith.constant 0 : index
    %get3A_929 = tpu.vector_load %arg4[%get3A_927, %get3A_928] {strides = array<i32>} : memref<16x64xf32, #tpu.memory_space<vmem>>, vector<1x16xf32>,
    %get3A_930 = vector.shape_cast %get3A_929 : vector<1x16xf32> to vector<16xf32>
    %get3A_931 = arith.constant 13 : i32
    %get3A_932 = arith.index_cast %get3A_931 : i32 to index
    %get3A_933 = arith.constant 16 : index
    %get3A_934 = tpu.vector_load %arg4[%get3A_932, %get3A_933] {strides = array<i32>} : memref<16x64xf32, #tpu.memory_space<vmem>>, vector<1x16xf32>,
    %get3A_935 = vector.shape_cast %get3A_934 : vector<1x16xf32> to vector<16xf32>
    %get3A_936 = arith.constant 13 : i32
    %get3A_937 = arith.index_cast %get3A_936 : i32 to index
    %get3A_938 = arith.constant 32 : index
    %get3A_939 = tpu.vector_load %arg4[%get3A_937, %get3A_938] {strides = array<i32>} : memref<16x64xf32, #tpu.memory_space<vmem>>, vector<1x16xf32>,
    %get3A_940 = vector.shape_cast %get3A_939 : vector<1x16xf32> to vector<16xf32>
    %get3A_941 = arith.constant 13 : i32
    %get3A_942 = arith.index_cast %get3A_941 : i32 to index
    %get3A_943 = arith.constant 48 : index
    %get3A_944 = tpu.vector_load %arg4[%get3A_942, %get3A_943] {strides = array<i32>} : memref<16x64xf32, #tpu.memory_space<vmem>>, vector<1x16xf32>,
    %get3A_945 = vector.shape_cast %get3A_944 : vector<1x16xf32> to vector<16xf32>
    %broadcast_in_dim3A_946 = arith.constant 0.000000e+00 : f32
    %broadcast_in_dim3A_947 = vector.broadcast %broadcast_in_dim3A_946 : f32 to vector<16xf32>
    %broadcast_in_dim3A_948 = arith.constant 0.000000e+00 : f32
    %broadcast_in_dim3A_949 = vector.broadcast %broadcast_in_dim3A_948 : f32 to vector<16xf32>
    %broadcast_in_dim3A_950 = arith.constant 0.000000e+00 : f32
    %broadcast_in_dim3A_951 = vector.broadcast %broadcast_in_dim3A_950 : f32 to vector<16xf32>
    %broadcast_in_dim3A_952 = arith.constant 0.000000e+00 : f32
    %broadcast_in_dim3A_953 = vector.broadcast %broadcast_in_dim3A_952 : f32 to vector<16xf32>
    %add3A_954 = arith.constant 0 : i32
    %add3A_955 = vector.broadcast %add3A_954 : i32 to vector<16xi32>
    %add3A_956 = arith.addi %iota3A, %add3A_955 : vector<16xi32>
    %add3A_957 = arith.constant 16 : i32
    %add3A_958 = vector.broadcast %add3A_957 : i32 to vector<16xi32>
    %add3A_959 = arith.addi %iota3A, %add3A_958 : vector<16xi32>
    %add3A_960 = arith.constant 32 : i32
    %add3A_961 = vector.broadcast %add3A_960 : i32 to vector<16xi32>
    %add3A_962 = arith.addi %iota3A, %add3A_961 : vector<16xi32>
    %add3A_963 = arith.constant 48 : i32
    %add3A_964 = vector.broadcast %add3A_963 : i32 to vector<16xi32>
    %add3A_965 = arith.addi %iota3A, %add3A_964 : vector<16xi32>
    %scan3A_966 = arith.constant 0 : i32
    %scan3A_967 = arith.constant 8 : i32
    %scan3A_968 = arith.addi %scan3A_966, %scan3A_967 : i32
    %scan3A_969 = arith.constant 1 : i32
    %scan3A_970:8 = scf.for %scan3A_1144 = %scan3A_966 to %scan3A_968 step %scan3A_969 iter_args(%scan3A_1145 = %get3A_930, %scan3A_1146 = %get3A_935, %scan3A_1147 = %get3A_940, %scan3A_1148 = %get3A_945, %scan3A_1149 = %broadcast_in_dim3A_947, %scan3A_1150 = %broadcast_in_dim3A_949, %scan3A_1151 = %broadcast_in_dim3A_951, %scan3A_1152 = %broadcast_in_dim3A_953) -> (vector<16xf32>, vector<16xf32>, vector<16xf32>, vector<16xf32>, vector<16xf32>, vector<16xf32>, vector<16xf32>, vector<16xf32>)  : i32 {
      %max3A = arith.maximumf %scan3A_1145, %scan3A_1146 : vector<16xf32>
      %max3A_1153 = arith.maximumf %scan3A_1147, %scan3A_1148 : vector<16xf32>
      %max3A_1154 = arith.maximumf %max3A, %max3A_1153 : vector<16xf32>
      %lt3A = arith.constant 0 : i32
      %lt3A_1155 = vector.broadcast %lt3A : i32 to vector<16xi32>
      %lt3A_1156 = arith.cmpi slt, %xor3A_10, %lt3A_1155 : vector<16xi32>
      %add3A_1157 = arith.constant 16 : i32
      %add3A_1158 = vector.broadcast %add3A_1157 : i32 to vector<16xi32>
      %add3A_1159 = arith.addi %xor3A_10, %add3A_1158 : vector<16xi32>
      %select_n3A = arith.select %lt3A_1156, %add3A_1159, %xor3A_10 : vector<16xi1>, vector<16xi32>
      %broadcast_in_dim3A_1160 = vector.shape_cast %select_n3A : vector<16xi32> to vector<16x1xi32>
      %gather3A = vector.shape_cast %broadcast_in_dim3A_1160 : vector<16x1xi32> to vector<16xi32>
      %gather3A_1161 = tpu.dynamic_gather %max3A_1154[%gather3A] in [0] : vector<16xf32>, vector<16xi32> -> vector<16xf32>
      %max3A_1162 = arith.maximumf %max3A_1154, %gather3A_1161 : vector<16xf32>
      %lt3A_1163 = arith.constant 0 : i32
      %lt3A_1164 = vector.broadcast %lt3A_1163 : i32 to vector<16xi32>
      %lt3A_1165 = arith.cmpi slt, %xor3A_13, %lt3A_1164 : vector<16xi32>
      %add3A_1166 = arith.constant 16 : i32
      %add3A_1167 = vector.broadcast %add3A_1166 : i32 to vector<16xi32>
      %add3A_1168 = arith.addi %xor3A_13, %add3A_1167 : vector<16xi32>
      %select_n3A_1169 = arith.select %lt3A_1165, %add3A_1168, %xor3A_13 : vector<16xi1>, vector<16xi32>
      %broadcast_in_dim3A_1170 = vector.shape_cast %select_n3A_1169 : vector<16xi32> to vector<16x1xi32>
      %gather3A_1171 = vector.shape_cast %broadcast_in_dim3A_1170 : vector<16x1xi32> to vector<16xi32>
      %gather3A_1172 = tpu.dynamic_gather %max3A_1162[%gather3A_1171] in [0] : vector<16xf32>, vector<16xi32> -> vector<16xf32>
      %max3A_1173 = arith.maximumf %max3A_1162, %gather3A_1172 : vector<16xf32>
      %lt3A_1174 = arith.constant 0 : i32
      %lt3A_1175 = vector.broadcast %lt3A_1174 : i32 to vector<16xi32>
      %lt3A_1176 = arith.cmpi slt, %xor3A_16, %lt3A_1175 : vector<16xi32>
      %add3A_1177 = arith.constant 16 : i32
      %add3A_1178 = vector.broadcast %add3A_1177 : i32 to vector<16xi32>
      %add3A_1179 = arith.addi %xor3A_16, %add3A_1178 : vector<16xi32>
      %select_n3A_1180 = arith.select %lt3A_1176, %add3A_1179, %xor3A_16 : vector<16xi1>, vector<16xi32>
      %broadcast_in_dim3A_1181 = vector.shape_cast %select_n3A_1180 : vector<16xi32> to vector<16x1xi32>
      %gather3A_1182 = vector.shape_cast %broadcast_in_dim3A_1181 : vector<16x1xi32> to vector<16xi32>
      %gather3A_1183 = tpu.dynamic_gather %max3A_1173[%gather3A_1182] in [0] : vector<16xf32>, vector<16xi32> -> vector<16xf32>
      %max3A_1184 = arith.maximumf %max3A_1173, %gather3A_1183 : vector<16xf32>
      %lt3A_1185 = arith.constant 0 : i32
      %lt3A_1186 = vector.broadcast %lt3A_1185 : i32 to vector<16xi32>
      %lt3A_1187 = arith.cmpi slt, %xor3A_19, %lt3A_1186 : vector<16xi32>
      %add3A_1188 = arith.constant 16 : i32
      %add3A_1189 = vector.broadcast %add3A_1188 : i32 to vector<16xi32>
      %add3A_1190 = arith.addi %xor3A_19, %add3A_1189 : vector<16xi32>
      %select_n3A_1191 = arith.select %lt3A_1187, %add3A_1190, %xor3A_19 : vector<16xi1>, vector<16xi32>
      %broadcast_in_dim3A_1192 = vector.shape_cast %select_n3A_1191 : vector<16xi32> to vector<16x1xi32>
      %gather3A_1193 = vector.shape_cast %broadcast_in_dim3A_1192 : vector<16x1xi32> to vector<16xi32>
      %gather3A_1194 = tpu.dynamic_gather %max3A_1184[%gather3A_1193] in [0] : vector<16xf32>, vector<16xi32> -> vector<16xf32>
      %max3A_1195 = arith.maximumf %max3A_1184, %gather3A_1194 : vector<16xf32>
      %eq3A = arith.cmpf oeq, %scan3A_1145, %max3A_1195 : vector<16xf32>
      %jit3A = arith.constant 64 : i32
      %broadcast_in_dim3A_1196 = vector.broadcast %jit3A : i32 to vector<16xi32>
      %select_n3A_1197 = arith.select %eq3A, %add3A_956, %broadcast_in_dim3A_1196 : vector<16xi1>, vector<16xi32>
      %eq3A_1198 = arith.cmpf oeq, %scan3A_1146, %max3A_1195 : vector<16xf32>
      %jit3A_1199 = arith.constant 64 : i32
      %broadcast_in_dim3A_1200 = vector.broadcast %jit3A_1199 : i32 to vector<16xi32>
      %select_n3A_1201 = arith.select %eq3A_1198, %add3A_959, %broadcast_in_dim3A_1200 : vector<16xi1>, vector<16xi32>
      %eq3A_1202 = arith.cmpf oeq, %scan3A_1147, %max3A_1195 : vector<16xf32>
      %jit3A_1203 = arith.constant 64 : i32
      %broadcast_in_dim3A_1204 = vector.broadcast %jit3A_1203 : i32 to vector<16xi32>
      %select_n3A_1205 = arith.select %eq3A_1202, %add3A_962, %broadcast_in_dim3A_1204 : vector<16xi1>, vector<16xi32>
      %eq3A_1206 = arith.cmpf oeq, %scan3A_1148, %max3A_1195 : vector<16xf32>
      %jit3A_1207 = arith.constant 64 : i32
      %broadcast_in_dim3A_1208 = vector.broadcast %jit3A_1207 : i32 to vector<16xi32>
      %select_n3A_1209 = arith.select %eq3A_1206, %add3A_965, %broadcast_in_dim3A_1208 : vector<16xi1>, vector<16xi32>
      %min3A = arith.minsi %select_n3A_1197, %select_n3A_1201 : vector<16xi32>
      %min3A_1210 = arith.minsi %select_n3A_1205, %select_n3A_1209 : vector<16xi32>
      %min3A_1211 = arith.minsi %min3A, %min3A_1210 : vector<16xi32>
      %lt3A_1212 = arith.constant 0 : i32
      %lt3A_1213 = vector.broadcast %lt3A_1212 : i32 to vector<16xi32>
      %lt3A_1214 = arith.cmpi slt, %xor3A_10, %lt3A_1213 : vector<16xi32>
      %add3A_1215 = arith.constant 16 : i32
      %add3A_1216 = vector.broadcast %add3A_1215 : i32 to vector<16xi32>
      %add3A_1217 = arith.addi %xor3A_10, %add3A_1216 : vector<16xi32>
      %select_n3A_1218 = arith.select %lt3A_1214, %add3A_1217, %xor3A_10 : vector<16xi1>, vector<16xi32>
      %broadcast_in_dim3A_1219 = vector.shape_cast %select_n3A_1218 : vector<16xi32> to vector<16x1xi32>
      %gather3A_1220 = vector.shape_cast %broadcast_in_dim3A_1219 : vector<16x1xi32> to vector<16xi32>
      %gather3A_1221 = tpu.dynamic_gather %min3A_1211[%gather3A_1220] in [0] : vector<16xi32>, vector<16xi32> -> vector<16xi32>
      %min3A_1222 = arith.minsi %min3A_1211, %gather3A_1221 : vector<16xi32>
      %lt3A_1223 = arith.constant 0 : i32
      %lt3A_1224 = vector.broadcast %lt3A_1223 : i32 to vector<16xi32>
      %lt3A_1225 = arith.cmpi slt, %xor3A_13, %lt3A_1224 : vector<16xi32>
      %add3A_1226 = arith.constant 16 : i32
      %add3A_1227 = vector.broadcast %add3A_1226 : i32 to vector<16xi32>
      %add3A_1228 = arith.addi %xor3A_13, %add3A_1227 : vector<16xi32>
      %select_n3A_1229 = arith.select %lt3A_1225, %add3A_1228, %xor3A_13 : vector<16xi1>, vector<16xi32>
      %broadcast_in_dim3A_1230 = vector.shape_cast %select_n3A_1229 : vector<16xi32> to vector<16x1xi32>
      %gather3A_1231 = vector.shape_cast %broadcast_in_dim3A_1230 : vector<16x1xi32> to vector<16xi32>
      %gather3A_1232 = tpu.dynamic_gather %min3A_1222[%gather3A_1231] in [0] : vector<16xi32>, vector<16xi32> -> vector<16xi32>
      %min3A_1233 = arith.minsi %min3A_1222, %gather3A_1232 : vector<16xi32>
      %lt3A_1234 = arith.constant 0 : i32
      %lt3A_1235 = vector.broadcast %lt3A_1234 : i32 to vector<16xi32>
      %lt3A_1236 = arith.cmpi slt, %xor3A_16, %lt3A_1235 : vector<16xi32>
      %add3A_1237 = arith.constant 16 : i32
      %add3A_1238 = vector.broadcast %add3A_1237 : i32 to vector<16xi32>
      %add3A_1239 = arith.addi %xor3A_16, %add3A_1238 : vector<16xi32>
      %select_n3A_1240 = arith.select %lt3A_1236, %add3A_1239, %xor3A_16 : vector<16xi1>, vector<16xi32>
      %broadcast_in_dim3A_1241 = vector.shape_cast %select_n3A_1240 : vector<16xi32> to vector<16x1xi32>
      %gather3A_1242 = vector.shape_cast %broadcast_in_dim3A_1241 : vector<16x1xi32> to vector<16xi32>
      %gather3A_1243 = tpu.dynamic_gather %min3A_1233[%gather3A_1242] in [0] : vector<16xi32>, vector<16xi32> -> vector<16xi32>
      %min3A_1244 = arith.minsi %min3A_1233, %gather3A_1243 : vector<16xi32>
      %lt3A_1245 = arith.constant 0 : i32
      %lt3A_1246 = vector.broadcast %lt3A_1245 : i32 to vector<16xi32>
      %lt3A_1247 = arith.cmpi slt, %xor3A_19, %lt3A_1246 : vector<16xi32>
      %add3A_1248 = arith.constant 16 : i32
      %add3A_1249 = vector.broadcast %add3A_1248 : i32 to vector<16xi32>
      %add3A_1250 = arith.addi %xor3A_19, %add3A_1249 : vector<16xi32>
      %select_n3A_1251 = arith.select %lt3A_1247, %add3A_1250, %xor3A_19 : vector<16xi1>, vector<16xi32>
      %broadcast_in_dim3A_1252 = vector.shape_cast %select_n3A_1251 : vector<16xi32> to vector<16x1xi32>
      %gather3A_1253 = vector.shape_cast %broadcast_in_dim3A_1252 : vector<16x1xi32> to vector<16xi32>
      %gather3A_1254 = tpu.dynamic_gather %min3A_1244[%gather3A_1253] in [0] : vector<16xi32>, vector<16xi32> -> vector<16xi32>
      %min3A_1255 = arith.minsi %min3A_1244, %gather3A_1254 : vector<16xi32>
      %eq3A_1256 = arith.cmpi eq, %add3A_956, %min3A_1255 : vector<16xi32>
      %eq3A_1257 = arith.cmpi eq, %add3A_959, %min3A_1255 : vector<16xi32>
      %eq3A_1258 = arith.cmpi eq, %add3A_962, %min3A_1255 : vector<16xi32>
      %eq3A_1259 = arith.cmpi eq, %add3A_965, %min3A_1255 : vector<16xi32>
      %jit3A_1260 = arith.constant 1.000000e+00 : f32
      %broadcast_in_dim3A_1261 = vector.broadcast %jit3A_1260 : f32 to vector<16xf32>
      %select_n3A_1262 = arith.select %eq3A_1256, %broadcast_in_dim3A_1261, %scan3A_1149 : vector<16xi1>, vector<16xf32>
      %jit3A_1263 = arith.constant 1.000000e+00 : f32
      %broadcast_in_dim3A_1264 = vector.broadcast %jit3A_1263 : f32 to vector<16xf32>
      %select_n3A_1265 = arith.select %eq3A_1257, %broadcast_in_dim3A_1264, %scan3A_1150 : vector<16xi1>, vector<16xf32>
      %jit3A_1266 = arith.constant 1.000000e+00 : f32
      %broadcast_in_dim3A_1267 = vector.broadcast %jit3A_1266 : f32 to vector<16xf32>
      %select_n3A_1268 = arith.select %eq3A_1258, %broadcast_in_dim3A_1267, %scan3A_1151 : vector<16xi1>, vector<16xf32>
      %jit3A_1269 = arith.constant 1.000000e+00 : f32
      %broadcast_in_dim3A_1270 = vector.broadcast %jit3A_1269 : f32 to vector<16xf32>
      %select_n3A_1271 = arith.select %eq3A_1259, %broadcast_in_dim3A_1270, %scan3A_1152 : vector<16xi1>, vector<16xf32>
      %jit3A_1272 = arith.constant -1.000000e+00 : f32
      %broadcast_in_dim3A_1273 = vector.broadcast %jit3A_1272 : f32 to vector<16xf32>
      %select_n3A_1274 = arith.select %eq3A_1256, %broadcast_in_dim3A_1273, %scan3A_1145 : vector<16xi1>, vector<16xf32>
      %jit3A_1275 = arith.constant -1.000000e+00 : f32
      %broadcast_in_dim3A_1276 = vector.broadcast %jit3A_1275 : f32 to vector<16xf32>
      %select_n3A_1277 = arith.select %eq3A_1257, %broadcast_in_dim3A_1276, %scan3A_1146 : vector<16xi1>, vector<16xf32>
      %jit3A_1278 = arith.constant -1.000000e+00 : f32
      %broadcast_in_dim3A_1279 = vector.broadcast %jit3A_1278 : f32 to vector<16xf32>
      %select_n3A_1280 = arith.select %eq3A_1258, %broadcast_in_dim3A_1279, %scan3A_1147 : vector<16xi1>, vector<16xf32>
      %jit3A_1281 = arith.constant -1.000000e+00 : f32
      %broadcast_in_dim3A_1282 = vector.broadcast %jit3A_1281 : f32 to vector<16xf32>
      %select_n3A_1283 = arith.select %eq3A_1259, %broadcast_in_dim3A_1282, %scan3A_1148 : vector<16xi1>, vector<16xf32>
      scf.yield %select_n3A_1274, %select_n3A_1277, %select_n3A_1280, %select_n3A_1283, %select_n3A_1262, %select_n3A_1265, %select_n3A_1268, %select_n3A_1271 : vector<16xf32>, vector<16xf32>, vector<16xf32>, vector<16xf32>, vector<16xf32>, vector<16xf32>, vector<16xf32>, vector<16xf32>
    }
    %scan3A_971 = arith.constant 8 : i32
    %swap3A_972 = arith.constant 13 : i32
    %swap3A_973 = arith.index_cast %swap3A_972 : i32 to index
    %swap3A_974 = arith.constant 0 : index
    %swap3A_975 = tpu.vector_load %arg5[%swap3A_973, %swap3A_974] {strides = array<i32>} : memref<16x64xf32, #tpu.memory_space<vmem>>, vector<1x16xf32>,
    %swap3A_976 = vector.shape_cast %swap3A_975 : vector<1x16xf32> to vector<16xf32>
    %swap3A_977 = vector.shape_cast %scan3A_970#4 : vector<16xf32> to vector<1x16xf32>
    tpu.vector_store %arg5[%swap3A_973, %swap3A_974], %swap3A_977 {strides = array<i32>} : memref<16x64xf32, #tpu.memory_space<vmem>>, vector<1x16xf32>,
    %swap3A_978 = arith.constant 13 : i32
    %swap3A_979 = arith.index_cast %swap3A_978 : i32 to index
    %swap3A_980 = arith.constant 16 : index
    %swap3A_981 = tpu.vector_load %arg5[%swap3A_979, %swap3A_980] {strides = array<i32>} : memref<16x64xf32, #tpu.memory_space<vmem>>, vector<1x16xf32>,
    %swap3A_982 = vector.shape_cast %swap3A_981 : vector<1x16xf32> to vector<16xf32>
    %swap3A_983 = vector.shape_cast %scan3A_970#5 : vector<16xf32> to vector<1x16xf32>
    tpu.vector_store %arg5[%swap3A_979, %swap3A_980], %swap3A_983 {strides = array<i32>} : memref<16x64xf32, #tpu.memory_space<vmem>>, vector<1x16xf32>,
    %swap3A_984 = arith.constant 13 : i32
    %swap3A_985 = arith.index_cast %swap3A_984 : i32 to index
    %swap3A_986 = arith.constant 32 : index
    %swap3A_987 = tpu.vector_load %arg5[%swap3A_985, %swap3A_986] {strides = array<i32>} : memref<16x64xf32, #tpu.memory_space<vmem>>, vector<1x16xf32>,
    %swap3A_988 = vector.shape_cast %swap3A_987 : vector<1x16xf32> to vector<16xf32>
    %swap3A_989 = vector.shape_cast %scan3A_970#6 : vector<16xf32> to vector<1x16xf32>
    tpu.vector_store %arg5[%swap3A_985, %swap3A_986], %swap3A_989 {strides = array<i32>} : memref<16x64xf32, #tpu.memory_space<vmem>>, vector<1x16xf32>,
    %swap3A_990 = arith.constant 13 : i32
    %swap3A_991 = arith.index_cast %swap3A_990 : i32 to index
    %swap3A_992 = arith.constant 48 : index
    %swap3A_993 = tpu.vector_load %arg5[%swap3A_991, %swap3A_992] {strides = array<i32>} : memref<16x64xf32, #tpu.memory_space<vmem>>, vector<1x16xf32>,
    %swap3A_994 = vector.shape_cast %swap3A_993 : vector<1x16xf32> to vector<16xf32>
    %swap3A_995 = vector.shape_cast %scan3A_970#7 : vector<16xf32> to vector<1x16xf32>
    tpu.vector_store %arg5[%swap3A_991, %swap3A_992], %swap3A_995 {strides = array<i32>} : memref<16x64xf32, #tpu.memory_space<vmem>>, vector<1x16xf32>,
    %get3A_996 = arith.constant 14 : i32
    %get3A_997 = arith.index_cast %get3A_996 : i32 to index
    %get3A_998 = arith.constant 0 : index
    %get3A_999 = tpu.vector_load %arg4[%get3A_997, %get3A_998] {strides = array<i32>} : memref<16x64xf32, #tpu.memory_space<vmem>>, vector<1x16xf32>,
    %get3A_1000 = vector.shape_cast %get3A_999 : vector<1x16xf32> to vector<16xf32>
    %get3A_1001 = arith.constant 14 : i32
    %get3A_1002 = arith.index_cast %get3A_1001 : i32 to index
    %get3A_1003 = arith.constant 16 : index
    %get3A_1004 = tpu.vector_load %arg4[%get3A_1002, %get3A_1003] {strides = array<i32>} : memref<16x64xf32, #tpu.memory_space<vmem>>, vector<1x16xf32>,
    %get3A_1005 = vector.shape_cast %get3A_1004 : vector<1x16xf32> to vector<16xf32>
    %get3A_1006 = arith.constant 14 : i32
    %get3A_1007 = arith.index_cast %get3A_1006 : i32 to index
    %get3A_1008 = arith.constant 32 : index
    %get3A_1009 = tpu.vector_load %arg4[%get3A_1007, %get3A_1008] {strides = array<i32>} : memref<16x64xf32, #tpu.memory_space<vmem>>, vector<1x16xf32>,
    %get3A_1010 = vector.shape_cast %get3A_1009 : vector<1x16xf32> to vector<16xf32>
    %get3A_1011 = arith.constant 14 : i32
    %get3A_1012 = arith.index_cast %get3A_1011 : i32 to index
    %get3A_1013 = arith.constant 48 : index
    %get3A_1014 = tpu.vector_load %arg4[%get3A_1012, %get3A_1013] {strides = array<i32>} : memref<16x64xf32, #tpu.memory_space<vmem>>, vector<1x16xf32>,
    %get3A_1015 = vector.shape_cast %get3A_1014 : vector<1x16xf32> to vector<16xf32>
    %broadcast_in_dim3A_1016 = arith.constant 0.000000e+00 : f32
    %broadcast_in_dim3A_1017 = vector.broadcast %broadcast_in_dim3A_1016 : f32 to vector<16xf32>
    %broadcast_in_dim3A_1018 = arith.constant 0.000000e+00 : f32
    %broadcast_in_dim3A_1019 = vector.broadcast %broadcast_in_dim3A_1018 : f32 to vector<16xf32>
    %broadcast_in_dim3A_1020 = arith.constant 0.000000e+00 : f32
    %broadcast_in_dim3A_1021 = vector.broadcast %broadcast_in_dim3A_1020 : f32 to vector<16xf32>
    %broadcast_in_dim3A_1022 = arith.constant 0.000000e+00 : f32
    %broadcast_in_dim3A_1023 = vector.broadcast %broadcast_in_dim3A_1022 : f32 to vector<16xf32>
    %add3A_1024 = arith.constant 0 : i32
    %add3A_1025 = vector.broadcast %add3A_1024 : i32 to vector<16xi32>
    %add3A_1026 = arith.addi %iota3A, %add3A_1025 : vector<16xi32>
    %add3A_1027 = arith.constant 16 : i32
    %add3A_1028 = vector.broadcast %add3A_1027 : i32 to vector<16xi32>
    %add3A_1029 = arith.addi %iota3A, %add3A_1028 : vector<16xi32>
    %add3A_1030 = arith.constant 32 : i32
    %add3A_1031 = vector.broadcast %add3A_1030 : i32 to vector<16xi32>
    %add3A_1032 = arith.addi %iota3A, %add3A_1031 : vector<16xi32>
    %add3A_1033 = arith.constant 48 : i32
    %add3A_1034 = vector.broadcast %add3A_1033 : i32 to vector<16xi32>
    %add3A_1035 = arith.addi %iota3A, %add3A_1034 : vector<16xi32>
    %scan3A_1036 = arith.constant 0 : i32
    %scan3A_1037 = arith.constant 8 : i32
    %scan3A_1038 = arith.addi %scan3A_1036, %scan3A_1037 : i32
    %scan3A_1039 = arith.constant 1 : i32
    %scan3A_1040:8 = scf.for %scan3A_1144 = %scan3A_1036 to %scan3A_1038 step %scan3A_1039 iter_args(%scan3A_1145 = %get3A_1000, %scan3A_1146 = %get3A_1005, %scan3A_1147 = %get3A_1010, %scan3A_1148 = %get3A_1015, %scan3A_1149 = %broadcast_in_dim3A_1017, %scan3A_1150 = %broadcast_in_dim3A_1019, %scan3A_1151 = %broadcast_in_dim3A_1021, %scan3A_1152 = %broadcast_in_dim3A_1023) -> (vector<16xf32>, vector<16xf32>, vector<16xf32>, vector<16xf32>, vector<16xf32>, vector<16xf32>, vector<16xf32>, vector<16xf32>)  : i32 {
      %max3A = arith.maximumf %scan3A_1145, %scan3A_1146 : vector<16xf32>
      %max3A_1153 = arith.maximumf %scan3A_1147, %scan3A_1148 : vector<16xf32>
      %max3A_1154 = arith.maximumf %max3A, %max3A_1153 : vector<16xf32>
      %lt3A = arith.constant 0 : i32
      %lt3A_1155 = vector.broadcast %lt3A : i32 to vector<16xi32>
      %lt3A_1156 = arith.cmpi slt, %xor3A_10, %lt3A_1155 : vector<16xi32>
      %add3A_1157 = arith.constant 16 : i32
      %add3A_1158 = vector.broadcast %add3A_1157 : i32 to vector<16xi32>
      %add3A_1159 = arith.addi %xor3A_10, %add3A_1158 : vector<16xi32>
      %select_n3A = arith.select %lt3A_1156, %add3A_1159, %xor3A_10 : vector<16xi1>, vector<16xi32>
      %broadcast_in_dim3A_1160 = vector.shape_cast %select_n3A : vector<16xi32> to vector<16x1xi32>
      %gather3A = vector.shape_cast %broadcast_in_dim3A_1160 : vector<16x1xi32> to vector<16xi32>
      %gather3A_1161 = tpu.dynamic_gather %max3A_1154[%gather3A] in [0] : vector<16xf32>, vector<16xi32> -> vector<16xf32>
      %max3A_1162 = arith.maximumf %max3A_1154, %gather3A_1161 : vector<16xf32>
      %lt3A_1163 = arith.constant 0 : i32
      %lt3A_1164 = vector.broadcast %lt3A_1163 : i32 to vector<16xi32>
      %lt3A_1165 = arith.cmpi slt, %xor3A_13, %lt3A_1164 : vector<16xi32>
      %add3A_1166 = arith.constant 16 : i32
      %add3A_1167 = vector.broadcast %add3A_1166 : i32 to vector<16xi32>
      %add3A_1168 = arith.addi %xor3A_13, %add3A_1167 : vector<16xi32>
      %select_n3A_1169 = arith.select %lt3A_1165, %add3A_1168, %xor3A_13 : vector<16xi1>, vector<16xi32>
      %broadcast_in_dim3A_1170 = vector.shape_cast %select_n3A_1169 : vector<16xi32> to vector<16x1xi32>
      %gather3A_1171 = vector.shape_cast %broadcast_in_dim3A_1170 : vector<16x1xi32> to vector<16xi32>
      %gather3A_1172 = tpu.dynamic_gather %max3A_1162[%gather3A_1171] in [0] : vector<16xf32>, vector<16xi32> -> vector<16xf32>
      %max3A_1173 = arith.maximumf %max3A_1162, %gather3A_1172 : vector<16xf32>
      %lt3A_1174 = arith.constant 0 : i32
      %lt3A_1175 = vector.broadcast %lt3A_1174 : i32 to vector<16xi32>
      %lt3A_1176 = arith.cmpi slt, %xor3A_16, %lt3A_1175 : vector<16xi32>
      %add3A_1177 = arith.constant 16 : i32
      %add3A_1178 = vector.broadcast %add3A_1177 : i32 to vector<16xi32>
      %add3A_1179 = arith.addi %xor3A_16, %add3A_1178 : vector<16xi32>
      %select_n3A_1180 = arith.select %lt3A_1176, %add3A_1179, %xor3A_16 : vector<16xi1>, vector<16xi32>
      %broadcast_in_dim3A_1181 = vector.shape_cast %select_n3A_1180 : vector<16xi32> to vector<16x1xi32>
      %gather3A_1182 = vector.shape_cast %broadcast_in_dim3A_1181 : vector<16x1xi32> to vector<16xi32>
      %gather3A_1183 = tpu.dynamic_gather %max3A_1173[%gather3A_1182] in [0] : vector<16xf32>, vector<16xi32> -> vector<16xf32>
      %max3A_1184 = arith.maximumf %max3A_1173, %gather3A_1183 : vector<16xf32>
      %lt3A_1185 = arith.constant 0 : i32
      %lt3A_1186 = vector.broadcast %lt3A_1185 : i32 to vector<16xi32>
      %lt3A_1187 = arith.cmpi slt, %xor3A_19, %lt3A_1186 : vector<16xi32>
      %add3A_1188 = arith.constant 16 : i32
      %add3A_1189 = vector.broadcast %add3A_1188 : i32 to vector<16xi32>
      %add3A_1190 = arith.addi %xor3A_19, %add3A_1189 : vector<16xi32>
      %select_n3A_1191 = arith.select %lt3A_1187, %add3A_1190, %xor3A_19 : vector<16xi1>, vector<16xi32>
      %broadcast_in_dim3A_1192 = vector.shape_cast %select_n3A_1191 : vector<16xi32> to vector<16x1xi32>
      %gather3A_1193 = vector.shape_cast %broadcast_in_dim3A_1192 : vector<16x1xi32> to vector<16xi32>
      %gather3A_1194 = tpu.dynamic_gather %max3A_1184[%gather3A_1193] in [0] : vector<16xf32>, vector<16xi32> -> vector<16xf32>
      %max3A_1195 = arith.maximumf %max3A_1184, %gather3A_1194 : vector<16xf32>
      %eq3A = arith.cmpf oeq, %scan3A_1145, %max3A_1195 : vector<16xf32>
      %jit3A = arith.constant 64 : i32
      %broadcast_in_dim3A_1196 = vector.broadcast %jit3A : i32 to vector<16xi32>
      %select_n3A_1197 = arith.select %eq3A, %add3A_1026, %broadcast_in_dim3A_1196 : vector<16xi1>, vector<16xi32>
      %eq3A_1198 = arith.cmpf oeq, %scan3A_1146, %max3A_1195 : vector<16xf32>
      %jit3A_1199 = arith.constant 64 : i32
      %broadcast_in_dim3A_1200 = vector.broadcast %jit3A_1199 : i32 to vector<16xi32>
      %select_n3A_1201 = arith.select %eq3A_1198, %add3A_1029, %broadcast_in_dim3A_1200 : vector<16xi1>, vector<16xi32>
      %eq3A_1202 = arith.cmpf oeq, %scan3A_1147, %max3A_1195 : vector<16xf32>
      %jit3A_1203 = arith.constant 64 : i32
      %broadcast_in_dim3A_1204 = vector.broadcast %jit3A_1203 : i32 to vector<16xi32>
      %select_n3A_1205 = arith.select %eq3A_1202, %add3A_1032, %broadcast_in_dim3A_1204 : vector<16xi1>, vector<16xi32>
      %eq3A_1206 = arith.cmpf oeq, %scan3A_1148, %max3A_1195 : vector<16xf32>
      %jit3A_1207 = arith.constant 64 : i32
      %broadcast_in_dim3A_1208 = vector.broadcast %jit3A_1207 : i32 to vector<16xi32>
      %select_n3A_1209 = arith.select %eq3A_1206, %add3A_1035, %broadcast_in_dim3A_1208 : vector<16xi1>, vector<16xi32>
      %min3A = arith.minsi %select_n3A_1197, %select_n3A_1201 : vector<16xi32>
      %min3A_1210 = arith.minsi %select_n3A_1205, %select_n3A_1209 : vector<16xi32>
      %min3A_1211 = arith.minsi %min3A, %min3A_1210 : vector<16xi32>
      %lt3A_1212 = arith.constant 0 : i32
      %lt3A_1213 = vector.broadcast %lt3A_1212 : i32 to vector<16xi32>
      %lt3A_1214 = arith.cmpi slt, %xor3A_10, %lt3A_1213 : vector<16xi32>
      %add3A_1215 = arith.constant 16 : i32
      %add3A_1216 = vector.broadcast %add3A_1215 : i32 to vector<16xi32>
      %add3A_1217 = arith.addi %xor3A_10, %add3A_1216 : vector<16xi32>
      %select_n3A_1218 = arith.select %lt3A_1214, %add3A_1217, %xor3A_10 : vector<16xi1>, vector<16xi32>
      %broadcast_in_dim3A_1219 = vector.shape_cast %select_n3A_1218 : vector<16xi32> to vector<16x1xi32>
      %gather3A_1220 = vector.shape_cast %broadcast_in_dim3A_1219 : vector<16x1xi32> to vector<16xi32>
      %gather3A_1221 = tpu.dynamic_gather %min3A_1211[%gather3A_1220] in [0] : vector<16xi32>, vector<16xi32> -> vector<16xi32>
      %min3A_1222 = arith.minsi %min3A_1211, %gather3A_1221 : vector<16xi32>
      %lt3A_1223 = arith.constant 0 : i32
      %lt3A_1224 = vector.broadcast %lt3A_1223 : i32 to vector<16xi32>
      %lt3A_1225 = arith.cmpi slt, %xor3A_13, %lt3A_1224 : vector<16xi32>
      %add3A_1226 = arith.constant 16 : i32
      %add3A_1227 = vector.broadcast %add3A_1226 : i32 to vector<16xi32>
      %add3A_1228 = arith.addi %xor3A_13, %add3A_1227 : vector<16xi32>
      %select_n3A_1229 = arith.select %lt3A_1225, %add3A_1228, %xor3A_13 : vector<16xi1>, vector<16xi32>
      %broadcast_in_dim3A_1230 = vector.shape_cast %select_n3A_1229 : vector<16xi32> to vector<16x1xi32>
      %gather3A_1231 = vector.shape_cast %broadcast_in_dim3A_1230 : vector<16x1xi32> to vector<16xi32>
      %gather3A_1232 = tpu.dynamic_gather %min3A_1222[%gather3A_1231] in [0] : vector<16xi32>, vector<16xi32> -> vector<16xi32>
      %min3A_1233 = arith.minsi %min3A_1222, %gather3A_1232 : vector<16xi32>
      %lt3A_1234 = arith.constant 0 : i32
      %lt3A_1235 = vector.broadcast %lt3A_1234 : i32 to vector<16xi32>
      %lt3A_1236 = arith.cmpi slt, %xor3A_16, %lt3A_1235 : vector<16xi32>
      %add3A_1237 = arith.constant 16 : i32
      %add3A_1238 = vector.broadcast %add3A_1237 : i32 to vector<16xi32>
      %add3A_1239 = arith.addi %xor3A_16, %add3A_1238 : vector<16xi32>
      %select_n3A_1240 = arith.select %lt3A_1236, %add3A_1239, %xor3A_16 : vector<16xi1>, vector<16xi32>
      %broadcast_in_dim3A_1241 = vector.shape_cast %select_n3A_1240 : vector<16xi32> to vector<16x1xi32>
      %gather3A_1242 = vector.shape_cast %broadcast_in_dim3A_1241 : vector<16x1xi32> to vector<16xi32>
      %gather3A_1243 = tpu.dynamic_gather %min3A_1233[%gather3A_1242] in [0] : vector<16xi32>, vector<16xi32> -> vector<16xi32>
      %min3A_1244 = arith.minsi %min3A_1233, %gather3A_1243 : vector<16xi32>
      %lt3A_1245 = arith.constant 0 : i32
      %lt3A_1246 = vector.broadcast %lt3A_1245 : i32 to vector<16xi32>
      %lt3A_1247 = arith.cmpi slt, %xor3A_19, %lt3A_1246 : vector<16xi32>
      %add3A_1248 = arith.constant 16 : i32
      %add3A_1249 = vector.broadcast %add3A_1248 : i32 to vector<16xi32>
      %add3A_1250 = arith.addi %xor3A_19, %add3A_1249 : vector<16xi32>
      %select_n3A_1251 = arith.select %lt3A_1247, %add3A_1250, %xor3A_19 : vector<16xi1>, vector<16xi32>
      %broadcast_in_dim3A_1252 = vector.shape_cast %select_n3A_1251 : vector<16xi32> to vector<16x1xi32>
      %gather3A_1253 = vector.shape_cast %broadcast_in_dim3A_1252 : vector<16x1xi32> to vector<16xi32>
      %gather3A_1254 = tpu.dynamic_gather %min3A_1244[%gather3A_1253] in [0] : vector<16xi32>, vector<16xi32> -> vector<16xi32>
      %min3A_1255 = arith.minsi %min3A_1244, %gather3A_1254 : vector<16xi32>
      %eq3A_1256 = arith.cmpi eq, %add3A_1026, %min3A_1255 : vector<16xi32>
      %eq3A_1257 = arith.cmpi eq, %add3A_1029, %min3A_1255 : vector<16xi32>
      %eq3A_1258 = arith.cmpi eq, %add3A_1032, %min3A_1255 : vector<16xi32>
      %eq3A_1259 = arith.cmpi eq, %add3A_1035, %min3A_1255 : vector<16xi32>
      %jit3A_1260 = arith.constant 1.000000e+00 : f32
      %broadcast_in_dim3A_1261 = vector.broadcast %jit3A_1260 : f32 to vector<16xf32>
      %select_n3A_1262 = arith.select %eq3A_1256, %broadcast_in_dim3A_1261, %scan3A_1149 : vector<16xi1>, vector<16xf32>
      %jit3A_1263 = arith.constant 1.000000e+00 : f32
      %broadcast_in_dim3A_1264 = vector.broadcast %jit3A_1263 : f32 to vector<16xf32>
      %select_n3A_1265 = arith.select %eq3A_1257, %broadcast_in_dim3A_1264, %scan3A_1150 : vector<16xi1>, vector<16xf32>
      %jit3A_1266 = arith.constant 1.000000e+00 : f32
      %broadcast_in_dim3A_1267 = vector.broadcast %jit3A_1266 : f32 to vector<16xf32>
      %select_n3A_1268 = arith.select %eq3A_1258, %broadcast_in_dim3A_1267, %scan3A_1151 : vector<16xi1>, vector<16xf32>
      %jit3A_1269 = arith.constant 1.000000e+00 : f32
      %broadcast_in_dim3A_1270 = vector.broadcast %jit3A_1269 : f32 to vector<16xf32>
      %select_n3A_1271 = arith.select %eq3A_1259, %broadcast_in_dim3A_1270, %scan3A_1152 : vector<16xi1>, vector<16xf32>
      %jit3A_1272 = arith.constant -1.000000e+00 : f32
      %broadcast_in_dim3A_1273 = vector.broadcast %jit3A_1272 : f32 to vector<16xf32>
      %select_n3A_1274 = arith.select %eq3A_1256, %broadcast_in_dim3A_1273, %scan3A_1145 : vector<16xi1>, vector<16xf32>
      %jit3A_1275 = arith.constant -1.000000e+00 : f32
      %broadcast_in_dim3A_1276 = vector.broadcast %jit3A_1275 : f32 to vector<16xf32>
      %select_n3A_1277 = arith.select %eq3A_1257, %broadcast_in_dim3A_1276, %scan3A_1146 : vector<16xi1>, vector<16xf32>
      %jit3A_1278 = arith.constant -1.000000e+00 : f32
      %broadcast_in_dim3A_1279 = vector.broadcast %jit3A_1278 : f32 to vector<16xf32>
      %select_n3A_1280 = arith.select %eq3A_1258, %broadcast_in_dim3A_1279, %scan3A_1147 : vector<16xi1>, vector<16xf32>
      %jit3A_1281 = arith.constant -1.000000e+00 : f32
      %broadcast_in_dim3A_1282 = vector.broadcast %jit3A_1281 : f32 to vector<16xf32>
      %select_n3A_1283 = arith.select %eq3A_1259, %broadcast_in_dim3A_1282, %scan3A_1148 : vector<16xi1>, vector<16xf32>
      scf.yield %select_n3A_1274, %select_n3A_1277, %select_n3A_1280, %select_n3A_1283, %select_n3A_1262, %select_n3A_1265, %select_n3A_1268, %select_n3A_1271 : vector<16xf32>, vector<16xf32>, vector<16xf32>, vector<16xf32>, vector<16xf32>, vector<16xf32>, vector<16xf32>, vector<16xf32>
    }
    %scan3A_1041 = arith.constant 8 : i32
    %swap3A_1042 = arith.constant 14 : i32
    %swap3A_1043 = arith.index_cast %swap3A_1042 : i32 to index
    %swap3A_1044 = arith.constant 0 : index
    %swap3A_1045 = tpu.vector_load %arg5[%swap3A_1043, %swap3A_1044] {strides = array<i32>} : memref<16x64xf32, #tpu.memory_space<vmem>>, vector<1x16xf32>,
    %swap3A_1046 = vector.shape_cast %swap3A_1045 : vector<1x16xf32> to vector<16xf32>
    %swap3A_1047 = vector.shape_cast %scan3A_1040#4 : vector<16xf32> to vector<1x16xf32>
    tpu.vector_store %arg5[%swap3A_1043, %swap3A_1044], %swap3A_1047 {strides = array<i32>} : memref<16x64xf32, #tpu.memory_space<vmem>>, vector<1x16xf32>,
    %swap3A_1048 = arith.constant 14 : i32
    %swap3A_1049 = arith.index_cast %swap3A_1048 : i32 to index
    %swap3A_1050 = arith.constant 16 : index
    %swap3A_1051 = tpu.vector_load %arg5[%swap3A_1049, %swap3A_1050] {strides = array<i32>} : memref<16x64xf32, #tpu.memory_space<vmem>>, vector<1x16xf32>,
    %swap3A_1052 = vector.shape_cast %swap3A_1051 : vector<1x16xf32> to vector<16xf32>
    %swap3A_1053 = vector.shape_cast %scan3A_1040#5 : vector<16xf32> to vector<1x16xf32>
    tpu.vector_store %arg5[%swap3A_1049, %swap3A_1050], %swap3A_1053 {strides = array<i32>} : memref<16x64xf32, #tpu.memory_space<vmem>>, vector<1x16xf32>,
    %swap3A_1054 = arith.constant 14 : i32
    %swap3A_1055 = arith.index_cast %swap3A_1054 : i32 to index
    %swap3A_1056 = arith.constant 32 : index
    %swap3A_1057 = tpu.vector_load %arg5[%swap3A_1055, %swap3A_1056] {strides = array<i32>} : memref<16x64xf32, #tpu.memory_space<vmem>>, vector<1x16xf32>,
    %swap3A_1058 = vector.shape_cast %swap3A_1057 : vector<1x16xf32> to vector<16xf32>
    %swap3A_1059 = vector.shape_cast %scan3A_1040#6 : vector<16xf32> to vector<1x16xf32>
    tpu.vector_store %arg5[%swap3A_1055, %swap3A_1056], %swap3A_1059 {strides = array<i32>} : memref<16x64xf32, #tpu.memory_space<vmem>>, vector<1x16xf32>,
    %swap3A_1060 = arith.constant 14 : i32
    %swap3A_1061 = arith.index_cast %swap3A_1060 : i32 to index
    %swap3A_1062 = arith.constant 48 : index
    %swap3A_1063 = tpu.vector_load %arg5[%swap3A_1061, %swap3A_1062] {strides = array<i32>} : memref<16x64xf32, #tpu.memory_space<vmem>>, vector<1x16xf32>,
    %swap3A_1064 = vector.shape_cast %swap3A_1063 : vector<1x16xf32> to vector<16xf32>
    %swap3A_1065 = vector.shape_cast %scan3A_1040#7 : vector<16xf32> to vector<1x16xf32>
    tpu.vector_store %arg5[%swap3A_1061, %swap3A_1062], %swap3A_1065 {strides = array<i32>} : memref<16x64xf32, #tpu.memory_space<vmem>>, vector<1x16xf32>,
    %get3A_1066 = arith.constant 15 : i32
    %get3A_1067 = arith.index_cast %get3A_1066 : i32 to index
    %get3A_1068 = arith.constant 0 : index
    %get3A_1069 = tpu.vector_load %arg4[%get3A_1067, %get3A_1068] {strides = array<i32>} : memref<16x64xf32, #tpu.memory_space<vmem>>, vector<1x16xf32>,
    %get3A_1070 = vector.shape_cast %get3A_1069 : vector<1x16xf32> to vector<16xf32>
    %get3A_1071 = arith.constant 15 : i32
    %get3A_1072 = arith.index_cast %get3A_1071 : i32 to index
    %get3A_1073 = arith.constant 16 : index
    %get3A_1074 = tpu.vector_load %arg4[%get3A_1072, %get3A_1073] {strides = array<i32>} : memref<16x64xf32, #tpu.memory_space<vmem>>, vector<1x16xf32>,
    %get3A_1075 = vector.shape_cast %get3A_1074 : vector<1x16xf32> to vector<16xf32>
    %get3A_1076 = arith.constant 15 : i32
    %get3A_1077 = arith.index_cast %get3A_1076 : i32 to index
    %get3A_1078 = arith.constant 32 : index
    %get3A_1079 = tpu.vector_load %arg4[%get3A_1077, %get3A_1078] {strides = array<i32>} : memref<16x64xf32, #tpu.memory_space<vmem>>, vector<1x16xf32>,
    %get3A_1080 = vector.shape_cast %get3A_1079 : vector<1x16xf32> to vector<16xf32>
    %get3A_1081 = arith.constant 15 : i32
    %get3A_1082 = arith.index_cast %get3A_1081 : i32 to index
    %get3A_1083 = arith.constant 48 : index
    %get3A_1084 = tpu.vector_load %arg4[%get3A_1082, %get3A_1083] {strides = array<i32>} : memref<16x64xf32, #tpu.memory_space<vmem>>, vector<1x16xf32>,
    %get3A_1085 = vector.shape_cast %get3A_1084 : vector<1x16xf32> to vector<16xf32>
    %broadcast_in_dim3A_1086 = arith.constant 0.000000e+00 : f32
    %broadcast_in_dim3A_1087 = vector.broadcast %broadcast_in_dim3A_1086 : f32 to vector<16xf32>
    %broadcast_in_dim3A_1088 = arith.constant 0.000000e+00 : f32
    %broadcast_in_dim3A_1089 = vector.broadcast %broadcast_in_dim3A_1088 : f32 to vector<16xf32>
    %broadcast_in_dim3A_1090 = arith.constant 0.000000e+00 : f32
    %broadcast_in_dim3A_1091 = vector.broadcast %broadcast_in_dim3A_1090 : f32 to vector<16xf32>
    %broadcast_in_dim3A_1092 = arith.constant 0.000000e+00 : f32
    %broadcast_in_dim3A_1093 = vector.broadcast %broadcast_in_dim3A_1092 : f32 to vector<16xf32>
    %add3A_1094 = arith.constant 0 : i32
    %add3A_1095 = vector.broadcast %add3A_1094 : i32 to vector<16xi32>
    %add3A_1096 = arith.addi %iota3A, %add3A_1095 : vector<16xi32>
    %add3A_1097 = arith.constant 16 : i32
    %add3A_1098 = vector.broadcast %add3A_1097 : i32 to vector<16xi32>
    %add3A_1099 = arith.addi %iota3A, %add3A_1098 : vector<16xi32>
    %add3A_1100 = arith.constant 32 : i32
    %add3A_1101 = vector.broadcast %add3A_1100 : i32 to vector<16xi32>
    %add3A_1102 = arith.addi %iota3A, %add3A_1101 : vector<16xi32>
    %add3A_1103 = arith.constant 48 : i32
    %add3A_1104 = vector.broadcast %add3A_1103 : i32 to vector<16xi32>
    %add3A_1105 = arith.addi %iota3A, %add3A_1104 : vector<16xi32>
    %scan3A_1106 = arith.constant 0 : i32
    %scan3A_1107 = arith.constant 8 : i32
    %scan3A_1108 = arith.addi %scan3A_1106, %scan3A_1107 : i32
    %scan3A_1109 = arith.constant 1 : i32
    %scan3A_1110:8 = scf.for %scan3A_1144 = %scan3A_1106 to %scan3A_1108 step %scan3A_1109 iter_args(%scan3A_1145 = %get3A_1070, %scan3A_1146 = %get3A_1075, %scan3A_1147 = %get3A_1080, %scan3A_1148 = %get3A_1085, %scan3A_1149 = %broadcast_in_dim3A_1087, %scan3A_1150 = %broadcast_in_dim3A_1089, %scan3A_1151 = %broadcast_in_dim3A_1091, %scan3A_1152 = %broadcast_in_dim3A_1093) -> (vector<16xf32>, vector<16xf32>, vector<16xf32>, vector<16xf32>, vector<16xf32>, vector<16xf32>, vector<16xf32>, vector<16xf32>)  : i32 {
      %max3A = arith.maximumf %scan3A_1145, %scan3A_1146 : vector<16xf32>
      %max3A_1153 = arith.maximumf %scan3A_1147, %scan3A_1148 : vector<16xf32>
      %max3A_1154 = arith.maximumf %max3A, %max3A_1153 : vector<16xf32>
      %lt3A = arith.constant 0 : i32
      %lt3A_1155 = vector.broadcast %lt3A : i32 to vector<16xi32>
      %lt3A_1156 = arith.cmpi slt, %xor3A_10, %lt3A_1155 : vector<16xi32>
      %add3A_1157 = arith.constant 16 : i32
      %add3A_1158 = vector.broadcast %add3A_1157 : i32 to vector<16xi32>
      %add3A_1159 = arith.addi %xor3A_10, %add3A_1158 : vector<16xi32>
      %select_n3A = arith.select %lt3A_1156, %add3A_1159, %xor3A_10 : vector<16xi1>, vector<16xi32>
      %broadcast_in_dim3A_1160 = vector.shape_cast %select_n3A : vector<16xi32> to vector<16x1xi32>
      %gather3A = vector.shape_cast %broadcast_in_dim3A_1160 : vector<16x1xi32> to vector<16xi32>
      %gather3A_1161 = tpu.dynamic_gather %max3A_1154[%gather3A] in [0] : vector<16xf32>, vector<16xi32> -> vector<16xf32>
      %max3A_1162 = arith.maximumf %max3A_1154, %gather3A_1161 : vector<16xf32>
      %lt3A_1163 = arith.constant 0 : i32
      %lt3A_1164 = vector.broadcast %lt3A_1163 : i32 to vector<16xi32>
      %lt3A_1165 = arith.cmpi slt, %xor3A_13, %lt3A_1164 : vector<16xi32>
      %add3A_1166 = arith.constant 16 : i32
      %add3A_1167 = vector.broadcast %add3A_1166 : i32 to vector<16xi32>
      %add3A_1168 = arith.addi %xor3A_13, %add3A_1167 : vector<16xi32>
      %select_n3A_1169 = arith.select %lt3A_1165, %add3A_1168, %xor3A_13 : vector<16xi1>, vector<16xi32>
      %broadcast_in_dim3A_1170 = vector.shape_cast %select_n3A_1169 : vector<16xi32> to vector<16x1xi32>
      %gather3A_1171 = vector.shape_cast %broadcast_in_dim3A_1170 : vector<16x1xi32> to vector<16xi32>
      %gather3A_1172 = tpu.dynamic_gather %max3A_1162[%gather3A_1171] in [0] : vector<16xf32>, vector<16xi32> -> vector<16xf32>
      %max3A_1173 = arith.maximumf %max3A_1162, %gather3A_1172 : vector<16xf32>
      %lt3A_1174 = arith.constant 0 : i32
      %lt3A_1175 = vector.broadcast %lt3A_1174 : i32 to vector<16xi32>
      %lt3A_1176 = arith.cmpi slt, %xor3A_16, %lt3A_1175 : vector<16xi32>
      %add3A_1177 = arith.constant 16 : i32
      %add3A_1178 = vector.broadcast %add3A_1177 : i32 to vector<16xi32>
      %add3A_1179 = arith.addi %xor3A_16, %add3A_1178 : vector<16xi32>
      %select_n3A_1180 = arith.select %lt3A_1176, %add3A_1179, %xor3A_16 : vector<16xi1>, vector<16xi32>
      %broadcast_in_dim3A_1181 = vector.shape_cast %select_n3A_1180 : vector<16xi32> to vector<16x1xi32>
      %gather3A_1182 = vector.shape_cast %broadcast_in_dim3A_1181 : vector<16x1xi32> to vector<16xi32>
      %gather3A_1183 = tpu.dynamic_gather %max3A_1173[%gather3A_1182] in [0] : vector<16xf32>, vector<16xi32> -> vector<16xf32>
      %max3A_1184 = arith.maximumf %max3A_1173, %gather3A_1183 : vector<16xf32>
      %lt3A_1185 = arith.constant 0 : i32
      %lt3A_1186 = vector.broadcast %lt3A_1185 : i32 to vector<16xi32>
      %lt3A_1187 = arith.cmpi slt, %xor3A_19, %lt3A_1186 : vector<16xi32>
      %add3A_1188 = arith.constant 16 : i32
      %add3A_1189 = vector.broadcast %add3A_1188 : i32 to vector<16xi32>
      %add3A_1190 = arith.addi %xor3A_19, %add3A_1189 : vector<16xi32>
      %select_n3A_1191 = arith.select %lt3A_1187, %add3A_1190, %xor3A_19 : vector<16xi1>, vector<16xi32>
      %broadcast_in_dim3A_1192 = vector.shape_cast %select_n3A_1191 : vector<16xi32> to vector<16x1xi32>
      %gather3A_1193 = vector.shape_cast %broadcast_in_dim3A_1192 : vector<16x1xi32> to vector<16xi32>
      %gather3A_1194 = tpu.dynamic_gather %max3A_1184[%gather3A_1193] in [0] : vector<16xf32>, vector<16xi32> -> vector<16xf32>
      %max3A_1195 = arith.maximumf %max3A_1184, %gather3A_1194 : vector<16xf32>
      %eq3A = arith.cmpf oeq, %scan3A_1145, %max3A_1195 : vector<16xf32>
      %jit3A = arith.constant 64 : i32
      %broadcast_in_dim3A_1196 = vector.broadcast %jit3A : i32 to vector<16xi32>
      %select_n3A_1197 = arith.select %eq3A, %add3A_1096, %broadcast_in_dim3A_1196 : vector<16xi1>, vector<16xi32>
      %eq3A_1198 = arith.cmpf oeq, %scan3A_1146, %max3A_1195 : vector<16xf32>
      %jit3A_1199 = arith.constant 64 : i32
      %broadcast_in_dim3A_1200 = vector.broadcast %jit3A_1199 : i32 to vector<16xi32>
      %select_n3A_1201 = arith.select %eq3A_1198, %add3A_1099, %broadcast_in_dim3A_1200 : vector<16xi1>, vector<16xi32>
      %eq3A_1202 = arith.cmpf oeq, %scan3A_1147, %max3A_1195 : vector<16xf32>
      %jit3A_1203 = arith.constant 64 : i32
      %broadcast_in_dim3A_1204 = vector.broadcast %jit3A_1203 : i32 to vector<16xi32>
      %select_n3A_1205 = arith.select %eq3A_1202, %add3A_1102, %broadcast_in_dim3A_1204 : vector<16xi1>, vector<16xi32>
      %eq3A_1206 = arith.cmpf oeq, %scan3A_1148, %max3A_1195 : vector<16xf32>
      %jit3A_1207 = arith.constant 64 : i32
      %broadcast_in_dim3A_1208 = vector.broadcast %jit3A_1207 : i32 to vector<16xi32>
      %select_n3A_1209 = arith.select %eq3A_1206, %add3A_1105, %broadcast_in_dim3A_1208 : vector<16xi1>, vector<16xi32>
      %min3A = arith.minsi %select_n3A_1197, %select_n3A_1201 : vector<16xi32>
      %min3A_1210 = arith.minsi %select_n3A_1205, %select_n3A_1209 : vector<16xi32>
      %min3A_1211 = arith.minsi %min3A, %min3A_1210 : vector<16xi32>
      %lt3A_1212 = arith.constant 0 : i32
      %lt3A_1213 = vector.broadcast %lt3A_1212 : i32 to vector<16xi32>
      %lt3A_1214 = arith.cmpi slt, %xor3A_10, %lt3A_1213 : vector<16xi32>
      %add3A_1215 = arith.constant 16 : i32
      %add3A_1216 = vector.broadcast %add3A_1215 : i32 to vector<16xi32>
      %add3A_1217 = arith.addi %xor3A_10, %add3A_1216 : vector<16xi32>
      %select_n3A_1218 = arith.select %lt3A_1214, %add3A_1217, %xor3A_10 : vector<16xi1>, vector<16xi32>
      %broadcast_in_dim3A_1219 = vector.shape_cast %select_n3A_1218 : vector<16xi32> to vector<16x1xi32>
      %gather3A_1220 = vector.shape_cast %broadcast_in_dim3A_1219 : vector<16x1xi32> to vector<16xi32>
      %gather3A_1221 = tpu.dynamic_gather %min3A_1211[%gather3A_1220] in [0] : vector<16xi32>, vector<16xi32> -> vector<16xi32>
      %min3A_1222 = arith.minsi %min3A_1211, %gather3A_1221 : vector<16xi32>
      %lt3A_1223 = arith.constant 0 : i32
      %lt3A_1224 = vector.broadcast %lt3A_1223 : i32 to vector<16xi32>
      %lt3A_1225 = arith.cmpi slt, %xor3A_13, %lt3A_1224 : vector<16xi32>
      %add3A_1226 = arith.constant 16 : i32
      %add3A_1227 = vector.broadcast %add3A_1226 : i32 to vector<16xi32>
      %add3A_1228 = arith.addi %xor3A_13, %add3A_1227 : vector<16xi32>
      %select_n3A_1229 = arith.select %lt3A_1225, %add3A_1228, %xor3A_13 : vector<16xi1>, vector<16xi32>
      %broadcast_in_dim3A_1230 = vector.shape_cast %select_n3A_1229 : vector<16xi32> to vector<16x1xi32>
      %gather3A_1231 = vector.shape_cast %broadcast_in_dim3A_1230 : vector<16x1xi32> to vector<16xi32>
      %gather3A_1232 = tpu.dynamic_gather %min3A_1222[%gather3A_1231] in [0] : vector<16xi32>, vector<16xi32> -> vector<16xi32>
      %min3A_1233 = arith.minsi %min3A_1222, %gather3A_1232 : vector<16xi32>
      %lt3A_1234 = arith.constant 0 : i32
      %lt3A_1235 = vector.broadcast %lt3A_1234 : i32 to vector<16xi32>
      %lt3A_1236 = arith.cmpi slt, %xor3A_16, %lt3A_1235 : vector<16xi32>
      %add3A_1237 = arith.constant 16 : i32
      %add3A_1238 = vector.broadcast %add3A_1237 : i32 to vector<16xi32>
      %add3A_1239 = arith.addi %xor3A_16, %add3A_1238 : vector<16xi32>
      %select_n3A_1240 = arith.select %lt3A_1236, %add3A_1239, %xor3A_16 : vector<16xi1>, vector<16xi32>
      %broadcast_in_dim3A_1241 = vector.shape_cast %select_n3A_1240 : vector<16xi32> to vector<16x1xi32>
      %gather3A_1242 = vector.shape_cast %broadcast_in_dim3A_1241 : vector<16x1xi32> to vector<16xi32>
      %gather3A_1243 = tpu.dynamic_gather %min3A_1233[%gather3A_1242] in [0] : vector<16xi32>, vector<16xi32> -> vector<16xi32>
      %min3A_1244 = arith.minsi %min3A_1233, %gather3A_1243 : vector<16xi32>
      %lt3A_1245 = arith.constant 0 : i32
      %lt3A_1246 = vector.broadcast %lt3A_1245 : i32 to vector<16xi32>
      %lt3A_1247 = arith.cmpi slt, %xor3A_19, %lt3A_1246 : vector<16xi32>
      %add3A_1248 = arith.constant 16 : i32
      %add3A_1249 = vector.broadcast %add3A_1248 : i32 to vector<16xi32>
      %add3A_1250 = arith.addi %xor3A_19, %add3A_1249 : vector<16xi32>
      %select_n3A_1251 = arith.select %lt3A_1247, %add3A_1250, %xor3A_19 : vector<16xi1>, vector<16xi32>
      %broadcast_in_dim3A_1252 = vector.shape_cast %select_n3A_1251 : vector<16xi32> to vector<16x1xi32>
      %gather3A_1253 = vector.shape_cast %broadcast_in_dim3A_1252 : vector<16x1xi32> to vector<16xi32>
      %gather3A_1254 = tpu.dynamic_gather %min3A_1244[%gather3A_1253] in [0] : vector<16xi32>, vector<16xi32> -> vector<16xi32>
      %min3A_1255 = arith.minsi %min3A_1244, %gather3A_1254 : vector<16xi32>
      %eq3A_1256 = arith.cmpi eq, %add3A_1096, %min3A_1255 : vector<16xi32>
      %eq3A_1257 = arith.cmpi eq, %add3A_1099, %min3A_1255 : vector<16xi32>
      %eq3A_1258 = arith.cmpi eq, %add3A_1102, %min3A_1255 : vector<16xi32>
      %eq3A_1259 = arith.cmpi eq, %add3A_1105, %min3A_1255 : vector<16xi32>
      %jit3A_1260 = arith.constant 1.000000e+00 : f32
      %broadcast_in_dim3A_1261 = vector.broadcast %jit3A_1260 : f32 to vector<16xf32>
      %select_n3A_1262 = arith.select %eq3A_1256, %broadcast_in_dim3A_1261, %scan3A_1149 : vector<16xi1>, vector<16xf32>
      %jit3A_1263 = arith.constant 1.000000e+00 : f32
      %broadcast_in_dim3A_1264 = vector.broadcast %jit3A_1263 : f32 to vector<16xf32>
      %select_n3A_1265 = arith.select %eq3A_1257, %broadcast_in_dim3A_1264, %scan3A_1150 : vector<16xi1>, vector<16xf32>
      %jit3A_1266 = arith.constant 1.000000e+00 : f32
      %broadcast_in_dim3A_1267 = vector.broadcast %jit3A_1266 : f32 to vector<16xf32>
      %select_n3A_1268 = arith.select %eq3A_1258, %broadcast_in_dim3A_1267, %scan3A_1151 : vector<16xi1>, vector<16xf32>
      %jit3A_1269 = arith.constant 1.000000e+00 : f32
      %broadcast_in_dim3A_1270 = vector.broadcast %jit3A_1269 : f32 to vector<16xf32>
      %select_n3A_1271 = arith.select %eq3A_1259, %broadcast_in_dim3A_1270, %scan3A_1152 : vector<16xi1>, vector<16xf32>
      %jit3A_1272 = arith.constant -1.000000e+00 : f32
      %broadcast_in_dim3A_1273 = vector.broadcast %jit3A_1272 : f32 to vector<16xf32>
      %select_n3A_1274 = arith.select %eq3A_1256, %broadcast_in_dim3A_1273, %scan3A_1145 : vector<16xi1>, vector<16xf32>
      %jit3A_1275 = arith.constant -1.000000e+00 : f32
      %broadcast_in_dim3A_1276 = vector.broadcast %jit3A_1275 : f32 to vector<16xf32>
      %select_n3A_1277 = arith.select %eq3A_1257, %broadcast_in_dim3A_1276, %scan3A_1146 : vector<16xi1>, vector<16xf32>
      %jit3A_1278 = arith.constant -1.000000e+00 : f32
      %broadcast_in_dim3A_1279 = vector.broadcast %jit3A_1278 : f32 to vector<16xf32>
      %select_n3A_1280 = arith.select %eq3A_1258, %broadcast_in_dim3A_1279, %scan3A_1147 : vector<16xi1>, vector<16xf32>
      %jit3A_1281 = arith.constant -1.000000e+00 : f32
      %broadcast_in_dim3A_1282 = vector.broadcast %jit3A_1281 : f32 to vector<16xf32>
      %select_n3A_1283 = arith.select %eq3A_1259, %broadcast_in_dim3A_1282, %scan3A_1148 : vector<16xi1>, vector<16xf32>
      scf.yield %select_n3A_1274, %select_n3A_1277, %select_n3A_1280, %select_n3A_1283, %select_n3A_1262, %select_n3A_1265, %select_n3A_1268, %select_n3A_1271 : vector<16xf32>, vector<16xf32>, vector<16xf32>, vector<16xf32>, vector<16xf32>, vector<16xf32>, vector<16xf32>, vector<16xf32>
    }
    %scan3A_1111 = arith.constant 8 : i32
    %swap3A_1112 = arith.constant 15 : i32
    %swap3A_1113 = arith.index_cast %swap3A_1112 : i32 to index
    %swap3A_1114 = arith.constant 0 : index
    %swap3A_1115 = tpu.vector_load %arg5[%swap3A_1113, %swap3A_1114] {strides = array<i32>} : memref<16x64xf32, #tpu.memory_space<vmem>>, vector<1x16xf32>,
    %swap3A_1116 = vector.shape_cast %swap3A_1115 : vector<1x16xf32> to vector<16xf32>
    %swap3A_1117 = vector.shape_cast %scan3A_1110#4 : vector<16xf32> to vector<1x16xf32>
    tpu.vector_store %arg5[%swap3A_1113, %swap3A_1114], %swap3A_1117 {strides = array<i32>} : memref<16x64xf32, #tpu.memory_space<vmem>>, vector<1x16xf32>,
    %swap3A_1118 = arith.constant 15 : i32
    %swap3A_1119 = arith.index_cast %swap3A_1118 : i32 to index
    %swap3A_1120 = arith.constant 16 : index
    %swap3A_1121 = tpu.vector_load %arg5[%swap3A_1119, %swap3A_1120] {strides = array<i32>} : memref<16x64xf32, #tpu.memory_space<vmem>>, vector<1x16xf32>,
    %swap3A_1122 = vector.shape_cast %swap3A_1121 : vector<1x16xf32> to vector<16xf32>
    %swap3A_1123 = vector.shape_cast %scan3A_1110#5 : vector<16xf32> to vector<1x16xf32>
    tpu.vector_store %arg5[%swap3A_1119, %swap3A_1120], %swap3A_1123 {strides = array<i32>} : memref<16x64xf32, #tpu.memory_space<vmem>>, vector<1x16xf32>,
    %swap3A_1124 = arith.constant 15 : i32
    %swap3A_1125 = arith.index_cast %swap3A_1124 : i32 to index
    %swap3A_1126 = arith.constant 32 : index
    %swap3A_1127 = tpu.vector_load %arg5[%swap3A_1125, %swap3A_1126] {strides = array<i32>} : memref<16x64xf32, #tpu.memory_space<vmem>>, vector<1x16xf32>,
    %swap3A_1128 = vector.shape_cast %swap3A_1127 : vector<1x16xf32> to vector<16xf32>
    %swap3A_1129 = vector.shape_cast %scan3A_1110#6 : vector<16xf32> to vector<1x16xf32>
    tpu.vector_store %arg5[%swap3A_1125, %swap3A_1126], %swap3A_1129 {strides = array<i32>} : memref<16x64xf32, #tpu.memory_space<vmem>>, vector<1x16xf32>,
    %swap3A_1130 = arith.constant 15 : i32
    %swap3A_1131 = arith.index_cast %swap3A_1130 : i32 to index
    %swap3A_1132 = arith.constant 48 : index
    %swap3A_1133 = tpu.vector_load %arg5[%swap3A_1131, %swap3A_1132] {strides = array<i32>} : memref<16x64xf32, #tpu.memory_space<vmem>>, vector<1x16xf32>,
    %swap3A_1134 = vector.shape_cast %swap3A_1133 : vector<1x16xf32> to vector<16xf32>
    %swap3A_1135 = vector.shape_cast %scan3A_1110#7 : vector<16xf32> to vector<1x16xf32>
    tpu.vector_store %arg5[%swap3A_1131, %swap3A_1132], %swap3A_1135 {strides = array<i32>} : memref<16x64xf32, #tpu.memory_space<vmem>>, vector<1x16xf32>,
    %dma_start3A_1136 = arith.constant 0 : i32
    %dma_start3A_1137 = tpu.memref_slice %arg3[%mul3A_2, %dma_start3A_1136] : memref<512x64xf32, #tpu.memory_space<hbm>> -> memref<16x64xf32, #tpu.memory_space<hbm>>
    %dma_start3A_1138 = arith.constant 0 : i32
    %dma_start3A_1139 = tpu.memref_slice %arg3[%mul3A_2, %dma_start3A_1138] : memref<512x64xf32, #tpu.memory_space<hbm>> -> memref<16x64xf32, #tpu.memory_space<hbm>>
    tpu.enqueue_dma source(%arg5 : memref<16x64xf32, #tpu.memory_space<vmem>>) target(%dma_start3A_1139 : memref<16x64xf32, #tpu.memory_space<hbm>>) target_semaphore(%arg6 : memref<!tpu.dma_semaphore, #tpu.memory_space<semaphore_mem>>)
    %dma_wait3A_1140 = arith.constant 0 : i32
    %dma_wait3A_1141 = tpu.memref_slice %arg3[%mul3A_2, %dma_wait3A_1140] : memref<512x64xf32, #tpu.memory_space<hbm>> -> memref<16x64xf32, #tpu.memory_space<hbm>>
    %dma_wait3A_1142 = arith.constant 0 : i32
    %dma_wait3A_1143 = tpu.memref_slice %arg3[%mul3A_2, %dma_wait3A_1142] : memref<512x64xf32, #tpu.memory_space<hbm>> -> memref<16x64xf32, #tpu.memory_space<hbm>>
    tpu.wait_dma2 semaphore(%arg6 : memref<!tpu.dma_semaphore, #tpu.memory_space<semaphore_mem>>) src(%arg5 : memref<16x64xf32, #tpu.memory_space<vmem>>) dst(%dma_wait3A_1143 : memref<16x64xf32, #tpu.memory_space<hbm>>)
    return
  }
}

module attributes {stable_mosaic.version = 14 : i64} {
  func.func @_router_kernel(%arg0: memref<512x4096xf32, #tpu.memory_space<vmem>>, %arg1: memref<4096x64xf32, #tpu.memory_space<vmem>>, %arg2: memref<512x64xf32, #tpu.memory_space<vmem>>, %arg3: memref<512x64xf32, #tpu.memory_space<vmem>>) attributes {dimension_semantics = [], scalar_prefetch = 0 : i64, scratch_operands = 0 : i64, tpu.core_type = #tpu.core_type<tc>} {
    %get3A = arith.constant 0 : index
    %get3A_0 = arith.constant 0 : index
    %get3A_1 = vector.load %arg0[%get3A, %get3A_0] : memref<512x4096xf32, #tpu.memory_space<vmem>>, vector<512x4096xf32>
    %get3A_2 = arith.constant 0 : index
    %get3A_3 = arith.constant 0 : index
    %get3A_4 = vector.load %arg1[%get3A_2, %get3A_3] : memref<4096x64xf32, #tpu.memory_space<vmem>>, vector<4096x64xf32>
    %dot_general3A = arith.constant dense<0.000000e+00> : vector<512x64xf32>
    %dot_general3A_5 = tpu.matmul %get3A_1, %get3A_4, %dot_general3A {dimension_numbers = #tpu.dot_dimension_numbers<[1], [0], [0], [1], [0, 0, 1, 1], [], []>, transpose_lhs_hint = false} : vector<512x4096xf32>, vector<4096x64xf32>, vector<512x64xf32> -> vector<512x64xf32>
    %reduce_max3A = arith.constant dense<0xFF800000> : vector<512xf32>
    %reduce_max3A_6 = vector.multi_reduction <maximumf>, %dot_general3A_5, %reduce_max3A [1] : vector<512x64xf32> to vector<512xf32>
    %broadcast_in_dim3A = vector.shape_cast %reduce_max3A_6 : vector<512xf32> to vector<512x1xf32>
    %sub3A = vector.broadcast %broadcast_in_dim3A : vector<512x1xf32> to vector<512x64xf32>
    %sub3A_7 = arith.subf %dot_general3A_5, %sub3A : vector<512x64xf32>
    %exp3A = math.exp %sub3A_7 : vector<512x64xf32>
    %reduce_sum3A = arith.constant dense<0.000000e+00> : vector<512xf32>
    %reduce_sum3A_8 = vector.multi_reduction <add>, %exp3A, %reduce_sum3A [1] : vector<512x64xf32> to vector<512xf32>
    %broadcast_in_dim3A_9 = vector.shape_cast %reduce_sum3A_8 : vector<512xf32> to vector<512x1xf32>
    %div3A = vector.broadcast %broadcast_in_dim3A_9 : vector<512x1xf32> to vector<512x64xf32>
    %div3A_10 = arith.divf %exp3A, %div3A : vector<512x64xf32>
    %swap3A = arith.constant 0 : index
    %swap3A_11 = arith.constant 0 : index
    %swap3A_12 = vector.load %arg2[%swap3A, %swap3A_11] : memref<512x64xf32, #tpu.memory_space<vmem>>, vector<512x64xf32>
    tpu.vector_store %arg2[%swap3A, %swap3A_11], %div3A_10 {strides = array<i32>} : memref<512x64xf32, #tpu.memory_space<vmem>>, vector<512x64xf32>,
    %broadcast_in_dim3A_13 = arith.constant 1.000000e+00 : f32
    %broadcast_in_dim3A_14 = vector.broadcast %broadcast_in_dim3A_13 : f32 to vector<512x64xf32>
    %swap3A_15 = arith.constant 0 : index
    %swap3A_16 = arith.constant 0 : index
    %swap3A_17 = vector.load %arg3[%swap3A_15, %swap3A_16] : memref<512x64xf32, #tpu.memory_space<vmem>>, vector<512x64xf32>
    tpu.vector_store %arg3[%swap3A_15, %swap3A_16], %broadcast_in_dim3A_14 {strides = array<i32>} : memref<512x64xf32, #tpu.memory_space<vmem>>, vector<512x64xf32>,
    return
  }
}

module attributes {stable_mosaic.version = 14 : i64} {
  func.func @_combine_kernel(%arg0: i32, %arg1: memref<512x64xf32, #tpu.memory_space<vmem>>, %arg2: memref<512x64xf32, #tpu.memory_space<vmem>>, %arg3: memref<32x64x512xf32, #tpu.memory_space<vmem>>, %arg4: memref<64x512xf32, #tpu.memory_space<vmem>>) attributes {dimension_semantics = [#tpu.dimension_semantics<arbitrary>], iteration_bounds = array<i64: 16>, scalar_prefetch = 0 : i64, scratch_operands = 1 : i64, tpu.core_type = #tpu.core_type<tc>, window_params = [{pipeline_mode = #tpu.pipeline_mode<synchronous>, transform_indices = @transform_0, window_bounds = array<i64: 512, 64>}, {pipeline_mode = #tpu.pipeline_mode<synchronous>, transform_indices = @transform_1, window_bounds = array<i64: 512, 64>}, {transform_indices = @transform_2, window_bounds = array<i64: 32, 64, 512>}]} {
    %eq3A = arith.constant 0 : i32
    %eq3A_0 = arith.cmpi eq, %arg0, %eq3A : i32
    %convert_element_type3A = arith.extui %eq3A_0 : i1 to i32
    %cond3A = arith.constant 0 : i32
    %cond3A_1 = arith.cmpi ne, %convert_element_type3A, %cond3A : i32
    scf.if %cond3A_1 {
      %get3A_15 = arith.constant 0 : index
      %get3A_16 = arith.constant 0 : index
      %get3A_17 = vector.load %arg2[%get3A_15, %get3A_16] : memref<512x64xf32, #tpu.memory_space<vmem>>, vector<512x64xf32>
      %transpose3A = tpu.transpose %get3A_17, [1, 0] : vector<512x64xf32> -> vector<64x512xf32>
      %swap3A_18 = arith.constant 0 : index
      %swap3A_19 = arith.constant 0 : index
      %swap3A_20 = vector.load %arg4[%swap3A_18, %swap3A_19] : memref<64x512xf32, #tpu.memory_space<vmem>>, vector<64x512xf32>
      tpu.vector_store %arg4[%swap3A_18, %swap3A_19], %transpose3A {strides = array<i32>} : memref<64x512xf32, #tpu.memory_space<vmem>>, vector<64x512xf32>,
    } else {
    }
    %get3A = arith.constant 0 : index
    %get3A_2 = arith.constant 0 : index
    %get3A_3 = vector.load %arg4[%get3A, %get3A_2] : memref<64x512xf32, #tpu.memory_space<vmem>>, vector<64x512xf32>
    %mul3A = arith.constant 32 : i32
    %mul3A_4 = arith.muli %arg0, %mul3A : i32
    %get3A_5 = arith.index_cast %mul3A_4 : i32 to index
    %get3A_6 = arith.constant 0 : index
    %get3A_7 = vector.load %arg1[%get3A_5, %get3A_6] : memref<512x64xf32, #tpu.memory_space<vmem>>, vector<32x64xf32>
    %broadcast_in_dim3A = vector.shape_cast %get3A_7 : vector<32x64xf32> to vector<32x64x1xf32>
    %broadcast_in_dim3A_8 = vector.shape_cast %get3A_3 : vector<64x512xf32> to vector<1x64x512xf32>
    %mul3A_9 = vector.broadcast %broadcast_in_dim3A : vector<32x64x1xf32> to vector<32x64x512xf32>
    %mul3A_10 = vector.broadcast %broadcast_in_dim3A_8 : vector<1x64x512xf32> to vector<32x64x512xf32>
    %mul3A_11 = arith.mulf %mul3A_9, %mul3A_10 : vector<32x64x512xf32>
    %swap3A = arith.constant 0 : index
    %swap3A_12 = arith.constant 0 : index
    %swap3A_13 = arith.constant 0 : index
    %swap3A_14 = vector.load %arg3[%swap3A, %swap3A_12, %swap3A_13] : memref<32x64x512xf32, #tpu.memory_space<vmem>>, vector<32x64x512xf32>
    tpu.vector_store %arg3[%swap3A, %swap3A_12, %swap3A_13], %mul3A_11 {strides = array<i32>} : memref<32x64x512xf32, #tpu.memory_space<vmem>>, vector<32x64x512xf32>,
    return
  }
  func.func @transform_0(%arg0: i32) -> (i32, i32) {
    %c0_i32 = arith.constant 0 : i32
    %c0_i32_0 = arith.constant 0 : i32
    %c0_i32_1 = arith.constant 0 : i32
    return %c0_i32, %c0_i32_0 : i32, i32
  }
  func.func @transform_1(%arg0: i32) -> (i32, i32) {
    %c0_i32 = arith.constant 0 : i32
    %c0_i32_0 = arith.constant 0 : i32
    %c0_i32_1 = arith.constant 0 : i32
    return %c0_i32, %c0_i32_0 : i32, i32
  }
  func.func @transform_2(%arg0: i32) -> (i32, i32, i32) {
    %c0_i32 = arith.constant 0 : i32
    %c0_i32_0 = arith.constant 0 : i32
    %c0_i32_1 = arith.constant 0 : i32
    return %arg0, %c0_i32, %c0_i32_0 : i32, i32, i32
  }
}

</mosaic_0001>

<sc_bundles>
// kernel: kernel.5.cloned.1.call-start
scs
__scs_entry_jumppad:
0x0: {  	(pc) =	sbr.rel $0x88, $3  }
0x1: {  	(tag) =	ssettag $0x0;
	lr =	simm.s32 $0x1  }
0x2: {  	[smem:$0x3F9F] =	sst lr;
	_ =	strace $0xD0000000  }
0x3: {  	_ = 	snop  }
0x4: {  	_ = 	snop  }
0x5: {  	_ = 	snop  }
0x6: {  	_ = 	snop  }
0x7: {  	_ = 	snop  }
__scs_overlays_trampoline_lowered:
0x8: {  	[smem:$0x3FAE] =	sst s0  }
0x9: {  	[smem:$0x3FAF] =	sst s1  }
0xa: {  	[smem:$0x3FB0] =	sst s2  }
0xb: {  	[smem:$0x3FB1] =	sst s3  }
0xc: {  	[smem:$0x3FB2] =	sst s4  }
0xd: {  	[smem:$0x3FB3] =	sst s5  }
0xe: {  	[smem:$0x3FB4] =	sst s6  }
0xf: {  	[smem:$0x3FB5] =	sst s7  }
0x10: {  	[smem:$0x3FB6] =	sst s8  }
0x11: {  	[smem:$0x3FB7] =	sst s9;
	s0 =	simm.s32 @!p0 $0x0  }
0x12: {  	s1 =	sld [smem:$0x3F9D];
	s0 =	simm.s32 @p0 $0x1  }
0x13: {  	[smem:$0x3FB8] =	sst s0;
	s0 =	simm.s32 @!p1 $0x0  }
0x14: {  	s2 =	sld [smem:$0x3F9C];
	s0 =	simm.s32 @p1 $0x1  }
0x15: {  	[smem:$0x3FB9] =	sst s0;
	s0 =	simm.s32 @!p2 $0x0  }
0x16: {  	s3 =	sld [smem:$0x3FDB];
	s0 =	simm.s32 @p2 $0x1  }
0x17: {  	s4 =	simm.s32 $0x1BF5;
	[smem:$0x3FBB] =	sst s0  }
0x18: {  	s0 =	sld [smem:$0x3F9E];
	_ =	swait.ge [sflag:s4], $0x0  }
0x19: {  	s7 =	sld [smem:$0x3F9F]  }
0x1a: {  	s8 =	sadd.s32 $0xFFFFE003, lr  }
0x1b: {  	s9 =	sadd.s32 $0xFFFFFEF7, lr;
	s5 =	simm.s32 $0xFFFFFFFF;
	p2 =	slt.u32 s8, $0xFFFFF086  }
0x1c: {  	p1 =	slt.u32 s9, $0xF7A;
	s5 =	simm.s32 @!p2 $0x0  }
0x1d: {  	s5 =	simm.s32 @p1 $0x1;
	p0 =	seq.s32 s7, s2  }
0x1e: {  	s7 =	smul.u32 @!p0 $0xF7A, s2;
	p2 =	seq.s32 @!p0 s5, $0x0  }
0x1f: {  	s9 =	smul.u32 $0xF7A, s1;
	s8 =	simm.s32 @!p0 $0x1BF5;
	p2 =	por !p2, p0  }
0x20: {  	[sflag:s8] =	ssyncset.s32 @!p0 $0xFFFFF086;
	s6 =	sadd.s32 @!p0 s3, s7;
	s7 =	simm.s32 @!p0 $0x108  }
0x21: {  	s3 =	sadd.s32 s3, s9;
	s6 =	sadd.s32 @!p0 $0x88, s6;
	s7 =	simm.s32 @p2 $0x1082  }
0x22: {  	[simem:s7], [sflag:s8] =	dma.local @!p0 [hbm:s6], $0xF7A  }
0x23: {  	s9 =	sor.u32 $0xD0000000, s2;
	s6 =	simm.s32 $0x108;
	_ =	swait.ge @!p0 [sflag:s8], $0x0  }
0x24: {  	s3 =	sadd.s32 $0x88, s3;
	s6 =	simm.s32 @!p1 $0x1082;
	[sflag:s4] =	ssyncset.s32 $0xFFFFF086  }
0x25: {  	[simem:s6], [sflag:s4] =	dma.local [hbm:s3], $0xF7A  }
0x26: {  	[smem:$0x3F9F] =	sst s1;
	(tag) =	ssettag s2;
	_ =	strace s9  }
0x27: {  	s1 =	sld [smem:$0x3FAF]  }
0x28: {  	s2 =	sld [smem:$0x3FB0]  }
0x29: {  	s4 =	sld [smem:$0x3FB2]  }
0x2a: {  	p0 =	seq.s32 s5, $0x0;
	s5 =	sld [smem:$0x3FB3]  }
0x2b: {  	s6 =	sld [smem:$0x3FB4]  }
0x2c: {  	s7 =	sld [smem:$0x3FB5]  }
0x2d: {  	s3 =	simm.s32 $0x108;
	s8 =	sld [smem:$0x3FB6]  }
0x2e: {  	s3 =	simm.s32 @!p0 $0x1082;
	s9 =	sld [smem:$0x3FB7]  }
0x2f: {  	lr =	sadd.s32 s0, s3;
	s0 =	sld [smem:$0x3FAE]  }
0x30: {  	s3 =	sld [smem:$0x3FB1]  }
0x31: {  	[smem:$0x3FBA] =	sst s10  }
0x32: {  	s10 =	sld [smem:$0x3FB8];
	_ =	sdelay $0x3  }
0x33: {  	p0 =	seq.s32 s10, $0x1;
	s10 =	sld [smem:$0x3FBA];
	_ =	sdelay $0x3  }
0x34: {  	[smem:$0x3FBA] =	sst s10  }
0x35: {  	s10 =	sld [smem:$0x3FB9];
	_ =	sdelay $0x3  }
0x36: {  	p1 =	seq.s32 s10, $0x1;
	s10 =	sld [smem:$0x3FBA];
	_ =	sdelay $0x3  }
0x37: {  	[smem:$0x3FBA] =	sst s10  }
0x38: {  	s10 =	sld [smem:$0x3FBB]  }
0x39: {  	_ = 	snop;
	(pc) =	sbr.ind lr, $3  }
0x3a: {  	_ = 	snop  }
0x3b: {  	_ = 	snop  }
0x3c: {  	p2 =	seq.s32 s10, $0x1;
	s10 =	sld [smem:$0x3FBA]  }
0x3d: {  	_ =	shalt  }
0x3e: {  	_ =	shalt  }
0x3f: {  	_ =	shalt  }
0x40: {  	_ =	shalt  }
0x41: {  	_ =	shalt  }
0x42: {  	_ =	shalt  }
0x43: {  	_ =	shalt  }
0x44: {  	_ =	shalt  }
0x45: {  	_ =	shalt  }
0x46: {  	_ =	shalt  }
0x47: {  	_ =	shalt  }
0x48: {  	_ =	shalt  }
0x49: {  	_ =	shalt  }
0x4a: {  	_ =	shalt  }
0x4b: {  	_ =	shalt  }
0x4c: {  	_ =	shalt  }
0x4d: {  	_ =	shalt  }
0x4e: {  	_ =	shalt  }
0x4f: {  	_ =	shalt  }
0x50: {  	_ =	shalt  }
0x51: {  	_ =	shalt  }
0x52: {  	_ =	shalt  }
0x53: {  	_ =	shalt  }
0x54: {  	_ =	shalt  }
0x55: {  	_ =	shalt  }
0x56: {  	_ =	shalt  }
0x57: {  	_ =	shalt  }
0x58: {  	_ =	shalt  }
0x59: {  	_ =	shalt  }
0x5a: {  	_ =	shalt  }
0x5b: {  	_ =	shalt  }
0x5c: {  	_ =	shalt  }
0x5d: {  	_ =	shalt  }
0x5e: {  	_ =	shalt  }
0x5f: {  	_ =	shalt  }
0x60: {  	_ =	shalt  }
0x61: {  	_ =	shalt  }
0x62: {  	_ =	shalt  }
0x63: {  	_ =	shalt  }
0x64: {  	_ =	shalt  }
0x65: {  	_ =	shalt  }
0x66: {  	_ =	shalt  }
0x67: {  	_ =	shalt  }
0x68: {  	_ =	shalt  }
0x69: {  	_ =	shalt  }
0x6a: {  	_ =	shalt  }
0x6b: {  	_ =	shalt  }
0x6c: {  	_ =	shalt  }
0x6d: {  	_ =	shalt  }
0x6e: {  	_ =	shalt  }
0x6f: {  	_ =	shalt  }
0x70: {  	_ =	shalt  }
0x71: {  	_ =	shalt  }
0x72: {  	_ =	shalt  }
0x73: {  	_ =	shalt  }
0x74: {  	_ =	shalt  }
0x75: {  	_ =	shalt  }
0x76: {  	_ =	shalt  }
0x77: {  	_ =	shalt  }
0x78: {  	_ =	shalt  }
0x79: {  	_ =	shalt  }
0x7a: {  	_ =	shalt  }
0x7b: {  	_ =	shalt  }
0x7c: {  	_ =	shalt  }
0x7d: {  	_ =	shalt  }
0x7e: {  	_ =	shalt  }
0x7f: {  	_ =	shalt  }
0x80: {  	_ =	shalt  }
0x81: {  	_ =	shalt  }
0x82: {  	_ =	shalt  }
0x83: {  	_ =	shalt  }
0x84: {  	_ =	shalt  }
0x85: {  	_ =	shalt  }
0x86: {  	_ =	shalt  }
0x87: {  	_ =	shalt  }
.Lfunc_end0:
.L_simem_size_0:
called_computation_lowered:
.L_overlay_start_0:
0x88: {  	s2 =	sld [smem:$0x3FD9]  }
0x89: {  	s3 =	sld [smem:$0x3FFE];
	_ =	sdelay $0x1  }
0x8a: {  	s1 =	srdreg.scid  }
0x8b: {  	s0 =	sand.u32 $0x1, s1  }
0x8c: {  	s14 =	sshll.u32 s0, $0xA;
	s2 =	sadd.s32 s3, s2  }
0x8d: {  	s2 =	sadd.s32 s2, s14  }
0x8e: {  	[smem:$0x3FC6] =	sst s2  }
0x8f: {  	_ = 	snop  }
0x90: {  	s2 =	sld [smem:$0x3FD0];
	_ =	sdelay $0x2  }
0x91: {  	s15 =	simm.s32 $0xA;
	s4 =	simm.s32 $0x10  }
0x92: {  	[smem:s4], [sflag:s15] =	dma.local [hbm:s2], $0x1  }
0x93: {  	_ =	swait.eq [sflag:s15], $0x1  }
0x94: {  	[sflag:s15] =	ssyncset.done $0x0  }
0x95: {  	[sflag:s15] =	ssyncadd.s32 $0xFFFFFFFF  }
0x96: {  	s16 =	sld [smem:$0x10];
	(tm) =	ssettm $0x1  }
0x97: {  	s17 =	sld [smem:$0x3FFB];
	_ =	sdelay $0x3  }
0x98: {  	_ =	strace s17  }
0x99: {  	s3 =	sld [smem:$0x3FFC];
	_ =	sdelay $0x3  }
0x9a: {  	_ =	strace s3  }
0x9b: {  	s3 =	sld [smem:$0x3FFD];
	_ =	sdelay $0x3  }
0x9c: {  	_ =	strace s3  }
0x9d: {  	_ =	strace $0x8FFFFFFF  }
0x9e: {  	s18 =	sld [smem:$0x3FDB];
	_ =	sdelay $0x1  }
0x9f: {  	s19 =	simm.s32 $_scs_section_size  }
0xa0: {  	s5 =	simm.s32 $_size__tile_overlayer_lowered;
	s6 =	simm.s32 $_tile_overlayer_lowered  }
0xa1: {  	s22 =	simm.s32 $0x1BFF;
	s21 =	sshll.u32 s6, $0x1;
	s3 =	sadd.s32 s19, s18  }
0xa2: {  	s7 =	simm.s32 $0x0;
	s20 =	sshll.u32 s5, $0x1;
	s5 =	sadd.s32 s21, s3  }
0xa3: {  	[timem:s7], [sflag:s22] =	dma.local [hbm:s5], s20  }
0xa4: {  	_ =	swait.ge [sflag:s22], s20  }
0xa5: {  	s4 =	ssub.s32 $0x0, s20;
	[sflag:s22] =	ssyncset.done $0x0  }
0xa6: {  	[sflag:s22] =	ssyncadd.s32 s4;
	_ =	sdelay $0x1  }
0xa7: {  	s23 =	simm.s32 $0x1B8B  }
0xa8: {  	_ =	swait.ge [sflag:s23], $0x1  }
0xa9: {  	[sflag:s23] =	ssyncset.done $0x0  }
0xaa: {  	s25 =	simm.s32 $0x1B8E;
	s24 =	sld [smem:$0x3FFE];
	[sflag:s23] =	ssyncadd.s32 $0xFFFFFFFF  }
0xab: {  	s26 =	simm.s32 $execute0_lowered;
	[smem:$0x3FD2] =	sst s25  }
0xac: {  	s5 =	sshll.u32 s26, $0x1;
	_ =	strace $0x80000046;
	[dreg:$0x1] =	wrdreg $0xFFFFFFFF  }
0xad: {  	s28 =	simm.s32 $_size_execute0_lowered;
	s3 =	sadd.s32 s3, s5;
	[dreg:$0x0] =	wrdreg $0x0  }
0xae: {  	s5 =	sshll.u32 s28, $0x1;
	[dreg:$0x2] =	wrdreg s3  }
0xaf: {  	[dreg:$0x3] =	wrdreg s5  }
0xb0: {  	[dreg:$0x4] =	wrdreg $0xC0  }
0xb1: {  	_ =	task [dreg:s7], $0x5FFFF  }
0xb2: {  	[dreg:$0x1] =	wrdreg $0xFFFFFFFF  }
0xb3: {  	[dreg:$0x0] =	wrdreg $0x60  }
0xb4: {  	[dreg:$0x2] =	wrdreg s16  }
0xb5: {  	[dreg:$0x3] =	wrdreg s24  }
0xb6: {  	[dreg:$0x4] =	wrdreg $0x9  }
0xb7: {  	_ =	task.clear_ibuf [dreg:s7], $0x5FFFF;
	_ =	strace $0x90000046  }
0xb8: {  	s29 =	simm.s32 $0x9;
	_ =	strace $0x80000048  }
0xb9: {  	_ =	swait.ge [sflag:s29], $0x1  }
0xba: {  	[sflag:s29] =	ssyncadd.s32 $0xFFFFFFFF  }
0xbb: {  	_ =	strace $0x90000048  }
0xbc: {  	_ =	sfence  }
0xbd: {  	s30 =	sld [smem:$0x0];
	_ =	sdelay $0x2  }
0xbe: {  	s31 =	sshll.u32 s1, $0xD;
	s1 =	sshrl.u32 s1, $0x2  }
0xbf: {  	s3 =	sand.u32 $0x4000, s31;
	s1 =	sadd.s32 s1, s30  }
0xc0: {  	s0 =	sor.u32 s3, s0;
	s1 =	sshll.u32 s1, $0x11  }
0xc1: {  	s0 =	sor.u32 s1, s0  }
0xc2: {  	s0 =	sadd.s32 $0x8F2B, s0  }
0xc3: {  	[sflag:s0] =	ssyncadd.remote.s32 $0x1  }
0xc4: {  	_ =	sfence.sel $0xFFFF  }
0xc5: {  	[dreg:$0x0] =	wrdreg $0xFFFFFFFF;
	(pc) =	sbr.abs _section_cstart, $3  }
0xc6: {  	[dreg:$0x1] =	wrdreg $0xFFFFFFFF  }
0xc7: {  	_ =	task.clear_ibuf [dreg:s7], $0x2FFFF;
	_ =	strace $0x9FFFFFFF  }
0xc8: {  	(tm) =	ssettm $0x7FFFFFFF  }
0xc9: {  	_ =	shalt  }
tec
execute0_lowered:
.L_overlay_start_1:
0x0: {  	(tag) =	ssettag $0x1  }
0x1: {  	v0 =	vimm.s32 $0xEFCDAB89  }
0x2: {  	v1 =	vimm.s32 $0x67452301;
	v2 =	vimm.s32 $0xDCFE98BA;
	v3 =	vimm.s32 $0x54761032  }
0x3: {  	v4 =	vimm.s32 $0xBA98FEDC;
	v5 =	vimm.s32 $0x32107654;
	v6 =	vimm.s32 $0xFEDCBA98  }
0x4: {  	v7 =	vimm.s32 $0x76543210;
	v0 =	vunpack.c.l.s4.s8 v0;
	v1 =	vunpack.c.l.s4.s8 v1  }
0x5: {  	s3 =	rddreg [dreg:$0x0];
	v2 =	vunpack.c.l.s4.s8 v2;
	v3 =	vunpack.c.l.s4.s8 v3;
	v4 =	vunpack.c.l.s4.s8 v4  }
0x6: {  	s4 =	rddreg [dreg:$0x1];
	v5 =	vunpack.c.l.s4.s8 v5;
	v6 =	vunpack.c.l.s4.s8 v6;
	v0 =	vunpack.c.0.s8.s32 v0  }
0x7: {  	s0 =	rddreg [dreg:$0x2];
	s5 =	srdreg.scid;
	v1 =	vunpack.c.0.s8.s32 v1;
	v2 =	vunpack.c.0.s8.s32 v2;
	v3 =	vunpack.c.0.s8.s32 v3  }
0x8: {  	s2 =	simm.s32 $0x0;
	s1 =	stileid.u32;
	s8 =	simm.s32 $0x0;
	v7 =	vunpack.c.l.s4.s8 v7;
	v4 =	vunpack.c.0.s8.s32 v4;
	v5 =	vunpack.c.0.s8.s32 v5  }
0x9: {  	s5 =	sand.u32 $0x1, s5;
	s6 =	sshll.u32 s1, $0x9;
	[smem:$0x7FF] =	sst s2;
	v0 =	vcombine.low v1, v0;
	v1 =	vcombine.low v3, v2;
	v2 =	vunpack.c.0.s8.s32 v6  }
0xa: {  	s7 =	sshll.u32 s5, $0x8;
	s5 =	ssub.s32 $0x2, s5;
	_ =	strace $0x80000047;
	v3 =	vcombine.low v5, v4;
	v4 =	vunpack.c.0.s8.s32 v7  }
0xb: {  	s6 =	sor.u32 s7, s6;
	s31 =	sshrl.u32 s5, $0x1;
	s7 =	simm.s32 $0x800;
	v0 =	vand.u32 $0xF, v0;
	v1 =	vand.u32 $0xF, v1;
	v5 =	vand.u32 $0xF, v2  }
0xc: {  	s4 =	sadd.s32 s6, s4;
	s5 =	ssub.s32 s5, s31;
	s3 =	sadd.s32 s3, s6;
	v2 =	vand.u32 $0xF, v3;
	v3 =	vcombine.low v5, v4;
	v4 =	vlaneseq.u32  }
0xd: {  	s6 =	simm.s32 $0x1;
	s4 =	sadd.s32 $0xE00, s4;
	s5 =	smax.u32 s5, $0x1;
	v5 =	vor.u32 $0x30, v4;
	v6 =	vor.u32 $0x20, v4;
	v7 =	vor.u32 $0x10, v4  }
.LBB2_1:
0xe: {  	[tilespmem:s2], [sflag:$0x1] =	stream.linear.gather [hbm4b:s3+s2], $0x800, $0x38;
	[tilespmem:$0x1000] =	vst v63  }
0xf: {  	_ =	swait.ge [sflag:s6], $0x800  }
0x10: {  	[sflag:s6] =	ssyncset.done $0x0  }
0x11: {  	[sflag:s6] =	ssyncadd.s32 $0xFFFFF800  }
0x12: {  	v11 =	vld [tilespmem:$0x0]  }
0x13: {  	v13 =	vld [tilespmem:$0x10]  }
0x14: {  	v14 =	vld [tilespmem:$0x20]  }
0x15: {  	v15 =	vld [tilespmem:$0x30];
	_ =	sdelay $0x3  }
0x16: {  	v8 =	vimm.f32 $0.0e+00;
	v9 =	vimm.f32 $0.0e+00;
	v12 =	vimm.f32 $0.0e+00  }
0x17: {  	s9 =	simm.s32 $0x7;
	v10 =	vimm.f32 $0.0e+00;
	v16 =	vmax.f32 v11, v13;
	v17 =	vmax.f32 v14, v15  }
.LBB2_2:
0x18: {  	p0 =	sne.s32 s9, $0x1;
	v16 =	vmax.f32 v16, v17  }
0x19: {  	v17 =	vperm.xlane v16, v0;
	_ =	sdelay $0x1  }
0x1a: {  	v16 =	vmax.f32 v16, v17  }
0x1b: {  	v17 =	vperm.xlane v16, v1;
	_ =	sdelay $0x1  }
0x1c: {  	v16 =	vmax.f32 v16, v17  }
0x1d: {  	v17 =	vperm.xlane v16, v2;
	_ =	sdelay $0x1  }
0x1e: {  	v16 =	vmax.f32 v16, v17  }
0x1f: {  	v17 =	vperm.xlane v16, v3;
	_ =	sdelay $0x1  }
0x20: {  	v16 =	vmax.f32 v16, v17  }
0x21: {  	vm0 =	veq.f32 v15, v16  }
0x22: {  	vm1 =	veq.f32 v14, v16;
	v17 =	vnsel vm0, $0x40, v5  }
0x23: {  	vm0 =	veq.f32 v13, v16;
	v17 =	vsel vm1, v6, v17  }
0x24: {  	vm1 =	veq.f32 v11, v16;
	v16 =	vsel vm0, v7, v17  }
0x25: {  	v16 =	vsel vm1, v4, v16  }
0x26: {  	v17 =	vperm.xlane v16, v0;
	_ =	sdelay $0x1  }
0x27: {  	vm0 =	vlt.s32 v16, v17  }
0x28: {  	v16 =	vsel vm0, v16, v17  }
0x29: {  	v17 =	vperm.xlane v16, v1;
	_ =	sdelay $0x1  }
0x2a: {  	vm0 =	vlt.s32 v16, v17  }
0x2b: {  	v16 =	vsel vm0, v16, v17  }
0x2c: {  	v17 =	vperm.xlane v16, v2;
	_ =	sdelay $0x1  }
0x2d: {  	vm0 =	vlt.s32 v16, v17  }
0x2e: {  	v16 =	vsel vm0, v16, v17  }
0x2f: {  	v17 =	vperm.xlane v16, v3;
	_ =	sdelay $0x1  }
0x30: {  	vm0 =	vlt.s32 v16, v17  }
0x31: {  	v16 =	vsel vm0, v16, v17  }
.Ltmp0:
0x32: {  	vm0 =	veq.s32 v16, v7;
	vm1 =	veq.s32 v16, v6;
	vm2 =	veq.s32 v16, v5;
	(pc) =	sbr.rel @p0 .LBB2_2-.Ltmp0, $4  }
0x33: {  	v13 =	vsel vm0, $0xBF800000, v13;
	v14 =	vsel vm1, $0xBF800000, v14;
	v15 =	vsel vm2, $0xBF800000, v15  }
0x34: {  	vm3 =	veq.s32 v16, v4;
	v8 =	vsel vm0, $0x3F800000, v8;
	v9 =	vsel vm1, $0x3F800000, v9  }
0x35: {  	v12 =	vsel vm3, $0x3F800000, v12;
	v10 =	vsel vm2, $0x3F800000, v10;
	v11 =	vsel vm3, $0xBF800000, v11  }
0x36: {  	s9 =	sadd.s32 $0xFFFFFFFF, s9;
	v16 =	vmax.f32 v11, v13;
	v17 =	vmax.f32 v14, v15  }
0x37: {  	v16 =	vmax.f32 v16, v17  }
0x38: {  	v17 =	vperm.xlane v16, v0;
	_ =	sdelay $0x1  }
0x39: {  	v16 =	vmax.f32 v16, v17  }
0x3a: {  	v17 =	vperm.xlane v16, v1;
	_ =	sdelay $0x1  }
0x3b: {  	v16 =	vmax.f32 v16, v17  }
0x3c: {  	v17 =	vperm.xlane v16, v2;
	_ =	sdelay $0x1  }
0x3d: {  	v16 =	vmax.f32 v16, v17  }
0x3e: {  	v17 =	vperm.xlane v16, v3;
	_ =	sdelay $0x1  }
0x3f: {  	v16 =	vmax.f32 v16, v17  }
0x40: {  	vm0 =	veq.f32 v15, v16  }
0x41: {  	vm1 =	veq.f32 v14, v16;
	v14 =	vnsel vm0, $0x40, v5  }
0x42: {  	vm10 =	veq.f32 v13, v16;
	v13 =	vsel vm1, v6, v14  }
0x43: {  	vm11 =	veq.f32 v11, v16;
	v11 =	vsel vm10, v7, v13  }
0x44: {  	v11 =	vsel vm11, v4, v11  }
0x45: {  	v13 =	vperm.xlane v11, v0;
	_ =	sdelay $0x1  }
0x46: {  	vm12 =	vlt.s32 v11, v13  }
0x47: {  	v11 =	vsel vm12, v11, v13  }
0x48: {  	v13 =	vperm.xlane v11, v1;
	_ =	sdelay $0x1  }
0x49: {  	vm0 =	vlt.s32 v11, v13  }
0x4a: {  	v11 =	vsel vm0, v11, v13  }
0x4b: {  	v13 =	vperm.xlane v11, v2;
	_ =	sdelay $0x1  }
0x4c: {  	vm0 =	vlt.s32 v11, v13  }
0x4d: {  	v15 =	vsel vm0, v11, v13  }
0x4e: {  	v16 =	vperm.xlane v15, v3  }
0x4f: {  	v11 =	vld [tilespmem:$0x80]  }
0x50: {  	v13 =	vld [tilespmem:$0x90];
	vm0 =	vlt.s32 v15, v16  }
0x51: {  	v14 =	vld [tilespmem:$0xA0];
	v16 =	vsel vm0, v15, v16  }
0x52: {  	v15 =	vld [tilespmem:$0xB0];
	vm0 =	veq.s32 v16, v4  }
0x53: {  	vm13 =	veq.s32 v16, v7;
	v12 =	vsel vm0, $0x3F800000, v12  }
0x54: {  	vm14 =	veq.s32 v16, v6;
	v8 =	vsel vm13, $0x3F800000, v8;
	[tilespmem:$0x800] =	vst v12  }
0x55: {  	vm15 =	veq.s32 v16, v5;
	v16 =	vmax.f32 v11, v13;
	v9 =	vsel vm14, $0x3F800000, v9;
	[tilespmem:$0x810] =	vst v8  }
0x56: {  	v10 =	vsel vm15, $0x3F800000, v10;
	[tilespmem:$0x820] =	vst v9;
	v8 =	vimm.f32 $0.0e+00;
	v9 =	vimm.f32 $0.0e+00  }
0x57: {  	s9 =	simm.s32 $0x7;
	[tilespmem:$0x830] =	vst v10;
	v12 =	vimm.f32 $0.0e+00;
	v10 =	vimm.f32 $0.0e+00;
	v17 =	vmax.f32 v14, v15  }
.LBB2_4:
0x58: {  	p0 =	sne.s32 s9, $0x1;
	v16 =	vmax.f32 v16, v17  }
0x59: {  	v17 =	vperm.xlane v16, v0;
	_ =	sdelay $0x1  }
0x5a: {  	v16 =	vmax.f32 v16, v17  }
0x5b: {  	v17 =	vperm.xlane v16, v1;
	_ =	sdelay $0x1  }
0x5c: {  	v16 =	vmax.f32 v16, v17  }
0x5d: {  	v17 =	vperm.xlane v16, v2;
	_ =	sdelay $0x1  }
0x5e: {  	v16 =	vmax.f32 v16, v17  }
0x5f: {  	v17 =	vperm.xlane v16, v3;
	_ =	sdelay $0x1  }
0x60: {  	v16 =	vmax.f32 v16, v17  }
0x61: {  	vm0 =	veq.f32 v15, v16  }
0x62: {  	vm1 =	veq.f32 v14, v16;
	v17 =	vnsel vm0, $0x40, v5  }
0x63: {  	vm0 =	veq.f32 v13, v16;
	v17 =	vsel vm1, v6, v17  }
0x64: {  	vm1 =	veq.f32 v11, v16;
	v16 =	vsel vm0, v7, v17  }
0x65: {  	v16 =	vsel vm1, v4, v16  }
0x66: {  	v17 =	vperm.xlane v16, v0;
	_ =	sdelay $0x1  }
0x67: {  	vm0 =	vlt.s32 v16, v17  }
0x68: {  	v16 =	vsel vm0, v16, v17  }
0x69: {  	v17 =	vperm.xlane v16, v1;
	_ =	sdelay $0x1  }
0x6a: {  	vm0 =	vlt.s32 v16, v17  }
0x6b: {  	v16 =	vsel vm0, v16, v17  }
0x6c: {  	v17 =	vperm.xlane v16, v2;
	_ =	sdelay $0x1  }
0x6d: {  	vm0 =	vlt.s32 v16, v17  }
0x6e: {  	v16 =	vsel vm0, v16, v17  }
0x6f: {  	v17 =	vperm.xlane v16, v3;
	_ =	sdelay $0x1  }
0x70: {  	vm0 =	vlt.s32 v16, v17  }
0x71: {  	v16 =	vsel vm0, v16, v17  }
.Ltmp1:
0x72: {  	vm0 =	veq.s32 v16, v7;
	vm1 =	veq.s32 v16, v6;
	vm2 =	veq.s32 v16, v5;
	(pc) =	sbr.rel @p0 .LBB2_4-.Ltmp1, $4  }
0x73: {  	v13 =	vsel vm0, $0xBF800000, v13;
	v14 =	vsel vm1, $0xBF800000, v14;
	v15 =	vsel vm2, $0xBF800000, v15  }
0x74: {  	vm3 =	veq.s32 v16, v4;
	v8 =	vsel vm0, $0x3F800000, v8;
	v9 =	vsel vm1, $0x3F800000, v9  }
0x75: {  	v12 =	vsel vm3, $0x3F800000, v12;
	v10 =	vsel vm2, $0x3F800000, v10;
	v11 =	vsel vm3, $0xBF800000, v11  }
0x76: {  	s9 =	sadd.s32 $0xFFFFFFFF, s9;
	v16 =	vmax.f32 v11, v13;
	v17 =	vmax.f32 v14, v15  }
0x77: {  	v16 =	vmax.f32 v16, v17  }
0x78: {  	v17 =	vperm.xlane v16, v0;
	_ =	sdelay $0x1  }
0x79: {  	v16 =	vmax.f32 v16, v17  }
0x7a: {  	v17 =	vperm.xlane v16, v1;
	_ =	sdelay $0x1  }
0x7b: {  	v16 =	vmax.f32 v16, v17  }
0x7c: {  	v17 =	vperm.xlane v16, v2;
	_ =	sdelay $0x1  }
0x7d: {  	v16 =	vmax.f32 v16, v17  }
0x7e: {  	v17 =	vperm.xlane v16, v3;
	_ =	sdelay $0x1  }
0x7f: {  	v16 =	vmax.f32 v16, v17  }
0x80: {  	vm0 =	veq.f32 v15, v16  }
0x81: {  	vm1 =	veq.f32 v14, v16;
	v14 =	vnsel vm0, $0x40, v5  }
0x82: {  	vm10 =	veq.f32 v13, v16;
	v13 =	vsel vm1, v6, v14  }
0x83: {  	vm11 =	veq.f32 v11, v16;
	v11 =	vsel vm10, v7, v13  }
0x84: {  	v11 =	vsel vm11, v4, v11  }
0x85: {  	v13 =	vperm.xlane v11, v0;
	_ =	sdelay $0x1  }
0x86: {  	vm12 =	vlt.s32 v11, v13  }
0x87: {  	v11 =	vsel vm12, v11, v13  }
0x88: {  	v13 =	vperm.xlane v11, v1;
	_ =	sdelay $0x1  }
0x89: {  	vm0 =	vlt.s32 v11, v13  }
0x8a: {  	v11 =	vsel vm0, v11, v13  }
0x8b: {  	v13 =	vperm.xlane v11, v2;
	_ =	sdelay $0x1  }
0x8c: {  	vm0 =	vlt.s32 v11, v13  }
0x8d: {  	v15 =	vsel vm0, v11, v13  }
0x8e: {  	v16 =	vperm.xlane v15, v3  }
0x8f: {  	v11 =	vld [tilespmem:$0x100]  }
0x90: {  	v13 =	vld [tilespmem:$0x110];
	vm0 =	vlt.s32 v15, v16  }
0x91: {  	v14 =	vld [tilespmem:$0x120];
	v16 =	vsel vm0, v15, v16  }
0x92: {  	v15 =	vld [tilespmem:$0x130];
	vm0 =	veq.s32 v16, v4  }
0x93: {  	vm13 =	veq.s32 v16, v7;
	v12 =	vsel vm0, $0x3F800000, v12  }
0x94: {  	vm14 =	veq.s32 v16, v6;
	v8 =	vsel vm13, $0x3F800000, v8;
	[tilespmem:$0x880] =	vst v12  }
0x95: {  	vm15 =	veq.s32 v16, v5;
	v16 =	vmax.f32 v11, v13;
	v9 =	vsel vm14, $0x3F800000, v9;
	[tilespmem:$0x890] =	vst v8  }
0x96: {  	v10 =	vsel vm15, $0x3F800000, v10;
	[tilespmem:$0x8A0] =	vst v9;
	v8 =	vimm.f32 $0.0e+00;
	v9 =	vimm.f32 $0.0e+00  }
0x97: {  	s9 =	simm.s32 $0x7;
	[tilespmem:$0x8B0] =	vst v10;
	v12 =	vimm.f32 $0.0e+00;
	v10 =	vimm.f32 $0.0e+00;
	v17 =	vmax.f32 v14, v15  }
.LBB2_6:
0x98: {  	p0 =	sne.s32 s9, $0x1;
	v16 =	vmax.f32 v16, v17  }
0x99: {  	v17 =	vperm.xlane v16, v0;
	_ =	sdelay $0x1  }
0x9a: {  	v16 =	vmax.f32 v16, v17  }
0x9b: {  	v17 =	vperm.xlane v16, v1;
	_ =	sdelay $0x1  }
0x9c: {  	v16 =	vmax.f32 v16, v17  }
0x9d: {  	v17 =	vperm.xlane v16, v2;
	_ =	sdelay $0x1  }
0x9e: {  	v16 =	vmax.f32 v16, v17  }
0x9f: {  	v17 =	vperm.xlane v16, v3;
	_ =	sdelay $0x1  }
0xa0: {  	v16 =	vmax.f32 v16, v17  }
0xa1: {  	vm0 =	veq.f32 v15, v16  }
0xa2: {  	vm1 =	veq.f32 v14, v16;
	v17 =	vnsel vm0, $0x40, v5  }
0xa3: {  	vm0 =	veq.f32 v13, v16;
	v17 =	vsel vm1, v6, v17  }
0xa4: {  	vm1 =	veq.f32 v11, v16;
	v16 =	vsel vm0, v7, v17  }
0xa5: {  	v16 =	vsel vm1, v4, v16  }
0xa6: {  	v17 =	vperm.xlane v16, v0;
	_ =	sdelay $0x1  }
0xa7: {  	vm0 =	vlt.s32 v16, v17  }
0xa8: {  	v16 =	vsel vm0, v16, v17  }
0xa9: {  	v17 =	vperm.xlane v16, v1;
	_ =	sdelay $0x1  }
0xaa: {  	vm0 =	vlt.s32 v16, v17  }
0xab: {  	v16 =	vsel vm0, v16, v17  }
0xac: {  	v17 =	vperm.xlane v16, v2;
	_ =	sdelay $0x1  }
0xad: {  	vm0 =	vlt.s32 v16, v17  }
0xae: {  	v16 =	vsel vm0, v16, v17  }
0xaf: {  	v17 =	vperm.xlane v16, v3;
	_ =	sdelay $0x1  }
0xb0: {  	vm0 =	vlt.s32 v16, v17  }
0xb1: {  	v16 =	vsel vm0, v16, v17  }
.Ltmp2:
0xb2: {  	vm0 =	veq.s32 v16, v7;
	vm1 =	veq.s32 v16, v6;
	vm2 =	veq.s32 v16, v5;
	(pc) =	sbr.rel @p0 .LBB2_6-.Ltmp2, $4  }
0xb3: {  	v13 =	vsel vm0, $0xBF800000, v13;
	v14 =	vsel vm1, $0xBF800000, v14;
	v15 =	vsel vm2, $0xBF800000, v15  }
0xb4: {  	vm3 =	veq.s32 v16, v4;
	v8 =	vsel vm0, $0x3F800000, v8;
	v9 =	vsel vm1, $0x3F800000, v9  }
0xb5: {  	v12 =	vsel vm3, $0x3F800000, v12;
	v10 =	vsel vm2, $0x3F800000, v10;
	v11 =	vsel vm3, $0xBF800000, v11  }
0xb6: {  	s9 =	sadd.s32 $0xFFFFFFFF, s9;
	v16 =	vmax.f32 v11, v13;
	v17 =	vmax.f32 v14, v15  }
0xb7: {  	v16 =	vmax.f32 v16, v17  }
0xb8: {  	v17 =	vperm.xlane v16, v0;
	_ =	sdelay $0x1  }
0xb9: {  	v16 =	vmax.f32 v16, v17  }
0xba: {  	v17 =	vperm.xlane v16, v1;
	_ =	sdelay $0x1  }
0xbb: {  	v16 =	vmax.f32 v16, v17  }
0xbc: {  	v17 =	vperm.xlane v16, v2;
	_ =	sdelay $0x1  }
0xbd: {  	v16 =	vmax.f32 v16, v17  }
0xbe: {  	v17 =	vperm.xlane v16, v3;
	_ =	sdelay $0x1  }
0xbf: {  	v16 =	vmax.f32 v16, v17  }
0xc0: {  	vm0 =	veq.f32 v15, v16  }
0xc1: {  	vm1 =	veq.f32 v14, v16;
	v14 =	vnsel vm0, $0x40, v5  }
0xc2: {  	vm10 =	veq.f32 v13, v16;
	v13 =	vsel vm1, v6, v14  }
0xc3: {  	vm11 =	veq.f32 v11, v16;
	v11 =	vsel vm10, v7, v13  }
0xc4: {  	v11 =	vsel vm11, v4, v11  }
0xc5: {  	v13 =	vperm.xlane v11, v0;
	_ =	sdelay $0x1  }
0xc6: {  	vm12 =	vlt.s32 v11, v13  }
0xc7: {  	v11 =	vsel vm12, v11, v13  }
0xc8: {  	v13 =	vperm.xlane v11, v1;
	_ =	sdelay $0x1  }
0xc9: {  	vm0 =	vlt.s32 v11, v13  }
0xca: {  	v11 =	vsel vm0, v11, v13  }
0xcb: {  	v13 =	vperm.xlane v11, v2;
	_ =	sdelay $0x1  }
0xcc: {  	vm0 =	vlt.s32 v11, v13  }
0xcd: {  	v15 =	vsel vm0, v11, v13  }
0xce: {  	v16 =	vperm.xlane v15, v3  }
0xcf: {  	v11 =	vld [tilespmem:$0x180]  }
0xd0: {  	v13 =	vld [tilespmem:$0x190];
	vm0 =	vlt.s32 v15, v16  }
0xd1: {  	v14 =	vld [tilespmem:$0x1A0];
	v16 =	vsel vm0, v15, v16  }
0xd2: {  	v15 =	vld [tilespmem:$0x1B0];
	vm0 =	veq.s32 v16, v4  }
0xd3: {  	vm13 =	veq.s32 v16, v7;
	v12 =	vsel vm0, $0x3F800000, v12  }
0xd4: {  	vm14 =	veq.s32 v16, v6;
	v8 =	vsel vm13, $0x3F800000, v8;
	[tilespmem:$0x900] =	vst v12  }
0xd5: {  	vm15 =	veq.s32 v16, v5;
	v16 =	vmax.f32 v11, v13;
	v9 =	vsel vm14, $0x3F800000, v9;
	[tilespmem:$0x910] =	vst v8  }
0xd6: {  	v10 =	vsel vm15, $0x3F800000, v10;
	[tilespmem:$0x920] =	vst v9;
	v8 =	vimm.f32 $0.0e+00;
	v9 =	vimm.f32 $0.0e+00  }
0xd7: {  	s9 =	simm.s32 $0x7;
	[tilespmem:$0x930] =	vst v10;
	v12 =	vimm.f32 $0.0e+00;
	v10 =	vimm.f32 $0.0e+00;
	v17 =	vmax.f32 v14, v15  }
.LBB2_8:
0xd8: {  	p0 =	sne.s32 s9, $0x1;
	v16 =	vmax.f32 v16, v17  }
0xd9: {  	v17 =	vperm.xlane v16, v0;
	_ =	sdelay $0x1  }
0xda: {  	v16 =	vmax.f32 v16, v17  }
0xdb: {  	v17 =	vperm.xlane v16, v1;
	_ =	sdelay $0x1  }
0xdc: {  	v16 =	vmax.f32 v16, v17  }
0xdd: {  	v17 =	vperm.xlane v16, v2;
	_ =	sdelay $0x1  }
0xde: {  	v16 =	vmax.f32 v16, v17  }
0xdf: {  	v17 =	vperm.xlane v16, v3;
	_ =	sdelay $0x1  }
0xe0: {  	v16 =	vmax.f32 v16, v17  }
0xe1: {  	vm0 =	veq.f32 v15, v16  }
0xe2: {  	vm1 =	veq.f32 v14, v16;
	v17 =	vnsel vm0, $0x40, v5  }
0xe3: {  	vm0 =	veq.f32 v13, v16;
	v17 =	vsel vm1, v6, v17  }
0xe4: {  	vm1 =	veq.f32 v11, v16;
	v16 =	vsel vm0, v7, v17  }
0xe5: {  	v16 =	vsel vm1, v4, v16  }
0xe6: {  	v17 =	vperm.xlane v16, v0;
	_ =	sdelay $0x1  }
0xe7: {  	vm0 =	vlt.s32 v16, v17  }
0xe8: {  	v16 =	vsel vm0, v16, v17  }
0xe9: {  	v17 =	vperm.xlane v16, v1;
	_ =	sdelay $0x1  }
0xea: {  	vm0 =	vlt.s32 v16, v17  }
0xeb: {  	v16 =	vsel vm0, v16, v17  }
0xec: {  	v17 =	vperm.xlane v16, v2;
	_ =	sdelay $0x1  }
0xed: {  	vm0 =	vlt.s32 v16, v17  }
0xee: {  	v16 =	vsel vm0, v16, v17  }
0xef: {  	v17 =	vperm.xlane v16, v3;
	_ =	sdelay $0x1  }
0xf0: {  	vm0 =	vlt.s32 v16, v17  }
0xf1: {  	v16 =	vsel vm0, v16, v17  }
.Ltmp3:
0xf2: {  	vm0 =	veq.s32 v16, v7;
	vm1 =	veq.s32 v16, v6;
	vm2 =	veq.s32 v16, v5;
	(pc) =	sbr.rel @p0 .LBB2_8-.Ltmp3, $4  }
0xf3: {  	v13 =	vsel vm0, $0xBF800000, v13;
	v14 =	vsel vm1, $0xBF800000, v14;
	v15 =	vsel vm2, $0xBF800000, v15  }
0xf4: {  	vm3 =	veq.s32 v16, v4;
	v8 =	vsel vm0, $0x3F800000, v8;
	v9 =	vsel vm1, $0x3F800000, v9  }
0xf5: {  	v12 =	vsel vm3, $0x3F800000, v12;
	v10 =	vsel vm2, $0x3F800000, v10;
	v11 =	vsel vm3, $0xBF800000, v11  }
0xf6: {  	s9 =	sadd.s32 $0xFFFFFFFF, s9;
	v16 =	vmax.f32 v11, v13;
	v17 =	vmax.f32 v14, v15  }
0xf7: {  	v16 =	vmax.f32 v16, v17  }
0xf8: {  	v17 =	vperm.xlane v16, v0;
	_ =	sdelay $0x1  }
0xf9: {  	v16 =	vmax.f32 v16, v17  }
0xfa: {  	v17 =	vperm.xlane v16, v1;
	_ =	sdelay $0x1  }
0xfb: {  	v16 =	vmax.f32 v16, v17  }
0xfc: {  	v17 =	vperm.xlane v16, v2;
	_ =	sdelay $0x1  }
0xfd: {  	v16 =	vmax.f32 v16, v17  }
0xfe: {  	v17 =	vperm.xlane v16, v3;
	_ =	sdelay $0x1  }
0xff: {  	v16 =	vmax.f32 v16, v17  }
0x100: {  	vm0 =	veq.f32 v15, v16  }
0x101: {  	vm1 =	veq.f32 v14, v16;
	v14 =	vnsel vm0, $0x40, v5  }
0x102: {  	vm10 =	veq.f32 v13, v16;
	v13 =	vsel vm1, v6, v14  }
0x103: {  	vm11 =	veq.f32 v11, v16;
	v11 =	vsel vm10, v7, v13  }
0x104: {  	v11 =	vsel vm11, v4, v11  }
0x105: {  	v13 =	vperm.xlane v11, v0;
	_ =	sdelay $0x1  }
0x106: {  	vm12 =	vlt.s32 v11, v13  }
0x107: {  	v11 =	vsel vm12, v11, v13  }
0x108: {  	v13 =	vperm.xlane v11, v1;
	_ =	sdelay $0x1  }
0x109: {  	vm0 =	vlt.s32 v11, v13  }
0x10a: {  	v11 =	vsel vm0, v11, v13  }
0x10b: {  	v13 =	vperm.xlane v11, v2;
	_ =	sdelay $0x1  }
0x10c: {  	vm0 =	vlt.s32 v11, v13  }
0x10d: {  	v15 =	vsel vm0, v11, v13  }
0x10e: {  	v16 =	vperm.xlane v15, v3  }
0x10f: {  	v11 =	vld [tilespmem:$0x200]  }
0x110: {  	v13 =	vld [tilespmem:$0x210];
	vm0 =	vlt.s32 v15, v16  }
0x111: {  	v14 =	vld [tilespmem:$0x220];
	v16 =	vsel vm0, v15, v16  }
0x112: {  	v15 =	vld [tilespmem:$0x230];
	vm0 =	veq.s32 v16, v4  }
0x113: {  	vm13 =	veq.s32 v16, v7;
	v12 =	vsel vm0, $0x3F800000, v12  }
0x114: {  	vm14 =	veq.s32 v16, v6;
	v8 =	vsel vm13, $0x3F800000, v8;
	[tilespmem:$0x980] =	vst v12  }
0x115: {  	vm15 =	veq.s32 v16, v5;
	v16 =	vmax.f32 v11, v13;
	v9 =	vsel vm14, $0x3F800000, v9;
	[tilespmem:$0x990] =	vst v8  }
0x116: {  	v10 =	vsel vm15, $0x3F800000, v10;
	[tilespmem:$0x9A0] =	vst v9;
	v8 =	vimm.f32 $0.0e+00;
	v9 =	vimm.f32 $0.0e+00  }
0x117: {  	s9 =	simm.s32 $0x7;
	[tilespmem:$0x9B0] =	vst v10;
	v12 =	vimm.f32 $0.0e+00;
	v10 =	vimm.f32 $0.0e+00;
	v17 =	vmax.f32 v14, v15  }
.LBB2_10:
0x118: {  	p0 =	sne.s32 s9, $0x1;
	v16 =	vmax.f32 v16, v17  }
0x119: {  	v17 =	vperm.xlane v16, v0;
	_ =	sdelay $0x1  }
0x11a: {  	v16 =	vmax.f32 v16, v17  }
0x11b: {  	v17 =	vperm.xlane v16, v1;
	_ =	sdelay $0x1  }
0x11c: {  	v16 =	vmax.f32 v16, v17  }
0x11d: {  	v17 =	vperm.xlane v16, v2;
	_ =	sdelay $0x1  }
0x11e: {  	v16 =	vmax.f32 v16, v17  }
0x11f: {  	v17 =	vperm.xlane v16, v3;
	_ =	sdelay $0x1  }
0x120: {  	v16 =	vmax.f32 v16, v17  }
0x121: {  	vm0 =	veq.f32 v15, v16  }
0x122: {  	vm1 =	veq.f32 v14, v16;
	v17 =	vnsel vm0, $0x40, v5  }
0x123: {  	vm0 =	veq.f32 v13, v16;
	v17 =	vsel vm1, v6, v17  }
0x124: {  	vm1 =	veq.f32 v11, v16;
	v16 =	vsel vm0, v7, v17  }
0x125: {  	v16 =	vsel vm1, v4, v16  }
0x126: {  	v17 =	vperm.xlane v16, v0;
	_ =	sdelay $0x1  }
0x127: {  	vm0 =	vlt.s32 v16, v17  }
0x128: {  	v16 =	vsel vm0, v16, v17  }
0x129: {  	v17 =	vperm.xlane v16, v1;
	_ =	sdelay $0x1  }
0x12a: {  	vm0 =	vlt.s32 v16, v17  }
0x12b: {  	v16 =	vsel vm0, v16, v17  }
0x12c: {  	v17 =	vperm.xlane v16, v2;
	_ =	sdelay $0x1  }
0x12d: {  	vm0 =	vlt.s32 v16, v17  }
0x12e: {  	v16 =	vsel vm0, v16, v17  }
0x12f: {  	v17 =	vperm.xlane v16, v3;
	_ =	sdelay $0x1  }
0x130: {  	vm0 =	vlt.s32 v16, v17  }
0x131: {  	v16 =	vsel vm0, v16, v17  }
.Ltmp4:
0x132: {  	vm0 =	veq.s32 v16, v7;
	vm1 =	veq.s32 v16, v6;
	vm2 =	veq.s32 v16, v5;
	(pc) =	sbr.rel @p0 .LBB2_10-.Ltmp4, $4  }
0x133: {  	v13 =	vsel vm0, $0xBF800000, v13;
	v14 =	vsel vm1, $0xBF800000, v14;
	v15 =	vsel vm2, $0xBF800000, v15  }
0x134: {  	vm3 =	veq.s32 v16, v4;
	v8 =	vsel vm0, $0x3F800000, v8;
	v9 =	vsel vm1, $0x3F800000, v9  }
0x135: {  	v12 =	vsel vm3, $0x3F800000, v12;
	v10 =	vsel vm2, $0x3F800000, v10;
	v11 =	vsel vm3, $0xBF800000, v11  }
0x136: {  	s9 =	sadd.s32 $0xFFFFFFFF, s9;
	v16 =	vmax.f32 v11, v13;
	v17 =	vmax.f32 v14, v15  }
0x137: {  	v16 =	vmax.f32 v16, v17  }
0x138: {  	v17 =	vperm.xlane v16, v0;
	_ =	sdelay $0x1  }
0x139: {  	v16 =	vmax.f32 v16, v17  }
0x13a: {  	v17 =	vperm.xlane v16, v1;
	_ =	sdelay $0x1  }
0x13b: {  	v16 =	vmax.f32 v16, v17  }
0x13c: {  	v17 =	vperm.xlane v16, v2;
	_ =	sdelay $0x1  }
0x13d: {  	v16 =	vmax.f32 v16, v17  }
0x13e: {  	v17 =	vperm.xlane v16, v3;
	_ =	sdelay $0x1  }
0x13f: {  	v16 =	vmax.f32 v16, v17  }
0x140: {  	vm0 =	veq.f32 v15, v16  }
0x141: {  	vm1 =	veq.f32 v14, v16;
	v14 =	vnsel vm0, $0x40, v5  }
0x142: {  	vm10 =	veq.f32 v13, v16;
	v13 =	vsel vm1, v6, v14  }
0x143: {  	vm11 =	veq.f32 v11, v16;
	v11 =	vsel vm10, v7, v13  }
0x144: {  	v11 =	vsel vm11, v4, v11  }
0x145: {  	v13 =	vperm.xlane v11, v0;
	_ =	sdelay $0x1  }
0x146: {  	vm12 =	vlt.s32 v11, v13  }
0x147: {  	v11 =	vsel vm12, v11, v13  }
0x148: {  	v13 =	vperm.xlane v11, v1;
	_ =	sdelay $0x1  }
0x149: {  	vm0 =	vlt.s32 v11, v13  }
0x14a: {  	v11 =	vsel vm0, v11, v13  }
0x14b: {  	v13 =	vperm.xlane v11, v2;
	_ =	sdelay $0x1  }
0x14c: {  	vm0 =	vlt.s32 v11, v13  }
0x14d: {  	v15 =	vsel vm0, v11, v13  }
0x14e: {  	v16 =	vperm.xlane v15, v3  }
0x14f: {  	v11 =	vld [tilespmem:$0x280]  }
0x150: {  	v13 =	vld [tilespmem:$0x290];
	vm0 =	vlt.s32 v15, v16  }
0x151: {  	v14 =	vld [tilespmem:$0x2A0];
	v16 =	vsel vm0, v15, v16  }
0x152: {  	v15 =	vld [tilespmem:$0x2B0];
	vm0 =	veq.s32 v16, v4  }
0x153: {  	vm13 =	veq.s32 v16, v7;
	v12 =	vsel vm0, $0x3F800000, v12  }
0x154: {  	vm14 =	veq.s32 v16, v6;
	v8 =	vsel vm13, $0x3F800000, v8;
	[tilespmem:$0xA00] =	vst v12  }
0x155: {  	vm15 =	veq.s32 v16, v5;
	v16 =	vmax.f32 v11, v13;
	v9 =	vsel vm14, $0x3F800000, v9;
	[tilespmem:$0xA10] =	vst v8  }
0x156: {  	v10 =	vsel vm15, $0x3F800000, v10;
	[tilespmem:$0xA20] =	vst v9;
	v8 =	vimm.f32 $0.0e+00;
	v9 =	vimm.f32 $0.0e+00  }
0x157: {  	s9 =	simm.s32 $0x7;
	[tilespmem:$0xA30] =	vst v10;
	v12 =	vimm.f32 $0.0e+00;
	v10 =	vimm.f32 $0.0e+00;
	v17 =	vmax.f32 v14, v15  }
.LBB2_12:
0x158: {  	p0 =	sne.s32 s9, $0x1;
	v16 =	vmax.f32 v16, v17  }
0x159: {  	v17 =	vperm.xlane v16, v0;
	_ =	sdelay $0x1  }
0x15a: {  	v16 =	vmax.f32 v16, v17  }
0x15b: {  	v17 =	vperm.xlane v16, v1;
	_ =	sdelay $0x1  }
0x15c: {  	v16 =	vmax.f32 v16, v17  }
0x15d: {  	v17 =	vperm.xlane v16, v2;
	_ =	sdelay $0x1  }
0x15e: {  	v16 =	vmax.f32 v16, v17  }
0x15f: {  	v17 =	vperm.xlane v16, v3;
	_ =	sdelay $0x1  }
0x160: {  	v16 =	vmax.f32 v16, v17  }
0x161: {  	vm0 =	veq.f32 v15, v16  }
0x162: {  	vm1 =	veq.f32 v14, v16;
	v17 =	vnsel vm0, $0x40, v5  }
0x163: {  	vm0 =	veq.f32 v13, v16;
	v17 =	vsel vm1, v6, v17  }
0x164: {  	vm1 =	veq.f32 v11, v16;
	v16 =	vsel vm0, v7, v17  }
0x165: {  	v16 =	vsel vm1, v4, v16  }
0x166: {  	v17 =	vperm.xlane v16, v0;
	_ =	sdelay $0x1  }
0x167: {  	vm0 =	vlt.s32 v16, v17  }
0x168: {  	v16 =	vsel vm0, v16, v17  }
0x169: {  	v17 =	vperm.xlane v16, v1;
	_ =	sdelay $0x1  }
0x16a: {  	vm0 =	vlt.s32 v16, v17  }
0x16b: {  	v16 =	vsel vm0, v16, v17  }
0x16c: {  	v17 =	vperm.xlane v16, v2;
	_ =	sdelay $0x1  }
0x16d: {  	vm0 =	vlt.s32 v16, v17  }
0x16e: {  	v16 =	vsel vm0, v16, v17  }
0x16f: {  	v17 =	vperm.xlane v16, v3;
	_ =	sdelay $0x1  }
0x170: {  	vm0 =	vlt.s32 v16, v17  }
0x171: {  	v16 =	vsel vm0, v16, v17  }
.Ltmp5:
0x172: {  	vm0 =	veq.s32 v16, v7;
	vm1 =	veq.s32 v16, v6;
	vm2 =	veq.s32 v16, v5;
	(pc) =	sbr.rel @p0 .LBB2_12-.Ltmp5, $4  }
0x173: {  	v13 =	vsel vm0, $0xBF800000, v13;
	v14 =	vsel vm1, $0xBF800000, v14;
	v15 =	vsel vm2, $0xBF800000, v15  }
0x174: {  	vm3 =	veq.s32 v16, v4;
	v8 =	vsel vm0, $0x3F800000, v8;
	v9 =	vsel vm1, $0x3F800000, v9  }
0x175: {  	v12 =	vsel vm3, $0x3F800000, v12;
	v10 =	vsel vm2, $0x3F800000, v10;
	v11 =	vsel vm3, $0xBF800000, v11  }
0x176: {  	s9 =	sadd.s32 $0xFFFFFFFF, s9;
	v16 =	vmax.f32 v11, v13;
	v17 =	vmax.f32 v14, v15  }
0x177: {  	v16 =	vmax.f32 v16, v17  }
0x178: {  	v17 =	vperm.xlane v16, v0;
	_ =	sdelay $0x1  }
0x179: {  	v16 =	vmax.f32 v16, v17  }
0x17a: {  	v17 =	vperm.xlane v16, v1;
	_ =	sdelay $0x1  }
0x17b: {  	v16 =	vmax.f32 v16, v17  }
0x17c: {  	v17 =	vperm.xlane v16, v2;
	_ =	sdelay $0x1  }
0x17d: {  	v16 =	vmax.f32 v16, v17  }
0x17e: {  	v17 =	vperm.xlane v16, v3;
	_ =	sdelay $0x1  }
0x17f: {  	v16 =	vmax.f32 v16, v17  }
0x180: {  	vm0 =	veq.f32 v15, v16  }
0x181: {  	vm1 =	veq.f32 v14, v16;
	v14 =	vnsel vm0, $0x40, v5  }
0x182: {  	vm10 =	veq.f32 v13, v16;
	v13 =	vsel vm1, v6, v14  }
0x183: {  	vm11 =	veq.f32 v11, v16;
	v11 =	vsel vm10, v7, v13  }
0x184: {  	v11 =	vsel vm11, v4, v11  }
0x185: {  	v13 =	vperm.xlane v11, v0;
	_ =	sdelay $0x1  }
0x186: {  	vm12 =	vlt.s32 v11, v13  }
0x187: {  	v11 =	vsel vm12, v11, v13  }
0x188: {  	v13 =	vperm.xlane v11, v1;
	_ =	sdelay $0x1  }
0x189: {  	vm0 =	vlt.s32 v11, v13  }
0x18a: {  	v11 =	vsel vm0, v11, v13  }
0x18b: {  	v13 =	vperm.xlane v11, v2;
	_ =	sdelay $0x1  }
0x18c: {  	vm0 =	vlt.s32 v11, v13  }
0x18d: {  	v15 =	vsel vm0, v11, v13  }
0x18e: {  	v16 =	vperm.xlane v15, v3  }
0x18f: {  	v11 =	vld [tilespmem:$0x300]  }
0x190: {  	v13 =	vld [tilespmem:$0x310];
	vm0 =	vlt.s32 v15, v16  }
0x191: {  	v14 =	vld [tilespmem:$0x320];
	v16 =	vsel vm0, v15, v16  }
0x192: {  	v15 =	vld [tilespmem:$0x330];
	vm0 =	veq.s32 v16, v4  }
0x193: {  	vm13 =	veq.s32 v16, v7;
	v12 =	vsel vm0, $0x3F800000, v12  }
0x194: {  	vm14 =	veq.s32 v16, v6;
	v8 =	vsel vm13, $0x3F800000, v8;
	[tilespmem:$0xA80] =	vst v12  }
0x195: {  	vm15 =	veq.s32 v16, v5;
	v16 =	vmax.f32 v11, v13;
	v9 =	vsel vm14, $0x3F800000, v9;
	[tilespmem:$0xA90] =	vst v8  }
0x196: {  	v10 =	vsel vm15, $0x3F800000, v10;
	[tilespmem:$0xAA0] =	vst v9;
	v8 =	vimm.f32 $0.0e+00;
	v9 =	vimm.f32 $0.0e+00  }
0x197: {  	s9 =	simm.s32 $0x7;
	[tilespmem:$0xAB0] =	vst v10;
	v12 =	vimm.f32 $0.0e+00;
	v10 =	vimm.f32 $0.0e+00;
	v17 =	vmax.f32 v14, v15  }
.LBB2_14:
0x198: {  	p0 =	sne.s32 s9, $0x1;
	v16 =	vmax.f32 v16, v17  }
0x199: {  	v17 =	vperm.xlane v16, v0;
	_ =	sdelay $0x1  }
0x19a: {  	v16 =	vmax.f32 v16, v17  }
0x19b: {  	v17 =	vperm.xlane v16, v1;
	_ =	sdelay $0x1  }
0x19c: {  	v16 =	vmax.f32 v16, v17  }
0x19d: {  	v17 =	vperm.xlane v16, v2;
	_ =	sdelay $0x1  }
0x19e: {  	v16 =	vmax.f32 v16, v17  }
0x19f: {  	v17 =	vperm.xlane v16, v3;
	_ =	sdelay $0x1  }
0x1a0: {  	v16 =	vmax.f32 v16, v17  }
0x1a1: {  	vm0 =	veq.f32 v15, v16  }
0x1a2: {  	vm1 =	veq.f32 v14, v16;
	v17 =	vnsel vm0, $0x40, v5  }
0x1a3: {  	vm0 =	veq.f32 v13, v16;
	v17 =	vsel vm1, v6, v17  }
0x1a4: {  	vm1 =	veq.f32 v11, v16;
	v16 =	vsel vm0, v7, v17  }
0x1a5: {  	v16 =	vsel vm1, v4, v16  }
0x1a6: {  	v17 =	vperm.xlane v16, v0;
	_ =	sdelay $0x1  }
0x1a7: {  	vm0 =	vlt.s32 v16, v17  }
0x1a8: {  	v16 =	vsel vm0, v16, v17  }
0x1a9: {  	v17 =	vperm.xlane v16, v1;
	_ =	sdelay $0x1  }
0x1aa: {  	vm0 =	vlt.s32 v16, v17  }
0x1ab: {  	v16 =	vsel vm0, v16, v17  }
0x1ac: {  	v17 =	vperm.xlane v16, v2;
	_ =	sdelay $0x1  }
0x1ad: {  	vm0 =	vlt.s32 v16, v17  }
0x1ae: {  	v16 =	vsel vm0, v16, v17  }
0x1af: {  	v17 =	vperm.xlane v16, v3;
	_ =	sdelay $0x1  }
0x1b0: {  	vm0 =	vlt.s32 v16, v17  }
0x1b1: {  	v16 =	vsel vm0, v16, v17  }
.Ltmp6:
0x1b2: {  	vm0 =	veq.s32 v16, v7;
	vm1 =	veq.s32 v16, v6;
	vm2 =	veq.s32 v16, v5;
	(pc) =	sbr.rel @p0 .LBB2_14-.Ltmp6, $4  }
0x1b3: {  	v13 =	vsel vm0, $0xBF800000, v13;
	v14 =	vsel vm1, $0xBF800000, v14;
	v15 =	vsel vm2, $0xBF800000, v15  }
0x1b4: {  	vm3 =	veq.s32 v16, v4;
	v8 =	vsel vm0, $0x3F800000, v8;
	v9 =	vsel vm1, $0x3F800000, v9  }
0x1b5: {  	v12 =	vsel vm3, $0x3F800000, v12;
	v10 =	vsel vm2, $0x3F800000, v10;
	v11 =	vsel vm3, $0xBF800000, v11  }
0x1b6: {  	s9 =	sadd.s32 $0xFFFFFFFF, s9;
	v16 =	vmax.f32 v11, v13;
	v17 =	vmax.f32 v14, v15  }
0x1b7: {  	v16 =	vmax.f32 v16, v17  }
0x1b8: {  	v17 =	vperm.xlane v16, v0;
	_ =	sdelay $0x1  }
0x1b9: {  	v16 =	vmax.f32 v16, v17  }
0x1ba: {  	v17 =	vperm.xlane v16, v1;
	_ =	sdelay $0x1  }
0x1bb: {  	v16 =	vmax.f32 v16, v17  }
0x1bc: {  	v17 =	vperm.xlane v16, v2;
	_ =	sdelay $0x1  }
0x1bd: {  	v16 =	vmax.f32 v16, v17  }
0x1be: {  	v17 =	vperm.xlane v16, v3;
	_ =	sdelay $0x1  }
0x1bf: {  	v16 =	vmax.f32 v16, v17  }
0x1c0: {  	vm0 =	veq.f32 v15, v16  }
0x1c1: {  	vm1 =	veq.f32 v14, v16;
	v14 =	vnsel vm0, $0x40, v5  }
0x1c2: {  	vm10 =	veq.f32 v13, v16;
	v13 =	vsel vm1, v6, v14  }
0x1c3: {  	vm11 =	veq.f32 v11, v16;
	v11 =	vsel vm10, v7, v13  }
0x1c4: {  	v11 =	vsel vm11, v4, v11  }
0x1c5: {  	v13 =	vperm.xlane v11, v0;
	_ =	sdelay $0x1  }
0x1c6: {  	vm12 =	vlt.s32 v11, v13  }
0x1c7: {  	v11 =	vsel vm12, v11, v13  }
0x1c8: {  	v13 =	vperm.xlane v11, v1;
	_ =	sdelay $0x1  }
0x1c9: {  	vm0 =	vlt.s32 v11, v13  }
0x1ca: {  	v11 =	vsel vm0, v11, v13  }
0x1cb: {  	v13 =	vperm.xlane v11, v2;
	_ =	sdelay $0x1  }
0x1cc: {  	vm0 =	vlt.s32 v11, v13  }
0x1cd: {  	v15 =	vsel vm0, v11, v13  }
0x1ce: {  	v16 =	vperm.xlane v15, v3  }
0x1cf: {  	v11 =	vld [tilespmem:$0x380]  }
0x1d0: {  	v13 =	vld [tilespmem:$0x390];
	vm0 =	vlt.s32 v15, v16  }
0x1d1: {  	v14 =	vld [tilespmem:$0x3A0];
	v16 =	vsel vm0, v15, v16  }
0x1d2: {  	v15 =	vld [tilespmem:$0x3B0];
	vm0 =	veq.s32 v16, v4  }
0x1d3: {  	vm13 =	veq.s32 v16, v7;
	v12 =	vsel vm0, $0x3F800000, v12  }
0x1d4: {  	vm14 =	veq.s32 v16, v6;
	v8 =	vsel vm13, $0x3F800000, v8;
	[tilespmem:$0xB00] =	vst v12  }
0x1d5: {  	vm15 =	veq.s32 v16, v5;
	v16 =	vmax.f32 v11, v13;
	v9 =	vsel vm14, $0x3F800000, v9;
	[tilespmem:$0xB10] =	vst v8  }
0x1d6: {  	v10 =	vsel vm15, $0x3F800000, v10;
	[tilespmem:$0xB20] =	vst v9;
	v8 =	vimm.f32 $0.0e+00;
	v9 =	vimm.f32 $0.0e+00  }
0x1d7: {  	s9 =	simm.s32 $0x7;
	[tilespmem:$0xB30] =	vst v10;
	v12 =	vimm.f32 $0.0e+00;
	v10 =	vimm.f32 $0.0e+00;
	v17 =	vmax.f32 v14, v15  }
.LBB2_16:
0x1d8: {  	p0 =	sne.s32 s9, $0x1;
	v16 =	vmax.f32 v16, v17  }
0x1d9: {  	v17 =	vperm.xlane v16, v0;
	_ =	sdelay $0x1  }
0x1da: {  	v16 =	vmax.f32 v16, v17  }
0x1db: {  	v17 =	vperm.xlane v16, v1;
	_ =	sdelay $0x1  }
0x1dc: {  	v16 =	vmax.f32 v16, v17  }
0x1dd: {  	v17 =	vperm.xlane v16, v2;
	_ =	sdelay $0x1  }
0x1de: {  	v16 =	vmax.f32 v16, v17  }
0x1df: {  	v17 =	vperm.xlane v16, v3;
	_ =	sdelay $0x1  }
0x1e0: {  	v16 =	vmax.f32 v16, v17  }
0x1e1: {  	vm0 =	veq.f32 v15, v16  }
0x1e2: {  	vm1 =	veq.f32 v14, v16;
	v17 =	vnsel vm0, $0x40, v5  }
0x1e3: {  	vm0 =	veq.f32 v13, v16;
	v17 =	vsel vm1, v6, v17  }
0x1e4: {  	vm1 =	veq.f32 v11, v16;
	v16 =	vsel vm0, v7, v17  }
0x1e5: {  	v16 =	vsel vm1, v4, v16  }
0x1e6: {  	v17 =	vperm.xlane v16, v0;
	_ =	sdelay $0x1  }
0x1e7: {  	vm0 =	vlt.s32 v16, v17  }
0x1e8: {  	v16 =	vsel vm0, v16, v17  }
0x1e9: {  	v17 =	vperm.xlane v16, v1;
	_ =	sdelay $0x1  }
0x1ea: {  	vm0 =	vlt.s32 v16, v17  }
0x1eb: {  	v16 =	vsel vm0, v16, v17  }
0x1ec: {  	v17 =	vperm.xlane v16, v2;
	_ =	sdelay $0x1  }
0x1ed: {  	vm0 =	vlt.s32 v16, v17  }
0x1ee: {  	v16 =	vsel vm0, v16, v17  }
0x1ef: {  	v17 =	vperm.xlane v16, v3;
	_ =	sdelay $0x1  }
0x1f0: {  	vm0 =	vlt.s32 v16, v17  }
0x1f1: {  	v16 =	vsel vm0, v16, v17  }
.Ltmp7:
0x1f2: {  	vm0 =	veq.s32 v16, v7;
	vm1 =	veq.s32 v16, v6;
	vm2 =	veq.s32 v16, v5;
	(pc) =	sbr.rel @p0 .LBB2_16-.Ltmp7, $4  }
0x1f3: {  	v13 =	vsel vm0, $0xBF800000, v13;
	v14 =	vsel vm1, $0xBF800000, v14;
	v15 =	vsel vm2, $0xBF800000, v15  }
0x1f4: {  	vm3 =	veq.s32 v16, v4;
	v8 =	vsel vm0, $0x3F800000, v8;
	v9 =	vsel vm1, $0x3F800000, v9  }
0x1f5: {  	v12 =	vsel vm3, $0x3F800000, v12;
	v10 =	vsel vm2, $0x3F800000, v10;
	v11 =	vsel vm3, $0xBF800000, v11  }
0x1f6: {  	s9 =	sadd.s32 $0xFFFFFFFF, s9;
	v16 =	vmax.f32 v11, v13;
	v17 =	vmax.f32 v14, v15  }
0x1f7: {  	v16 =	vmax.f32 v16, v17  }
0x1f8: {  	v17 =	vperm.xlane v16, v0;
	_ =	sdelay $0x1  }
0x1f9: {  	v16 =	vmax.f32 v16, v17  }
0x1fa: {  	v17 =	vperm.xlane v16, v1;
	_ =	sdelay $0x1  }
0x1fb: {  	v16 =	vmax.f32 v16, v17  }
0x1fc: {  	v17 =	vperm.xlane v16, v2;
	_ =	sdelay $0x1  }
0x1fd: {  	v16 =	vmax.f32 v16, v17  }
0x1fe: {  	v17 =	vperm.xlane v16, v3;
	_ =	sdelay $0x1  }
0x1ff: {  	v16 =	vmax.f32 v16, v17  }
0x200: {  	vm0 =	veq.f32 v15, v16  }
0x201: {  	vm1 =	veq.f32 v14, v16;
	v14 =	vnsel vm0, $0x40, v5  }
0x202: {  	vm10 =	veq.f32 v13, v16;
	v13 =	vsel vm1, v6, v14  }
0x203: {  	vm11 =	veq.f32 v11, v16;
	v11 =	vsel vm10, v7, v13  }
0x204: {  	v11 =	vsel vm11, v4, v11  }
0x205: {  	v13 =	vperm.xlane v11, v0;
	_ =	sdelay $0x1  }
0x206: {  	vm12 =	vlt.s32 v11, v13  }
0x207: {  	v11 =	vsel vm12, v11, v13  }
0x208: {  	v13 =	vperm.xlane v11, v1;
	_ =	sdelay $0x1  }
0x209: {  	vm0 =	vlt.s32 v11, v13  }
0x20a: {  	v11 =	vsel vm0, v11, v13  }
0x20b: {  	v13 =	vperm.xlane v11, v2;
	_ =	sdelay $0x1  }
0x20c: {  	vm0 =	vlt.s32 v11, v13  }
0x20d: {  	v15 =	vsel vm0, v11, v13  }
0x20e: {  	v16 =	vperm.xlane v15, v3  }
0x20f: {  	v11 =	vld [tilespmem:$0x400]  }
0x210: {  	v13 =	vld [tilespmem:$0x410];
	vm0 =	vlt.s32 v15, v16  }
0x211: {  	v14 =	vld [tilespmem:$0x420];
	v16 =	vsel vm0, v15, v16  }
0x212: {  	v15 =	vld [tilespmem:$0x430];
	vm0 =	veq.s32 v16, v4  }
0x213: {  	vm13 =	veq.s32 v16, v7;
	v12 =	vsel vm0, $0x3F800000, v12  }
0x214: {  	vm14 =	veq.s32 v16, v6;
	v8 =	vsel vm13, $0x3F800000, v8;
	[tilespmem:$0xB80] =	vst v12  }
0x215: {  	vm15 =	veq.s32 v16, v5;
	v16 =	vmax.f32 v11, v13;
	v9 =	vsel vm14, $0x3F800000, v9;
	[tilespmem:$0xB90] =	vst v8  }
0x216: {  	v10 =	vsel vm15, $0x3F800000, v10;
	[tilespmem:$0xBA0] =	vst v9;
	v8 =	vimm.f32 $0.0e+00;
	v9 =	vimm.f32 $0.0e+00  }
0x217: {  	s9 =	simm.s32 $0x7;
	[tilespmem:$0xBB0] =	vst v10;
	v12 =	vimm.f32 $0.0e+00;
	v10 =	vimm.f32 $0.0e+00;
	v17 =	vmax.f32 v14, v15  }
.LBB2_18:
0x218: {  	p0 =	sne.s32 s9, $0x1;
	v16 =	vmax.f32 v16, v17  }
0x219: {  	v17 =	vperm.xlane v16, v0;
	_ =	sdelay $0x1  }
0x21a: {  	v16 =	vmax.f32 v16, v17  }
0x21b: {  	v17 =	vperm.xlane v16, v1;
	_ =	sdelay $0x1  }
0x21c: {  	v16 =	vmax.f32 v16, v17  }
0x21d: {  	v17 =	vperm.xlane v16, v2;
	_ =	sdelay $0x1  }
0x21e: {  	v16 =	vmax.f32 v16, v17  }
0x21f: {  	v17 =	vperm.xlane v16, v3;
	_ =	sdelay $0x1  }
0x220: {  	v16 =	vmax.f32 v16, v17  }
0x221: {  	vm0 =	veq.f32 v15, v16  }
0x222: {  	vm1 =	veq.f32 v14, v16;
	v17 =	vnsel vm0, $0x40, v5  }
0x223: {  	vm0 =	veq.f32 v13, v16;
	v17 =	vsel vm1, v6, v17  }
0x224: {  	vm1 =	veq.f32 v11, v16;
	v16 =	vsel vm0, v7, v17  }
0x225: {  	v16 =	vsel vm1, v4, v16  }
0x226: {  	v17 =	vperm.xlane v16, v0;
	_ =	sdelay $0x1  }
0x227: {  	vm0 =	vlt.s32 v16, v17  }
0x228: {  	v16 =	vsel vm0, v16, v17  }
0x229: {  	v17 =	vperm.xlane v16, v1;
	_ =	sdelay $0x1  }
0x22a: {  	vm0 =	vlt.s32 v16, v17  }
0x22b: {  	v16 =	vsel vm0, v16, v17  }
0x22c: {  	v17 =	vperm.xlane v16, v2;
	_ =	sdelay $0x1  }
0x22d: {  	vm0 =	vlt.s32 v16, v17  }
0x22e: {  	v16 =	vsel vm0, v16, v17  }
0x22f: {  	v17 =	vperm.xlane v16, v3;
	_ =	sdelay $0x1  }
0x230: {  	vm0 =	vlt.s32 v16, v17  }
0x231: {  	v16 =	vsel vm0, v16, v17  }
.Ltmp8:
0x232: {  	vm0 =	veq.s32 v16, v7;
	vm1 =	veq.s32 v16, v6;
	vm2 =	veq.s32 v16, v5;
	(pc) =	sbr.rel @p0 .LBB2_18-.Ltmp8, $4  }
0x233: {  	v13 =	vsel vm0, $0xBF800000, v13;
	v14 =	vsel vm1, $0xBF800000, v14;
	v15 =	vsel vm2, $0xBF800000, v15  }
0x234: {  	vm3 =	veq.s32 v16, v4;
	v8 =	vsel vm0, $0x3F800000, v8;
	v9 =	vsel vm1, $0x3F800000, v9  }
0x235: {  	v12 =	vsel vm3, $0x3F800000, v12;
	v10 =	vsel vm2, $0x3F800000, v10;
	v11 =	vsel vm3, $0xBF800000, v11  }
0x236: {  	s9 =	sadd.s32 $0xFFFFFFFF, s9;
	v16 =	vmax.f32 v11, v13;
	v17 =	vmax.f32 v14, v15  }
0x237: {  	v16 =	vmax.f32 v16, v17  }
0x238: {  	v17 =	vperm.xlane v16, v0;
	_ =	sdelay $0x1  }
0x239: {  	v16 =	vmax.f32 v16, v17  }
0x23a: {  	v17 =	vperm.xlane v16, v1;
	_ =	sdelay $0x1  }
0x23b: {  	v16 =	vmax.f32 v16, v17  }
0x23c: {  	v17 =	vperm.xlane v16, v2;
	_ =	sdelay $0x1  }
0x23d: {  	v16 =	vmax.f32 v16, v17  }
0x23e: {  	v17 =	vperm.xlane v16, v3;
	_ =	sdelay $0x1  }
0x23f: {  	v16 =	vmax.f32 v16, v17  }
0x240: {  	vm0 =	veq.f32 v15, v16  }
0x241: {  	vm1 =	veq.f32 v14, v16;
	v14 =	vnsel vm0, $0x40, v5  }
0x242: {  	vm10 =	veq.f32 v13, v16;
	v13 =	vsel vm1, v6, v14  }
0x243: {  	vm11 =	veq.f32 v11, v16;
	v11 =	vsel vm10, v7, v13  }
0x244: {  	v11 =	vsel vm11, v4, v11  }
0x245: {  	v13 =	vperm.xlane v11, v0;
	_ =	sdelay $0x1  }
0x246: {  	vm12 =	vlt.s32 v11, v13  }
0x247: {  	v11 =	vsel vm12, v11, v13  }
0x248: {  	v13 =	vperm.xlane v11, v1;
	_ =	sdelay $0x1  }
0x249: {  	vm0 =	vlt.s32 v11, v13  }
0x24a: {  	v11 =	vsel vm0, v11, v13  }
0x24b: {  	v13 =	vperm.xlane v11, v2;
	_ =	sdelay $0x1  }
0x24c: {  	vm0 =	vlt.s32 v11, v13  }
0x24d: {  	v15 =	vsel vm0, v11, v13  }
0x24e: {  	v16 =	vperm.xlane v15, v3  }
0x24f: {  	v11 =	vld [tilespmem:$0x480]  }
0x250: {  	v13 =	vld [tilespmem:$0x490];
	vm0 =	vlt.s32 v15, v16  }
0x251: {  	v14 =	vld [tilespmem:$0x4A0];
	v16 =	vsel vm0, v15, v16  }
0x252: {  	v15 =	vld [tilespmem:$0x4B0];
	vm0 =	veq.s32 v16, v4  }
0x253: {  	vm13 =	veq.s32 v16, v7;
	v12 =	vsel vm0, $0x3F800000, v12  }
0x254: {  	vm14 =	veq.s32 v16, v6;
	v8 =	vsel vm13, $0x3F800000, v8;
	[tilespmem:$0xC00] =	vst v12  }
0x255: {  	vm15 =	veq.s32 v16, v5;
	v16 =	vmax.f32 v11, v13;
	v9 =	vsel vm14, $0x3F800000, v9;
	[tilespmem:$0xC10] =	vst v8  }
0x256: {  	v10 =	vsel vm15, $0x3F800000, v10;
	[tilespmem:$0xC20] =	vst v9;
	v8 =	vimm.f32 $0.0e+00;
	v9 =	vimm.f32 $0.0e+00  }
0x257: {  	s9 =	simm.s32 $0x7;
	[tilespmem:$0xC30] =	vst v10;
	v12 =	vimm.f32 $0.0e+00;
	v10 =	vimm.f32 $0.0e+00;
	v17 =	vmax.f32 v14, v15  }
.LBB2_20:
0x258: {  	p0 =	sne.s32 s9, $0x1;
	v16 =	vmax.f32 v16, v17  }
0x259: {  	v17 =	vperm.xlane v16, v0;
	_ =	sdelay $0x1  }
0x25a: {  	v16 =	vmax.f32 v16, v17  }
0x25b: {  	v17 =	vperm.xlane v16, v1;
	_ =	sdelay $0x1  }
0x25c: {  	v16 =	vmax.f32 v16, v17  }
0x25d: {  	v17 =	vperm.xlane v16, v2;
	_ =	sdelay $0x1  }
0x25e: {  	v16 =	vmax.f32 v16, v17  }
0x25f: {  	v17 =	vperm.xlane v16, v3;
	_ =	sdelay $0x1  }
0x260: {  	v16 =	vmax.f32 v16, v17  }
0x261: {  	vm0 =	veq.f32 v15, v16  }
0x262: {  	vm1 =	veq.f32 v14, v16;
	v17 =	vnsel vm0, $0x40, v5  }
0x263: {  	vm0 =	veq.f32 v13, v16;
	v17 =	vsel vm1, v6, v17  }
0x264: {  	vm1 =	veq.f32 v11, v16;
	v16 =	vsel vm0, v7, v17  }
0x265: {  	v16 =	vsel vm1, v4, v16  }
0x266: {  	v17 =	vperm.xlane v16, v0;
	_ =	sdelay $0x1  }
0x267: {  	vm0 =	vlt.s32 v16, v17  }
0x268: {  	v16 =	vsel vm0, v16, v17  }
0x269: {  	v17 =	vperm.xlane v16, v1;
	_ =	sdelay $0x1  }
0x26a: {  	vm0 =	vlt.s32 v16, v17  }
0x26b: {  	v16 =	vsel vm0, v16, v17  }
0x26c: {  	v17 =	vperm.xlane v16, v2;
	_ =	sdelay $0x1  }
0x26d: {  	vm0 =	vlt.s32 v16, v17  }
0x26e: {  	v16 =	vsel vm0, v16, v17  }
0x26f: {  	v17 =	vperm.xlane v16, v3;
	_ =	sdelay $0x1  }
0x270: {  	vm0 =	vlt.s32 v16, v17  }
0x271: {  	v16 =	vsel vm0, v16, v17  }
.Ltmp9:
0x272: {  	vm0 =	veq.s32 v16, v7;
	vm1 =	veq.s32 v16, v6;
	vm2 =	veq.s32 v16, v5;
	(pc) =	sbr.rel @p0 .LBB2_20-.Ltmp9, $4  }
0x273: {  	v13 =	vsel vm0, $0xBF800000, v13;
	v14 =	vsel vm1, $0xBF800000, v14;
	v15 =	vsel vm2, $0xBF800000, v15  }
0x274: {  	vm3 =	veq.s32 v16, v4;
	v8 =	vsel vm0, $0x3F800000, v8;
	v9 =	vsel vm1, $0x3F800000, v9  }
0x275: {  	v12 =	vsel vm3, $0x3F800000, v12;
	v10 =	vsel vm2, $0x3F800000, v10;
	v11 =	vsel vm3, $0xBF800000, v11  }
0x276: {  	s9 =	sadd.s32 $0xFFFFFFFF, s9;
	v16 =	vmax.f32 v11, v13;
	v17 =	vmax.f32 v14, v15  }
0x277: {  	v16 =	vmax.f32 v16, v17  }
0x278: {  	v17 =	vperm.xlane v16, v0;
	_ =	sdelay $0x1  }
0x279: {  	v16 =	vmax.f32 v16, v17  }
0x27a: {  	v17 =	vperm.xlane v16, v1;
	_ =	sdelay $0x1  }
0x27b: {  	v16 =	vmax.f32 v16, v17  }
0x27c: {  	v17 =	vperm.xlane v16, v2;
	_ =	sdelay $0x1  }
0x27d: {  	v16 =	vmax.f32 v16, v17  }
0x27e: {  	v17 =	vperm.xlane v16, v3;
	_ =	sdelay $0x1  }
0x27f: {  	v16 =	vmax.f32 v16, v17  }
0x280: {  	vm0 =	veq.f32 v15, v16  }
0x281: {  	vm1 =	veq.f32 v14, v16;
	v14 =	vnsel vm0, $0x40, v5  }
0x282: {  	vm10 =	veq.f32 v13, v16;
	v13 =	vsel vm1, v6, v14  }
0x283: {  	vm11 =	veq.f32 v11, v16;
	v11 =	vsel vm10, v7, v13  }
0x284: {  	v11 =	vsel vm11, v4, v11  }
0x285: {  	v13 =	vperm.xlane v11, v0;
	_ =	sdelay $0x1  }
0x286: {  	vm12 =	vlt.s32 v11, v13  }
0x287: {  	v11 =	vsel vm12, v11, v13  }
0x288: {  	v13 =	vperm.xlane v11, v1;
	_ =	sdelay $0x1  }
0x289: {  	vm0 =	vlt.s32 v11, v13  }
0x28a: {  	v11 =	vsel vm0, v11, v13  }
0x28b: {  	v13 =	vperm.xlane v11, v2;
	_ =	sdelay $0x1  }
0x28c: {  	vm0 =	vlt.s32 v11, v13  }
0x28d: {  	v15 =	vsel vm0, v11, v13  }
0x28e: {  	v16 =	vperm.xlane v15, v3  }
0x28f: {  	v11 =	vld [tilespmem:$0x500]  }
0x290: {  	v13 =	vld [tilespmem:$0x510];
	vm0 =	vlt.s32 v15, v16  }
0x291: {  	v14 =	vld [tilespmem:$0x520];
	v16 =	vsel vm0, v15, v16  }
0x292: {  	v15 =	vld [tilespmem:$0x530];
	vm0 =	veq.s32 v16, v4  }
0x293: {  	vm13 =	veq.s32 v16, v7;
	v12 =	vsel vm0, $0x3F800000, v12  }
0x294: {  	vm14 =	veq.s32 v16, v6;
	v8 =	vsel vm13, $0x3F800000, v8;
	[tilespmem:$0xC80] =	vst v12  }
0x295: {  	vm15 =	veq.s32 v16, v5;
	v16 =	vmax.f32 v11, v13;
	v9 =	vsel vm14, $0x3F800000, v9;
	[tilespmem:$0xC90] =	vst v8  }
0x296: {  	v10 =	vsel vm15, $0x3F800000, v10;
	[tilespmem:$0xCA0] =	vst v9;
	v8 =	vimm.f32 $0.0e+00;
	v9 =	vimm.f32 $0.0e+00  }
0x297: {  	s9 =	simm.s32 $0x7;
	[tilespmem:$0xCB0] =	vst v10;
	v12 =	vimm.f32 $0.0e+00;
	v10 =	vimm.f32 $0.0e+00;
	v17 =	vmax.f32 v14, v15  }
.LBB2_22:
0x298: {  	p0 =	sne.s32 s9, $0x1;
	v16 =	vmax.f32 v16, v17  }
0x299: {  	v17 =	vperm.xlane v16, v0;
	_ =	sdelay $0x1  }
0x29a: {  	v16 =	vmax.f32 v16, v17  }
0x29b: {  	v17 =	vperm.xlane v16, v1;
	_ =	sdelay $0x1  }
0x29c: {  	v16 =	vmax.f32 v16, v17  }
0x29d: {  	v17 =	vperm.xlane v16, v2;
	_ =	sdelay $0x1  }
0x29e: {  	v16 =	vmax.f32 v16, v17  }
0x29f: {  	v17 =	vperm.xlane v16, v3;
	_ =	sdelay $0x1  }
0x2a0: {  	v16 =	vmax.f32 v16, v17  }
0x2a1: {  	vm0 =	veq.f32 v15, v16  }
0x2a2: {  	vm1 =	veq.f32 v14, v16;
	v17 =	vnsel vm0, $0x40, v5  }
0x2a3: {  	vm0 =	veq.f32 v13, v16;
	v17 =	vsel vm1, v6, v17  }
0x2a4: {  	vm1 =	veq.f32 v11, v16;
	v16 =	vsel vm0, v7, v17  }
0x2a5: {  	v16 =	vsel vm1, v4, v16  }
0x2a6: {  	v17 =	vperm.xlane v16, v0;
	_ =	sdelay $0x1  }
0x2a7: {  	vm0 =	vlt.s32 v16, v17  }
0x2a8: {  	v16 =	vsel vm0, v16, v17  }
0x2a9: {  	v17 =	vperm.xlane v16, v1;
	_ =	sdelay $0x1  }
0x2aa: {  	vm0 =	vlt.s32 v16, v17  }
0x2ab: {  	v16 =	vsel vm0, v16, v17  }
0x2ac: {  	v17 =	vperm.xlane v16, v2;
	_ =	sdelay $0x1  }
0x2ad: {  	vm0 =	vlt.s32 v16, v17  }
0x2ae: {  	v16 =	vsel vm0, v16, v17  }
0x2af: {  	v17 =	vperm.xlane v16, v3;
	_ =	sdelay $0x1  }
0x2b0: {  	vm0 =	vlt.s32 v16, v17  }
0x2b1: {  	v16 =	vsel vm0, v16, v17  }
.Ltmp10:
0x2b2: {  	vm0 =	veq.s32 v16, v7;
	vm1 =	veq.s32 v16, v6;
	vm2 =	veq.s32 v16, v5;
	(pc) =	sbr.rel @p0 .LBB2_22-.Ltmp10, $4  }
0x2b3: {  	v13 =	vsel vm0, $0xBF800000, v13;
	v14 =	vsel vm1, $0xBF800000, v14;
	v15 =	vsel vm2, $0xBF800000, v15  }
0x2b4: {  	vm3 =	veq.s32 v16, v4;
	v8 =	vsel vm0, $0x3F800000, v8;
	v9 =	vsel vm1, $0x3F800000, v9  }
0x2b5: {  	v12 =	vsel vm3, $0x3F800000, v12;
	v10 =	vsel vm2, $0x3F800000, v10;
	v11 =	vsel vm3, $0xBF800000, v11  }
0x2b6: {  	s9 =	sadd.s32 $0xFFFFFFFF, s9;
	v16 =	vmax.f32 v11, v13;
	v17 =	vmax.f32 v14, v15  }
0x2b7: {  	v16 =	vmax.f32 v16, v17  }
0x2b8: {  	v17 =	vperm.xlane v16, v0;
	_ =	sdelay $0x1  }
0x2b9: {  	v16 =	vmax.f32 v16, v17  }
0x2ba: {  	v17 =	vperm.xlane v16, v1;
	_ =	sdelay $0x1  }
0x2bb: {  	v16 =	vmax.f32 v16, v17  }
0x2bc: {  	v17 =	vperm.xlane v16, v2;
	_ =	sdelay $0x1  }
0x2bd: {  	v16 =	vmax.f32 v16, v17  }
0x2be: {  	v17 =	vperm.xlane v16, v3;
	_ =	sdelay $0x1  }
0x2bf: {  	v16 =	vmax.f32 v16, v17  }
0x2c0: {  	vm0 =	veq.f32 v15, v16  }
0x2c1: {  	vm1 =	veq.f32 v14, v16;
	v14 =	vnsel vm0, $0x40, v5  }
0x2c2: {  	vm10 =	veq.f32 v13, v16;
	v13 =	vsel vm1, v6, v14  }
0x2c3: {  	vm11 =	veq.f32 v11, v16;
	v11 =	vsel vm10, v7, v13  }
0x2c4: {  	v11 =	vsel vm11, v4, v11  }
0x2c5: {  	v13 =	vperm.xlane v11, v0;
	_ =	sdelay $0x1  }
0x2c6: {  	vm12 =	vlt.s32 v11, v13  }
0x2c7: {  	v11 =	vsel vm12, v11, v13  }
0x2c8: {  	v13 =	vperm.xlane v11, v1;
	_ =	sdelay $0x1  }
0x2c9: {  	vm0 =	vlt.s32 v11, v13  }
0x2ca: {  	v11 =	vsel vm0, v11, v13  }
0x2cb: {  	v13 =	vperm.xlane v11, v2;
	_ =	sdelay $0x1  }
0x2cc: {  	vm0 =	vlt.s32 v11, v13  }
0x2cd: {  	v15 =	vsel vm0, v11, v13  }
0x2ce: {  	v16 =	vperm.xlane v15, v3  }
0x2cf: {  	v11 =	vld [tilespmem:$0x580]  }
0x2d0: {  	v13 =	vld [tilespmem:$0x590];
	vm0 =	vlt.s32 v15, v16  }
0x2d1: {  	v14 =	vld [tilespmem:$0x5A0];
	v16 =	vsel vm0, v15, v16  }
0x2d2: {  	v15 =	vld [tilespmem:$0x5B0];
	vm0 =	veq.s32 v16, v4  }
0x2d3: {  	vm13 =	veq.s32 v16, v7;
	v12 =	vsel vm0, $0x3F800000, v12  }
0x2d4: {  	vm14 =	veq.s32 v16, v6;
	v8 =	vsel vm13, $0x3F800000, v8;
	[tilespmem:$0xD00] =	vst v12  }
0x2d5: {  	vm15 =	veq.s32 v16, v5;
	v16 =	vmax.f32 v11, v13;
	v9 =	vsel vm14, $0x3F800000, v9;
	[tilespmem:$0xD10] =	vst v8  }
0x2d6: {  	v10 =	vsel vm15, $0x3F800000, v10;
	[tilespmem:$0xD20] =	vst v9;
	v8 =	vimm.f32 $0.0e+00;
	v9 =	vimm.f32 $0.0e+00  }
0x2d7: {  	s9 =	simm.s32 $0x7;
	[tilespmem:$0xD30] =	vst v10;
	v12 =	vimm.f32 $0.0e+00;
	v10 =	vimm.f32 $0.0e+00;
	v17 =	vmax.f32 v14, v15  }
.LBB2_24:
0x2d8: {  	p0 =	sne.s32 s9, $0x1;
	v16 =	vmax.f32 v16, v17  }
0x2d9: {  	v17 =	vperm.xlane v16, v0;
	_ =	sdelay $0x1  }
0x2da: {  	v16 =	vmax.f32 v16, v17  }
0x2db: {  	v17 =	vperm.xlane v16, v1;
	_ =	sdelay $0x1  }
0x2dc: {  	v16 =	vmax.f32 v16, v17  }
0x2dd: {  	v17 =	vperm.xlane v16, v2;
	_ =	sdelay $0x1  }
0x2de: {  	v16 =	vmax.f32 v16, v17  }
0x2df: {  	v17 =	vperm.xlane v16, v3;
	_ =	sdelay $0x1  }
0x2e0: {  	v16 =	vmax.f32 v16, v17  }
0x2e1: {  	vm0 =	veq.f32 v15, v16  }
0x2e2: {  	vm1 =	veq.f32 v14, v16;
	v17 =	vnsel vm0, $0x40, v5  }
0x2e3: {  	vm0 =	veq.f32 v13, v16;
	v17 =	vsel vm1, v6, v17  }
0x2e4: {  	vm1 =	veq.f32 v11, v16;
	v16 =	vsel vm0, v7, v17  }
0x2e5: {  	v16 =	vsel vm1, v4, v16  }
0x2e6: {  	v17 =	vperm.xlane v16, v0;
	_ =	sdelay $0x1  }
0x2e7: {  	vm0 =	vlt.s32 v16, v17  }
0x2e8: {  	v16 =	vsel vm0, v16, v17  }
0x2e9: {  	v17 =	vperm.xlane v16, v1;
	_ =	sdelay $0x1  }
0x2ea: {  	vm0 =	vlt.s32 v16, v17  }
0x2eb: {  	v16 =	vsel vm0, v16, v17  }
0x2ec: {  	v17 =	vperm.xlane v16, v2;
	_ =	sdelay $0x1  }
0x2ed: {  	vm0 =	vlt.s32 v16, v17  }
0x2ee: {  	v16 =	vsel vm0, v16, v17  }
0x2ef: {  	v17 =	vperm.xlane v16, v3;
	_ =	sdelay $0x1  }
0x2f0: {  	vm0 =	vlt.s32 v16, v17  }
0x2f1: {  	v16 =	vsel vm0, v16, v17  }
.Ltmp11:
0x2f2: {  	vm0 =	veq.s32 v16, v7;
	vm1 =	veq.s32 v16, v6;
	vm2 =	veq.s32 v16, v5;
	(pc) =	sbr.rel @p0 .LBB2_24-.Ltmp11, $4  }
0x2f3: {  	v13 =	vsel vm0, $0xBF800000, v13;
	v14 =	vsel vm1, $0xBF800000, v14;
	v15 =	vsel vm2, $0xBF800000, v15  }
0x2f4: {  	vm3 =	veq.s32 v16, v4;
	v8 =	vsel vm0, $0x3F800000, v8;
	v9 =	vsel vm1, $0x3F800000, v9  }
0x2f5: {  	v12 =	vsel vm3, $0x3F800000, v12;
	v10 =	vsel vm2, $0x3F800000, v10;
	v11 =	vsel vm3, $0xBF800000, v11  }
0x2f6: {  	s9 =	sadd.s32 $0xFFFFFFFF, s9;
	v16 =	vmax.f32 v11, v13;
	v17 =	vmax.f32 v14, v15  }
0x2f7: {  	v16 =	vmax.f32 v16, v17  }
0x2f8: {  	v17 =	vperm.xlane v16, v0;
	_ =	sdelay $0x1  }
0x2f9: {  	v16 =	vmax.f32 v16, v17  }
0x2fa: {  	v17 =	vperm.xlane v16, v1;
	_ =	sdelay $0x1  }
0x2fb: {  	v16 =	vmax.f32 v16, v17  }
0x2fc: {  	v17 =	vperm.xlane v16, v2;
	_ =	sdelay $0x1  }
0x2fd: {  	v16 =	vmax.f32 v16, v17  }
0x2fe: {  	v17 =	vperm.xlane v16, v3;
	_ =	sdelay $0x1  }
0x2ff: {  	v16 =	vmax.f32 v16, v17  }
0x300: {  	vm0 =	veq.f32 v15, v16  }
0x301: {  	vm1 =	veq.f32 v14, v16;
	v14 =	vnsel vm0, $0x40, v5  }
0x302: {  	vm10 =	veq.f32 v13, v16;
	v13 =	vsel vm1, v6, v14  }
0x303: {  	vm11 =	veq.f32 v11, v16;
	v11 =	vsel vm10, v7, v13  }
0x304: {  	v11 =	vsel vm11, v4, v11  }
0x305: {  	v13 =	vperm.xlane v11, v0;
	_ =	sdelay $0x1  }
0x306: {  	vm12 =	vlt.s32 v11, v13  }
0x307: {  	v11 =	vsel vm12, v11, v13  }
0x308: {  	v13 =	vperm.xlane v11, v1;
	_ =	sdelay $0x1  }
0x309: {  	vm0 =	vlt.s32 v11, v13  }
0x30a: {  	v11 =	vsel vm0, v11, v13  }
0x30b: {  	v13 =	vperm.xlane v11, v2;
	_ =	sdelay $0x1  }
0x30c: {  	vm0 =	vlt.s32 v11, v13  }
0x30d: {  	v15 =	vsel vm0, v11, v13  }
0x30e: {  	v16 =	vperm.xlane v15, v3  }
0x30f: {  	v11 =	vld [tilespmem:$0x600]  }
0x310: {  	v13 =	vld [tilespmem:$0x610];
	vm0 =	vlt.s32 v15, v16  }
0x311: {  	v14 =	vld [tilespmem:$0x620];
	v16 =	vsel vm0, v15, v16  }
0x312: {  	v15 =	vld [tilespmem:$0x630];
	vm0 =	veq.s32 v16, v4  }
0x313: {  	vm13 =	veq.s32 v16, v7;
	v12 =	vsel vm0, $0x3F800000, v12  }
0x314: {  	vm14 =	veq.s32 v16, v6;
	v8 =	vsel vm13, $0x3F800000, v8;
	[tilespmem:$0xD80] =	vst v12  }
0x315: {  	vm15 =	veq.s32 v16, v5;
	v16 =	vmax.f32 v11, v13;
	v9 =	vsel vm14, $0x3F800000, v9;
	[tilespmem:$0xD90] =	vst v8  }
0x316: {  	v10 =	vsel vm15, $0x3F800000, v10;
	[tilespmem:$0xDA0] =	vst v9;
	v8 =	vimm.f32 $0.0e+00;
	v9 =	vimm.f32 $0.0e+00  }
0x317: {  	s9 =	simm.s32 $0x7;
	[tilespmem:$0xDB0] =	vst v10;
	v12 =	vimm.f32 $0.0e+00;
	v10 =	vimm.f32 $0.0e+00;
	v17 =	vmax.f32 v14, v15  }
.LBB2_26:
0x318: {  	p0 =	sne.s32 s9, $0x1;
	v16 =	vmax.f32 v16, v17  }
0x319: {  	v17 =	vperm.xlane v16, v0;
	_ =	sdelay $0x1  }
0x31a: {  	v16 =	vmax.f32 v16, v17  }
0x31b: {  	v17 =	vperm.xlane v16, v1;
	_ =	sdelay $0x1  }
0x31c: {  	v16 =	vmax.f32 v16, v17  }
0x31d: {  	v17 =	vperm.xlane v16, v2;
	_ =	sdelay $0x1  }
0x31e: {  	v16 =	vmax.f32 v16, v17  }
0x31f: {  	v17 =	vperm.xlane v16, v3;
	_ =	sdelay $0x1  }
0x320: {  	v16 =	vmax.f32 v16, v17  }
0x321: {  	vm0 =	veq.f32 v15, v16  }
0x322: {  	vm1 =	veq.f32 v14, v16;
	v17 =	vnsel vm0, $0x40, v5  }
0x323: {  	vm0 =	veq.f32 v13, v16;
	v17 =	vsel vm1, v6, v17  }
0x324: {  	vm1 =	veq.f32 v11, v16;
	v16 =	vsel vm0, v7, v17  }
0x325: {  	v16 =	vsel vm1, v4, v16  }
0x326: {  	v17 =	vperm.xlane v16, v0;
	_ =	sdelay $0x1  }
0x327: {  	vm0 =	vlt.s32 v16, v17  }
0x328: {  	v16 =	vsel vm0, v16, v17  }
0x329: {  	v17 =	vperm.xlane v16, v1;
	_ =	sdelay $0x1  }
0x32a: {  	vm0 =	vlt.s32 v16, v17  }
0x32b: {  	v16 =	vsel vm0, v16, v17  }
0x32c: {  	v17 =	vperm.xlane v16, v2;
	_ =	sdelay $0x1  }
0x32d: {  	vm0 =	vlt.s32 v16, v17  }
0x32e: {  	v16 =	vsel vm0, v16, v17  }
0x32f: {  	v17 =	vperm.xlane v16, v3;
	_ =	sdelay $0x1  }
0x330: {  	vm0 =	vlt.s32 v16, v17  }
0x331: {  	v16 =	vsel vm0, v16, v17  }
.Ltmp12:
0x332: {  	vm0 =	veq.s32 v16, v7;
	vm1 =	veq.s32 v16, v6;
	vm2 =	veq.s32 v16, v5;
	(pc) =	sbr.rel @p0 .LBB2_26-.Ltmp12, $4  }
0x333: {  	v13 =	vsel vm0, $0xBF800000, v13;
	v14 =	vsel vm1, $0xBF800000, v14;
	v15 =	vsel vm2, $0xBF800000, v15  }
0x334: {  	vm3 =	veq.s32 v16, v4;
	v8 =	vsel vm0, $0x3F800000, v8;
	v9 =	vsel vm1, $0x3F800000, v9  }
0x335: {  	v12 =	vsel vm3, $0x3F800000, v12;
	v10 =	vsel vm2, $0x3F800000, v10;
	v11 =	vsel vm3, $0xBF800000, v11  }
0x336: {  	s9 =	sadd.s32 $0xFFFFFFFF, s9;
	v16 =	vmax.f32 v11, v13;
	v17 =	vmax.f32 v14, v15  }
0x337: {  	v16 =	vmax.f32 v16, v17  }
0x338: {  	v17 =	vperm.xlane v16, v0;
	_ =	sdelay $0x1  }
0x339: {  	v16 =	vmax.f32 v16, v17  }
0x33a: {  	v17 =	vperm.xlane v16, v1;
	_ =	sdelay $0x1  }
0x33b: {  	v16 =	vmax.f32 v16, v17  }
0x33c: {  	v17 =	vperm.xlane v16, v2;
	_ =	sdelay $0x1  }
0x33d: {  	v16 =	vmax.f32 v16, v17  }
0x33e: {  	v17 =	vperm.xlane v16, v3;
	_ =	sdelay $0x1  }
0x33f: {  	v16 =	vmax.f32 v16, v17  }
0x340: {  	vm0 =	veq.f32 v15, v16  }
0x341: {  	vm1 =	veq.f32 v14, v16;
	v14 =	vnsel vm0, $0x40, v5  }
0x342: {  	vm10 =	veq.f32 v13, v16;
	v13 =	vsel vm1, v6, v14  }
0x343: {  	vm11 =	veq.f32 v11, v16;
	v11 =	vsel vm10, v7, v13  }
0x344: {  	v11 =	vsel vm11, v4, v11  }
0x345: {  	v13 =	vperm.xlane v11, v0;
	_ =	sdelay $0x1  }
0x346: {  	vm12 =	vlt.s32 v11, v13  }
0x347: {  	v11 =	vsel vm12, v11, v13  }
0x348: {  	v13 =	vperm.xlane v11, v1;
	_ =	sdelay $0x1  }
0x349: {  	vm0 =	vlt.s32 v11, v13  }
0x34a: {  	v11 =	vsel vm0, v11, v13  }
0x34b: {  	v13 =	vperm.xlane v11, v2;
	_ =	sdelay $0x1  }
0x34c: {  	vm0 =	vlt.s32 v11, v13  }
0x34d: {  	v15 =	vsel vm0, v11, v13  }
0x34e: {  	v16 =	vperm.xlane v15, v3  }
0x34f: {  	v11 =	vld [tilespmem:$0x680]  }
0x350: {  	v13 =	vld [tilespmem:$0x690];
	vm0 =	vlt.s32 v15, v16  }
0x351: {  	v14 =	vld [tilespmem:$0x6A0];
	v16 =	vsel vm0, v15, v16  }
0x352: {  	v15 =	vld [tilespmem:$0x6B0];
	vm0 =	veq.s32 v16, v4  }
0x353: {  	vm13 =	veq.s32 v16, v7;
	v12 =	vsel vm0, $0x3F800000, v12  }
0x354: {  	vm14 =	veq.s32 v16, v6;
	v8 =	vsel vm13, $0x3F800000, v8;
	[tilespmem:$0xE00] =	vst v12  }
0x355: {  	vm15 =	veq.s32 v16, v5;
	v16 =	vmax.f32 v11, v13;
	v9 =	vsel vm14, $0x3F800000, v9;
	[tilespmem:$0xE10] =	vst v8  }
0x356: {  	v10 =	vsel vm15, $0x3F800000, v10;
	[tilespmem:$0xE20] =	vst v9;
	v8 =	vimm.f32 $0.0e+00;
	v9 =	vimm.f32 $0.0e+00  }
0x357: {  	s9 =	simm.s32 $0x7;
	[tilespmem:$0xE30] =	vst v10;
	v12 =	vimm.f32 $0.0e+00;
	v10 =	vimm.f32 $0.0e+00;
	v17 =	vmax.f32 v14, v15  }
.LBB2_28:
0x358: {  	p0 =	sne.s32 s9, $0x1;
	v16 =	vmax.f32 v16, v17  }
0x359: {  	v17 =	vperm.xlane v16, v0;
	_ =	sdelay $0x1  }
0x35a: {  	v16 =	vmax.f32 v16, v17  }
0x35b: {  	v17 =	vperm.xlane v16, v1;
	_ =	sdelay $0x1  }
0x35c: {  	v16 =	vmax.f32 v16, v17  }
0x35d: {  	v17 =	vperm.xlane v16, v2;
	_ =	sdelay $0x1  }
0x35e: {  	v16 =	vmax.f32 v16, v17  }
0x35f: {  	v17 =	vperm.xlane v16, v3;
	_ =	sdelay $0x1  }
0x360: {  	v16 =	vmax.f32 v16, v17  }
0x361: {  	vm0 =	veq.f32 v15, v16  }
0x362: {  	vm1 =	veq.f32 v14, v16;
	v17 =	vnsel vm0, $0x40, v5  }
0x363: {  	vm0 =	veq.f32 v13, v16;
	v17 =	vsel vm1, v6, v17  }
0x364: {  	vm1 =	veq.f32 v11, v16;
	v16 =	vsel vm0, v7, v17  }
0x365: {  	v16 =	vsel vm1, v4, v16  }
0x366: {  	v17 =	vperm.xlane v16, v0;
	_ =	sdelay $0x1  }
0x367: {  	vm0 =	vlt.s32 v16, v17  }
0x368: {  	v16 =	vsel vm0, v16, v17  }
0x369: {  	v17 =	vperm.xlane v16, v1;
	_ =	sdelay $0x1  }
0x36a: {  	vm0 =	vlt.s32 v16, v17  }
0x36b: {  	v16 =	vsel vm0, v16, v17  }
0x36c: {  	v17 =	vperm.xlane v16, v2;
	_ =	sdelay $0x1  }
0x36d: {  	vm0 =	vlt.s32 v16, v17  }
0x36e: {  	v16 =	vsel vm0, v16, v17  }
0x36f: {  	v17 =	vperm.xlane v16, v3;
	_ =	sdelay $0x1  }
0x370: {  	vm0 =	vlt.s32 v16, v17  }
0x371: {  	v16 =	vsel vm0, v16, v17  }
.Ltmp13:
0x372: {  	vm0 =	veq.s32 v16, v7;
	vm1 =	veq.s32 v16, v6;
	vm2 =	veq.s32 v16, v5;
	(pc) =	sbr.rel @p0 .LBB2_28-.Ltmp13, $4  }
0x373: {  	v13 =	vsel vm0, $0xBF800000, v13;
	v14 =	vsel vm1, $0xBF800000, v14;
	v15 =	vsel vm2, $0xBF800000, v15  }
0x374: {  	vm3 =	veq.s32 v16, v4;
	v8 =	vsel vm0, $0x3F800000, v8;
	v9 =	vsel vm1, $0x3F800000, v9  }
0x375: {  	v12 =	vsel vm3, $0x3F800000, v12;
	v10 =	vsel vm2, $0x3F800000, v10;
	v11 =	vsel vm3, $0xBF800000, v11  }
0x376: {  	s9 =	sadd.s32 $0xFFFFFFFF, s9;
	v16 =	vmax.f32 v11, v13;
	v17 =	vmax.f32 v14, v15  }
0x377: {  	v16 =	vmax.f32 v16, v17  }
0x378: {  	v17 =	vperm.xlane v16, v0;
	_ =	sdelay $0x1  }
0x379: {  	v16 =	vmax.f32 v16, v17  }
0x37a: {  	v17 =	vperm.xlane v16, v1;
	_ =	sdelay $0x1  }
0x37b: {  	v16 =	vmax.f32 v16, v17  }
0x37c: {  	v17 =	vperm.xlane v16, v2;
	_ =	sdelay $0x1  }
0x37d: {  	v16 =	vmax.f32 v16, v17  }
0x37e: {  	v17 =	vperm.xlane v16, v3;
	_ =	sdelay $0x1  }
0x37f: {  	v16 =	vmax.f32 v16, v17  }
0x380: {  	vm0 =	veq.f32 v15, v16  }
0x381: {  	vm1 =	veq.f32 v14, v16;
	v14 =	vnsel vm0, $0x40, v5  }
0x382: {  	vm10 =	veq.f32 v13, v16;
	v13 =	vsel vm1, v6, v14  }
0x383: {  	vm11 =	veq.f32 v11, v16;
	v11 =	vsel vm10, v7, v13  }
0x384: {  	v11 =	vsel vm11, v4, v11  }
0x385: {  	v13 =	vperm.xlane v11, v0;
	_ =	sdelay $0x1  }
0x386: {  	vm12 =	vlt.s32 v11, v13  }
0x387: {  	v11 =	vsel vm12, v11, v13  }
0x388: {  	v13 =	vperm.xlane v11, v1;
	_ =	sdelay $0x1  }
0x389: {  	vm0 =	vlt.s32 v11, v13  }
0x38a: {  	v11 =	vsel vm0, v11, v13  }
0x38b: {  	v13 =	vperm.xlane v11, v2;
	_ =	sdelay $0x1  }
0x38c: {  	vm0 =	vlt.s32 v11, v13  }
0x38d: {  	v15 =	vsel vm0, v11, v13  }
0x38e: {  	v16 =	vperm.xlane v15, v3  }
0x38f: {  	v11 =	vld [tilespmem:$0x700]  }
0x390: {  	v13 =	vld [tilespmem:$0x710];
	vm0 =	vlt.s32 v15, v16  }
0x391: {  	v14 =	vld [tilespmem:$0x720];
	v16 =	vsel vm0, v15, v16  }
0x392: {  	v15 =	vld [tilespmem:$0x730];
	vm0 =	veq.s32 v16, v4  }
0x393: {  	vm13 =	veq.s32 v16, v7;
	v12 =	vsel vm0, $0x3F800000, v12  }
0x394: {  	vm14 =	veq.s32 v16, v6;
	v8 =	vsel vm13, $0x3F800000, v8;
	[tilespmem:$0xE80] =	vst v12  }
0x395: {  	vm15 =	veq.s32 v16, v5;
	v16 =	vmax.f32 v11, v13;
	v9 =	vsel vm14, $0x3F800000, v9;
	[tilespmem:$0xE90] =	vst v8  }
0x396: {  	v10 =	vsel vm15, $0x3F800000, v10;
	[tilespmem:$0xEA0] =	vst v9;
	v8 =	vimm.f32 $0.0e+00;
	v9 =	vimm.f32 $0.0e+00  }
0x397: {  	s9 =	simm.s32 $0x7;
	[tilespmem:$0xEB0] =	vst v10;
	v12 =	vimm.f32 $0.0e+00;
	v10 =	vimm.f32 $0.0e+00;
	v17 =	vmax.f32 v14, v15  }
.LBB2_30:
0x398: {  	p0 =	sne.s32 s9, $0x1;
	v16 =	vmax.f32 v16, v17  }
0x399: {  	v17 =	vperm.xlane v16, v0;
	_ =	sdelay $0x1  }
0x39a: {  	v16 =	vmax.f32 v16, v17  }
0x39b: {  	v17 =	vperm.xlane v16, v1;
	_ =	sdelay $0x1  }
0x39c: {  	v16 =	vmax.f32 v16, v17  }
0x39d: {  	v17 =	vperm.xlane v16, v2;
	_ =	sdelay $0x1  }
0x39e: {  	v16 =	vmax.f32 v16, v17  }
0x39f: {  	v17 =	vperm.xlane v16, v3;
	_ =	sdelay $0x1  }
0x3a0: {  	v16 =	vmax.f32 v16, v17  }
0x3a1: {  	vm0 =	veq.f32 v15, v16  }
0x3a2: {  	vm1 =	veq.f32 v14, v16;
	v17 =	vnsel vm0, $0x40, v5  }
0x3a3: {  	vm0 =	veq.f32 v13, v16;
	v17 =	vsel vm1, v6, v17  }
0x3a4: {  	vm1 =	veq.f32 v11, v16;
	v16 =	vsel vm0, v7, v17  }
0x3a5: {  	v16 =	vsel vm1, v4, v16  }
0x3a6: {  	v17 =	vperm.xlane v16, v0;
	_ =	sdelay $0x1  }
0x3a7: {  	vm0 =	vlt.s32 v16, v17  }
0x3a8: {  	v16 =	vsel vm0, v16, v17  }
0x3a9: {  	v17 =	vperm.xlane v16, v1;
	_ =	sdelay $0x1  }
0x3aa: {  	vm0 =	vlt.s32 v16, v17  }
0x3ab: {  	v16 =	vsel vm0, v16, v17  }
0x3ac: {  	v17 =	vperm.xlane v16, v2;
	_ =	sdelay $0x1  }
0x3ad: {  	vm0 =	vlt.s32 v16, v17  }
0x3ae: {  	v16 =	vsel vm0, v16, v17  }
0x3af: {  	v17 =	vperm.xlane v16, v3;
	_ =	sdelay $0x1  }
0x3b0: {  	vm0 =	vlt.s32 v16, v17  }
0x3b1: {  	v16 =	vsel vm0, v16, v17  }
.Ltmp14:
0x3b2: {  	vm0 =	veq.s32 v16, v7;
	vm1 =	veq.s32 v16, v6;
	vm2 =	veq.s32 v16, v5;
	(pc) =	sbr.rel @p0 .LBB2_30-.Ltmp14, $4  }
0x3b3: {  	v13 =	vsel vm0, $0xBF800000, v13;
	v14 =	vsel vm1, $0xBF800000, v14;
	v15 =	vsel vm2, $0xBF800000, v15  }
0x3b4: {  	vm3 =	veq.s32 v16, v4;
	v8 =	vsel vm0, $0x3F800000, v8;
	v9 =	vsel vm1, $0x3F800000, v9  }
0x3b5: {  	v12 =	vsel vm3, $0x3F800000, v12;
	v10 =	vsel vm2, $0x3F800000, v10;
	v11 =	vsel vm3, $0xBF800000, v11  }
0x3b6: {  	s9 =	sadd.s32 $0xFFFFFFFF, s9;
	v16 =	vmax.f32 v11, v13;
	v17 =	vmax.f32 v14, v15  }
0x3b7: {  	v16 =	vmax.f32 v16, v17  }
0x3b8: {  	v17 =	vperm.xlane v16, v0;
	_ =	sdelay $0x1  }
0x3b9: {  	v16 =	vmax.f32 v16, v17  }
0x3ba: {  	v17 =	vperm.xlane v16, v1;
	_ =	sdelay $0x1  }
0x3bb: {  	v16 =	vmax.f32 v16, v17  }
0x3bc: {  	v17 =	vperm.xlane v16, v2;
	_ =	sdelay $0x1  }
0x3bd: {  	v16 =	vmax.f32 v16, v17  }
0x3be: {  	v17 =	vperm.xlane v16, v3;
	_ =	sdelay $0x1  }
0x3bf: {  	v16 =	vmax.f32 v16, v17  }
0x3c0: {  	vm0 =	veq.f32 v15, v16  }
0x3c1: {  	vm1 =	veq.f32 v14, v16;
	v14 =	vnsel vm0, $0x40, v5  }
0x3c2: {  	vm10 =	veq.f32 v13, v16;
	v13 =	vsel vm1, v6, v14  }
0x3c3: {  	vm11 =	veq.f32 v11, v16;
	v11 =	vsel vm10, v7, v13  }
0x3c4: {  	v11 =	vsel vm11, v4, v11  }
0x3c5: {  	v13 =	vperm.xlane v11, v0;
	_ =	sdelay $0x1  }
0x3c6: {  	vm12 =	vlt.s32 v11, v13  }
0x3c7: {  	v11 =	vsel vm12, v11, v13  }
0x3c8: {  	v13 =	vperm.xlane v11, v1;
	_ =	sdelay $0x1  }
0x3c9: {  	vm0 =	vlt.s32 v11, v13  }
0x3ca: {  	v11 =	vsel vm0, v11, v13  }
0x3cb: {  	v13 =	vperm.xlane v11, v2;
	_ =	sdelay $0x1  }
0x3cc: {  	vm0 =	vlt.s32 v11, v13  }
0x3cd: {  	v15 =	vsel vm0, v11, v13  }
0x3ce: {  	v16 =	vperm.xlane v15, v3  }
0x3cf: {  	v11 =	vld [tilespmem:$0x780]  }
0x3d0: {  	v13 =	vld [tilespmem:$0x790];
	vm0 =	vlt.s32 v15, v16  }
0x3d1: {  	v14 =	vld [tilespmem:$0x7A0];
	v16 =	vsel vm0, v15, v16  }
0x3d2: {  	v15 =	vld [tilespmem:$0x7B0];
	vm0 =	veq.s32 v16, v4  }
0x3d3: {  	vm13 =	veq.s32 v16, v7;
	v12 =	vsel vm0, $0x3F800000, v12  }
0x3d4: {  	vm14 =	veq.s32 v16, v6;
	v8 =	vsel vm13, $0x3F800000, v8;
	[tilespmem:$0xF00] =	vst v12  }
0x3d5: {  	vm15 =	veq.s32 v16, v5;
	v16 =	vmax.f32 v11, v13;
	v9 =	vsel vm14, $0x3F800000, v9;
	[tilespmem:$0xF10] =	vst v8  }
0x3d6: {  	v10 =	vsel vm15, $0x3F800000, v10;
	[tilespmem:$0xF20] =	vst v9;
	v8 =	vimm.f32 $0.0e+00;
	v9 =	vimm.f32 $0.0e+00  }
0x3d7: {  	s9 =	simm.s32 $0x7;
	[tilespmem:$0xF30] =	vst v10;
	v12 =	vimm.f32 $0.0e+00;
	v10 =	vimm.f32 $0.0e+00;
	v17 =	vmax.f32 v14, v15  }
.LBB2_32:
0x3d8: {  	p0 =	sne.s32 s9, $0x1;
	v16 =	vmax.f32 v16, v17  }
0x3d9: {  	v17 =	vperm.xlane v16, v0;
	_ =	sdelay $0x1  }
0x3da: {  	v16 =	vmax.f32 v16, v17  }
0x3db: {  	v17 =	vperm.xlane v16, v1;
	_ =	sdelay $0x1  }
0x3dc: {  	v16 =	vmax.f32 v16, v17  }
0x3dd: {  	v17 =	vperm.xlane v16, v2;
	_ =	sdelay $0x1  }
0x3de: {  	v16 =	vmax.f32 v16, v17  }
0x3df: {  	v17 =	vperm.xlane v16, v3;
	_ =	sdelay $0x1  }
0x3e0: {  	v16 =	vmax.f32 v16, v17  }
0x3e1: {  	vm0 =	veq.f32 v15, v16  }
0x3e2: {  	vm1 =	veq.f32 v14, v16;
	v17 =	vnsel vm0, $0x40, v5  }
0x3e3: {  	vm0 =	veq.f32 v13, v16;
	v17 =	vsel vm1, v6, v17  }
0x3e4: {  	vm1 =	veq.f32 v11, v16;
	v16 =	vsel vm0, v7, v17  }
0x3e5: {  	v16 =	vsel vm1, v4, v16  }
0x3e6: {  	v17 =	vperm.xlane v16, v0;
	_ =	sdelay $0x1  }
0x3e7: {  	vm0 =	vlt.s32 v16, v17  }
0x3e8: {  	v16 =	vsel vm0, v16, v17  }
0x3e9: {  	v17 =	vperm.xlane v16, v1;
	_ =	sdelay $0x1  }
0x3ea: {  	vm0 =	vlt.s32 v16, v17  }
0x3eb: {  	v16 =	vsel vm0, v16, v17  }
0x3ec: {  	v17 =	vperm.xlane v16, v2;
	_ =	sdelay $0x1  }
0x3ed: {  	vm0 =	vlt.s32 v16, v17  }
0x3ee: {  	v16 =	vsel vm0, v16, v17  }
0x3ef: {  	v17 =	vperm.xlane v16, v3;
	_ =	sdelay $0x1  }
0x3f0: {  	vm0 =	vlt.s32 v16, v17  }
0x3f1: {  	v16 =	vsel vm0, v16, v17  }
.Ltmp15:
0x3f2: {  	vm0 =	veq.s32 v16, v7;
	vm1 =	veq.s32 v16, v6;
	vm2 =	veq.s32 v16, v5;
	(pc) =	sbr.rel @p0 .LBB2_32-.Ltmp15, $4  }
0x3f3: {  	v13 =	vsel vm0, $0xBF800000, v13;
	v14 =	vsel vm1, $0xBF800000, v14;
	v15 =	vsel vm2, $0xBF800000, v15  }
0x3f4: {  	vm3 =	veq.s32 v16, v4;
	v8 =	vsel vm0, $0x3F800000, v8;
	v9 =	vsel vm1, $0x3F800000, v9  }
0x3f5: {  	v12 =	vsel vm3, $0x3F800000, v12;
	v10 =	vsel vm2, $0x3F800000, v10;
	v11 =	vsel vm3, $0xBF800000, v11  }
0x3f6: {  	s9 =	sadd.s32 $0xFFFFFFFF, s9;
	v16 =	vmax.f32 v11, v13;
	v17 =	vmax.f32 v14, v15  }
0x3f7: {  	v16 =	vmax.f32 v16, v17  }
0x3f8: {  	v17 =	vperm.xlane v16, v0;
	_ =	sdelay $0x1  }
0x3f9: {  	v16 =	vmax.f32 v16, v17  }
0x3fa: {  	v17 =	vperm.xlane v16, v1;
	_ =	sdelay $0x1  }
0x3fb: {  	v16 =	vmax.f32 v16, v17  }
0x3fc: {  	v17 =	vperm.xlane v16, v2;
	_ =	sdelay $0x1  }
0x3fd: {  	v16 =	vmax.f32 v16, v17  }
0x3fe: {  	v17 =	vperm.xlane v16, v3;
	_ =	sdelay $0x1  }
0x3ff: {  	v16 =	vmax.f32 v16, v17  }
0x400: {  	vm0 =	veq.f32 v15, v16  }
0x401: {  	vm1 =	veq.f32 v14, v16;
	v60 =	vnsel vm0, $0x40, v5  }
0x402: {  	vm10 =	veq.f32 v13, v16;
	v61 =	vsel vm1, v6, v60  }
0x403: {  	vm11 =	veq.f32 v11, v16;
	v62 =	vsel vm10, v7, v61  }
0x404: {  	v11 =	vsel vm11, v4, v62  }
0x405: {  	v63 =	vperm.xlane v11, v0;
	_ =	sdelay $0x1  }
0x406: {  	vm12 =	vlt.s32 v11, v63  }
0x407: {  	v11 =	vsel vm12, v11, v63  }
0x408: {  	v13 =	vperm.xlane v11, v1;
	_ =	sdelay $0x1  }
0x409: {  	vm0 =	vlt.s32 v11, v13  }
0x40a: {  	v11 =	vsel vm0, v11, v13  }
0x40b: {  	v13 =	vperm.xlane v11, v2;
	_ =	sdelay $0x1  }
0x40c: {  	vm0 =	vlt.s32 v11, v13  }
0x40d: {  	v11 =	vsel vm0, v11, v13  }
0x40e: {  	v13 =	vperm.xlane v11, v3;
	_ =	sdelay $0x1  }
0x40f: {  	vm0 =	vlt.s32 v11, v13  }
0x410: {  	v11 =	vsel vm0, v11, v13  }
0x411: {  	vm0 =	veq.s32 v11, v4  }
0x412: {  	vm13 =	veq.s32 v11, v7;
	v12 =	vsel vm0, $0x3F800000, v12  }
0x413: {  	vm14 =	veq.s32 v11, v6;
	v8 =	vsel vm13, $0x3F800000, v8;
	[tilespmem:$0xF80] =	vst v12  }
0x414: {  	s8 =	sadd.s32 $0x1, s8;
	vm15 =	veq.s32 v11, v5;
	v9 =	vsel vm14, $0x3F800000, v9;
	[tilespmem:$0xF90] =	vst v8  }
0x415: {  	p0 =	sne.s32 s8, s5;
	v8 =	vsel vm15, $0x3F800000, v10;
	[tilespmem:$0xFA0] =	vst v9  }
.Ltmp16:
0x416: {  	[tilespmem:$0xFB0] =	vst v8;
	(pc) =	sbr.rel @p0 .LBB2_1-.Ltmp16, $4  }
0x417: {  	[hbm4b:s4+s2] =	stream.linear.scatter [tilespmem:s7], [sflag:$0x1], $0x800, $0x38;
	[tilespmem:$0x1000] =	vst v63  }
0x418: {  	_ =	swait.ge [sflag:s6], $0x800  }
0x419: {  	[sflag:s6] =	ssyncset.done $0x0  }
0x41a: {  	[sflag:s6] =	ssyncadd.s32 $0xFFFFF800  }
0x41b: {  	_ =	sfence.sel $0x180000  }
0x41c: {  	[bflag:$0x0] =	sbarrier.arrive $0xFFFF  }
0x41d: {  	p0 =	sne.s32 s1, $0x0;
	_ =	strace $0x90000047  }
0x41e: {  	s0 =	sadd.s32 @!p0 $0x100000, s0;
	[bflag:$0x2] =	sbarrier.arrive $0xFFFF  }
0x41f: {  	[sflag:s0] =	ssyncadd.tile.s32 @!p0 $0x1;
	_ =	shalt  }
.Lfunc_end2:
_tile_overlayer_lowered:
.L_overlay_start_2:
0x420: {  	(tag) =	ssettag $0x2  }
0x421: {  	s0 =	rddreg [dreg:$0x0];
	s2 =	stileid.u32  }
0x422: {  	s1 =	rddreg [dreg:$0x1];
	p0 =	sne.s32 s2, $0x0  }
0x423: {  	s3 =	rddreg [dreg:$0x2];
	[bflag:$0x3] =	sbarrier.arrive $0xFFFF;
	s2 =	simm.s32 @!p0 $0x1C02  }
0x424: {  	[timem:s3], [sflag:s2] =	dma.local @!p0 [hbm:s0], s1  }
0x425: {  	s0 =	simm.s32 @!p0 $0x2  }
0x426: {  	_ =	swait.ge @!p0 [sflag:s0], s1  }
0x427: {  	s1 =	ssub.s32 @!p0 $0x0, s1;
	[sflag:s0] =	ssyncset.done @!p0 $0x0  }
0x428: {  	[sflag:s0] =	ssyncadd.s32 @!p0 s1  }
0x429: {  	[bflag:$0x3] =	sbarrier.arrive $0xFFFF  }
0x42a: {  	_ =	shalt  }

</sc_bundles>
